<compile_context>
chip_gen: v7x
topology: tpu7x:2x2x1
jax: 0.10.2.dev20260603
libtpu: 0.0.44.dev20260713+nightly
codegen_flags: <defaults>
</compile_context>

<pallas_src>
import functools

import jax
import jax.numpy as jnp
from jax import lax
from jax.experimental import pallas as pl
from jax.experimental.pallas import tpu as pltpu
from jax.experimental.pallas import tpu_sc as plsc

N = 10000
E = 320000
NC = 2
NS = 16
LANES = 16
NW = NC * NS
EPW = E // NW
CH = 80
NCHUNK = EPW // CH
NP = 10240
RPT = NP // NS


def _make_sc_edge_pass(H, F, NB):
    HF = H * F
    ROW = HF + 16
    mesh = plsc.VectorSubcoreMesh(core_axis_name="c", subcore_axis_name="s")

    def _pair(ty):
        return [ty] * NB

    @functools.partial(
        pl.kernel,
        out_type=jax.ShapeDtypeStruct((NC, NP, ROW), jnp.float32),
        mesh=mesh,
        compiler_params=pltpu.CompilerParams(
            needs_layout_passes=False, use_tc_tiling_on_sc=False),
        scratch_types=[
            pltpu.VMEM((CH,), jnp.int32),
            _pair(pltpu.VMEM((CH,), jnp.int32)),
            pltpu.VMEM((CH, 16), jnp.float32),
            pltpu.VMEM((CH, 16), jnp.float32),
            pltpu.VMEM((CH, HF), jnp.float32),
            _pair(pltpu.VMEM((CH, ROW), jnp.float32)),
            pltpu.VMEM((CH * LANES,), jnp.float32),
            pltpu.VMEM_SHARED((NP, ROW), jnp.float32),
            pltpu.SemaphoreType.DMA,
            _pair(pltpu.SemaphoreType.DMA),
        ],
    )
    def sc_pass(src_hbm, dst_hbm, a_hbm, a2_hbm, h_hbm, out_hbm,
                srcv, dstv, asrcv, adstv, hv, rowv, wv, accum,
                sem_g, sem_sc):
        cid = lax.axis_index("c")
        sid = lax.axis_index("s")
        wid = cid * NS + sid
        zvec = jnp.zeros((LANES,), jnp.float32)
        lane = lax.iota(jnp.int32, LANES)
        wmask = lane < H

        @pl.loop(0, CH)
        def _(r):
            for k in range(ROW // LANES):
                rowv[0][r, pl.ds(k * LANES, LANES)] = zvec

        @pl.loop(0, RPT // CH)
        def _(z):
            pltpu.sync_copy(rowv[0], accum.at[pl.ds(sid * RPT + z * CH, CH)])

        plsc.subcore_barrier()

        def wait_scatter(p):
            pltpu.make_async_copy(
                rowv[p], accum.at[dstv[p]], sem_sc[p]).wait()

        def chunk_body(p, ci, guarded):
            if guarded:
                @pl.when(ci >= NB)
                def _():
                    wait_scatter(p)
            else:
                wait_scatter(p)
            off = wid * EPW + ci * CH
            pltpu.sync_copy(src_hbm.at[pl.ds(off, CH)], srcv)
            pltpu.sync_copy(dst_hbm.at[pl.ds(off, CH)], dstv[p])
            c1 = pltpu.async_copy(a_hbm.at[srcv], asrcv, sem_g)
            c2 = pltpu.async_copy(a2_hbm.at[dstv[p]], adstv, sem_g)
            c3 = pltpu.async_copy(h_hbm.at[srcv], hv, sem_g)
            c1.wait()
            c2.wait()
            c3.wait()

            @pl.loop(0, CH, unroll=2)
            def _(e):
                s = asrcv[e, :] + adstv[e, :]
                s = jnp.where(s >= 0.0, s, 0.2 * s)
                w = jnp.where(wmask, jnp.exp(s), 0.0)
                rowv[p][e, pl.ds(HF, LANES)] = w
                wv[pl.ds(e * LANES, LANES)] = w
                for hd in range(H):
                    whd = plsc.load_gather(
                        wv, [jnp.full((LANES,), e * LANES + hd, jnp.int32)])
                    for fv in range(F // LANES):
                        col = hd * F + fv * LANES
                        rowv[p][e, pl.ds(col, LANES)] = (
                            hv[e, pl.ds(col, LANES)] * whd)

            pltpu.async_copy(rowv[p], accum.at[dstv[p]], sem_sc[p], add=True)

        @pl.loop(0, NCHUNK - 1, step=NB)
        def _(ci):
            for k in range(NB):
                chunk_body(k, ci + k, True)

        chunk_body(0, NCHUNK - 1, False)
        for k in range(1, NB):
            wait_scatter(k)
        wait_scatter(0)

        plsc.subcore_barrier()
        pltpu.sync_copy(accum.at[pl.ds(sid * RPT, RPT)],
                        out_hbm.at[cid, pl.ds(sid * RPT, RPT)])

    return sc_pass


_sc_pass_l1 = _make_sc_edge_pass(8, 16, 2)
_sc_pass_l2 = _make_sc_edge_pass(1, 64, 4)


def _mm_body(x_ref, w_ref, o_ref):
    o_ref[...] = jnp.dot(x_ref[...], w_ref[...],
                         preferred_element_type=jnp.float32)


def _tc_matmul(x, w, block_rows=2000):
    n, k = x.shape
    _, m = w.shape
    return pl.pallas_call(
        _mm_body,
        grid=(n // block_rows,),
        in_specs=[
            pl.BlockSpec((block_rows, k), lambda i: (i, 0)),
            pl.BlockSpec((k, m), lambda i: (0, 0)),
        ],
        out_specs=pl.BlockSpec((block_rows, m), lambda i: (i, 0)),
        out_shape=jax.ShapeDtypeStruct((n, m), jnp.float32),
    )(x, w)


def _ep1_body(acc_ref, b_ref, rep_ref, w2_ref, o_ref):
    a = acc_ref[0] + acc_ref[1]
    msg = a[:, 0:128]
    den = jnp.dot(a[:, 128:136], rep_ref[...],
                  preferred_element_type=jnp.float32)
    out1 = msg / (den + 1e-16) + b_ref[...]
    x2 = jnp.where(out1 > 0.0, out1, jnp.exp(jnp.minimum(out1, 0.0)) - 1.0)
    o_ref[...] = jnp.dot(x2, w2_ref[...], preferred_element_type=jnp.float32)


def _tc_epilogue1(acc, b1, rep, Wcat2, block_rows=2000):
    return pl.pallas_call(
        _ep1_body,
        grid=(N // block_rows,),
        in_specs=[
            pl.BlockSpec((2, block_rows, 144), lambda i: (0, i, 0)),
            pl.BlockSpec((1, 128), lambda i: (0, 0)),
            pl.BlockSpec((8, 128), lambda i: (0, 0)),
            pl.BlockSpec((128, 128), lambda i: (0, 0)),
        ],
        out_specs=pl.BlockSpec((block_rows, 128), lambda i: (i, 0)),
        out_shape=jax.ShapeDtypeStruct((N, 128), jnp.float32),
    )(acc, b1, rep, Wcat2)


def _ep2_body(acc_ref, b_ref, o_ref):
    a = acc_ref[0] + acc_ref[1]
    den = a[:, 64:65]
    o_ref[...] = a[:, 0:64] / (den + 1e-16) + b_ref[...]


def _tc_epilogue2(acc, b2, block_rows=2000):
    return pl.pallas_call(
        _ep2_body,
        grid=(N // block_rows,),
        in_specs=[
            pl.BlockSpec((2, block_rows, 80), lambda i: (0, i, 0)),
            pl.BlockSpec((1, 64), lambda i: (0, 0)),
        ],
        out_specs=pl.BlockSpec((block_rows, 64), lambda i: (i, 0)),
        out_shape=jax.ShapeDtypeStruct((N, 64), jnp.float32),
    )(acc, b2)


def kernel(x, edge_index, W1, att_src1, att_dst1, b1, W2, att_src2, att_dst2, b2):
    src = edge_index[0].astype(jnp.int32)
    dst = edge_index[1].astype(jnp.int32)

    H1, F1 = att_src1.shape
    H2, F2 = att_src2.shape

    Wsrc1 = (W1.reshape(128, H1, F1) * att_src1[None]).sum(-1)
    Wdst1 = (W1.reshape(128, H1, F1) * att_dst1[None]).sum(-1)
    Wcat1 = jnp.concatenate([W1, Wsrc1, Wdst1], axis=1)
    P1 = _tc_matmul(x, Wcat1)
    h1 = P1[:, :128]
    zpad = jnp.zeros((N, 8), jnp.float32)
    A1 = jnp.concatenate([P1[:, 128:136], zpad], axis=1)
    A2_1 = jnp.concatenate([P1[:, 136:144], zpad], axis=1)

    acc1 = _sc_pass_l1(src, dst, A1, A2_1, h1)[:, :N, :]

    rep = (jax.lax.broadcasted_iota(jnp.int32, (8, 128), 1) // 16
           == jax.lax.broadcasted_iota(jnp.int32, (8, 128), 0)
           ).astype(jnp.float32)
    Wsrc2 = (W2.reshape(128, H2, F2) * att_src2[None]).sum(-1)
    Wdst2 = (W2.reshape(128, H2, F2) * att_dst2[None]).sum(-1)
    Wcat2 = jnp.concatenate(
        [W2, Wsrc2, Wdst2, jnp.zeros((128, 62), jnp.float32)], axis=1)
    P2 = _tc_epilogue1(acc1, b1.reshape(1, 128), rep, Wcat2)

    h2 = P2[:, :64]
    zpad15 = jnp.zeros((N, 15), jnp.float32)
    A1_2 = jnp.concatenate([P2[:, 64:65], zpad15], axis=1)
    A2_2 = jnp.concatenate([P2[:, 65:66], zpad15], axis=1)

    acc2 = _sc_pass_l2(src, dst, A1_2, A2_2, h2)[:, :N, :]

    return _tc_epilogue2(acc2, b2.reshape(1, 64))

# --- scband reference (transcript-rebuilt; emitter-appended) ---
"""Pipeline reference for scband-gat-50818053046713 (READ-ONLY COPY).

The authoritative reference and input builder live on the scoring server;
editing this copy changes nothing except your own understanding.
"""

import jax, jax.numpy as jnp
import numpy as np

N = 10000
E = 320000


def gat_conv(x, edge_index, W, att_src, att_dst, bias, concat):
    H, F = att_src.shape
    h = (x @ W).reshape(N, H, F)
    a_src = (h * att_src[None, :, :]).sum(-1)  # [N, H]
    a_dst = (h * att_dst[None, :, :]).sum(-1)  # [N, H]
    src = edge_index[0]
    dst = edge_index[1]
    e = a_src[src] + a_dst[dst]  # [E, H]
    e = jax.nn.leaky_relu(e, negative_slope=0.2)
    m = jax.ops.segment_max(e, dst, num_segments=N)
    m = jnp.where(jnp.isfinite(m), m, 0.0)
    ex = jnp.exp(e - m[dst])
    denom = jax.ops.segment_sum(ex, dst, num_segments=N)
    alpha = ex / (denom[dst] + 1e-16)  # [E, H]
    msg = h[src] * alpha[:, :, None]  # [E, H, F]
    out = jax.ops.segment_sum(msg, dst, num_segments=N)  # [N, H, F]
    if concat:
        out = out.reshape(N, H * F)
    else:
        out = out.mean(axis=1)
    return out + bias


def setup_inputs(seed: int = 0) -> dict:
    key = jax.random.key(seed)
    ks = jax.random.split(key, 10)
    x = jax.random.normal(ks[0], (N, 128), dtype=jnp.float32)
    edge_index = jax.random.randint(ks[1], (2, E), 0, N, dtype=jnp.int64)
    # layer 1: in=128, heads=8, out_per_head=16 (concat -> 128)
    W1 = jax.random.normal(ks[2], (128, 8 * 16), dtype=jnp.float32) * 0.1
    att_src1 = jax.random.normal(ks[3], (8, 16), dtype=jnp.float32) * 0.1
    att_dst1 = jax.random.normal(ks[4], (8, 16), dtype=jnp.float32) * 0.1
    b1 = jnp.zeros((8 * 16,), dtype=jnp.float32)
    # layer 2: in=128, heads=1, out=64, concat=False (mean)
    W2 = jax.random.normal(ks[5], (128, 64), dtype=jnp.float32) * 0.1
    att_src2 = jax.random.normal(ks[6], (1, 64), dtype=jnp.float32) * 0.1
    att_dst2 = jax.random.normal(ks[7], (1, 64), dtype=jnp.float32) * 0.1
    b2 = jnp.zeros((64,), dtype=jnp.float32)
    return {"x": x, "edge_index": edge_index, "W1": W1, "att_src1": att_src1,
            "att_dst1": att_dst1, "b1": b1, "W2": W2, "att_src2": att_src2,
            "att_dst2": att_dst2, "b2": b2}


def reference(x, edge_index, W1, att_src1, att_dst1, b1, W2, att_src2, att_dst2, b2):
    # dropout disabled (eval mode)
    h = gat_conv(x, edge_index, W1, att_src1, att_dst1, b1, concat=True)
    h = jax.nn.elu(h)
    out = gat_conv(h, edge_index, W2, att_src2, att_dst2, b2, concat=False)
    return out

if __name__ == "__main__":
    import jax
    _d = setup_inputs()
    print(jax.jit(kernel)(*tuple(_d.values())))

</pallas_src>

<mosaic_0001>
#map = affine_map<(d0, d1) -> (0)>
#map1 = affine_map<(d0, d1) -> (0, 0)>
#map2 = affine_map<(d0, d1) -> (0, 0, 0)>
module attributes {stable_mosaic.version = 14 : i64} {
  func.func @sc_pass(%arg0: i32, %arg1: i32, %arg2: memref<320000xi32, #tpu.memory_space<hbm>>, %arg3: memref<320000xi32, #tpu.memory_space<hbm>>, %arg4: memref<10000x16xf32, #tpu.memory_space<hbm>>, %arg5: memref<10000x16xf32, #tpu.memory_space<hbm>>, %arg6: memref<10000x128xf32, #tpu.memory_space<hbm>>, %arg7: memref<2x10240x144xf32, #tpu.memory_space<hbm>>, %arg8: memref<80xi32, #tpu.memory_space<vmem>>, %arg9: memref<80xi32, #tpu.memory_space<vmem>>, %arg10: memref<80xi32, #tpu.memory_space<vmem>>, %arg11: memref<80x16xf32, #tpu.memory_space<vmem>>, %arg12: memref<80x16xf32, #tpu.memory_space<vmem>>, %arg13: memref<80x128xf32, #tpu.memory_space<vmem>>, %arg14: memref<80x144xf32, #tpu.memory_space<vmem>>, %arg15: memref<80x144xf32, #tpu.memory_space<vmem>>, %arg16: memref<1280xf32, #tpu.memory_space<vmem>>, %arg17: memref<10240x144xf32, #tpu.memory_space<vmem_shared>>, %arg18: memref<!tpu.dma_semaphore, #tpu.memory_space<semaphore_mem>>, %arg19: memref<!tpu.dma_semaphore, #tpu.memory_space<semaphore_mem>>, %arg20: memref<!tpu.dma_semaphore, #tpu.memory_space<semaphore_mem>>) attributes {dimension_semantics = [#tpu.dimension_semantics<core_parallel>, #tpu.dimension_semantics<subcore_parallel>], iteration_bounds = array<i64: 2, 16>, scalar_prefetch = 0 : i64, scratch_operands = 13 : i64, tpu.core_type = #tpu.core_type<sc_vector_subcore>, window_params = [{transform_indices = #map}, {transform_indices = #map}, {transform_indices = #map1}, {transform_indices = #map1}, {transform_indices = #map1}, {transform_indices = #map2}]} {
    %mul3A = arith.constant 16 : i32
    %mul3A_0 = arith.muli %arg0, %mul3A : i32
    %add3A = arith.addi %mul3A_0, %arg1 : i32
    %broadcast_in_dim3A = arith.constant 0.000000e+00 : f32
    %broadcast_in_dim3A_1 = vector.broadcast %broadcast_in_dim3A : f32 to vector<16xf32>
    %iota3A = tpu.iota {dimensions = array<i32: 0>} : vector<16xi32>
    %lt3A = arith.constant 8 : i32
    %lt3A_2 = vector.broadcast %lt3A : i32 to vector<16xi32>
    %lt3A_3 = arith.cmpi slt, %iota3A, %lt3A_2 : vector<16xi32>
    %scan3A = arith.constant 0 : i32
    %scan3A_4 = arith.constant 80 : i32
    %scan3A_5 = arith.addi %scan3A, %scan3A_4 : i32
    %scan3A_6 = arith.constant 1 : i32
    scf.for %scan3A_60 = %scan3A to %scan3A_5 step %scan3A_6  : i32 {
      %mul3A_61 = arith.constant 1 : i32
      %mul3A_62 = arith.muli %scan3A_60, %mul3A_61 : i32
      %add3A_63 = arith.constant 0 : i32
      %add3A_64 = arith.addi %add3A_63, %mul3A_62 : i32
      %swap3A = arith.index_cast %add3A_64 : i32 to index
      %swap3A_65 = arith.constant 0 : index
      %swap3A_66 = tpu.vector_load %arg14[%swap3A, %swap3A_65] {strides = array<i32>} : memref<80x144xf32, #tpu.memory_space<vmem>>, vector<16xf32>,
      tpu.vector_store %arg14[%swap3A, %swap3A_65], %broadcast_in_dim3A_1 {strides = array<i32>} : memref<80x144xf32, #tpu.memory_space<vmem>>, vector<16xf32>,
      %swap3A_67 = arith.index_cast %add3A_64 : i32 to index
      %swap3A_68 = arith.constant 16 : index
      %swap3A_69 = tpu.vector_load %arg14[%swap3A_67, %swap3A_68] {strides = array<i32>} : memref<80x144xf32, #tpu.memory_space<vmem>>, vector<16xf32>,
      tpu.vector_store %arg14[%swap3A_67, %swap3A_68], %broadcast_in_dim3A_1 {strides = array<i32>} : memref<80x144xf32, #tpu.memory_space<vmem>>, vector<16xf32>,
      %swap3A_70 = arith.index_cast %add3A_64 : i32 to index
      %swap3A_71 = arith.constant 32 : index
      %swap3A_72 = tpu.vector_load %arg14[%swap3A_70, %swap3A_71] {strides = array<i32>} : memref<80x144xf32, #tpu.memory_space<vmem>>, vector<16xf32>,
      tpu.vector_store %arg14[%swap3A_70, %swap3A_71], %broadcast_in_dim3A_1 {strides = array<i32>} : memref<80x144xf32, #tpu.memory_space<vmem>>, vector<16xf32>,
      %swap3A_73 = arith.index_cast %add3A_64 : i32 to index
      %swap3A_74 = arith.constant 48 : index
      %swap3A_75 = tpu.vector_load %arg14[%swap3A_73, %swap3A_74] {strides = array<i32>} : memref<80x144xf32, #tpu.memory_space<vmem>>, vector<16xf32>,
      tpu.vector_store %arg14[%swap3A_73, %swap3A_74], %broadcast_in_dim3A_1 {strides = array<i32>} : memref<80x144xf32, #tpu.memory_space<vmem>>, vector<16xf32>,
      %swap3A_76 = arith.index_cast %add3A_64 : i32 to index
      %swap3A_77 = arith.constant 64 : index
      %swap3A_78 = tpu.vector_load %arg14[%swap3A_76, %swap3A_77] {strides = array<i32>} : memref<80x144xf32, #tpu.memory_space<vmem>>, vector<16xf32>,
      tpu.vector_store %arg14[%swap3A_76, %swap3A_77], %broadcast_in_dim3A_1 {strides = array<i32>} : memref<80x144xf32, #tpu.memory_space<vmem>>, vector<16xf32>,
      %swap3A_79 = arith.index_cast %add3A_64 : i32 to index
      %swap3A_80 = arith.constant 80 : index
      %swap3A_81 = tpu.vector_load %arg14[%swap3A_79, %swap3A_80] {strides = array<i32>} : memref<80x144xf32, #tpu.memory_space<vmem>>, vector<16xf32>,
      tpu.vector_store %arg14[%swap3A_79, %swap3A_80], %broadcast_in_dim3A_1 {strides = array<i32>} : memref<80x144xf32, #tpu.memory_space<vmem>>, vector<16xf32>,
      %swap3A_82 = arith.index_cast %add3A_64 : i32 to index
      %swap3A_83 = arith.constant 96 : index
      %swap3A_84 = tpu.vector_load %arg14[%swap3A_82, %swap3A_83] {strides = array<i32>} : memref<80x144xf32, #tpu.memory_space<vmem>>, vector<16xf32>,
      tpu.vector_store %arg14[%swap3A_82, %swap3A_83], %broadcast_in_dim3A_1 {strides = array<i32>} : memref<80x144xf32, #tpu.memory_space<vmem>>, vector<16xf32>,
      %swap3A_85 = arith.index_cast %add3A_64 : i32 to index
      %swap3A_86 = arith.constant 112 : index
      %swap3A_87 = tpu.vector_load %arg14[%swap3A_85, %swap3A_86] {strides = array<i32>} : memref<80x144xf32, #tpu.memory_space<vmem>>, vector<16xf32>,
      tpu.vector_store %arg14[%swap3A_85, %swap3A_86], %broadcast_in_dim3A_1 {strides = array<i32>} : memref<80x144xf32, #tpu.memory_space<vmem>>, vector<16xf32>,
      %swap3A_88 = arith.index_cast %add3A_64 : i32 to index
      %swap3A_89 = arith.constant 128 : index
      %swap3A_90 = tpu.vector_load %arg14[%swap3A_88, %swap3A_89] {strides = array<i32>} : memref<80x144xf32, #tpu.memory_space<vmem>>, vector<16xf32>,
      tpu.vector_store %arg14[%swap3A_88, %swap3A_89], %broadcast_in_dim3A_1 {strides = array<i32>} : memref<80x144xf32, #tpu.memory_space<vmem>>, vector<16xf32>,
    }
    %scan3A_7 = arith.constant 80 : i32
    %scan3A_8 = arith.constant 0 : i32
    %scan3A_9 = arith.constant 8 : i32
    %scan3A_10 = arith.addi %scan3A_8, %scan3A_9 : i32
    %scan3A_11 = arith.constant 1 : i32
    scf.for %scan3A_60 = %scan3A_8 to %scan3A_10 step %scan3A_11  : i32 {
      %mul3A_61 = arith.constant 1 : i32
      %mul3A_62 = arith.muli %scan3A_60, %mul3A_61 : i32
      %add3A_63 = arith.constant 0 : i32
      %add3A_64 = arith.addi %add3A_63, %mul3A_62 : i32
      %mul3A_65 = arith.constant 640 : i32
      %mul3A_66 = arith.muli %arg1, %mul3A_65 : i32
      %mul3A_67 = arith.constant 80 : i32
      %mul3A_68 = arith.muli %add3A_64, %mul3A_67 : i32
      %add3A_69 = arith.addi %mul3A_66, %mul3A_68 : i32
      "tpu.region"() ({
        %run_scoped3A = tpu.sem_alloc : memref<!tpu.dma_semaphore, #tpu.memory_space<semaphore_mem>>
        %dma_start3A_70 = arith.constant 0 : i32
        %dma_start3A_71 = tpu.memref_slice %arg17[%add3A_69, %dma_start3A_70] : memref<10240x144xf32, #tpu.memory_space<vmem_shared>> -> memref<80x144xf32, #tpu.memory_space<vmem_shared>>
        %dma_start3A_72 = arith.constant 0 : i32
        %dma_start3A_73 = tpu.memref_slice %arg17[%add3A_69, %dma_start3A_72] : memref<10240x144xf32, #tpu.memory_space<vmem_shared>> -> memref<80x144xf32, #tpu.memory_space<vmem_shared>>
        tpu.enqueue_dma source(%arg14 : memref<80x144xf32, #tpu.memory_space<vmem>>) target(%dma_start3A_73 : memref<80x144xf32, #tpu.memory_space<vmem_shared>>) target_semaphore(%run_scoped3A : memref<!tpu.dma_semaphore, #tpu.memory_space<semaphore_mem>>)
        %dma_wait3A_74 = arith.constant 0 : i32
        %dma_wait3A_75 = tpu.memref_slice %arg17[%add3A_69, %dma_wait3A_74] : memref<10240x144xf32, #tpu.memory_space<vmem_shared>> -> memref<80x144xf32, #tpu.memory_space<vmem_shared>>
        %dma_wait3A_76 = arith.constant 0 : i32
        %dma_wait3A_77 = tpu.memref_slice %arg17[%add3A_69, %dma_wait3A_76] : memref<10240x144xf32, #tpu.memory_space<vmem_shared>> -> memref<80x144xf32, #tpu.memory_space<vmem_shared>>
        tpu.wait_dma2 semaphore(%run_scoped3A : memref<!tpu.dma_semaphore, #tpu.memory_space<semaphore_mem>>) src(%arg14 : memref<80x144xf32, #tpu.memory_space<vmem>>) dst(%dma_wait3A_77 : memref<80x144xf32, #tpu.memory_space<vmem_shared>>)
        tpu.yield
      }) : () -> ()
    }
    %scan3A_12 = arith.constant 8 : i32
    %barrier3A = arith.constant 0 : index
    tpu.barrier barrier_id(%barrier3A)
    %scan3A_13 = arith.constant 0 : i32
    %scan3A_14 = arith.constant 62 : i32
    %scan3A_15 = arith.addi %scan3A_13, %scan3A_14 : i32
    %scan3A_16 = arith.constant 1 : i32
    scf.for %scan3A_60 = %scan3A_13 to %scan3A_15 step %scan3A_16  : i32 {
      %mul3A_61 = arith.constant 2 : i32
      %mul3A_62 = arith.muli %scan3A_60, %mul3A_61 : i32
      %add3A_63 = arith.constant 0 : i32
      %add3A_64 = arith.addi %add3A_63, %mul3A_62 : i32
      %add3A_65 = arith.constant 0 : i32
      %add3A_66 = arith.addi %add3A_64, %add3A_65 : i32
      %ge3A = arith.constant 2 : i32
      %ge3A_67 = arith.cmpi sge, %add3A_66, %ge3A : i32
      %convert_element_type3A = arith.extui %ge3A_67 : i1 to i32
      %cond3A = arith.constant 0 : i32
      %cond3A_68 = arith.cmpi ne, %convert_element_type3A, %cond3A : i32
      scf.if %cond3A_68 {
        %dma_wait3A_138 = arith.constant 0 : i32
        %dma_wait3A_139 = arith.constant 0 : i32
        %dma_wait3A_140 = tpu.memref_slice %arg17[%dma_wait3A_138, %dma_wait3A_139] : memref<10240x144xf32, #tpu.memory_space<vmem_shared>> -> memref<10240x144xf32, #tpu.memory_space<vmem_shared>>
        tpu.wait_indirect_dma semaphore(%arg19 : memref<!tpu.dma_semaphore, #tpu.memory_space<semaphore_mem>>) src(%arg14 : memref<80x144xf32, #tpu.memory_space<vmem>>) dst(%dma_wait3A_140 : memref<10240x144xf32, #tpu.memory_space<vmem_shared>>)
      } else {
      }
      %mul3A_69 = arith.constant 10000 : i32
      %mul3A_70 = arith.muli %add3A, %mul3A_69 : i32
      %mul3A_71 = arith.constant 80 : i32
      %mul3A_72 = arith.muli %add3A_66, %mul3A_71 : i32
      %add3A_73 = arith.addi %mul3A_70, %mul3A_72 : i32
      "tpu.region"() ({
        %run_scoped3A = tpu.sem_alloc : memref<!tpu.dma_semaphore, #tpu.memory_space<semaphore_mem>>
        %dma_start3A_138 = tpu.memref_slice %arg2[%add3A_73] : memref<320000xi32, #tpu.memory_space<hbm>> -> memref<80xi32, #tpu.memory_space<hbm>>
        %dma_start3A_139 = tpu.memref_slice %arg2[%add3A_73] : memref<320000xi32, #tpu.memory_space<hbm>> -> memref<80xi32, #tpu.memory_space<hbm>>
        tpu.enqueue_dma source(%dma_start3A_139 : memref<80xi32, #tpu.memory_space<hbm>>) target(%arg8 : memref<80xi32, #tpu.memory_space<vmem>>) target_semaphore(%run_scoped3A : memref<!tpu.dma_semaphore, #tpu.memory_space<semaphore_mem>>)
        %dma_wait3A_140 = tpu.memref_slice %arg2[%add3A_73] : memref<320000xi32, #tpu.memory_space<hbm>> -> memref<80xi32, #tpu.memory_space<hbm>>
        %dma_wait3A_141 = tpu.memref_slice %arg2[%add3A_73] : memref<320000xi32, #tpu.memory_space<hbm>> -> memref<80xi32, #tpu.memory_space<hbm>>
        tpu.wait_dma2 semaphore(%run_scoped3A : memref<!tpu.dma_semaphore, #tpu.memory_space<semaphore_mem>>) src(%dma_wait3A_141 : memref<80xi32, #tpu.memory_space<hbm>>) dst(%arg8 : memref<80xi32, #tpu.memory_space<vmem>>)
        tpu.yield
      }) : () -> ()
      "tpu.region"() ({
        %run_scoped3A = tpu.sem_alloc : memref<!tpu.dma_semaphore, #tpu.memory_space<semaphore_mem>>
        %dma_start3A_138 = tpu.memref_slice %arg3[%add3A_73] : memref<320000xi32, #tpu.memory_space<hbm>> -> memref<80xi32, #tpu.memory_space<hbm>>
        %dma_start3A_139 = tpu.memref_slice %arg3[%add3A_73] : memref<320000xi32, #tpu.memory_space<hbm>> -> memref<80xi32, #tpu.memory_space<hbm>>
        tpu.enqueue_dma source(%dma_start3A_139 : memref<80xi32, #tpu.memory_space<hbm>>) target(%arg9 : memref<80xi32, #tpu.memory_space<vmem>>) target_semaphore(%run_scoped3A : memref<!tpu.dma_semaphore, #tpu.memory_space<semaphore_mem>>)
        %dma_wait3A_140 = tpu.memref_slice %arg3[%add3A_73] : memref<320000xi32, #tpu.memory_space<hbm>> -> memref<80xi32, #tpu.memory_space<hbm>>
        %dma_wait3A_141 = tpu.memref_slice %arg3[%add3A_73] : memref<320000xi32, #tpu.memory_space<hbm>> -> memref<80xi32, #tpu.memory_space<hbm>>
        tpu.wait_dma2 semaphore(%run_scoped3A : memref<!tpu.dma_semaphore, #tpu.memory_space<semaphore_mem>>) src(%dma_wait3A_141 : memref<80xi32, #tpu.memory_space<hbm>>) dst(%arg9 : memref<80xi32, #tpu.memory_space<vmem>>)
        tpu.yield
      }) : () -> ()
      %dma_start3A_74 = arith.constant 0 : i32
      %dma_start3A_75 = arith.constant 0 : i32
      %dma_start3A_76 = tpu.memref_slice %arg4[%dma_start3A_74, %dma_start3A_75] : memref<10000x16xf32, #tpu.memory_space<hbm>> -> memref<10000x16xf32, #tpu.memory_space<hbm>>
      tpu.enqueue_indirect_dma source(%dma_start3A_76 : memref<10000x16xf32, #tpu.memory_space<hbm>>) target(%arg11 : memref<80x16xf32, #tpu.memory_space<vmem>>) offsets(%arg8 : memref<80xi32, #tpu.memory_space<vmem>>) semaphore(%arg18 : memref<!tpu.dma_semaphore, #tpu.memory_space<semaphore_mem>>)
      %dma_start3A_77 = arith.constant 0 : i32
      %dma_start3A_78 = arith.constant 0 : i32
      %dma_start3A_79 = tpu.memref_slice %arg5[%dma_start3A_77, %dma_start3A_78] : memref<10000x16xf32, #tpu.memory_space<hbm>> -> memref<10000x16xf32, #tpu.memory_space<hbm>>
      tpu.enqueue_indirect_dma source(%dma_start3A_79 : memref<10000x16xf32, #tpu.memory_space<hbm>>) target(%arg12 : memref<80x16xf32, #tpu.memory_space<vmem>>) offsets(%arg9 : memref<80xi32, #tpu.memory_space<vmem>>) semaphore(%arg18 : memref<!tpu.dma_semaphore, #tpu.memory_space<semaphore_mem>>)
      %dma_start3A_80 = arith.constant 0 : i32
      %dma_start3A_81 = arith.constant 0 : i32
      %dma_start3A_82 = tpu.memref_slice %arg6[%dma_start3A_80, %dma_start3A_81] : memref<10000x128xf32, #tpu.memory_space<hbm>> -> memref<10000x128xf32, #tpu.memory_space<hbm>>
      tpu.enqueue_indirect_dma source(%dma_start3A_82 : memref<10000x128xf32, #tpu.memory_space<hbm>>) target(%arg13 : memref<80x128xf32, #tpu.memory_space<vmem>>) offsets(%arg8 : memref<80xi32, #tpu.memory_space<vmem>>) semaphore(%arg18 : memref<!tpu.dma_semaphore, #tpu.memory_space<semaphore_mem>>)
      %dma_wait3A_83 = arith.constant 0 : i32
      %dma_wait3A_84 = arith.constant 0 : i32
      %dma_wait3A_85 = tpu.memref_slice %arg4[%dma_wait3A_83, %dma_wait3A_84] : memref<10000x16xf32, #tpu.memory_space<hbm>> -> memref<10000x16xf32, #tpu.memory_space<hbm>>
      tpu.wait_indirect_dma semaphore(%arg18 : memref<!tpu.dma_semaphore, #tpu.memory_space<semaphore_mem>>) src(%dma_wait3A_85 : memref<10000x16xf32, #tpu.memory_space<hbm>>) dst(%arg11 : memref<80x16xf32, #tpu.memory_space<vmem>>)
      %dma_wait3A_86 = arith.constant 0 : i32
      %dma_wait3A_87 = arith.constant 0 : i32
      %dma_wait3A_88 = tpu.memref_slice %arg5[%dma_wait3A_86, %dma_wait3A_87] : memref<10000x16xf32, #tpu.memory_space<hbm>> -> memref<10000x16xf32, #tpu.memory_space<hbm>>
      tpu.wait_indirect_dma semaphore(%arg18 : memref<!tpu.dma_semaphore, #tpu.memory_space<semaphore_mem>>) src(%dma_wait3A_88 : memref<10000x16xf32, #tpu.memory_space<hbm>>) dst(%arg12 : memref<80x16xf32, #tpu.memory_space<vmem>>)
      %dma_wait3A_89 = arith.constant 0 : i32
      %dma_wait3A_90 = arith.constant 0 : i32
      %dma_wait3A_91 = tpu.memref_slice %arg6[%dma_wait3A_89, %dma_wait3A_90] : memref<10000x128xf32, #tpu.memory_space<hbm>> -> memref<10000x128xf32, #tpu.memory_space<hbm>>
      tpu.wait_indirect_dma semaphore(%arg18 : memref<!tpu.dma_semaphore, #tpu.memory_space<semaphore_mem>>) src(%dma_wait3A_91 : memref<10000x128xf32, #tpu.memory_space<hbm>>) dst(%arg13 : memref<80x128xf32, #tpu.memory_space<vmem>>)
      %scan3A_92 = arith.constant 0 : i32
      %scan3A_93 = arith.constant 80 : i32
      %scan3A_94 = arith.addi %scan3A_92, %scan3A_93 : i32
      %scan3A_95 = arith.constant 2 : i32
      scf.for %scan3A_138 = %scan3A_92 to %scan3A_94 step %scan3A_95  : i32 {
        %mul3A_139 = arith.constant 1 : i32
        %mul3A_140 = arith.muli %scan3A_138, %mul3A_139 : i32
        %add3A_141 = arith.constant 0 : i32
        %add3A_142 = arith.addi %add3A_141, %mul3A_140 : i32
        %get3A = arith.index_cast %add3A_142 : i32 to index
        %get3A_143 = arith.constant 0 : index
        %get3A_144 = tpu.vector_load %arg11[%get3A, %get3A_143] {strides = array<i32>} : memref<80x16xf32, #tpu.memory_space<vmem>>, vector<16xf32>,
        %get3A_145 = arith.index_cast %add3A_142 : i32 to index
        %get3A_146 = arith.constant 0 : index
        %get3A_147 = tpu.vector_load %arg12[%get3A_145, %get3A_146] {strides = array<i32>} : memref<80x16xf32, #tpu.memory_space<vmem>>, vector<16xf32>,
        %add3A_148 = arith.addf %get3A_144, %get3A_147 : vector<16xf32>
        %ge3A_149 = arith.constant 0.000000e+00 : f32
        %ge3A_150 = vector.broadcast %ge3A_149 : f32 to vector<16xf32>
        %ge3A_151 = arith.cmpf oge, %add3A_148, %ge3A_150 : vector<16xf32>
        %mul3A_152 = arith.constant 2.000000e-01 : f32
        %mul3A_153 = vector.broadcast %mul3A_152 : f32 to vector<16xf32>
        %mul3A_154 = arith.mulf %mul3A_153, %add3A_148 : vector<16xf32>
        %select_n3A = arith.select %ge3A_151, %add3A_148, %mul3A_154 : vector<16xi1>, vector<16xf32>
        %exp3A = math.exp %select_n3A : vector<16xf32>
        %jit3A = arith.constant 0.000000e+00 : f32
        %broadcast_in_dim3A_155 = vector.broadcast %jit3A : f32 to vector<16xf32>
        %select_n3A_156 = arith.select %lt3A_3, %exp3A, %broadcast_in_dim3A_155 : vector<16xi1>, vector<16xf32>
        %swap3A = arith.index_cast %add3A_142 : i32 to index
        %swap3A_157 = arith.constant 128 : index
        %swap3A_158 = tpu.vector_load %arg14[%swap3A, %swap3A_157] {strides = array<i32>} : memref<80x144xf32, #tpu.memory_space<vmem>>, vector<16xf32>,
        tpu.vector_store %arg14[%swap3A, %swap3A_157], %select_n3A_156 {strides = array<i32>} : memref<80x144xf32, #tpu.memory_space<vmem>>, vector<16xf32>,
        %mul3A_159 = arith.constant 16 : i32
        %mul3A_160 = arith.muli %add3A_142, %mul3A_159 : i32
        %swap3A_161 = arith.index_cast %mul3A_160 : i32 to index
        %swap3A_162 = tpu.vector_load %arg16[%swap3A_161] {strides = array<i32>} : memref<1280xf32, #tpu.memory_space<vmem>>, vector<16xf32>,
        tpu.vector_store %arg16[%swap3A_161], %select_n3A_156 {strides = array<i32>} : memref<1280xf32, #tpu.memory_space<vmem>>, vector<16xf32>,
        %mul3A_163 = arith.constant 16 : i32
        %mul3A_164 = arith.muli %add3A_142, %mul3A_163 : i32
        %add3A_165 = arith.constant 0 : i32
        %add3A_166 = arith.addi %mul3A_164, %add3A_165 : i32
        %broadcast_in_dim3A_167 = vector.broadcast %add3A_166 : i32 to vector<16xi32>
        %gather3A = tpu.vector_load_idx %arg16[%broadcast_in_dim3A_167] : memref<1280xf32, #tpu.memory_space<vmem>>[vector<16xi32>], vector<16xf32>,
        %get3A_168 = arith.index_cast %add3A_142 : i32 to index
        %get3A_169 = arith.constant 0 : index
        %get3A_170 = tpu.vector_load %arg13[%get3A_168, %get3A_169] {strides = array<i32>} : memref<80x128xf32, #tpu.memory_space<vmem>>, vector<16xf32>,
        %mul3A_171 = arith.mulf %get3A_170, %gather3A : vector<16xf32>
        %swap3A_172 = arith.index_cast %add3A_142 : i32 to index
        %swap3A_173 = arith.constant 0 : index
        %swap3A_174 = tpu.vector_load %arg14[%swap3A_172, %swap3A_173] {strides = array<i32>} : memref<80x144xf32, #tpu.memory_space<vmem>>, vector<16xf32>,
        tpu.vector_store %arg14[%swap3A_172, %swap3A_173], %mul3A_171 {strides = array<i32>} : memref<80x144xf32, #tpu.memory_space<vmem>>, vector<16xf32>,
        %mul3A_175 = arith.constant 16 : i32
        %mul3A_176 = arith.muli %add3A_142, %mul3A_175 : i32
        %add3A_177 = arith.constant 1 : i32
        %add3A_178 = arith.addi %mul3A_176, %add3A_177 : i32
        %broadcast_in_dim3A_179 = vector.broadcast %add3A_178 : i32 to vector<16xi32>
        %gather3A_180 = tpu.vector_load_idx %arg16[%broadcast_in_dim3A_179] : memref<1280xf32, #tpu.memory_space<vmem>>[vector<16xi32>], vector<16xf32>,
        %get3A_181 = arith.index_cast %add3A_142 : i32 to index
        %get3A_182 = arith.constant 16 : index
        %get3A_183 = tpu.vector_load %arg13[%get3A_181, %get3A_182] {strides = array<i32>} : memref<80x128xf32, #tpu.memory_space<vmem>>, vector<16xf32>,
        %mul3A_184 = arith.mulf %get3A_183, %gather3A_180 : vector<16xf32>
        %swap3A_185 = arith.index_cast %add3A_142 : i32 to index
        %swap3A_186 = arith.constant 16 : index
        %swap3A_187 = tpu.vector_load %arg14[%swap3A_185, %swap3A_186] {strides = array<i32>} : memref<80x144xf32, #tpu.memory_space<vmem>>, vector<16xf32>,
        tpu.vector_store %arg14[%swap3A_185, %swap3A_186], %mul3A_184 {strides = array<i32>} : memref<80x144xf32, #tpu.memory_space<vmem>>, vector<16xf32>,
        %mul3A_188 = arith.constant 16 : i32
        %mul3A_189 = arith.muli %add3A_142, %mul3A_188 : i32
        %add3A_190 = arith.constant 2 : i32
        %add3A_191 = arith.addi %mul3A_189, %add3A_190 : i32
        %broadcast_in_dim3A_192 = vector.broadcast %add3A_191 : i32 to vector<16xi32>
        %gather3A_193 = tpu.vector_load_idx %arg16[%broadcast_in_dim3A_192] : memref<1280xf32, #tpu.memory_space<vmem>>[vector<16xi32>], vector<16xf32>,
        %get3A_194 = arith.index_cast %add3A_142 : i32 to index
        %get3A_195 = arith.constant 32 : index
        %get3A_196 = tpu.vector_load %arg13[%get3A_194, %get3A_195] {strides = array<i32>} : memref<80x128xf32, #tpu.memory_space<vmem>>, vector<16xf32>,
        %mul3A_197 = arith.mulf %get3A_196, %gather3A_193 : vector<16xf32>
        %swap3A_198 = arith.index_cast %add3A_142 : i32 to index
        %swap3A_199 = arith.constant 32 : index
        %swap3A_200 = tpu.vector_load %arg14[%swap3A_198, %swap3A_199] {strides = array<i32>} : memref<80x144xf32, #tpu.memory_space<vmem>>, vector<16xf32>,
        tpu.vector_store %arg14[%swap3A_198, %swap3A_199], %mul3A_197 {strides = array<i32>} : memref<80x144xf32, #tpu.memory_space<vmem>>, vector<16xf32>,
        %mul3A_201 = arith.constant 16 : i32
        %mul3A_202 = arith.muli %add3A_142, %mul3A_201 : i32
        %add3A_203 = arith.constant 3 : i32
        %add3A_204 = arith.addi %mul3A_202, %add3A_203 : i32
        %broadcast_in_dim3A_205 = vector.broadcast %add3A_204 : i32 to vector<16xi32>
        %gather3A_206 = tpu.vector_load_idx %arg16[%broadcast_in_dim3A_205] : memref<1280xf32, #tpu.memory_space<vmem>>[vector<16xi32>], vector<16xf32>,
        %get3A_207 = arith.index_cast %add3A_142 : i32 to index
        %get3A_208 = arith.constant 48 : index
        %get3A_209 = tpu.vector_load %arg13[%get3A_207, %get3A_208] {strides = array<i32>} : memref<80x128xf32, #tpu.memory_space<vmem>>, vector<16xf32>,
        %mul3A_210 = arith.mulf %get3A_209, %gather3A_206 : vector<16xf32>
        %swap3A_211 = arith.index_cast %add3A_142 : i32 to index
        %swap3A_212 = arith.constant 48 : index
        %swap3A_213 = tpu.vector_load %arg14[%swap3A_211, %swap3A_212] {strides = array<i32>} : memref<80x144xf32, #tpu.memory_space<vmem>>, vector<16xf32>,
        tpu.vector_store %arg14[%swap3A_211, %swap3A_212], %mul3A_210 {strides = array<i32>} : memref<80x144xf32, #tpu.memory_space<vmem>>, vector<16xf32>,
        %mul3A_214 = arith.constant 16 : i32
        %mul3A_215 = arith.muli %add3A_142, %mul3A_214 : i32
        %add3A_216 = arith.constant 4 : i32
        %add3A_217 = arith.addi %mul3A_215, %add3A_216 : i32
        %broadcast_in_dim3A_218 = vector.broadcast %add3A_217 : i32 to vector<16xi32>
        %gather3A_219 = tpu.vector_load_idx %arg16[%broadcast_in_dim3A_218] : memref<1280xf32, #tpu.memory_space<vmem>>[vector<16xi32>], vector<16xf32>,
        %get3A_220 = arith.index_cast %add3A_142 : i32 to index
        %get3A_221 = arith.constant 64 : index
        %get3A_222 = tpu.vector_load %arg13[%get3A_220, %get3A_221] {strides = array<i32>} : memref<80x128xf32, #tpu.memory_space<vmem>>, vector<16xf32>,
        %mul3A_223 = arith.mulf %get3A_222, %gather3A_219 : vector<16xf32>
        %swap3A_224 = arith.index_cast %add3A_142 : i32 to index
        %swap3A_225 = arith.constant 64 : index
        %swap3A_226 = tpu.vector_load %arg14[%swap3A_224, %swap3A_225] {strides = array<i32>} : memref<80x144xf32, #tpu.memory_space<vmem>>, vector<16xf32>,
        tpu.vector_store %arg14[%swap3A_224, %swap3A_225], %mul3A_223 {strides = array<i32>} : memref<80x144xf32, #tpu.memory_space<vmem>>, vector<16xf32>,
        %mul3A_227 = arith.constant 16 : i32
        %mul3A_228 = arith.muli %add3A_142, %mul3A_227 : i32
        %add3A_229 = arith.constant 5 : i32
        %add3A_230 = arith.addi %mul3A_228, %add3A_229 : i32
        %broadcast_in_dim3A_231 = vector.broadcast %add3A_230 : i32 to vector<16xi32>
        %gather3A_232 = tpu.vector_load_idx %arg16[%broadcast_in_dim3A_231] : memref<1280xf32, #tpu.memory_space<vmem>>[vector<16xi32>], vector<16xf32>,
        %get3A_233 = arith.index_cast %add3A_142 : i32 to index
        %get3A_234 = arith.constant 80 : index
        %get3A_235 = tpu.vector_load %arg13[%get3A_233, %get3A_234] {strides = array<i32>} : memref<80x128xf32, #tpu.memory_space<vmem>>, vector<16xf32>,
        %mul3A_236 = arith.mulf %get3A_235, %gather3A_232 : vector<16xf32>
        %swap3A_237 = arith.index_cast %add3A_142 : i32 to index
        %swap3A_238 = arith.constant 80 : index
        %swap3A_239 = tpu.vector_load %arg14[%swap3A_237, %swap3A_238] {strides = array<i32>} : memref<80x144xf32, #tpu.memory_space<vmem>>, vector<16xf32>,
        tpu.vector_store %arg14[%swap3A_237, %swap3A_238], %mul3A_236 {strides = array<i32>} : memref<80x144xf32, #tpu.memory_space<vmem>>, vector<16xf32>,
        %mul3A_240 = arith.constant 16 : i32
        %mul3A_241 = arith.muli %add3A_142, %mul3A_240 : i32
        %add3A_242 = arith.constant 6 : i32
        %add3A_243 = arith.addi %mul3A_241, %add3A_242 : i32
        %broadcast_in_dim3A_244 = vector.broadcast %add3A_243 : i32 to vector<16xi32>
        %gather3A_245 = tpu.vector_load_idx %arg16[%broadcast_in_dim3A_244] : memref<1280xf32, #tpu.memory_space<vmem>>[vector<16xi32>], vector<16xf32>,
        %get3A_246 = arith.index_cast %add3A_142 : i32 to index
        %get3A_247 = arith.constant 96 : index
        %get3A_248 = tpu.vector_load %arg13[%get3A_246, %get3A_247] {strides = array<i32>} : memref<80x128xf32, #tpu.memory_space<vmem>>, vector<16xf32>,
        %mul3A_249 = arith.mulf %get3A_248, %gather3A_245 : vector<16xf32>
        %swap3A_250 = arith.index_cast %add3A_142 : i32 to index
        %swap3A_251 = arith.constant 96 : index
        %swap3A_252 = tpu.vector_load %arg14[%swap3A_250, %swap3A_251] {strides = array<i32>} : memref<80x144xf32, #tpu.memory_space<vmem>>, vector<16xf32>,
        tpu.vector_store %arg14[%swap3A_250, %swap3A_251], %mul3A_249 {strides = array<i32>} : memref<80x144xf32, #tpu.memory_space<vmem>>, vector<16xf32>,
        %mul3A_253 = arith.constant 16 : i32
        %mul3A_254 = arith.muli %add3A_142, %mul3A_253 : i32
        %add3A_255 = arith.constant 7 : i32
        %add3A_256 = arith.addi %mul3A_254, %add3A_255 : i32
        %broadcast_in_dim3A_257 = vector.broadcast %add3A_256 : i32 to vector<16xi32>
        %gather3A_258 = tpu.vector_load_idx %arg16[%broadcast_in_dim3A_257] : memref<1280xf32, #tpu.memory_space<vmem>>[vector<16xi32>], vector<16xf32>,
        %get3A_259 = arith.index_cast %add3A_142 : i32 to index
        %get3A_260 = arith.constant 112 : index
        %get3A_261 = tpu.vector_load %arg13[%get3A_259, %get3A_260] {strides = array<i32>} : memref<80x128xf32, #tpu.memory_space<vmem>>, vector<16xf32>,
        %mul3A_262 = arith.mulf %get3A_261, %gather3A_258 : vector<16xf32>
        %swap3A_263 = arith.index_cast %add3A_142 : i32 to index
        %swap3A_264 = arith.constant 112 : index
        %swap3A_265 = tpu.vector_load %arg14[%swap3A_263, %swap3A_264] {strides = array<i32>} : memref<80x144xf32, #tpu.memory_space<vmem>>, vector<16xf32>,
        tpu.vector_store %arg14[%swap3A_263, %swap3A_264], %mul3A_262 {strides = array<i32>} : memref<80x144xf32, #tpu.memory_space<vmem>>, vector<16xf32>,
        %scan3A_266 = arith.constant 1 : i32
        %scan3A_267 = arith.addi %scan3A_138, %scan3A_266 : i32
        %mul3A_268 = arith.constant 1 : i32
        %mul3A_269 = arith.muli %scan3A_267, %mul3A_268 : i32
        %add3A_270 = arith.constant 0 : i32
        %add3A_271 = arith.addi %add3A_270, %mul3A_269 : i32
        %get3A_272 = arith.index_cast %add3A_271 : i32 to index
        %get3A_273 = arith.constant 0 : index
        %get3A_274 = tpu.vector_load %arg11[%get3A_272, %get3A_273] {strides = array<i32>} : memref<80x16xf32, #tpu.memory_space<vmem>>, vector<16xf32>,
        %get3A_275 = arith.index_cast %add3A_271 : i32 to index
        %get3A_276 = arith.constant 0 : index
        %get3A_277 = tpu.vector_load %arg12[%get3A_275, %get3A_276] {strides = array<i32>} : memref<80x16xf32, #tpu.memory_space<vmem>>, vector<16xf32>,
        %add3A_278 = arith.addf %get3A_274, %get3A_277 : vector<16xf32>
        %ge3A_279 = arith.constant 0.000000e+00 : f32
        %ge3A_280 = vector.broadcast %ge3A_279 : f32 to vector<16xf32>
        %ge3A_281 = arith.cmpf oge, %add3A_278, %ge3A_280 : vector<16xf32>
        %mul3A_282 = arith.constant 2.000000e-01 : f32
        %mul3A_283 = vector.broadcast %mul3A_282 : f32 to vector<16xf32>
        %mul3A_284 = arith.mulf %mul3A_283, %add3A_278 : vector<16xf32>
        %select_n3A_285 = arith.select %ge3A_281, %add3A_278, %mul3A_284 : vector<16xi1>, vector<16xf32>
        %exp3A_286 = math.exp %select_n3A_285 : vector<16xf32>
        %jit3A_287 = arith.constant 0.000000e+00 : f32
        %broadcast_in_dim3A_288 = vector.broadcast %jit3A_287 : f32 to vector<16xf32>
        %select_n3A_289 = arith.select %lt3A_3, %exp3A_286, %broadcast_in_dim3A_288 : vector<16xi1>, vector<16xf32>
        %swap3A_290 = arith.index_cast %add3A_271 : i32 to index
        %swap3A_291 = arith.constant 128 : index
        %swap3A_292 = tpu.vector_load %arg14[%swap3A_290, %swap3A_291] {strides = array<i32>} : memref<80x144xf32, #tpu.memory_space<vmem>>, vector<16xf32>,
        tpu.vector_store %arg14[%swap3A_290, %swap3A_291], %select_n3A_289 {strides = array<i32>} : memref<80x144xf32, #tpu.memory_space<vmem>>, vector<16xf32>,
        %mul3A_293 = arith.constant 16 : i32
        %mul3A_294 = arith.muli %add3A_271, %mul3A_293 : i32
        %swap3A_295 = arith.index_cast %mul3A_294 : i32 to index
        %swap3A_296 = tpu.vector_load %arg16[%swap3A_295] {strides = array<i32>} : memref<1280xf32, #tpu.memory_space<vmem>>, vector<16xf32>,
        tpu.vector_store %arg16[%swap3A_295], %select_n3A_289 {strides = array<i32>} : memref<1280xf32, #tpu.memory_space<vmem>>, vector<16xf32>,
        %mul3A_297 = arith.constant 16 : i32
        %mul3A_298 = arith.muli %add3A_271, %mul3A_297 : i32
        %add3A_299 = arith.constant 0 : i32
        %add3A_300 = arith.addi %mul3A_298, %add3A_299 : i32
        %broadcast_in_dim3A_301 = vector.broadcast %add3A_300 : i32 to vector<16xi32>
        %gather3A_302 = tpu.vector_load_idx %arg16[%broadcast_in_dim3A_301] : memref<1280xf32, #tpu.memory_space<vmem>>[vector<16xi32>], vector<16xf32>,
        %get3A_303 = arith.index_cast %add3A_271 : i32 to index
        %get3A_304 = arith.constant 0 : index
        %get3A_305 = tpu.vector_load %arg13[%get3A_303, %get3A_304] {strides = array<i32>} : memref<80x128xf32, #tpu.memory_space<vmem>>, vector<16xf32>,
        %mul3A_306 = arith.mulf %get3A_305, %gather3A_302 : vector<16xf32>
        %swap3A_307 = arith.index_cast %add3A_271 : i32 to index
        %swap3A_308 = arith.constant 0 : index
        %swap3A_309 = tpu.vector_load %arg14[%swap3A_307, %swap3A_308] {strides = array<i32>} : memref<80x144xf32, #tpu.memory_space<vmem>>, vector<16xf32>,
        tpu.vector_store %arg14[%swap3A_307, %swap3A_308], %mul3A_306 {strides = array<i32>} : memref<80x144xf32, #tpu.memory_space<vmem>>, vector<16xf32>,
        %mul3A_310 = arith.constant 16 : i32
        %mul3A_311 = arith.muli %add3A_271, %mul3A_310 : i32
        %add3A_312 = arith.constant 1 : i32
        %add3A_313 = arith.addi %mul3A_311, %add3A_312 : i32
        %broadcast_in_dim3A_314 = vector.broadcast %add3A_313 : i32 to vector<16xi32>
        %gather3A_315 = tpu.vector_load_idx %arg16[%broadcast_in_dim3A_314] : memref<1280xf32, #tpu.memory_space<vmem>>[vector<16xi32>], vector<16xf32>,
        %get3A_316 = arith.index_cast %add3A_271 : i32 to index
        %get3A_317 = arith.constant 16 : index
        %get3A_318 = tpu.vector_load %arg13[%get3A_316, %get3A_317] {strides = array<i32>} : memref<80x128xf32, #tpu.memory_space<vmem>>, vector<16xf32>,
        %mul3A_319 = arith.mulf %get3A_318, %gather3A_315 : vector<16xf32>
        %swap3A_320 = arith.index_cast %add3A_271 : i32 to index
        %swap3A_321 = arith.constant 16 : index
        %swap3A_322 = tpu.vector_load %arg14[%swap3A_320, %swap3A_321] {strides = array<i32>} : memref<80x144xf32, #tpu.memory_space<vmem>>, vector<16xf32>,
        tpu.vector_store %arg14[%swap3A_320, %swap3A_321], %mul3A_319 {strides = array<i32>} : memref<80x144xf32, #tpu.memory_space<vmem>>, vector<16xf32>,
        %mul3A_323 = arith.constant 16 : i32
        %mul3A_324 = arith.muli %add3A_271, %mul3A_323 : i32
        %add3A_325 = arith.constant 2 : i32
        %add3A_326 = arith.addi %mul3A_324, %add3A_325 : i32
        %broadcast_in_dim3A_327 = vector.broadcast %add3A_326 : i32 to vector<16xi32>
        %gather3A_328 = tpu.vector_load_idx %arg16[%broadcast_in_dim3A_327] : memref<1280xf32, #tpu.memory_space<vmem>>[vector<16xi32>], vector<16xf32>,
        %get3A_329 = arith.index_cast %add3A_271 : i32 to index
        %get3A_330 = arith.constant 32 : index
        %get3A_331 = tpu.vector_load %arg13[%get3A_329, %get3A_330] {strides = array<i32>} : memref<80x128xf32, #tpu.memory_space<vmem>>, vector<16xf32>,
        %mul3A_332 = arith.mulf %get3A_331, %gather3A_328 : vector<16xf32>
        %swap3A_333 = arith.index_cast %add3A_271 : i32 to index
        %swap3A_334 = arith.constant 32 : index
        %swap3A_335 = tpu.vector_load %arg14[%swap3A_333, %swap3A_334] {strides = array<i32>} : memref<80x144xf32, #tpu.memory_space<vmem>>, vector<16xf32>,
        tpu.vector_store %arg14[%swap3A_333, %swap3A_334], %mul3A_332 {strides = array<i32>} : memref<80x144xf32, #tpu.memory_space<vmem>>, vector<16xf32>,
        %mul3A_336 = arith.constant 16 : i32
        %mul3A_337 = arith.muli %add3A_271, %mul3A_336 : i32
        %add3A_338 = arith.constant 3 : i32
        %add3A_339 = arith.addi %mul3A_337, %add3A_338 : i32
        %broadcast_in_dim3A_340 = vector.broadcast %add3A_339 : i32 to vector<16xi32>
        %gather3A_341 = tpu.vector_load_idx %arg16[%broadcast_in_dim3A_340] : memref<1280xf32, #tpu.memory_space<vmem>>[vector<16xi32>], vector<16xf32>,
        %get3A_342 = arith.index_cast %add3A_271 : i32 to index
        %get3A_343 = arith.constant 48 : index
        %get3A_344 = tpu.vector_load %arg13[%get3A_342, %get3A_343] {strides = array<i32>} : memref<80x128xf32, #tpu.memory_space<vmem>>, vector<16xf32>,
        %mul3A_345 = arith.mulf %get3A_344, %gather3A_341 : vector<16xf32>
        %swap3A_346 = arith.index_cast %add3A_271 : i32 to index
        %swap3A_347 = arith.constant 48 : index
        %swap3A_348 = tpu.vector_load %arg14[%swap3A_346, %swap3A_347] {strides = array<i32>} : memref<80x144xf32, #tpu.memory_space<vmem>>, vector<16xf32>,
        tpu.vector_store %arg14[%swap3A_346, %swap3A_347], %mul3A_345 {strides = array<i32>} : memref<80x144xf32, #tpu.memory_space<vmem>>, vector<16xf32>,
        %mul3A_349 = arith.constant 16 : i32
        %mul3A_350 = arith.muli %add3A_271, %mul3A_349 : i32
        %add3A_351 = arith.constant 4 : i32
        %add3A_352 = arith.addi %mul3A_350, %add3A_351 : i32
        %broadcast_in_dim3A_353 = vector.broadcast %add3A_352 : i32 to vector<16xi32>
        %gather3A_354 = tpu.vector_load_idx %arg16[%broadcast_in_dim3A_353] : memref<1280xf32, #tpu.memory_space<vmem>>[vector<16xi32>], vector<16xf32>,
        %get3A_355 = arith.index_cast %add3A_271 : i32 to index
        %get3A_356 = arith.constant 64 : index
        %get3A_357 = tpu.vector_load %arg13[%get3A_355, %get3A_356] {strides = array<i32>} : memref<80x128xf32, #tpu.memory_space<vmem>>, vector<16xf32>,
        %mul3A_358 = arith.mulf %get3A_357, %gather3A_354 : vector<16xf32>
        %swap3A_359 = arith.index_cast %add3A_271 : i32 to index
        %swap3A_360 = arith.constant 64 : index
        %swap3A_361 = tpu.vector_load %arg14[%swap3A_359, %swap3A_360] {strides = array<i32>} : memref<80x144xf32, #tpu.memory_space<vmem>>, vector<16xf32>,
        tpu.vector_store %arg14[%swap3A_359, %swap3A_360], %mul3A_358 {strides = array<i32>} : memref<80x144xf32, #tpu.memory_space<vmem>>, vector<16xf32>,
        %mul3A_362 = arith.constant 16 : i32
        %mul3A_363 = arith.muli %add3A_271, %mul3A_362 : i32
        %add3A_364 = arith.constant 5 : i32
        %add3A_365 = arith.addi %mul3A_363, %add3A_364 : i32
        %broadcast_in_dim3A_366 = vector.broadcast %add3A_365 : i32 to vector<16xi32>
        %gather3A_367 = tpu.vector_load_idx %arg16[%broadcast_in_dim3A_366] : memref<1280xf32, #tpu.memory_space<vmem>>[vector<16xi32>], vector<16xf32>,
        %get3A_368 = arith.index_cast %add3A_271 : i32 to index
        %get3A_369 = arith.constant 80 : index
        %get3A_370 = tpu.vector_load %arg13[%get3A_368, %get3A_369] {strides = array<i32>} : memref<80x128xf32, #tpu.memory_space<vmem>>, vector<16xf32>,
        %mul3A_371 = arith.mulf %get3A_370, %gather3A_367 : vector<16xf32>
        %swap3A_372 = arith.index_cast %add3A_271 : i32 to index
        %swap3A_373 = arith.constant 80 : index
        %swap3A_374 = tpu.vector_load %arg14[%swap3A_372, %swap3A_373] {strides = array<i32>} : memref<80x144xf32, #tpu.memory_space<vmem>>, vector<16xf32>,
        tpu.vector_store %arg14[%swap3A_372, %swap3A_373], %mul3A_371 {strides = array<i32>} : memref<80x144xf32, #tpu.memory_space<vmem>>, vector<16xf32>,
        %mul3A_375 = arith.constant 16 : i32
        %mul3A_376 = arith.muli %add3A_271, %mul3A_375 : i32
        %add3A_377 = arith.constant 6 : i32
        %add3A_378 = arith.addi %mul3A_376, %add3A_377 : i32
        %broadcast_in_dim3A_379 = vector.broadcast %add3A_378 : i32 to vector<16xi32>
        %gather3A_380 = tpu.vector_load_idx %arg16[%broadcast_in_dim3A_379] : memref<1280xf32, #tpu.memory_space<vmem>>[vector<16xi32>], vector<16xf32>,
        %get3A_381 = arith.index_cast %add3A_271 : i32 to index
        %get3A_382 = arith.constant 96 : index
        %get3A_383 = tpu.vector_load %arg13[%get3A_381, %get3A_382] {strides = array<i32>} : memref<80x128xf32, #tpu.memory_space<vmem>>, vector<16xf32>,
        %mul3A_384 = arith.mulf %get3A_383, %gather3A_380 : vector<16xf32>
        %swap3A_385 = arith.index_cast %add3A_271 : i32 to index
        %swap3A_386 = arith.constant 96 : index
        %swap3A_387 = tpu.vector_load %arg14[%swap3A_385, %swap3A_386] {strides = array<i32>} : memref<80x144xf32, #tpu.memory_space<vmem>>, vector<16xf32>,
        tpu.vector_store %arg14[%swap3A_385, %swap3A_386], %mul3A_384 {strides = array<i32>} : memref<80x144xf32, #tpu.memory_space<vmem>>, vector<16xf32>,
        %mul3A_388 = arith.constant 16 : i32
        %mul3A_389 = arith.muli %add3A_271, %mul3A_388 : i32
        %add3A_390 = arith.constant 7 : i32
        %add3A_391 = arith.addi %mul3A_389, %add3A_390 : i32
        %broadcast_in_dim3A_392 = vector.broadcast %add3A_391 : i32 to vector<16xi32>
        %gather3A_393 = tpu.vector_load_idx %arg16[%broadcast_in_dim3A_392] : memref<1280xf32, #tpu.memory_space<vmem>>[vector<16xi32>], vector<16xf32>,
        %get3A_394 = arith.index_cast %add3A_271 : i32 to index
        %get3A_395 = arith.constant 112 : index
        %get3A_396 = tpu.vector_load %arg13[%get3A_394, %get3A_395] {strides = array<i32>} : memref<80x128xf32, #tpu.memory_space<vmem>>, vector<16xf32>,
        %mul3A_397 = arith.mulf %get3A_396, %gather3A_393 : vector<16xf32>
        %swap3A_398 = arith.index_cast %add3A_271 : i32 to index
        %swap3A_399 = arith.constant 112 : index
        %swap3A_400 = tpu.vector_load %arg14[%swap3A_398, %swap3A_399] {strides = array<i32>} : memref<80x144xf32, #tpu.memory_space<vmem>>, vector<16xf32>,
        tpu.vector_store %arg14[%swap3A_398, %swap3A_399], %mul3A_397 {strides = array<i32>} : memref<80x144xf32, #tpu.memory_space<vmem>>, vector<16xf32>,
      }
      %scan3A_96 = arith.constant 80 : i32
      %dma_start3A_97 = arith.constant 0 : i32
      %dma_start3A_98 = arith.constant 0 : i32
      %dma_start3A_99 = tpu.memref_slice %arg17[%dma_start3A_97, %dma_start3A_98] : memref<10240x144xf32, #tpu.memory_space<vmem_shared>> -> memref<10240x144xf32, #tpu.memory_space<vmem_shared>>
      tpu.enqueue_indirect_dma source(%arg14 : memref<80x144xf32, #tpu.memory_space<vmem>>) target(%dma_start3A_99 : memref<10240x144xf32, #tpu.memory_space<vmem_shared>>) offsets(%arg9 : memref<80xi32, #tpu.memory_space<vmem>>) semaphore(%arg19 : memref<!tpu.dma_semaphore, #tpu.memory_space<semaphore_mem>>) {add = true}
      %add3A_100 = arith.constant 1 : i32
      %add3A_101 = arith.addi %add3A_64, %add3A_100 : i32
      %ge3A_102 = arith.constant 2 : i32
      %ge3A_103 = arith.cmpi sge, %add3A_101, %ge3A_102 : i32
      %convert_element_type3A_104 = arith.extui %ge3A_103 : i1 to i32
      %cond3A_105 = arith.constant 0 : i32
      %cond3A_106 = arith.cmpi ne, %convert_element_type3A_104, %cond3A_105 : i32
      scf.if %cond3A_106 {
        %dma_wait3A_138 = arith.constant 0 : i32
        %dma_wait3A_139 = arith.constant 0 : i32
        %dma_wait3A_140 = tpu.memref_slice %arg17[%dma_wait3A_138, %dma_wait3A_139] : memref<10240x144xf32, #tpu.memory_space<vmem_shared>> -> memref<10240x144xf32, #tpu.memory_space<vmem_shared>>
        tpu.wait_indirect_dma semaphore(%arg20 : memref<!tpu.dma_semaphore, #tpu.memory_space<semaphore_mem>>) src(%arg15 : memref<80x144xf32, #tpu.memory_space<vmem>>) dst(%dma_wait3A_140 : memref<10240x144xf32, #tpu.memory_space<vmem_shared>>)
      } else {
      }
      %mul3A_107 = arith.constant 10000 : i32
      %mul3A_108 = arith.muli %add3A, %mul3A_107 : i32
      %mul3A_109 = arith.constant 80 : i32
      %mul3A_110 = arith.muli %add3A_101, %mul3A_109 : i32
      %add3A_111 = arith.addi %mul3A_108, %mul3A_110 : i32
      "tpu.region"() ({
        %run_scoped3A = tpu.sem_alloc : memref<!tpu.dma_semaphore, #tpu.memory_space<semaphore_mem>>
        %dma_start3A_138 = tpu.memref_slice %arg2[%add3A_111] : memref<320000xi32, #tpu.memory_space<hbm>> -> memref<80xi32, #tpu.memory_space<hbm>>
        %dma_start3A_139 = tpu.memref_slice %arg2[%add3A_111] : memref<320000xi32, #tpu.memory_space<hbm>> -> memref<80xi32, #tpu.memory_space<hbm>>
        tpu.enqueue_dma source(%dma_start3A_139 : memref<80xi32, #tpu.memory_space<hbm>>) target(%arg8 : memref<80xi32, #tpu.memory_space<vmem>>) target_semaphore(%run_scoped3A : memref<!tpu.dma_semaphore, #tpu.memory_space<semaphore_mem>>)
        %dma_wait3A_140 = tpu.memref_slice %arg2[%add3A_111] : memref<320000xi32, #tpu.memory_space<hbm>> -> memref<80xi32, #tpu.memory_space<hbm>>
        %dma_wait3A_141 = tpu.memref_slice %arg2[%add3A_111] : memref<320000xi32, #tpu.memory_space<hbm>> -> memref<80xi32, #tpu.memory_space<hbm>>
        tpu.wait_dma2 semaphore(%run_scoped3A : memref<!tpu.dma_semaphore, #tpu.memory_space<semaphore_mem>>) src(%dma_wait3A_141 : memref<80xi32, #tpu.memory_space<hbm>>) dst(%arg8 : memref<80xi32, #tpu.memory_space<vmem>>)
        tpu.yield
      }) : () -> ()
      "tpu.region"() ({
        %run_scoped3A = tpu.sem_alloc : memref<!tpu.dma_semaphore, #tpu.memory_space<semaphore_mem>>
        %dma_start3A_138 = tpu.memref_slice %arg3[%add3A_111] : memref<320000xi32, #tpu.memory_space<hbm>> -> memref<80xi32, #tpu.memory_space<hbm>>
        %dma_start3A_139 = tpu.memref_slice %arg3[%add3A_111] : memref<320000xi32, #tpu.memory_space<hbm>> -> memref<80xi32, #tpu.memory_space<hbm>>
        tpu.enqueue_dma source(%dma_start3A_139 : memref<80xi32, #tpu.memory_space<hbm>>) target(%arg10 : memref<80xi32, #tpu.memory_space<vmem>>) target_semaphore(%run_scoped3A : memref<!tpu.dma_semaphore, #tpu.memory_space<semaphore_mem>>)
        %dma_wait3A_140 = tpu.memref_slice %arg3[%add3A_111] : memref<320000xi32, #tpu.memory_space<hbm>> -> memref<80xi32, #tpu.memory_space<hbm>>
        %dma_wait3A_141 = tpu.memref_slice %arg3[%add3A_111] : memref<320000xi32, #tpu.memory_space<hbm>> -> memref<80xi32, #tpu.memory_space<hbm>>
        tpu.wait_dma2 semaphore(%run_scoped3A : memref<!tpu.dma_semaphore, #tpu.memory_space<semaphore_mem>>) src(%dma_wait3A_141 : memref<80xi32, #tpu.memory_space<hbm>>) dst(%arg10 : memref<80xi32, #tpu.memory_space<vmem>>)
        tpu.yield
      }) : () -> ()
      %dma_start3A_112 = arith.constant 0 : i32
      %dma_start3A_113 = arith.constant 0 : i32
      %dma_start3A_114 = tpu.memref_slice %arg4[%dma_start3A_112, %dma_start3A_113] : memref<10000x16xf32, #tpu.memory_space<hbm>> -> memref<10000x16xf32, #tpu.memory_space<hbm>>
      tpu.enqueue_indirect_dma source(%dma_start3A_114 : memref<10000x16xf32, #tpu.memory_space<hbm>>) target(%arg11 : memref<80x16xf32, #tpu.memory_space<vmem>>) offsets(%arg8 : memref<80xi32, #tpu.memory_space<vmem>>) semaphore(%arg18 : memref<!tpu.dma_semaphore, #tpu.memory_space<semaphore_mem>>)
      %dma_start3A_115 = arith.constant 0 : i32
      %dma_start3A_116 = arith.constant 0 : i32
      %dma_start3A_117 = tpu.memref_slice %arg5[%dma_start3A_115, %dma_start3A_116] : memref<10000x16xf32, #tpu.memory_space<hbm>> -> memref<10000x16xf32, #tpu.memory_space<hbm>>
      tpu.enqueue_indirect_dma source(%dma_start3A_117 : memref<10000x16xf32, #tpu.memory_space<hbm>>) target(%arg12 : memref<80x16xf32, #tpu.memory_space<vmem>>) offsets(%arg10 : memref<80xi32, #tpu.memory_space<vmem>>) semaphore(%arg18 : memref<!tpu.dma_semaphore, #tpu.memory_space<semaphore_mem>>)
      %dma_start3A_118 = arith.constant 0 : i32
      %dma_start3A_119 = arith.constant 0 : i32
      %dma_start3A_120 = tpu.memref_slice %arg6[%dma_start3A_118, %dma_start3A_119] : memref<10000x128xf32, #tpu.memory_space<hbm>> -> memref<10000x128xf32, #tpu.memory_space<hbm>>
      tpu.enqueue_indirect_dma source(%dma_start3A_120 : memref<10000x128xf32, #tpu.memory_space<hbm>>) target(%arg13 : memref<80x128xf32, #tpu.memory_space<vmem>>) offsets(%arg8 : memref<80xi32, #tpu.memory_space<vmem>>) semaphore(%arg18 : memref<!tpu.dma_semaphore, #tpu.memory_space<semaphore_mem>>)
      %dma_wait3A_121 = arith.constant 0 : i32
      %dma_wait3A_122 = arith.constant 0 : i32
      %dma_wait3A_123 = tpu.memref_slice %arg4[%dma_wait3A_121, %dma_wait3A_122] : memref<10000x16xf32, #tpu.memory_space<hbm>> -> memref<10000x16xf32, #tpu.memory_space<hbm>>
      tpu.wait_indirect_dma semaphore(%arg18 : memref<!tpu.dma_semaphore, #tpu.memory_space<semaphore_mem>>) src(%dma_wait3A_123 : memref<10000x16xf32, #tpu.memory_space<hbm>>) dst(%arg11 : memref<80x16xf32, #tpu.memory_space<vmem>>)
      %dma_wait3A_124 = arith.constant 0 : i32
      %dma_wait3A_125 = arith.constant 0 : i32
      %dma_wait3A_126 = tpu.memref_slice %arg5[%dma_wait3A_124, %dma_wait3A_125] : memref<10000x16xf32, #tpu.memory_space<hbm>> -> memref<10000x16xf32, #tpu.memory_space<hbm>>
      tpu.wait_indirect_dma semaphore(%arg18 : memref<!tpu.dma_semaphore, #tpu.memory_space<semaphore_mem>>) src(%dma_wait3A_126 : memref<10000x16xf32, #tpu.memory_space<hbm>>) dst(%arg12 : memref<80x16xf32, #tpu.memory_space<vmem>>)
      %dma_wait3A_127 = arith.constant 0 : i32
      %dma_wait3A_128 = arith.constant 0 : i32
      %dma_wait3A_129 = tpu.memref_slice %arg6[%dma_wait3A_127, %dma_wait3A_128] : memref<10000x128xf32, #tpu.memory_space<hbm>> -> memref<10000x128xf32, #tpu.memory_space<hbm>>
      tpu.wait_indirect_dma semaphore(%arg18 : memref<!tpu.dma_semaphore, #tpu.memory_space<semaphore_mem>>) src(%dma_wait3A_129 : memref<10000x128xf32, #tpu.memory_space<hbm>>) dst(%arg13 : memref<80x128xf32, #tpu.memory_space<vmem>>)
      %scan3A_130 = arith.constant 0 : i32
      %scan3A_131 = arith.constant 80 : i32
      %scan3A_132 = arith.addi %scan3A_130, %scan3A_131 : i32
      %scan3A_133 = arith.constant 2 : i32
      scf.for %scan3A_138 = %scan3A_130 to %scan3A_132 step %scan3A_133  : i32 {
        %mul3A_139 = arith.constant 1 : i32
        %mul3A_140 = arith.muli %scan3A_138, %mul3A_139 : i32
        %add3A_141 = arith.constant 0 : i32
        %add3A_142 = arith.addi %add3A_141, %mul3A_140 : i32
        %get3A = arith.index_cast %add3A_142 : i32 to index
        %get3A_143 = arith.constant 0 : index
        %get3A_144 = tpu.vector_load %arg11[%get3A, %get3A_143] {strides = array<i32>} : memref<80x16xf32, #tpu.memory_space<vmem>>, vector<16xf32>,
        %get3A_145 = arith.index_cast %add3A_142 : i32 to index
        %get3A_146 = arith.constant 0 : index
        %get3A_147 = tpu.vector_load %arg12[%get3A_145, %get3A_146] {strides = array<i32>} : memref<80x16xf32, #tpu.memory_space<vmem>>, vector<16xf32>,
        %add3A_148 = arith.addf %get3A_144, %get3A_147 : vector<16xf32>
        %ge3A_149 = arith.constant 0.000000e+00 : f32
        %ge3A_150 = vector.broadcast %ge3A_149 : f32 to vector<16xf32>
        %ge3A_151 = arith.cmpf oge, %add3A_148, %ge3A_150 : vector<16xf32>
        %mul3A_152 = arith.constant 2.000000e-01 : f32
        %mul3A_153 = vector.broadcast %mul3A_152 : f32 to vector<16xf32>
        %mul3A_154 = arith.mulf %mul3A_153, %add3A_148 : vector<16xf32>
        %select_n3A = arith.select %ge3A_151, %add3A_148, %mul3A_154 : vector<16xi1>, vector<16xf32>
        %exp3A = math.exp %select_n3A : vector<16xf32>
        %jit3A = arith.constant 0.000000e+00 : f32
        %broadcast_in_dim3A_155 = vector.broadcast %jit3A : f32 to vector<16xf32>
        %select_n3A_156 = arith.select %lt3A_3, %exp3A, %broadcast_in_dim3A_155 : vector<16xi1>, vector<16xf32>
        %swap3A = arith.index_cast %add3A_142 : i32 to index
        %swap3A_157 = arith.constant 128 : index
        %swap3A_158 = tpu.vector_load %arg15[%swap3A, %swap3A_157] {strides = array<i32>} : memref<80x144xf32, #tpu.memory_space<vmem>>, vector<16xf32>,
        tpu.vector_store %arg15[%swap3A, %swap3A_157], %select_n3A_156 {strides = array<i32>} : memref<80x144xf32, #tpu.memory_space<vmem>>, vector<16xf32>,
        %mul3A_159 = arith.constant 16 : i32
        %mul3A_160 = arith.muli %add3A_142, %mul3A_159 : i32
        %swap3A_161 = arith.index_cast %mul3A_160 : i32 to index
        %swap3A_162 = tpu.vector_load %arg16[%swap3A_161] {strides = array<i32>} : memref<1280xf32, #tpu.memory_space<vmem>>, vector<16xf32>,
        tpu.vector_store %arg16[%swap3A_161], %select_n3A_156 {strides = array<i32>} : memref<1280xf32, #tpu.memory_space<vmem>>, vector<16xf32>,
        %mul3A_163 = arith.constant 16 : i32
        %mul3A_164 = arith.muli %add3A_142, %mul3A_163 : i32
        %add3A_165 = arith.constant 0 : i32
        %add3A_166 = arith.addi %mul3A_164, %add3A_165 : i32
        %broadcast_in_dim3A_167 = vector.broadcast %add3A_166 : i32 to vector<16xi32>
        %gather3A = tpu.vector_load_idx %arg16[%broadcast_in_dim3A_167] : memref<1280xf32, #tpu.memory_space<vmem>>[vector<16xi32>], vector<16xf32>,
        %get3A_168 = arith.index_cast %add3A_142 : i32 to index
        %get3A_169 = arith.constant 0 : index
        %get3A_170 = tpu.vector_load %arg13[%get3A_168, %get3A_169] {strides = array<i32>} : memref<80x128xf32, #tpu.memory_space<vmem>>, vector<16xf32>,
        %mul3A_171 = arith.mulf %get3A_170, %gather3A : vector<16xf32>
        %swap3A_172 = arith.index_cast %add3A_142 : i32 to index
        %swap3A_173 = arith.constant 0 : index
        %swap3A_174 = tpu.vector_load %arg15[%swap3A_172, %swap3A_173] {strides = array<i32>} : memref<80x144xf32, #tpu.memory_space<vmem>>, vector<16xf32>,
        tpu.vector_store %arg15[%swap3A_172, %swap3A_173], %mul3A_171 {strides = array<i32>} : memref<80x144xf32, #tpu.memory_space<vmem>>, vector<16xf32>,
        %mul3A_175 = arith.constant 16 : i32
        %mul3A_176 = arith.muli %add3A_142, %mul3A_175 : i32
        %add3A_177 = arith.constant 1 : i32
        %add3A_178 = arith.addi %mul3A_176, %add3A_177 : i32
        %broadcast_in_dim3A_179 = vector.broadcast %add3A_178 : i32 to vector<16xi32>
        %gather3A_180 = tpu.vector_load_idx %arg16[%broadcast_in_dim3A_179] : memref<1280xf32, #tpu.memory_space<vmem>>[vector<16xi32>], vector<16xf32>,
        %get3A_181 = arith.index_cast %add3A_142 : i32 to index
        %get3A_182 = arith.constant 16 : index
        %get3A_183 = tpu.vector_load %arg13[%get3A_181, %get3A_182] {strides = array<i32>} : memref<80x128xf32, #tpu.memory_space<vmem>>, vector<16xf32>,
        %mul3A_184 = arith.mulf %get3A_183, %gather3A_180 : vector<16xf32>
        %swap3A_185 = arith.index_cast %add3A_142 : i32 to index
        %swap3A_186 = arith.constant 16 : index
        %swap3A_187 = tpu.vector_load %arg15[%swap3A_185, %swap3A_186] {strides = array<i32>} : memref<80x144xf32, #tpu.memory_space<vmem>>, vector<16xf32>,
        tpu.vector_store %arg15[%swap3A_185, %swap3A_186], %mul3A_184 {strides = array<i32>} : memref<80x144xf32, #tpu.memory_space<vmem>>, vector<16xf32>,
        %mul3A_188 = arith.constant 16 : i32
        %mul3A_189 = arith.muli %add3A_142, %mul3A_188 : i32
        %add3A_190 = arith.constant 2 : i32
        %add3A_191 = arith.addi %mul3A_189, %add3A_190 : i32
        %broadcast_in_dim3A_192 = vector.broadcast %add3A_191 : i32 to vector<16xi32>
        %gather3A_193 = tpu.vector_load_idx %arg16[%broadcast_in_dim3A_192] : memref<1280xf32, #tpu.memory_space<vmem>>[vector<16xi32>], vector<16xf32>,
        %get3A_194 = arith.index_cast %add3A_142 : i32 to index
        %get3A_195 = arith.constant 32 : index
        %get3A_196 = tpu.vector_load %arg13[%get3A_194, %get3A_195] {strides = array<i32>} : memref<80x128xf32, #tpu.memory_space<vmem>>, vector<16xf32>,
        %mul3A_197 = arith.mulf %get3A_196, %gather3A_193 : vector<16xf32>
        %swap3A_198 = arith.index_cast %add3A_142 : i32 to index
        %swap3A_199 = arith.constant 32 : index
        %swap3A_200 = tpu.vector_load %arg15[%swap3A_198, %swap3A_199] {strides = array<i32>} : memref<80x144xf32, #tpu.memory_space<vmem>>, vector<16xf32>,
        tpu.vector_store %arg15[%swap3A_198, %swap3A_199], %mul3A_197 {strides = array<i32>} : memref<80x144xf32, #tpu.memory_space<vmem>>, vector<16xf32>,
        %mul3A_201 = arith.constant 16 : i32
        %mul3A_202 = arith.muli %add3A_142, %mul3A_201 : i32
        %add3A_203 = arith.constant 3 : i32
        %add3A_204 = arith.addi %mul3A_202, %add3A_203 : i32
        %broadcast_in_dim3A_205 = vector.broadcast %add3A_204 : i32 to vector<16xi32>
        %gather3A_206 = tpu.vector_load_idx %arg16[%broadcast_in_dim3A_205] : memref<1280xf32, #tpu.memory_space<vmem>>[vector<16xi32>], vector<16xf32>,
        %get3A_207 = arith.index_cast %add3A_142 : i32 to index
        %get3A_208 = arith.constant 48 : index
        %get3A_209 = tpu.vector_load %arg13[%get3A_207, %get3A_208] {strides = array<i32>} : memref<80x128xf32, #tpu.memory_space<vmem>>, vector<16xf32>,
        %mul3A_210 = arith.mulf %get3A_209, %gather3A_206 : vector<16xf32>
        %swap3A_211 = arith.index_cast %add3A_142 : i32 to index
        %swap3A_212 = arith.constant 48 : index
        %swap3A_213 = tpu.vector_load %arg15[%swap3A_211, %swap3A_212] {strides = array<i32>} : memref<80x144xf32, #tpu.memory_space<vmem>>, vector<16xf32>,
        tpu.vector_store %arg15[%swap3A_211, %swap3A_212], %mul3A_210 {strides = array<i32>} : memref<80x144xf32, #tpu.memory_space<vmem>>, vector<16xf32>,
        %mul3A_214 = arith.constant 16 : i32
        %mul3A_215 = arith.muli %add3A_142, %mul3A_214 : i32
        %add3A_216 = arith.constant 4 : i32
        %add3A_217 = arith.addi %mul3A_215, %add3A_216 : i32
        %broadcast_in_dim3A_218 = vector.broadcast %add3A_217 : i32 to vector<16xi32>
        %gather3A_219 = tpu.vector_load_idx %arg16[%broadcast_in_dim3A_218] : memref<1280xf32, #tpu.memory_space<vmem>>[vector<16xi32>], vector<16xf32>,
        %get3A_220 = arith.index_cast %add3A_142 : i32 to index
        %get3A_221 = arith.constant 64 : index
        %get3A_222 = tpu.vector_load %arg13[%get3A_220, %get3A_221] {strides = array<i32>} : memref<80x128xf32, #tpu.memory_space<vmem>>, vector<16xf32>,
        %mul3A_223 = arith.mulf %get3A_222, %gather3A_219 : vector<16xf32>
        %swap3A_224 = arith.index_cast %add3A_142 : i32 to index
        %swap3A_225 = arith.constant 64 : index
        %swap3A_226 = tpu.vector_load %arg15[%swap3A_224, %swap3A_225] {strides = array<i32>} : memref<80x144xf32, #tpu.memory_space<vmem>>, vector<16xf32>,
        tpu.vector_store %arg15[%swap3A_224, %swap3A_225], %mul3A_223 {strides = array<i32>} : memref<80x144xf32, #tpu.memory_space<vmem>>, vector<16xf32>,
        %mul3A_227 = arith.constant 16 : i32
        %mul3A_228 = arith.muli %add3A_142, %mul3A_227 : i32
        %add3A_229 = arith.constant 5 : i32
        %add3A_230 = arith.addi %mul3A_228, %add3A_229 : i32
        %broadcast_in_dim3A_231 = vector.broadcast %add3A_230 : i32 to vector<16xi32>
        %gather3A_232 = tpu.vector_load_idx %arg16[%broadcast_in_dim3A_231] : memref<1280xf32, #tpu.memory_space<vmem>>[vector<16xi32>], vector<16xf32>,
        %get3A_233 = arith.index_cast %add3A_142 : i32 to index
        %get3A_234 = arith.constant 80 : index
        %get3A_235 = tpu.vector_load %arg13[%get3A_233, %get3A_234] {strides = array<i32>} : memref<80x128xf32, #tpu.memory_space<vmem>>, vector<16xf32>,
        %mul3A_236 = arith.mulf %get3A_235, %gather3A_232 : vector<16xf32>
        %swap3A_237 = arith.index_cast %add3A_142 : i32 to index
        %swap3A_238 = arith.constant 80 : index
        %swap3A_239 = tpu.vector_load %arg15[%swap3A_237, %swap3A_238] {strides = array<i32>} : memref<80x144xf32, #tpu.memory_space<vmem>>, vector<16xf32>,
        tpu.vector_store %arg15[%swap3A_237, %swap3A_238], %mul3A_236 {strides = array<i32>} : memref<80x144xf32, #tpu.memory_space<vmem>>, vector<16xf32>,
        %mul3A_240 = arith.constant 16 : i32
        %mul3A_241 = arith.muli %add3A_142, %mul3A_240 : i32
        %add3A_242 = arith.constant 6 : i32
        %add3A_243 = arith.addi %mul3A_241, %add3A_242 : i32
        %broadcast_in_dim3A_244 = vector.broadcast %add3A_243 : i32 to vector<16xi32>
        %gather3A_245 = tpu.vector_load_idx %arg16[%broadcast_in_dim3A_244] : memref<1280xf32, #tpu.memory_space<vmem>>[vector<16xi32>], vector<16xf32>,
        %get3A_246 = arith.index_cast %add3A_142 : i32 to index
        %get3A_247 = arith.constant 96 : index
        %get3A_248 = tpu.vector_load %arg13[%get3A_246, %get3A_247] {strides = array<i32>} : memref<80x128xf32, #tpu.memory_space<vmem>>, vector<16xf32>,
        %mul3A_249 = arith.mulf %get3A_248, %gather3A_245 : vector<16xf32>
        %swap3A_250 = arith.index_cast %add3A_142 : i32 to index
        %swap3A_251 = arith.constant 96 : index
        %swap3A_252 = tpu.vector_load %arg15[%swap3A_250, %swap3A_251] {strides = array<i32>} : memref<80x144xf32, #tpu.memory_space<vmem>>, vector<16xf32>,
        tpu.vector_store %arg15[%swap3A_250, %swap3A_251], %mul3A_249 {strides = array<i32>} : memref<80x144xf32, #tpu.memory_space<vmem>>, vector<16xf32>,
        %mul3A_253 = arith.constant 16 : i32
        %mul3A_254 = arith.muli %add3A_142, %mul3A_253 : i32
        %add3A_255 = arith.constant 7 : i32
        %add3A_256 = arith.addi %mul3A_254, %add3A_255 : i32
        %broadcast_in_dim3A_257 = vector.broadcast %add3A_256 : i32 to vector<16xi32>
        %gather3A_258 = tpu.vector_load_idx %arg16[%broadcast_in_dim3A_257] : memref<1280xf32, #tpu.memory_space<vmem>>[vector<16xi32>], vector<16xf32>,
        %get3A_259 = arith.index_cast %add3A_142 : i32 to index
        %get3A_260 = arith.constant 112 : index
        %get3A_261 = tpu.vector_load %arg13[%get3A_259, %get3A_260] {strides = array<i32>} : memref<80x128xf32, #tpu.memory_space<vmem>>, vector<16xf32>,
        %mul3A_262 = arith.mulf %get3A_261, %gather3A_258 : vector<16xf32>
        %swap3A_263 = arith.index_cast %add3A_142 : i32 to index
        %swap3A_264 = arith.constant 112 : index
        %swap3A_265 = tpu.vector_load %arg15[%swap3A_263, %swap3A_264] {strides = array<i32>} : memref<80x144xf32, #tpu.memory_space<vmem>>, vector<16xf32>,
        tpu.vector_store %arg15[%swap3A_263, %swap3A_264], %mul3A_262 {strides = array<i32>} : memref<80x144xf32, #tpu.memory_space<vmem>>, vector<16xf32>,
        %scan3A_266 = arith.constant 1 : i32
        %scan3A_267 = arith.addi %scan3A_138, %scan3A_266 : i32
        %mul3A_268 = arith.constant 1 : i32
        %mul3A_269 = arith.muli %scan3A_267, %mul3A_268 : i32
        %add3A_270 = arith.constant 0 : i32
        %add3A_271 = arith.addi %add3A_270, %mul3A_269 : i32
        %get3A_272 = arith.index_cast %add3A_271 : i32 to index
        %get3A_273 = arith.constant 0 : index
        %get3A_274 = tpu.vector_load %arg11[%get3A_272, %get3A_273] {strides = array<i32>} : memref<80x16xf32, #tpu.memory_space<vmem>>, vector<16xf32>,
        %get3A_275 = arith.index_cast %add3A_271 : i32 to index
        %get3A_276 = arith.constant 0 : index
        %get3A_277 = tpu.vector_load %arg12[%get3A_275, %get3A_276] {strides = array<i32>} : memref<80x16xf32, #tpu.memory_space<vmem>>, vector<16xf32>,
        %add3A_278 = arith.addf %get3A_274, %get3A_277 : vector<16xf32>
        %ge3A_279 = arith.constant 0.000000e+00 : f32
        %ge3A_280 = vector.broadcast %ge3A_279 : f32 to vector<16xf32>
        %ge3A_281 = arith.cmpf oge, %add3A_278, %ge3A_280 : vector<16xf32>
        %mul3A_282 = arith.constant 2.000000e-01 : f32
        %mul3A_283 = vector.broadcast %mul3A_282 : f32 to vector<16xf32>
        %mul3A_284 = arith.mulf %mul3A_283, %add3A_278 : vector<16xf32>
        %select_n3A_285 = arith.select %ge3A_281, %add3A_278, %mul3A_284 : vector<16xi1>, vector<16xf32>
        %exp3A_286 = math.exp %select_n3A_285 : vector<16xf32>
        %jit3A_287 = arith.constant 0.000000e+00 : f32
        %broadcast_in_dim3A_288 = vector.broadcast %jit3A_287 : f32 to vector<16xf32>
        %select_n3A_289 = arith.select %lt3A_3, %exp3A_286, %broadcast_in_dim3A_288 : vector<16xi1>, vector<16xf32>
        %swap3A_290 = arith.index_cast %add3A_271 : i32 to index
        %swap3A_291 = arith.constant 128 : index
        %swap3A_292 = tpu.vector_load %arg15[%swap3A_290, %swap3A_291] {strides = array<i32>} : memref<80x144xf32, #tpu.memory_space<vmem>>, vector<16xf32>,
        tpu.vector_store %arg15[%swap3A_290, %swap3A_291], %select_n3A_289 {strides = array<i32>} : memref<80x144xf32, #tpu.memory_space<vmem>>, vector<16xf32>,
        %mul3A_293 = arith.constant 16 : i32
        %mul3A_294 = arith.muli %add3A_271, %mul3A_293 : i32
        %swap3A_295 = arith.index_cast %mul3A_294 : i32 to index
        %swap3A_296 = tpu.vector_load %arg16[%swap3A_295] {strides = array<i32>} : memref<1280xf32, #tpu.memory_space<vmem>>, vector<16xf32>,
        tpu.vector_store %arg16[%swap3A_295], %select_n3A_289 {strides = array<i32>} : memref<1280xf32, #tpu.memory_space<vmem>>, vector<16xf32>,
        %mul3A_297 = arith.constant 16 : i32
        %mul3A_298 = arith.muli %add3A_271, %mul3A_297 : i32
        %add3A_299 = arith.constant 0 : i32
        %add3A_300 = arith.addi %mul3A_298, %add3A_299 : i32
        %broadcast_in_dim3A_301 = vector.broadcast %add3A_300 : i32 to vector<16xi32>
        %gather3A_302 = tpu.vector_load_idx %arg16[%broadcast_in_dim3A_301] : memref<1280xf32, #tpu.memory_space<vmem>>[vector<16xi32>], vector<16xf32>,
        %get3A_303 = arith.index_cast %add3A_271 : i32 to index
        %get3A_304 = arith.constant 0 : index
        %get3A_305 = tpu.vector_load %arg13[%get3A_303, %get3A_304] {strides = array<i32>} : memref<80x128xf32, #tpu.memory_space<vmem>>, vector<16xf32>,
        %mul3A_306 = arith.mulf %get3A_305, %gather3A_302 : vector<16xf32>
        %swap3A_307 = arith.index_cast %add3A_271 : i32 to index
        %swap3A_308 = arith.constant 0 : index
        %swap3A_309 = tpu.vector_load %arg15[%swap3A_307, %swap3A_308] {strides = array<i32>} : memref<80x144xf32, #tpu.memory_space<vmem>>, vector<16xf32>,
        tpu.vector_store %arg15[%swap3A_307, %swap3A_308], %mul3A_306 {strides = array<i32>} : memref<80x144xf32, #tpu.memory_space<vmem>>, vector<16xf32>,
        %mul3A_310 = arith.constant 16 : i32
        %mul3A_311 = arith.muli %add3A_271, %mul3A_310 : i32
        %add3A_312 = arith.constant 1 : i32
        %add3A_313 = arith.addi %mul3A_311, %add3A_312 : i32
        %broadcast_in_dim3A_314 = vector.broadcast %add3A_313 : i32 to vector<16xi32>
        %gather3A_315 = tpu.vector_load_idx %arg16[%broadcast_in_dim3A_314] : memref<1280xf32, #tpu.memory_space<vmem>>[vector<16xi32>], vector<16xf32>,
        %get3A_316 = arith.index_cast %add3A_271 : i32 to index
        %get3A_317 = arith.constant 16 : index
        %get3A_318 = tpu.vector_load %arg13[%get3A_316, %get3A_317] {strides = array<i32>} : memref<80x128xf32, #tpu.memory_space<vmem>>, vector<16xf32>,
        %mul3A_319 = arith.mulf %get3A_318, %gather3A_315 : vector<16xf32>
        %swap3A_320 = arith.index_cast %add3A_271 : i32 to index
        %swap3A_321 = arith.constant 16 : index
        %swap3A_322 = tpu.vector_load %arg15[%swap3A_320, %swap3A_321] {strides = array<i32>} : memref<80x144xf32, #tpu.memory_space<vmem>>, vector<16xf32>,
        tpu.vector_store %arg15[%swap3A_320, %swap3A_321], %mul3A_319 {strides = array<i32>} : memref<80x144xf32, #tpu.memory_space<vmem>>, vector<16xf32>,
        %mul3A_323 = arith.constant 16 : i32
        %mul3A_324 = arith.muli %add3A_271, %mul3A_323 : i32
        %add3A_325 = arith.constant 2 : i32
        %add3A_326 = arith.addi %mul3A_324, %add3A_325 : i32
        %broadcast_in_dim3A_327 = vector.broadcast %add3A_326 : i32 to vector<16xi32>
        %gather3A_328 = tpu.vector_load_idx %arg16[%broadcast_in_dim3A_327] : memref<1280xf32, #tpu.memory_space<vmem>>[vector<16xi32>], vector<16xf32>,
        %get3A_329 = arith.index_cast %add3A_271 : i32 to index
        %get3A_330 = arith.constant 32 : index
        %get3A_331 = tpu.vector_load %arg13[%get3A_329, %get3A_330] {strides = array<i32>} : memref<80x128xf32, #tpu.memory_space<vmem>>, vector<16xf32>,
        %mul3A_332 = arith.mulf %get3A_331, %gather3A_328 : vector<16xf32>
        %swap3A_333 = arith.index_cast %add3A_271 : i32 to index
        %swap3A_334 = arith.constant 32 : index
        %swap3A_335 = tpu.vector_load %arg15[%swap3A_333, %swap3A_334] {strides = array<i32>} : memref<80x144xf32, #tpu.memory_space<vmem>>, vector<16xf32>,
        tpu.vector_store %arg15[%swap3A_333, %swap3A_334], %mul3A_332 {strides = array<i32>} : memref<80x144xf32, #tpu.memory_space<vmem>>, vector<16xf32>,
        %mul3A_336 = arith.constant 16 : i32
        %mul3A_337 = arith.muli %add3A_271, %mul3A_336 : i32
        %add3A_338 = arith.constant 3 : i32
        %add3A_339 = arith.addi %mul3A_337, %add3A_338 : i32
        %broadcast_in_dim3A_340 = vector.broadcast %add3A_339 : i32 to vector<16xi32>
        %gather3A_341 = tpu.vector_load_idx %arg16[%broadcast_in_dim3A_340] : memref<1280xf32, #tpu.memory_space<vmem>>[vector<16xi32>], vector<16xf32>,
        %get3A_342 = arith.index_cast %add3A_271 : i32 to index
        %get3A_343 = arith.constant 48 : index
        %get3A_344 = tpu.vector_load %arg13[%get3A_342, %get3A_343] {strides = array<i32>} : memref<80x128xf32, #tpu.memory_space<vmem>>, vector<16xf32>,
        %mul3A_345 = arith.mulf %get3A_344, %gather3A_341 : vector<16xf32>
        %swap3A_346 = arith.index_cast %add3A_271 : i32 to index
        %swap3A_347 = arith.constant 48 : index
        %swap3A_348 = tpu.vector_load %arg15[%swap3A_346, %swap3A_347] {strides = array<i32>} : memref<80x144xf32, #tpu.memory_space<vmem>>, vector<16xf32>,
        tpu.vector_store %arg15[%swap3A_346, %swap3A_347], %mul3A_345 {strides = array<i32>} : memref<80x144xf32, #tpu.memory_space<vmem>>, vector<16xf32>,
        %mul3A_349 = arith.constant 16 : i32
        %mul3A_350 = arith.muli %add3A_271, %mul3A_349 : i32
        %add3A_351 = arith.constant 4 : i32
        %add3A_352 = arith.addi %mul3A_350, %add3A_351 : i32
        %broadcast_in_dim3A_353 = vector.broadcast %add3A_352 : i32 to vector<16xi32>
        %gather3A_354 = tpu.vector_load_idx %arg16[%broadcast_in_dim3A_353] : memref<1280xf32, #tpu.memory_space<vmem>>[vector<16xi32>], vector<16xf32>,
        %get3A_355 = arith.index_cast %add3A_271 : i32 to index
        %get3A_356 = arith.constant 64 : index
        %get3A_357 = tpu.vector_load %arg13[%get3A_355, %get3A_356] {strides = array<i32>} : memref<80x128xf32, #tpu.memory_space<vmem>>, vector<16xf32>,
        %mul3A_358 = arith.mulf %get3A_357, %gather3A_354 : vector<16xf32>
        %swap3A_359 = arith.index_cast %add3A_271 : i32 to index
        %swap3A_360 = arith.constant 64 : index
        %swap3A_361 = tpu.vector_load %arg15[%swap3A_359, %swap3A_360] {strides = array<i32>} : memref<80x144xf32, #tpu.memory_space<vmem>>, vector<16xf32>,
        tpu.vector_store %arg15[%swap3A_359, %swap3A_360], %mul3A_358 {strides = array<i32>} : memref<80x144xf32, #tpu.memory_space<vmem>>, vector<16xf32>,
        %mul3A_362 = arith.constant 16 : i32
        %mul3A_363 = arith.muli %add3A_271, %mul3A_362 : i32
        %add3A_364 = arith.constant 5 : i32
        %add3A_365 = arith.addi %mul3A_363, %add3A_364 : i32
        %broadcast_in_dim3A_366 = vector.broadcast %add3A_365 : i32 to vector<16xi32>
        %gather3A_367 = tpu.vector_load_idx %arg16[%broadcast_in_dim3A_366] : memref<1280xf32, #tpu.memory_space<vmem>>[vector<16xi32>], vector<16xf32>,
        %get3A_368 = arith.index_cast %add3A_271 : i32 to index
        %get3A_369 = arith.constant 80 : index
        %get3A_370 = tpu.vector_load %arg13[%get3A_368, %get3A_369] {strides = array<i32>} : memref<80x128xf32, #tpu.memory_space<vmem>>, vector<16xf32>,
        %mul3A_371 = arith.mulf %get3A_370, %gather3A_367 : vector<16xf32>
        %swap3A_372 = arith.index_cast %add3A_271 : i32 to index
        %swap3A_373 = arith.constant 80 : index
        %swap3A_374 = tpu.vector_load %arg15[%swap3A_372, %swap3A_373] {strides = array<i32>} : memref<80x144xf32, #tpu.memory_space<vmem>>, vector<16xf32>,
        tpu.vector_store %arg15[%swap3A_372, %swap3A_373], %mul3A_371 {strides = array<i32>} : memref<80x144xf32, #tpu.memory_space<vmem>>, vector<16xf32>,
        %mul3A_375 = arith.constant 16 : i32
        %mul3A_376 = arith.muli %add3A_271, %mul3A_375 : i32
        %add3A_377 = arith.constant 6 : i32
        %add3A_378 = arith.addi %mul3A_376, %add3A_377 : i32
        %broadcast_in_dim3A_379 = vector.broadcast %add3A_378 : i32 to vector<16xi32>
        %gather3A_380 = tpu.vector_load_idx %arg16[%broadcast_in_dim3A_379] : memref<1280xf32, #tpu.memory_space<vmem>>[vector<16xi32>], vector<16xf32>,
        %get3A_381 = arith.index_cast %add3A_271 : i32 to index
        %get3A_382 = arith.constant 96 : index
        %get3A_383 = tpu.vector_load %arg13[%get3A_381, %get3A_382] {strides = array<i32>} : memref<80x128xf32, #tpu.memory_space<vmem>>, vector<16xf32>,
        %mul3A_384 = arith.mulf %get3A_383, %gather3A_380 : vector<16xf32>
        %swap3A_385 = arith.index_cast %add3A_271 : i32 to index
        %swap3A_386 = arith.constant 96 : index
        %swap3A_387 = tpu.vector_load %arg15[%swap3A_385, %swap3A_386] {strides = array<i32>} : memref<80x144xf32, #tpu.memory_space<vmem>>, vector<16xf32>,
        tpu.vector_store %arg15[%swap3A_385, %swap3A_386], %mul3A_384 {strides = array<i32>} : memref<80x144xf32, #tpu.memory_space<vmem>>, vector<16xf32>,
        %mul3A_388 = arith.constant 16 : i32
        %mul3A_389 = arith.muli %add3A_271, %mul3A_388 : i32
        %add3A_390 = arith.constant 7 : i32
        %add3A_391 = arith.addi %mul3A_389, %add3A_390 : i32
        %broadcast_in_dim3A_392 = vector.broadcast %add3A_391 : i32 to vector<16xi32>
        %gather3A_393 = tpu.vector_load_idx %arg16[%broadcast_in_dim3A_392] : memref<1280xf32, #tpu.memory_space<vmem>>[vector<16xi32>], vector<16xf32>,
        %get3A_394 = arith.index_cast %add3A_271 : i32 to index
        %get3A_395 = arith.constant 112 : index
        %get3A_396 = tpu.vector_load %arg13[%get3A_394, %get3A_395] {strides = array<i32>} : memref<80x128xf32, #tpu.memory_space<vmem>>, vector<16xf32>,
        %mul3A_397 = arith.mulf %get3A_396, %gather3A_393 : vector<16xf32>
        %swap3A_398 = arith.index_cast %add3A_271 : i32 to index
        %swap3A_399 = arith.constant 112 : index
        %swap3A_400 = tpu.vector_load %arg15[%swap3A_398, %swap3A_399] {strides = array<i32>} : memref<80x144xf32, #tpu.memory_space<vmem>>, vector<16xf32>,
        tpu.vector_store %arg15[%swap3A_398, %swap3A_399], %mul3A_397 {strides = array<i32>} : memref<80x144xf32, #tpu.memory_space<vmem>>, vector<16xf32>,
      }
      %scan3A_134 = arith.constant 80 : i32
      %dma_start3A_135 = arith.constant 0 : i32
      %dma_start3A_136 = arith.constant 0 : i32
      %dma_start3A_137 = tpu.memref_slice %arg17[%dma_start3A_135, %dma_start3A_136] : memref<10240x144xf32, #tpu.memory_space<vmem_shared>> -> memref<10240x144xf32, #tpu.memory_space<vmem_shared>>
      tpu.enqueue_indirect_dma source(%arg15 : memref<80x144xf32, #tpu.memory_space<vmem>>) target(%dma_start3A_137 : memref<10240x144xf32, #tpu.memory_space<vmem_shared>>) offsets(%arg10 : memref<80xi32, #tpu.memory_space<vmem>>) semaphore(%arg20 : memref<!tpu.dma_semaphore, #tpu.memory_space<semaphore_mem>>) {add = true}
    }
    %scan3A_17 = arith.constant 62 : i32
    %dma_wait3A = arith.constant 0 : i32
    %dma_wait3A_18 = arith.constant 0 : i32
    %dma_wait3A_19 = tpu.memref_slice %arg17[%dma_wait3A, %dma_wait3A_18] : memref<10240x144xf32, #tpu.memory_space<vmem_shared>> -> memref<10240x144xf32, #tpu.memory_space<vmem_shared>>
    tpu.wait_indirect_dma semaphore(%arg19 : memref<!tpu.dma_semaphore, #tpu.memory_space<semaphore_mem>>) src(%arg14 : memref<80x144xf32, #tpu.memory_space<vmem>>) dst(%dma_wait3A_19 : memref<10240x144xf32, #tpu.memory_space<vmem_shared>>)
    %mul3A_20 = arith.constant 10000 : i32
    %mul3A_21 = arith.muli %add3A, %mul3A_20 : i32
    %add3A_22 = arith.constant 9920 : i32
    %add3A_23 = arith.addi %mul3A_21, %add3A_22 : i32
    "tpu.region"() ({
      %run_scoped3A = tpu.sem_alloc : memref<!tpu.dma_semaphore, #tpu.memory_space<semaphore_mem>>
      %dma_start3A_60 = tpu.memref_slice %arg2[%add3A_23] : memref<320000xi32, #tpu.memory_space<hbm>> -> memref<80xi32, #tpu.memory_space<hbm>>
      %dma_start3A_61 = tpu.memref_slice %arg2[%add3A_23] : memref<320000xi32, #tpu.memory_space<hbm>> -> memref<80xi32, #tpu.memory_space<hbm>>
      tpu.enqueue_dma source(%dma_start3A_61 : memref<80xi32, #tpu.memory_space<hbm>>) target(%arg8 : memref<80xi32, #tpu.memory_space<vmem>>) target_semaphore(%run_scoped3A : memref<!tpu.dma_semaphore, #tpu.memory_space<semaphore_mem>>)
      %dma_wait3A_62 = tpu.memref_slice %arg2[%add3A_23] : memref<320000xi32, #tpu.memory_space<hbm>> -> memref<80xi32, #tpu.memory_space<hbm>>
      %dma_wait3A_63 = tpu.memref_slice %arg2[%add3A_23] : memref<320000xi32, #tpu.memory_space<hbm>> -> memref<80xi32, #tpu.memory_space<hbm>>
      tpu.wait_dma2 semaphore(%run_scoped3A : memref<!tpu.dma_semaphore, #tpu.memory_space<semaphore_mem>>) src(%dma_wait3A_63 : memref<80xi32, #tpu.memory_space<hbm>>) dst(%arg8 : memref<80xi32, #tpu.memory_space<vmem>>)
      tpu.yield
    }) : () -> ()
    "tpu.region"() ({
      %run_scoped3A = tpu.sem_alloc : memref<!tpu.dma_semaphore, #tpu.memory_space<semaphore_mem>>
      %dma_start3A_60 = tpu.memref_slice %arg3[%add3A_23] : memref<320000xi32, #tpu.memory_space<hbm>> -> memref<80xi32, #tpu.memory_space<hbm>>
      %dma_start3A_61 = tpu.memref_slice %arg3[%add3A_23] : memref<320000xi32, #tpu.memory_space<hbm>> -> memref<80xi32, #tpu.memory_space<hbm>>
      tpu.enqueue_dma source(%dma_start3A_61 : memref<80xi32, #tpu.memory_space<hbm>>) target(%arg9 : memref<80xi32, #tpu.memory_space<vmem>>) target_semaphore(%run_scoped3A : memref<!tpu.dma_semaphore, #tpu.memory_space<semaphore_mem>>)
      %dma_wait3A_62 = tpu.memref_slice %arg3[%add3A_23] : memref<320000xi32, #tpu.memory_space<hbm>> -> memref<80xi32, #tpu.memory_space<hbm>>
      %dma_wait3A_63 = tpu.memref_slice %arg3[%add3A_23] : memref<320000xi32, #tpu.memory_space<hbm>> -> memref<80xi32, #tpu.memory_space<hbm>>
      tpu.wait_dma2 semaphore(%run_scoped3A : memref<!tpu.dma_semaphore, #tpu.memory_space<semaphore_mem>>) src(%dma_wait3A_63 : memref<80xi32, #tpu.memory_space<hbm>>) dst(%arg9 : memref<80xi32, #tpu.memory_space<vmem>>)
      tpu.yield
    }) : () -> ()
    %dma_start3A = arith.constant 0 : i32
    %dma_start3A_24 = arith.constant 0 : i32
    %dma_start3A_25 = tpu.memref_slice %arg4[%dma_start3A, %dma_start3A_24] : memref<10000x16xf32, #tpu.memory_space<hbm>> -> memref<10000x16xf32, #tpu.memory_space<hbm>>
    tpu.enqueue_indirect_dma source(%dma_start3A_25 : memref<10000x16xf32, #tpu.memory_space<hbm>>) target(%arg11 : memref<80x16xf32, #tpu.memory_space<vmem>>) offsets(%arg8 : memref<80xi32, #tpu.memory_space<vmem>>) semaphore(%arg18 : memref<!tpu.dma_semaphore, #tpu.memory_space<semaphore_mem>>)
    %dma_start3A_26 = arith.constant 0 : i32
    %dma_start3A_27 = arith.constant 0 : i32
    %dma_start3A_28 = tpu.memref_slice %arg5[%dma_start3A_26, %dma_start3A_27] : memref<10000x16xf32, #tpu.memory_space<hbm>> -> memref<10000x16xf32, #tpu.memory_space<hbm>>
    tpu.enqueue_indirect_dma source(%dma_start3A_28 : memref<10000x16xf32, #tpu.memory_space<hbm>>) target(%arg12 : memref<80x16xf32, #tpu.memory_space<vmem>>) offsets(%arg9 : memref<80xi32, #tpu.memory_space<vmem>>) semaphore(%arg18 : memref<!tpu.dma_semaphore, #tpu.memory_space<semaphore_mem>>)
    %dma_start3A_29 = arith.constant 0 : i32
    %dma_start3A_30 = arith.constant 0 : i32
    %dma_start3A_31 = tpu.memref_slice %arg6[%dma_start3A_29, %dma_start3A_30] : memref<10000x128xf32, #tpu.memory_space<hbm>> -> memref<10000x128xf32, #tpu.memory_space<hbm>>
    tpu.enqueue_indirect_dma source(%dma_start3A_31 : memref<10000x128xf32, #tpu.memory_space<hbm>>) target(%arg13 : memref<80x128xf32, #tpu.memory_space<vmem>>) offsets(%arg8 : memref<80xi32, #tpu.memory_space<vmem>>) semaphore(%arg18 : memref<!tpu.dma_semaphore, #tpu.memory_space<semaphore_mem>>)
    %dma_wait3A_32 = arith.constant 0 : i32
    %dma_wait3A_33 = arith.constant 0 : i32
    %dma_wait3A_34 = tpu.memref_slice %arg4[%dma_wait3A_32, %dma_wait3A_33] : memref<10000x16xf32, #tpu.memory_space<hbm>> -> memref<10000x16xf32, #tpu.memory_space<hbm>>
    tpu.wait_indirect_dma semaphore(%arg18 : memref<!tpu.dma_semaphore, #tpu.memory_space<semaphore_mem>>) src(%dma_wait3A_34 : memref<10000x16xf32, #tpu.memory_space<hbm>>) dst(%arg11 : memref<80x16xf32, #tpu.memory_space<vmem>>)
    %dma_wait3A_35 = arith.constant 0 : i32
    %dma_wait3A_36 = arith.constant 0 : i32
    %dma_wait3A_37 = tpu.memref_slice %arg5[%dma_wait3A_35, %dma_wait3A_36] : memref<10000x16xf32, #tpu.memory_space<hbm>> -> memref<10000x16xf32, #tpu.memory_space<hbm>>
    tpu.wait_indirect_dma semaphore(%arg18 : memref<!tpu.dma_semaphore, #tpu.memory_space<semaphore_mem>>) src(%dma_wait3A_37 : memref<10000x16xf32, #tpu.memory_space<hbm>>) dst(%arg12 : memref<80x16xf32, #tpu.memory_space<vmem>>)
    %dma_wait3A_38 = arith.constant 0 : i32
    %dma_wait3A_39 = arith.constant 0 : i32
    %dma_wait3A_40 = tpu.memref_slice %arg6[%dma_wait3A_38, %dma_wait3A_39] : memref<10000x128xf32, #tpu.memory_space<hbm>> -> memref<10000x128xf32, #tpu.memory_space<hbm>>
    tpu.wait_indirect_dma semaphore(%arg18 : memref<!tpu.dma_semaphore, #tpu.memory_space<semaphore_mem>>) src(%dma_wait3A_40 : memref<10000x128xf32, #tpu.memory_space<hbm>>) dst(%arg13 : memref<80x128xf32, #tpu.memory_space<vmem>>)
    %scan3A_41 = arith.constant 0 : i32
    %scan3A_42 = arith.constant 80 : i32
    %scan3A_43 = arith.addi %scan3A_41, %scan3A_42 : i32
    %scan3A_44 = arith.constant 2 : i32
    scf.for %scan3A_60 = %scan3A_41 to %scan3A_43 step %scan3A_44  : i32 {
      %mul3A_61 = arith.constant 1 : i32
      %mul3A_62 = arith.muli %scan3A_60, %mul3A_61 : i32
      %add3A_63 = arith.constant 0 : i32
      %add3A_64 = arith.addi %add3A_63, %mul3A_62 : i32
      %get3A = arith.index_cast %add3A_64 : i32 to index
      %get3A_65 = arith.constant 0 : index
      %get3A_66 = tpu.vector_load %arg11[%get3A, %get3A_65] {strides = array<i32>} : memref<80x16xf32, #tpu.memory_space<vmem>>, vector<16xf32>,
      %get3A_67 = arith.index_cast %add3A_64 : i32 to index
      %get3A_68 = arith.constant 0 : index
      %get3A_69 = tpu.vector_load %arg12[%get3A_67, %get3A_68] {strides = array<i32>} : memref<80x16xf32, #tpu.memory_space<vmem>>, vector<16xf32>,
      %add3A_70 = arith.addf %get3A_66, %get3A_69 : vector<16xf32>
      %ge3A = arith.constant 0.000000e+00 : f32
      %ge3A_71 = vector.broadcast %ge3A : f32 to vector<16xf32>
      %ge3A_72 = arith.cmpf oge, %add3A_70, %ge3A_71 : vector<16xf32>
      %mul3A_73 = arith.constant 2.000000e-01 : f32
      %mul3A_74 = vector.broadcast %mul3A_73 : f32 to vector<16xf32>
      %mul3A_75 = arith.mulf %mul3A_74, %add3A_70 : vector<16xf32>
      %select_n3A = arith.select %ge3A_72, %add3A_70, %mul3A_75 : vector<16xi1>, vector<16xf32>
      %exp3A = math.exp %select_n3A : vector<16xf32>
      %jit3A = arith.constant 0.000000e+00 : f32
      %broadcast_in_dim3A_76 = vector.broadcast %jit3A : f32 to vector<16xf32>
      %select_n3A_77 = arith.select %lt3A_3, %exp3A, %broadcast_in_dim3A_76 : vector<16xi1>, vector<16xf32>
      %swap3A = arith.index_cast %add3A_64 : i32 to index
      %swap3A_78 = arith.constant 128 : index
      %swap3A_79 = tpu.vector_load %arg14[%swap3A, %swap3A_78] {strides = array<i32>} : memref<80x144xf32, #tpu.memory_space<vmem>>, vector<16xf32>,
      tpu.vector_store %arg14[%swap3A, %swap3A_78], %select_n3A_77 {strides = array<i32>} : memref<80x144xf32, #tpu.memory_space<vmem>>, vector<16xf32>,
      %mul3A_80 = arith.constant 16 : i32
      %mul3A_81 = arith.muli %add3A_64, %mul3A_80 : i32
      %swap3A_82 = arith.index_cast %mul3A_81 : i32 to index
      %swap3A_83 = tpu.vector_load %arg16[%swap3A_82] {strides = array<i32>} : memref<1280xf32, #tpu.memory_space<vmem>>, vector<16xf32>,
      tpu.vector_store %arg16[%swap3A_82], %select_n3A_77 {strides = array<i32>} : memref<1280xf32, #tpu.memory_space<vmem>>, vector<16xf32>,
      %mul3A_84 = arith.constant 16 : i32
      %mul3A_85 = arith.muli %add3A_64, %mul3A_84 : i32
      %add3A_86 = arith.constant 0 : i32
      %add3A_87 = arith.addi %mul3A_85, %add3A_86 : i32
      %broadcast_in_dim3A_88 = vector.broadcast %add3A_87 : i32 to vector<16xi32>
      %gather3A = tpu.vector_load_idx %arg16[%broadcast_in_dim3A_88] : memref<1280xf32, #tpu.memory_space<vmem>>[vector<16xi32>], vector<16xf32>,
      %get3A_89 = arith.index_cast %add3A_64 : i32 to index
      %get3A_90 = arith.constant 0 : index
      %get3A_91 = tpu.vector_load %arg13[%get3A_89, %get3A_90] {strides = array<i32>} : memref<80x128xf32, #tpu.memory_space<vmem>>, vector<16xf32>,
      %mul3A_92 = arith.mulf %get3A_91, %gather3A : vector<16xf32>
      %swap3A_93 = arith.index_cast %add3A_64 : i32 to index
      %swap3A_94 = arith.constant 0 : index
      %swap3A_95 = tpu.vector_load %arg14[%swap3A_93, %swap3A_94] {strides = array<i32>} : memref<80x144xf32, #tpu.memory_space<vmem>>, vector<16xf32>,
      tpu.vector_store %arg14[%swap3A_93, %swap3A_94], %mul3A_92 {strides = array<i32>} : memref<80x144xf32, #tpu.memory_space<vmem>>, vector<16xf32>,
      %mul3A_96 = arith.constant 16 : i32
      %mul3A_97 = arith.muli %add3A_64, %mul3A_96 : i32
      %add3A_98 = arith.constant 1 : i32
      %add3A_99 = arith.addi %mul3A_97, %add3A_98 : i32
      %broadcast_in_dim3A_100 = vector.broadcast %add3A_99 : i32 to vector<16xi32>
      %gather3A_101 = tpu.vector_load_idx %arg16[%broadcast_in_dim3A_100] : memref<1280xf32, #tpu.memory_space<vmem>>[vector<16xi32>], vector<16xf32>,
      %get3A_102 = arith.index_cast %add3A_64 : i32 to index
      %get3A_103 = arith.constant 16 : index
      %get3A_104 = tpu.vector_load %arg13[%get3A_102, %get3A_103] {strides = array<i32>} : memref<80x128xf32, #tpu.memory_space<vmem>>, vector<16xf32>,
      %mul3A_105 = arith.mulf %get3A_104, %gather3A_101 : vector<16xf32>
      %swap3A_106 = arith.index_cast %add3A_64 : i32 to index
      %swap3A_107 = arith.constant 16 : index
      %swap3A_108 = tpu.vector_load %arg14[%swap3A_106, %swap3A_107] {strides = array<i32>} : memref<80x144xf32, #tpu.memory_space<vmem>>, vector<16xf32>,
      tpu.vector_store %arg14[%swap3A_106, %swap3A_107], %mul3A_105 {strides = array<i32>} : memref<80x144xf32, #tpu.memory_space<vmem>>, vector<16xf32>,
      %mul3A_109 = arith.constant 16 : i32
      %mul3A_110 = arith.muli %add3A_64, %mul3A_109 : i32
      %add3A_111 = arith.constant 2 : i32
      %add3A_112 = arith.addi %mul3A_110, %add3A_111 : i32
      %broadcast_in_dim3A_113 = vector.broadcast %add3A_112 : i32 to vector<16xi32>
      %gather3A_114 = tpu.vector_load_idx %arg16[%broadcast_in_dim3A_113] : memref<1280xf32, #tpu.memory_space<vmem>>[vector<16xi32>], vector<16xf32>,
      %get3A_115 = arith.index_cast %add3A_64 : i32 to index
      %get3A_116 = arith.constant 32 : index
      %get3A_117 = tpu.vector_load %arg13[%get3A_115, %get3A_116] {strides = array<i32>} : memref<80x128xf32, #tpu.memory_space<vmem>>, vector<16xf32>,
      %mul3A_118 = arith.mulf %get3A_117, %gather3A_114 : vector<16xf32>
      %swap3A_119 = arith.index_cast %add3A_64 : i32 to index
      %swap3A_120 = arith.constant 32 : index
      %swap3A_121 = tpu.vector_load %arg14[%swap3A_119, %swap3A_120] {strides = array<i32>} : memref<80x144xf32, #tpu.memory_space<vmem>>, vector<16xf32>,
      tpu.vector_store %arg14[%swap3A_119, %swap3A_120], %mul3A_118 {strides = array<i32>} : memref<80x144xf32, #tpu.memory_space<vmem>>, vector<16xf32>,
      %mul3A_122 = arith.constant 16 : i32
      %mul3A_123 = arith.muli %add3A_64, %mul3A_122 : i32
      %add3A_124 = arith.constant 3 : i32
      %add3A_125 = arith.addi %mul3A_123, %add3A_124 : i32
      %broadcast_in_dim3A_126 = vector.broadcast %add3A_125 : i32 to vector<16xi32>
      %gather3A_127 = tpu.vector_load_idx %arg16[%broadcast_in_dim3A_126] : memref<1280xf32, #tpu.memory_space<vmem>>[vector<16xi32>], vector<16xf32>,
      %get3A_128 = arith.index_cast %add3A_64 : i32 to index
      %get3A_129 = arith.constant 48 : index
      %get3A_130 = tpu.vector_load %arg13[%get3A_128, %get3A_129] {strides = array<i32>} : memref<80x128xf32, #tpu.memory_space<vmem>>, vector<16xf32>,
      %mul3A_131 = arith.mulf %get3A_130, %gather3A_127 : vector<16xf32>
      %swap3A_132 = arith.index_cast %add3A_64 : i32 to index
      %swap3A_133 = arith.constant 48 : index
      %swap3A_134 = tpu.vector_load %arg14[%swap3A_132, %swap3A_133] {strides = array<i32>} : memref<80x144xf32, #tpu.memory_space<vmem>>, vector<16xf32>,
      tpu.vector_store %arg14[%swap3A_132, %swap3A_133], %mul3A_131 {strides = array<i32>} : memref<80x144xf32, #tpu.memory_space<vmem>>, vector<16xf32>,
      %mul3A_135 = arith.constant 16 : i32
      %mul3A_136 = arith.muli %add3A_64, %mul3A_135 : i32
      %add3A_137 = arith.constant 4 : i32
      %add3A_138 = arith.addi %mul3A_136, %add3A_137 : i32
      %broadcast_in_dim3A_139 = vector.broadcast %add3A_138 : i32 to vector<16xi32>
      %gather3A_140 = tpu.vector_load_idx %arg16[%broadcast_in_dim3A_139] : memref<1280xf32, #tpu.memory_space<vmem>>[vector<16xi32>], vector<16xf32>,
      %get3A_141 = arith.index_cast %add3A_64 : i32 to index
      %get3A_142 = arith.constant 64 : index
      %get3A_143 = tpu.vector_load %arg13[%get3A_141, %get3A_142] {strides = array<i32>} : memref<80x128xf32, #tpu.memory_space<vmem>>, vector<16xf32>,
      %mul3A_144 = arith.mulf %get3A_143, %gather3A_140 : vector<16xf32>
      %swap3A_145 = arith.index_cast %add3A_64 : i32 to index
      %swap3A_146 = arith.constant 64 : index
      %swap3A_147 = tpu.vector_load %arg14[%swap3A_145, %swap3A_146] {strides = array<i32>} : memref<80x144xf32, #tpu.memory_space<vmem>>, vector<16xf32>,
      tpu.vector_store %arg14[%swap3A_145, %swap3A_146], %mul3A_144 {strides = array<i32>} : memref<80x144xf32, #tpu.memory_space<vmem>>, vector<16xf32>,
      %mul3A_148 = arith.constant 16 : i32
      %mul3A_149 = arith.muli %add3A_64, %mul3A_148 : i32
      %add3A_150 = arith.constant 5 : i32
      %add3A_151 = arith.addi %mul3A_149, %add3A_150 : i32
      %broadcast_in_dim3A_152 = vector.broadcast %add3A_151 : i32 to vector<16xi32>
      %gather3A_153 = tpu.vector_load_idx %arg16[%broadcast_in_dim3A_152] : memref<1280xf32, #tpu.memory_space<vmem>>[vector<16xi32>], vector<16xf32>,
      %get3A_154 = arith.index_cast %add3A_64 : i32 to index
      %get3A_155 = arith.constant 80 : index
      %get3A_156 = tpu.vector_load %arg13[%get3A_154, %get3A_155] {strides = array<i32>} : memref<80x128xf32, #tpu.memory_space<vmem>>, vector<16xf32>,
      %mul3A_157 = arith.mulf %get3A_156, %gather3A_153 : vector<16xf32>
      %swap3A_158 = arith.index_cast %add3A_64 : i32 to index
      %swap3A_159 = arith.constant 80 : index
      %swap3A_160 = tpu.vector_load %arg14[%swap3A_158, %swap3A_159] {strides = array<i32>} : memref<80x144xf32, #tpu.memory_space<vmem>>, vector<16xf32>,
      tpu.vector_store %arg14[%swap3A_158, %swap3A_159], %mul3A_157 {strides = array<i32>} : memref<80x144xf32, #tpu.memory_space<vmem>>, vector<16xf32>,
      %mul3A_161 = arith.constant 16 : i32
      %mul3A_162 = arith.muli %add3A_64, %mul3A_161 : i32
      %add3A_163 = arith.constant 6 : i32
      %add3A_164 = arith.addi %mul3A_162, %add3A_163 : i32
      %broadcast_in_dim3A_165 = vector.broadcast %add3A_164 : i32 to vector<16xi32>
      %gather3A_166 = tpu.vector_load_idx %arg16[%broadcast_in_dim3A_165] : memref<1280xf32, #tpu.memory_space<vmem>>[vector<16xi32>], vector<16xf32>,
      %get3A_167 = arith.index_cast %add3A_64 : i32 to index
      %get3A_168 = arith.constant 96 : index
      %get3A_169 = tpu.vector_load %arg13[%get3A_167, %get3A_168] {strides = array<i32>} : memref<80x128xf32, #tpu.memory_space<vmem>>, vector<16xf32>,
      %mul3A_170 = arith.mulf %get3A_169, %gather3A_166 : vector<16xf32>
      %swap3A_171 = arith.index_cast %add3A_64 : i32 to index
      %swap3A_172 = arith.constant 96 : index
      %swap3A_173 = tpu.vector_load %arg14[%swap3A_171, %swap3A_172] {strides = array<i32>} : memref<80x144xf32, #tpu.memory_space<vmem>>, vector<16xf32>,
      tpu.vector_store %arg14[%swap3A_171, %swap3A_172], %mul3A_170 {strides = array<i32>} : memref<80x144xf32, #tpu.memory_space<vmem>>, vector<16xf32>,
      %mul3A_174 = arith.constant 16 : i32
      %mul3A_175 = arith.muli %add3A_64, %mul3A_174 : i32
      %add3A_176 = arith.constant 7 : i32
      %add3A_177 = arith.addi %mul3A_175, %add3A_176 : i32
      %broadcast_in_dim3A_178 = vector.broadcast %add3A_177 : i32 to vector<16xi32>
      %gather3A_179 = tpu.vector_load_idx %arg16[%broadcast_in_dim3A_178] : memref<1280xf32, #tpu.memory_space<vmem>>[vector<16xi32>], vector<16xf32>,
      %get3A_180 = arith.index_cast %add3A_64 : i32 to index
      %get3A_181 = arith.constant 112 : index
      %get3A_182 = tpu.vector_load %arg13[%get3A_180, %get3A_181] {strides = array<i32>} : memref<80x128xf32, #tpu.memory_space<vmem>>, vector<16xf32>,
      %mul3A_183 = arith.mulf %get3A_182, %gather3A_179 : vector<16xf32>
      %swap3A_184 = arith.index_cast %add3A_64 : i32 to index
      %swap3A_185 = arith.constant 112 : index
      %swap3A_186 = tpu.vector_load %arg14[%swap3A_184, %swap3A_185] {strides = array<i32>} : memref<80x144xf32, #tpu.memory_space<vmem>>, vector<16xf32>,
      tpu.vector_store %arg14[%swap3A_184, %swap3A_185], %mul3A_183 {strides = array<i32>} : memref<80x144xf32, #tpu.memory_space<vmem>>, vector<16xf32>,
      %scan3A_187 = arith.constant 1 : i32
      %scan3A_188 = arith.addi %scan3A_60, %scan3A_187 : i32
      %mul3A_189 = arith.constant 1 : i32
      %mul3A_190 = arith.muli %scan3A_188, %mul3A_189 : i32
      %add3A_191 = arith.constant 0 : i32
      %add3A_192 = arith.addi %add3A_191, %mul3A_190 : i32
      %get3A_193 = arith.index_cast %add3A_192 : i32 to index
      %get3A_194 = arith.constant 0 : index
      %get3A_195 = tpu.vector_load %arg11[%get3A_193, %get3A_194] {strides = array<i32>} : memref<80x16xf32, #tpu.memory_space<vmem>>, vector<16xf32>,
      %get3A_196 = arith.index_cast %add3A_192 : i32 to index
      %get3A_197 = arith.constant 0 : index
      %get3A_198 = tpu.vector_load %arg12[%get3A_196, %get3A_197] {strides = array<i32>} : memref<80x16xf32, #tpu.memory_space<vmem>>, vector<16xf32>,
      %add3A_199 = arith.addf %get3A_195, %get3A_198 : vector<16xf32>
      %ge3A_200 = arith.constant 0.000000e+00 : f32
      %ge3A_201 = vector.broadcast %ge3A_200 : f32 to vector<16xf32>
      %ge3A_202 = arith.cmpf oge, %add3A_199, %ge3A_201 : vector<16xf32>
      %mul3A_203 = arith.constant 2.000000e-01 : f32
      %mul3A_204 = vector.broadcast %mul3A_203 : f32 to vector<16xf32>
      %mul3A_205 = arith.mulf %mul3A_204, %add3A_199 : vector<16xf32>
      %select_n3A_206 = arith.select %ge3A_202, %add3A_199, %mul3A_205 : vector<16xi1>, vector<16xf32>
      %exp3A_207 = math.exp %select_n3A_206 : vector<16xf32>
      %jit3A_208 = arith.constant 0.000000e+00 : f32
      %broadcast_in_dim3A_209 = vector.broadcast %jit3A_208 : f32 to vector<16xf32>
      %select_n3A_210 = arith.select %lt3A_3, %exp3A_207, %broadcast_in_dim3A_209 : vector<16xi1>, vector<16xf32>
      %swap3A_211 = arith.index_cast %add3A_192 : i32 to index
      %swap3A_212 = arith.constant 128 : index
      %swap3A_213 = tpu.vector_load %arg14[%swap3A_211, %swap3A_212] {strides = array<i32>} : memref<80x144xf32, #tpu.memory_space<vmem>>, vector<16xf32>,
      tpu.vector_store %arg14[%swap3A_211, %swap3A_212], %select_n3A_210 {strides = array<i32>} : memref<80x144xf32, #tpu.memory_space<vmem>>, vector<16xf32>,
      %mul3A_214 = arith.constant 16 : i32
      %mul3A_215 = arith.muli %add3A_192, %mul3A_214 : i32
      %swap3A_216 = arith.index_cast %mul3A_215 : i32 to index
      %swap3A_217 = tpu.vector_load %arg16[%swap3A_216] {strides = array<i32>} : memref<1280xf32, #tpu.memory_space<vmem>>, vector<16xf32>,
      tpu.vector_store %arg16[%swap3A_216], %select_n3A_210 {strides = array<i32>} : memref<1280xf32, #tpu.memory_space<vmem>>, vector<16xf32>,
      %mul3A_218 = arith.constant 16 : i32
      %mul3A_219 = arith.muli %add3A_192, %mul3A_218 : i32
      %add3A_220 = arith.constant 0 : i32
      %add3A_221 = arith.addi %mul3A_219, %add3A_220 : i32
      %broadcast_in_dim3A_222 = vector.broadcast %add3A_221 : i32 to vector<16xi32>
      %gather3A_223 = tpu.vector_load_idx %arg16[%broadcast_in_dim3A_222] : memref<1280xf32, #tpu.memory_space<vmem>>[vector<16xi32>], vector<16xf32>,
      %get3A_224 = arith.index_cast %add3A_192 : i32 to index
      %get3A_225 = arith.constant 0 : index
      %get3A_226 = tpu.vector_load %arg13[%get3A_224, %get3A_225] {strides = array<i32>} : memref<80x128xf32, #tpu.memory_space<vmem>>, vector<16xf32>,
      %mul3A_227 = arith.mulf %get3A_226, %gather3A_223 : vector<16xf32>
      %swap3A_228 = arith.index_cast %add3A_192 : i32 to index
      %swap3A_229 = arith.constant 0 : index
      %swap3A_230 = tpu.vector_load %arg14[%swap3A_228, %swap3A_229] {strides = array<i32>} : memref<80x144xf32, #tpu.memory_space<vmem>>, vector<16xf32>,
      tpu.vector_store %arg14[%swap3A_228, %swap3A_229], %mul3A_227 {strides = array<i32>} : memref<80x144xf32, #tpu.memory_space<vmem>>, vector<16xf32>,
      %mul3A_231 = arith.constant 16 : i32
      %mul3A_232 = arith.muli %add3A_192, %mul3A_231 : i32
      %add3A_233 = arith.constant 1 : i32
      %add3A_234 = arith.addi %mul3A_232, %add3A_233 : i32
      %broadcast_in_dim3A_235 = vector.broadcast %add3A_234 : i32 to vector<16xi32>
      %gather3A_236 = tpu.vector_load_idx %arg16[%broadcast_in_dim3A_235] : memref<1280xf32, #tpu.memory_space<vmem>>[vector<16xi32>], vector<16xf32>,
      %get3A_237 = arith.index_cast %add3A_192 : i32 to index
      %get3A_238 = arith.constant 16 : index
      %get3A_239 = tpu.vector_load %arg13[%get3A_237, %get3A_238] {strides = array<i32>} : memref<80x128xf32, #tpu.memory_space<vmem>>, vector<16xf32>,
      %mul3A_240 = arith.mulf %get3A_239, %gather3A_236 : vector<16xf32>
      %swap3A_241 = arith.index_cast %add3A_192 : i32 to index
      %swap3A_242 = arith.constant 16 : index
      %swap3A_243 = tpu.vector_load %arg14[%swap3A_241, %swap3A_242] {strides = array<i32>} : memref<80x144xf32, #tpu.memory_space<vmem>>, vector<16xf32>,
      tpu.vector_store %arg14[%swap3A_241, %swap3A_242], %mul3A_240 {strides = array<i32>} : memref<80x144xf32, #tpu.memory_space<vmem>>, vector<16xf32>,
      %mul3A_244 = arith.constant 16 : i32
      %mul3A_245 = arith.muli %add3A_192, %mul3A_244 : i32
      %add3A_246 = arith.constant 2 : i32
      %add3A_247 = arith.addi %mul3A_245, %add3A_246 : i32
      %broadcast_in_dim3A_248 = vector.broadcast %add3A_247 : i32 to vector<16xi32>
      %gather3A_249 = tpu.vector_load_idx %arg16[%broadcast_in_dim3A_248] : memref<1280xf32, #tpu.memory_space<vmem>>[vector<16xi32>], vector<16xf32>,
      %get3A_250 = arith.index_cast %add3A_192 : i32 to index
      %get3A_251 = arith.constant 32 : index
      %get3A_252 = tpu.vector_load %arg13[%get3A_250, %get3A_251] {strides = array<i32>} : memref<80x128xf32, #tpu.memory_space<vmem>>, vector<16xf32>,
      %mul3A_253 = arith.mulf %get3A_252, %gather3A_249 : vector<16xf32>
      %swap3A_254 = arith.index_cast %add3A_192 : i32 to index
      %swap3A_255 = arith.constant 32 : index
      %swap3A_256 = tpu.vector_load %arg14[%swap3A_254, %swap3A_255] {strides = array<i32>} : memref<80x144xf32, #tpu.memory_space<vmem>>, vector<16xf32>,
      tpu.vector_store %arg14[%swap3A_254, %swap3A_255], %mul3A_253 {strides = array<i32>} : memref<80x144xf32, #tpu.memory_space<vmem>>, vector<16xf32>,
      %mul3A_257 = arith.constant 16 : i32
      %mul3A_258 = arith.muli %add3A_192, %mul3A_257 : i32
      %add3A_259 = arith.constant 3 : i32
      %add3A_260 = arith.addi %mul3A_258, %add3A_259 : i32
      %broadcast_in_dim3A_261 = vector.broadcast %add3A_260 : i32 to vector<16xi32>
      %gather3A_262 = tpu.vector_load_idx %arg16[%broadcast_in_dim3A_261] : memref<1280xf32, #tpu.memory_space<vmem>>[vector<16xi32>], vector<16xf32>,
      %get3A_263 = arith.index_cast %add3A_192 : i32 to index
      %get3A_264 = arith.constant 48 : index
      %get3A_265 = tpu.vector_load %arg13[%get3A_263, %get3A_264] {strides = array<i32>} : memref<80x128xf32, #tpu.memory_space<vmem>>, vector<16xf32>,
      %mul3A_266 = arith.mulf %get3A_265, %gather3A_262 : vector<16xf32>
      %swap3A_267 = arith.index_cast %add3A_192 : i32 to index
      %swap3A_268 = arith.constant 48 : index
      %swap3A_269 = tpu.vector_load %arg14[%swap3A_267, %swap3A_268] {strides = array<i32>} : memref<80x144xf32, #tpu.memory_space<vmem>>, vector<16xf32>,
      tpu.vector_store %arg14[%swap3A_267, %swap3A_268], %mul3A_266 {strides = array<i32>} : memref<80x144xf32, #tpu.memory_space<vmem>>, vector<16xf32>,
      %mul3A_270 = arith.constant 16 : i32
      %mul3A_271 = arith.muli %add3A_192, %mul3A_270 : i32
      %add3A_272 = arith.constant 4 : i32
      %add3A_273 = arith.addi %mul3A_271, %add3A_272 : i32
      %broadcast_in_dim3A_274 = vector.broadcast %add3A_273 : i32 to vector<16xi32>
      %gather3A_275 = tpu.vector_load_idx %arg16[%broadcast_in_dim3A_274] : memref<1280xf32, #tpu.memory_space<vmem>>[vector<16xi32>], vector<16xf32>,
      %get3A_276 = arith.index_cast %add3A_192 : i32 to index
      %get3A_277 = arith.constant 64 : index
      %get3A_278 = tpu.vector_load %arg13[%get3A_276, %get3A_277] {strides = array<i32>} : memref<80x128xf32, #tpu.memory_space<vmem>>, vector<16xf32>,
      %mul3A_279 = arith.mulf %get3A_278, %gather3A_275 : vector<16xf32>
      %swap3A_280 = arith.index_cast %add3A_192 : i32 to index
      %swap3A_281 = arith.constant 64 : index
      %swap3A_282 = tpu.vector_load %arg14[%swap3A_280, %swap3A_281] {strides = array<i32>} : memref<80x144xf32, #tpu.memory_space<vmem>>, vector<16xf32>,
      tpu.vector_store %arg14[%swap3A_280, %swap3A_281], %mul3A_279 {strides = array<i32>} : memref<80x144xf32, #tpu.memory_space<vmem>>, vector<16xf32>,
      %mul3A_283 = arith.constant 16 : i32
      %mul3A_284 = arith.muli %add3A_192, %mul3A_283 : i32
      %add3A_285 = arith.constant 5 : i32
      %add3A_286 = arith.addi %mul3A_284, %add3A_285 : i32
      %broadcast_in_dim3A_287 = vector.broadcast %add3A_286 : i32 to vector<16xi32>
      %gather3A_288 = tpu.vector_load_idx %arg16[%broadcast_in_dim3A_287] : memref<1280xf32, #tpu.memory_space<vmem>>[vector<16xi32>], vector<16xf32>,
      %get3A_289 = arith.index_cast %add3A_192 : i32 to index
      %get3A_290 = arith.constant 80 : index
      %get3A_291 = tpu.vector_load %arg13[%get3A_289, %get3A_290] {strides = array<i32>} : memref<80x128xf32, #tpu.memory_space<vmem>>, vector<16xf32>,
      %mul3A_292 = arith.mulf %get3A_291, %gather3A_288 : vector<16xf32>
      %swap3A_293 = arith.index_cast %add3A_192 : i32 to index
      %swap3A_294 = arith.constant 80 : index
      %swap3A_295 = tpu.vector_load %arg14[%swap3A_293, %swap3A_294] {strides = array<i32>} : memref<80x144xf32, #tpu.memory_space<vmem>>, vector<16xf32>,
      tpu.vector_store %arg14[%swap3A_293, %swap3A_294], %mul3A_292 {strides = array<i32>} : memref<80x144xf32, #tpu.memory_space<vmem>>, vector<16xf32>,
      %mul3A_296 = arith.constant 16 : i32
      %mul3A_297 = arith.muli %add3A_192, %mul3A_296 : i32
      %add3A_298 = arith.constant 6 : i32
      %add3A_299 = arith.addi %mul3A_297, %add3A_298 : i32
      %broadcast_in_dim3A_300 = vector.broadcast %add3A_299 : i32 to vector<16xi32>
      %gather3A_301 = tpu.vector_load_idx %arg16[%broadcast_in_dim3A_300] : memref<1280xf32, #tpu.memory_space<vmem>>[vector<16xi32>], vector<16xf32>,
      %get3A_302 = arith.index_cast %add3A_192 : i32 to index
      %get3A_303 = arith.constant 96 : index
      %get3A_304 = tpu.vector_load %arg13[%get3A_302, %get3A_303] {strides = array<i32>} : memref<80x128xf32, #tpu.memory_space<vmem>>, vector<16xf32>,
      %mul3A_305 = arith.mulf %get3A_304, %gather3A_301 : vector<16xf32>
      %swap3A_306 = arith.index_cast %add3A_192 : i32 to index
      %swap3A_307 = arith.constant 96 : index
      %swap3A_308 = tpu.vector_load %arg14[%swap3A_306, %swap3A_307] {strides = array<i32>} : memref<80x144xf32, #tpu.memory_space<vmem>>, vector<16xf32>,
      tpu.vector_store %arg14[%swap3A_306, %swap3A_307], %mul3A_305 {strides = array<i32>} : memref<80x144xf32, #tpu.memory_space<vmem>>, vector<16xf32>,
      %mul3A_309 = arith.constant 16 : i32
      %mul3A_310 = arith.muli %add3A_192, %mul3A_309 : i32
      %add3A_311 = arith.constant 7 : i32
      %add3A_312 = arith.addi %mul3A_310, %add3A_311 : i32
      %broadcast_in_dim3A_313 = vector.broadcast %add3A_312 : i32 to vector<16xi32>
      %gather3A_314 = tpu.vector_load_idx %arg16[%broadcast_in_dim3A_313] : memref<1280xf32, #tpu.memory_space<vmem>>[vector<16xi32>], vector<16xf32>,
      %get3A_315 = arith.index_cast %add3A_192 : i32 to index
      %get3A_316 = arith.constant 112 : index
      %get3A_317 = tpu.vector_load %arg13[%get3A_315, %get3A_316] {strides = array<i32>} : memref<80x128xf32, #tpu.memory_space<vmem>>, vector<16xf32>,
      %mul3A_318 = arith.mulf %get3A_317, %gather3A_314 : vector<16xf32>
      %swap3A_319 = arith.index_cast %add3A_192 : i32 to index
      %swap3A_320 = arith.constant 112 : index
      %swap3A_321 = tpu.vector_load %arg14[%swap3A_319, %swap3A_320] {strides = array<i32>} : memref<80x144xf32, #tpu.memory_space<vmem>>, vector<16xf32>,
      tpu.vector_store %arg14[%swap3A_319, %swap3A_320], %mul3A_318 {strides = array<i32>} : memref<80x144xf32, #tpu.memory_space<vmem>>, vector<16xf32>,
    }
    %scan3A_45 = arith.constant 80 : i32
    %dma_start3A_46 = arith.constant 0 : i32
    %dma_start3A_47 = arith.constant 0 : i32
    %dma_start3A_48 = tpu.memref_slice %arg17[%dma_start3A_46, %dma_start3A_47] : memref<10240x144xf32, #tpu.memory_space<vmem_shared>> -> memref<10240x144xf32, #tpu.memory_space<vmem_shared>>
    tpu.enqueue_indirect_dma source(%arg14 : memref<80x144xf32, #tpu.memory_space<vmem>>) target(%dma_start3A_48 : memref<10240x144xf32, #tpu.memory_space<vmem_shared>>) offsets(%arg9 : memref<80xi32, #tpu.memory_space<vmem>>) semaphore(%arg19 : memref<!tpu.dma_semaphore, #tpu.memory_space<semaphore_mem>>) {add = true}
    %dma_wait3A_49 = arith.constant 0 : i32
    %dma_wait3A_50 = arith.constant 0 : i32
    %dma_wait3A_51 = tpu.memref_slice %arg17[%dma_wait3A_49, %dma_wait3A_50] : memref<10240x144xf32, #tpu.memory_space<vmem_shared>> -> memref<10240x144xf32, #tpu.memory_space<vmem_shared>>
    tpu.wait_indirect_dma semaphore(%arg20 : memref<!tpu.dma_semaphore, #tpu.memory_space<semaphore_mem>>) src(%arg15 : memref<80x144xf32, #tpu.memory_space<vmem>>) dst(%dma_wait3A_51 : memref<10240x144xf32, #tpu.memory_space<vmem_shared>>)
    %dma_wait3A_52 = arith.constant 0 : i32
    %dma_wait3A_53 = arith.constant 0 : i32
    %dma_wait3A_54 = tpu.memref_slice %arg17[%dma_wait3A_52, %dma_wait3A_53] : memref<10240x144xf32, #tpu.memory_space<vmem_shared>> -> memref<10240x144xf32, #tpu.memory_space<vmem_shared>>
    tpu.wait_indirect_dma semaphore(%arg19 : memref<!tpu.dma_semaphore, #tpu.memory_space<semaphore_mem>>) src(%arg14 : memref<80x144xf32, #tpu.memory_space<vmem>>) dst(%dma_wait3A_54 : memref<10240x144xf32, #tpu.memory_space<vmem_shared>>)
    %barrier3A_55 = arith.constant 0 : index
    tpu.barrier barrier_id(%barrier3A_55)
    %mul3A_56 = arith.constant 640 : i32
    %mul3A_57 = arith.muli %arg1, %mul3A_56 : i32
    %mul3A_58 = arith.constant 640 : i32
    %mul3A_59 = arith.muli %arg1, %mul3A_58 : i32
    "tpu.region"() ({
      %run_scoped3A = tpu.sem_alloc : memref<!tpu.dma_semaphore, #tpu.memory_space<semaphore_mem>>
      %dma_start3A_60 = arith.constant 0 : i32
      %dma_start3A_61 = tpu.memref_slice %arg7[%arg0, %mul3A_59, %dma_start3A_60] : memref<2x10240x144xf32, #tpu.memory_space<hbm>> -> memref<1x640x144xf32, #tpu.memory_space<hbm>>
      %dma_start3A_62 = tpu.memref_squeeze %dma_start3A_61 : memref<1x640x144xf32, #tpu.memory_space<hbm>> -> memref<640x144xf32, #tpu.memory_space<hbm>>
      %dma_start3A_63 = arith.constant 0 : i32
      %dma_start3A_64 = tpu.memref_slice %arg17[%mul3A_57, %dma_start3A_63] : memref<10240x144xf32, #tpu.memory_space<vmem_shared>> -> memref<640x144xf32, #tpu.memory_space<vmem_shared>>
      tpu.enqueue_dma source(%dma_start3A_64 : memref<640x144xf32, #tpu.memory_space<vmem_shared>>) target(%dma_start3A_62 : memref<640x144xf32, #tpu.memory_space<hbm>>) target_semaphore(%run_scoped3A : memref<!tpu.dma_semaphore, #tpu.memory_space<semaphore_mem>>)
      %dma_wait3A_65 = arith.constant 0 : i32
      %dma_wait3A_66 = tpu.memref_slice %arg7[%arg0, %mul3A_59, %dma_wait3A_65] : memref<2x10240x144xf32, #tpu.memory_space<hbm>> -> memref<1x640x144xf32, #tpu.memory_space<hbm>>
      %dma_wait3A_67 = tpu.memref_squeeze %dma_wait3A_66 : memref<1x640x144xf32, #tpu.memory_space<hbm>> -> memref<640x144xf32, #tpu.memory_space<hbm>>
      %dma_wait3A_68 = arith.constant 0 : i32
      %dma_wait3A_69 = tpu.memref_slice %arg17[%mul3A_57, %dma_wait3A_68] : memref<10240x144xf32, #tpu.memory_space<vmem_shared>> -> memref<640x144xf32, #tpu.memory_space<vmem_shared>>
      tpu.wait_dma2 semaphore(%run_scoped3A : memref<!tpu.dma_semaphore, #tpu.memory_space<semaphore_mem>>) src(%dma_wait3A_69 : memref<640x144xf32, #tpu.memory_space<vmem_shared>>) dst(%dma_wait3A_67 : memref<640x144xf32, #tpu.memory_space<hbm>>)
      tpu.yield
    }) : () -> ()
    return
  }
}

#map = affine_map<(d0, d1) -> (0)>
#map1 = affine_map<(d0, d1) -> (0, 0)>
#map2 = affine_map<(d0, d1) -> (0, 0, 0)>
module attributes {stable_mosaic.version = 14 : i64} {
  func.func @sc_pass(%arg0: i32, %arg1: i32, %arg2: memref<320000xi32, #tpu.memory_space<hbm>>, %arg3: memref<320000xi32, #tpu.memory_space<hbm>>, %arg4: memref<10000x16xf32, #tpu.memory_space<hbm>>, %arg5: memref<10000x16xf32, #tpu.memory_space<hbm>>, %arg6: memref<10000x64xf32, #tpu.memory_space<hbm>>, %arg7: memref<2x10240x80xf32, #tpu.memory_space<hbm>>, %arg8: memref<80xi32, #tpu.memory_space<vmem>>, %arg9: memref<80xi32, #tpu.memory_space<vmem>>, %arg10: memref<80xi32, #tpu.memory_space<vmem>>, %arg11: memref<80xi32, #tpu.memory_space<vmem>>, %arg12: memref<80xi32, #tpu.memory_space<vmem>>, %arg13: memref<80x16xf32, #tpu.memory_space<vmem>>, %arg14: memref<80x16xf32, #tpu.memory_space<vmem>>, %arg15: memref<80x64xf32, #tpu.memory_space<vmem>>, %arg16: memref<80x80xf32, #tpu.memory_space<vmem>>, %arg17: memref<80x80xf32, #tpu.memory_space<vmem>>, %arg18: memref<80x80xf32, #tpu.memory_space<vmem>>, %arg19: memref<80x80xf32, #tpu.memory_space<vmem>>, %arg20: memref<1280xf32, #tpu.memory_space<vmem>>, %arg21: memref<10240x80xf32, #tpu.memory_space<vmem_shared>>, %arg22: memref<!tpu.dma_semaphore, #tpu.memory_space<semaphore_mem>>, %arg23: memref<!tpu.dma_semaphore, #tpu.memory_space<semaphore_mem>>, %arg24: memref<!tpu.dma_semaphore, #tpu.memory_space<semaphore_mem>>, %arg25: memref<!tpu.dma_semaphore, #tpu.memory_space<semaphore_mem>>, %arg26: memref<!tpu.dma_semaphore, #tpu.memory_space<semaphore_mem>>) attributes {dimension_semantics = [#tpu.dimension_semantics<core_parallel>, #tpu.dimension_semantics<subcore_parallel>], iteration_bounds = array<i64: 2, 16>, scalar_prefetch = 0 : i64, scratch_operands = 19 : i64, tpu.core_type = #tpu.core_type<sc_vector_subcore>, window_params = [{transform_indices = #map}, {transform_indices = #map}, {transform_indices = #map1}, {transform_indices = #map1}, {transform_indices = #map1}, {transform_indices = #map2}]} {
    %mul3A = arith.constant 16 : i32
    %mul3A_0 = arith.muli %arg0, %mul3A : i32
    %add3A = arith.addi %mul3A_0, %arg1 : i32
    %broadcast_in_dim3A = arith.constant 0.000000e+00 : f32
    %broadcast_in_dim3A_1 = vector.broadcast %broadcast_in_dim3A : f32 to vector<16xf32>
    %iota3A = tpu.iota {dimensions = array<i32: 0>} : vector<16xi32>
    %lt3A = arith.constant 1 : i32
    %lt3A_2 = vector.broadcast %lt3A : i32 to vector<16xi32>
    %lt3A_3 = arith.cmpi slt, %iota3A, %lt3A_2 : vector<16xi32>
    %scan3A = arith.constant 0 : i32
    %scan3A_4 = arith.constant 80 : i32
    %scan3A_5 = arith.addi %scan3A, %scan3A_4 : i32
    %scan3A_6 = arith.constant 1 : i32
    scf.for %scan3A_66 = %scan3A to %scan3A_5 step %scan3A_6  : i32 {
      %mul3A_67 = arith.constant 1 : i32
      %mul3A_68 = arith.muli %scan3A_66, %mul3A_67 : i32
      %add3A_69 = arith.constant 0 : i32
      %add3A_70 = arith.addi %add3A_69, %mul3A_68 : i32
      %swap3A = arith.index_cast %add3A_70 : i32 to index
      %swap3A_71 = arith.constant 0 : index
      %swap3A_72 = tpu.vector_load %arg16[%swap3A, %swap3A_71] {strides = array<i32>} : memref<80x80xf32, #tpu.memory_space<vmem>>, vector<16xf32>,
      tpu.vector_store %arg16[%swap3A, %swap3A_71], %broadcast_in_dim3A_1 {strides = array<i32>} : memref<80x80xf32, #tpu.memory_space<vmem>>, vector<16xf32>,
      %swap3A_73 = arith.index_cast %add3A_70 : i32 to index
      %swap3A_74 = arith.constant 16 : index
      %swap3A_75 = tpu.vector_load %arg16[%swap3A_73, %swap3A_74] {strides = array<i32>} : memref<80x80xf32, #tpu.memory_space<vmem>>, vector<16xf32>,
      tpu.vector_store %arg16[%swap3A_73, %swap3A_74], %broadcast_in_dim3A_1 {strides = array<i32>} : memref<80x80xf32, #tpu.memory_space<vmem>>, vector<16xf32>,
      %swap3A_76 = arith.index_cast %add3A_70 : i32 to index
      %swap3A_77 = arith.constant 32 : index
      %swap3A_78 = tpu.vector_load %arg16[%swap3A_76, %swap3A_77] {strides = array<i32>} : memref<80x80xf32, #tpu.memory_space<vmem>>, vector<16xf32>,
      tpu.vector_store %arg16[%swap3A_76, %swap3A_77], %broadcast_in_dim3A_1 {strides = array<i32>} : memref<80x80xf32, #tpu.memory_space<vmem>>, vector<16xf32>,
      %swap3A_79 = arith.index_cast %add3A_70 : i32 to index
      %swap3A_80 = arith.constant 48 : index
      %swap3A_81 = tpu.vector_load %arg16[%swap3A_79, %swap3A_80] {strides = array<i32>} : memref<80x80xf32, #tpu.memory_space<vmem>>, vector<16xf32>,
      tpu.vector_store %arg16[%swap3A_79, %swap3A_80], %broadcast_in_dim3A_1 {strides = array<i32>} : memref<80x80xf32, #tpu.memory_space<vmem>>, vector<16xf32>,
      %swap3A_82 = arith.index_cast %add3A_70 : i32 to index
      %swap3A_83 = arith.constant 64 : index
      %swap3A_84 = tpu.vector_load %arg16[%swap3A_82, %swap3A_83] {strides = array<i32>} : memref<80x80xf32, #tpu.memory_space<vmem>>, vector<16xf32>,
      tpu.vector_store %arg16[%swap3A_82, %swap3A_83], %broadcast_in_dim3A_1 {strides = array<i32>} : memref<80x80xf32, #tpu.memory_space<vmem>>, vector<16xf32>,
    }
    %scan3A_7 = arith.constant 80 : i32
    %scan3A_8 = arith.constant 0 : i32
    %scan3A_9 = arith.constant 8 : i32
    %scan3A_10 = arith.addi %scan3A_8, %scan3A_9 : i32
    %scan3A_11 = arith.constant 1 : i32
    scf.for %scan3A_66 = %scan3A_8 to %scan3A_10 step %scan3A_11  : i32 {
      %mul3A_67 = arith.constant 1 : i32
      %mul3A_68 = arith.muli %scan3A_66, %mul3A_67 : i32
      %add3A_69 = arith.constant 0 : i32
      %add3A_70 = arith.addi %add3A_69, %mul3A_68 : i32
      %mul3A_71 = arith.constant 640 : i32
      %mul3A_72 = arith.muli %arg1, %mul3A_71 : i32
      %mul3A_73 = arith.constant 80 : i32
      %mul3A_74 = arith.muli %add3A_70, %mul3A_73 : i32
      %add3A_75 = arith.addi %mul3A_72, %mul3A_74 : i32
      "tpu.region"() ({
        %run_scoped3A = tpu.sem_alloc : memref<!tpu.dma_semaphore, #tpu.memory_space<semaphore_mem>>
        %dma_start3A_76 = arith.constant 0 : i32
        %dma_start3A_77 = tpu.memref_slice %arg21[%add3A_75, %dma_start3A_76] : memref<10240x80xf32, #tpu.memory_space<vmem_shared>> -> memref<80x80xf32, #tpu.memory_space<vmem_shared>>
        %dma_start3A_78 = arith.constant 0 : i32
        %dma_start3A_79 = tpu.memref_slice %arg21[%add3A_75, %dma_start3A_78] : memref<10240x80xf32, #tpu.memory_space<vmem_shared>> -> memref<80x80xf32, #tpu.memory_space<vmem_shared>>
        tpu.enqueue_dma source(%arg16 : memref<80x80xf32, #tpu.memory_space<vmem>>) target(%dma_start3A_79 : memref<80x80xf32, #tpu.memory_space<vmem_shared>>) target_semaphore(%run_scoped3A : memref<!tpu.dma_semaphore, #tpu.memory_space<semaphore_mem>>)
        %dma_wait3A_80 = arith.constant 0 : i32
        %dma_wait3A_81 = tpu.memref_slice %arg21[%add3A_75, %dma_wait3A_80] : memref<10240x80xf32, #tpu.memory_space<vmem_shared>> -> memref<80x80xf32, #tpu.memory_space<vmem_shared>>
        %dma_wait3A_82 = arith.constant 0 : i32
        %dma_wait3A_83 = tpu.memref_slice %arg21[%add3A_75, %dma_wait3A_82] : memref<10240x80xf32, #tpu.memory_space<vmem_shared>> -> memref<80x80xf32, #tpu.memory_space<vmem_shared>>
        tpu.wait_dma2 semaphore(%run_scoped3A : memref<!tpu.dma_semaphore, #tpu.memory_space<semaphore_mem>>) src(%arg16 : memref<80x80xf32, #tpu.memory_space<vmem>>) dst(%dma_wait3A_83 : memref<80x80xf32, #tpu.memory_space<vmem_shared>>)
        tpu.yield
      }) : () -> ()
    }
    %scan3A_12 = arith.constant 8 : i32
    %barrier3A = arith.constant 0 : index
    tpu.barrier barrier_id(%barrier3A)
    %scan3A_13 = arith.constant 0 : i32
    %scan3A_14 = arith.constant 31 : i32
    %scan3A_15 = arith.addi %scan3A_13, %scan3A_14 : i32
    %scan3A_16 = arith.constant 1 : i32
    scf.for %scan3A_66 = %scan3A_13 to %scan3A_15 step %scan3A_16  : i32 {
      %mul3A_67 = arith.constant 4 : i32
      %mul3A_68 = arith.muli %scan3A_66, %mul3A_67 : i32
      %add3A_69 = arith.constant 0 : i32
      %add3A_70 = arith.addi %add3A_69, %mul3A_68 : i32
      %add3A_71 = arith.constant 0 : i32
      %add3A_72 = arith.addi %add3A_70, %add3A_71 : i32
      %ge3A = arith.constant 4 : i32
      %ge3A_73 = arith.cmpi sge, %add3A_72, %ge3A : i32
      %convert_element_type3A = arith.extui %ge3A_73 : i1 to i32
      %cond3A = arith.constant 0 : i32
      %cond3A_74 = arith.cmpi ne, %convert_element_type3A, %cond3A : i32
      scf.if %cond3A_74 {
        %dma_wait3A_220 = arith.constant 0 : i32
        %dma_wait3A_221 = arith.constant 0 : i32
        %dma_wait3A_222 = tpu.memref_slice %arg21[%dma_wait3A_220, %dma_wait3A_221] : memref<10240x80xf32, #tpu.memory_space<vmem_shared>> -> memref<10240x80xf32, #tpu.memory_space<vmem_shared>>
        tpu.wait_indirect_dma semaphore(%arg23 : memref<!tpu.dma_semaphore, #tpu.memory_space<semaphore_mem>>) src(%arg16 : memref<80x80xf32, #tpu.memory_space<vmem>>) dst(%dma_wait3A_222 : memref<10240x80xf32, #tpu.memory_space<vmem_shared>>)
      } else {
      }
      %mul3A_75 = arith.constant 10000 : i32
      %mul3A_76 = arith.muli %add3A, %mul3A_75 : i32
      %mul3A_77 = arith.constant 80 : i32
      %mul3A_78 = arith.muli %add3A_72, %mul3A_77 : i32
      %add3A_79 = arith.addi %mul3A_76, %mul3A_78 : i32
      "tpu.region"() ({
        %run_scoped3A = tpu.sem_alloc : memref<!tpu.dma_semaphore, #tpu.memory_space<semaphore_mem>>
        %dma_start3A_220 = tpu.memref_slice %arg2[%add3A_79] : memref<320000xi32, #tpu.memory_space<hbm>> -> memref<80xi32, #tpu.memory_space<hbm>>
        %dma_start3A_221 = tpu.memref_slice %arg2[%add3A_79] : memref<320000xi32, #tpu.memory_space<hbm>> -> memref<80xi32, #tpu.memory_space<hbm>>
        tpu.enqueue_dma source(%dma_start3A_221 : memref<80xi32, #tpu.memory_space<hbm>>) target(%arg8 : memref<80xi32, #tpu.memory_space<vmem>>) target_semaphore(%run_scoped3A : memref<!tpu.dma_semaphore, #tpu.memory_space<semaphore_mem>>)
        %dma_wait3A_222 = tpu.memref_slice %arg2[%add3A_79] : memref<320000xi32, #tpu.memory_space<hbm>> -> memref<80xi32, #tpu.memory_space<hbm>>
        %dma_wait3A_223 = tpu.memref_slice %arg2[%add3A_79] : memref<320000xi32, #tpu.memory_space<hbm>> -> memref<80xi32, #tpu.memory_space<hbm>>
        tpu.wait_dma2 semaphore(%run_scoped3A : memref<!tpu.dma_semaphore, #tpu.memory_space<semaphore_mem>>) src(%dma_wait3A_223 : memref<80xi32, #tpu.memory_space<hbm>>) dst(%arg8 : memref<80xi32, #tpu.memory_space<vmem>>)
        tpu.yield
      }) : () -> ()
      "tpu.region"() ({
        %run_scoped3A = tpu.sem_alloc : memref<!tpu.dma_semaphore, #tpu.memory_space<semaphore_mem>>
        %dma_start3A_220 = tpu.memref_slice %arg3[%add3A_79] : memref<320000xi32, #tpu.memory_space<hbm>> -> memref<80xi32, #tpu.memory_space<hbm>>
        %dma_start3A_221 = tpu.memref_slice %arg3[%add3A_79] : memref<320000xi32, #tpu.memory_space<hbm>> -> memref<80xi32, #tpu.memory_space<hbm>>
        tpu.enqueue_dma source(%dma_start3A_221 : memref<80xi32, #tpu.memory_space<hbm>>) target(%arg9 : memref<80xi32, #tpu.memory_space<vmem>>) target_semaphore(%run_scoped3A : memref<!tpu.dma_semaphore, #tpu.memory_space<semaphore_mem>>)
        %dma_wait3A_222 = tpu.memref_slice %arg3[%add3A_79] : memref<320000xi32, #tpu.memory_space<hbm>> -> memref<80xi32, #tpu.memory_space<hbm>>
        %dma_wait3A_223 = tpu.memref_slice %arg3[%add3A_79] : memref<320000xi32, #tpu.memory_space<hbm>> -> memref<80xi32, #tpu.memory_space<hbm>>
        tpu.wait_dma2 semaphore(%run_scoped3A : memref<!tpu.dma_semaphore, #tpu.memory_space<semaphore_mem>>) src(%dma_wait3A_223 : memref<80xi32, #tpu.memory_space<hbm>>) dst(%arg9 : memref<80xi32, #tpu.memory_space<vmem>>)
        tpu.yield
      }) : () -> ()
      %dma_start3A_80 = arith.constant 0 : i32
      %dma_start3A_81 = arith.constant 0 : i32
      %dma_start3A_82 = tpu.memref_slice %arg4[%dma_start3A_80, %dma_start3A_81] : memref<10000x16xf32, #tpu.memory_space<hbm>> -> memref<10000x16xf32, #tpu.memory_space<hbm>>
      tpu.enqueue_indirect_dma source(%dma_start3A_82 : memref<10000x16xf32, #tpu.memory_space<hbm>>) target(%arg13 : memref<80x16xf32, #tpu.memory_space<vmem>>) offsets(%arg8 : memref<80xi32, #tpu.memory_space<vmem>>) semaphore(%arg22 : memref<!tpu.dma_semaphore, #tpu.memory_space<semaphore_mem>>)
      %dma_start3A_83 = arith.constant 0 : i32
      %dma_start3A_84 = arith.constant 0 : i32
      %dma_start3A_85 = tpu.memref_slice %arg5[%dma_start3A_83, %dma_start3A_84] : memref<10000x16xf32, #tpu.memory_space<hbm>> -> memref<10000x16xf32, #tpu.memory_space<hbm>>
      tpu.enqueue_indirect_dma source(%dma_start3A_85 : memref<10000x16xf32, #tpu.memory_space<hbm>>) target(%arg14 : memref<80x16xf32, #tpu.memory_space<vmem>>) offsets(%arg9 : memref<80xi32, #tpu.memory_space<vmem>>) semaphore(%arg22 : memref<!tpu.dma_semaphore, #tpu.memory_space<semaphore_mem>>)
      %dma_start3A_86 = arith.constant 0 : i32
      %dma_start3A_87 = arith.constant 0 : i32
      %dma_start3A_88 = tpu.memref_slice %arg6[%dma_start3A_86, %dma_start3A_87] : memref<10000x64xf32, #tpu.memory_space<hbm>> -> memref<10000x64xf32, #tpu.memory_space<hbm>>
      tpu.enqueue_indirect_dma source(%dma_start3A_88 : memref<10000x64xf32, #tpu.memory_space<hbm>>) target(%arg15 : memref<80x64xf32, #tpu.memory_space<vmem>>) offsets(%arg8 : memref<80xi32, #tpu.memory_space<vmem>>) semaphore(%arg22 : memref<!tpu.dma_semaphore, #tpu.memory_space<semaphore_mem>>)
      %dma_wait3A_89 = arith.constant 0 : i32
      %dma_wait3A_90 = arith.constant 0 : i32
      %dma_wait3A_91 = tpu.memref_slice %arg4[%dma_wait3A_89, %dma_wait3A_90] : memref<10000x16xf32, #tpu.memory_space<hbm>> -> memref<10000x16xf32, #tpu.memory_space<hbm>>
      tpu.wait_indirect_dma semaphore(%arg22 : memref<!tpu.dma_semaphore, #tpu.memory_space<semaphore_mem>>) src(%dma_wait3A_91 : memref<10000x16xf32, #tpu.memory_space<hbm>>) dst(%arg13 : memref<80x16xf32, #tpu.memory_space<vmem>>)
      %dma_wait3A_92 = arith.constant 0 : i32
      %dma_wait3A_93 = arith.constant 0 : i32
      %dma_wait3A_94 = tpu.memref_slice %arg5[%dma_wait3A_92, %dma_wait3A_93] : memref<10000x16xf32, #tpu.memory_space<hbm>> -> memref<10000x16xf32, #tpu.memory_space<hbm>>
      tpu.wait_indirect_dma semaphore(%arg22 : memref<!tpu.dma_semaphore, #tpu.memory_space<semaphore_mem>>) src(%dma_wait3A_94 : memref<10000x16xf32, #tpu.memory_space<hbm>>) dst(%arg14 : memref<80x16xf32, #tpu.memory_space<vmem>>)
      %dma_wait3A_95 = arith.constant 0 : i32
      %dma_wait3A_96 = arith.constant 0 : i32
      %dma_wait3A_97 = tpu.memref_slice %arg6[%dma_wait3A_95, %dma_wait3A_96] : memref<10000x64xf32, #tpu.memory_space<hbm>> -> memref<10000x64xf32, #tpu.memory_space<hbm>>
      tpu.wait_indirect_dma semaphore(%arg22 : memref<!tpu.dma_semaphore, #tpu.memory_space<semaphore_mem>>) src(%dma_wait3A_97 : memref<10000x64xf32, #tpu.memory_space<hbm>>) dst(%arg15 : memref<80x64xf32, #tpu.memory_space<vmem>>)
      %scan3A_98 = arith.constant 0 : i32
      %scan3A_99 = arith.constant 80 : i32
      %scan3A_100 = arith.addi %scan3A_98, %scan3A_99 : i32
      %scan3A_101 = arith.constant 2 : i32
      scf.for %scan3A_220 = %scan3A_98 to %scan3A_100 step %scan3A_101  : i32 {
        %mul3A_221 = arith.constant 1 : i32
        %mul3A_222 = arith.muli %scan3A_220, %mul3A_221 : i32
        %add3A_223 = arith.constant 0 : i32
        %add3A_224 = arith.addi %add3A_223, %mul3A_222 : i32
        %get3A = arith.index_cast %add3A_224 : i32 to index
        %get3A_225 = arith.constant 0 : index
        %get3A_226 = tpu.vector_load %arg13[%get3A, %get3A_225] {strides = array<i32>} : memref<80x16xf32, #tpu.memory_space<vmem>>, vector<16xf32>,
        %get3A_227 = arith.index_cast %add3A_224 : i32 to index
        %get3A_228 = arith.constant 0 : index
        %get3A_229 = tpu.vector_load %arg14[%get3A_227, %get3A_228] {strides = array<i32>} : memref<80x16xf32, #tpu.memory_space<vmem>>, vector<16xf32>,
        %add3A_230 = arith.addf %get3A_226, %get3A_229 : vector<16xf32>
        %ge3A_231 = arith.constant 0.000000e+00 : f32
        %ge3A_232 = vector.broadcast %ge3A_231 : f32 to vector<16xf32>
        %ge3A_233 = arith.cmpf oge, %add3A_230, %ge3A_232 : vector<16xf32>
        %mul3A_234 = arith.constant 2.000000e-01 : f32
        %mul3A_235 = vector.broadcast %mul3A_234 : f32 to vector<16xf32>
        %mul3A_236 = arith.mulf %mul3A_235, %add3A_230 : vector<16xf32>
        %select_n3A = arith.select %ge3A_233, %add3A_230, %mul3A_236 : vector<16xi1>, vector<16xf32>
        %exp3A = math.exp %select_n3A : vector<16xf32>
        %jit3A = arith.constant 0.000000e+00 : f32
        %broadcast_in_dim3A_237 = vector.broadcast %jit3A : f32 to vector<16xf32>
        %select_n3A_238 = arith.select %lt3A_3, %exp3A, %broadcast_in_dim3A_237 : vector<16xi1>, vector<16xf32>
        %swap3A = arith.index_cast %add3A_224 : i32 to index
        %swap3A_239 = arith.constant 64 : index
        %swap3A_240 = tpu.vector_load %arg16[%swap3A, %swap3A_239] {strides = array<i32>} : memref<80x80xf32, #tpu.memory_space<vmem>>, vector<16xf32>,
        tpu.vector_store %arg16[%swap3A, %swap3A_239], %select_n3A_238 {strides = array<i32>} : memref<80x80xf32, #tpu.memory_space<vmem>>, vector<16xf32>,
        %mul3A_241 = arith.constant 16 : i32
        %mul3A_242 = arith.muli %add3A_224, %mul3A_241 : i32
        %swap3A_243 = arith.index_cast %mul3A_242 : i32 to index
        %swap3A_244 = tpu.vector_load %arg20[%swap3A_243] {strides = array<i32>} : memref<1280xf32, #tpu.memory_space<vmem>>, vector<16xf32>,
        tpu.vector_store %arg20[%swap3A_243], %select_n3A_238 {strides = array<i32>} : memref<1280xf32, #tpu.memory_space<vmem>>, vector<16xf32>,
        %mul3A_245 = arith.constant 16 : i32
        %mul3A_246 = arith.muli %add3A_224, %mul3A_245 : i32
        %add3A_247 = arith.constant 0 : i32
        %add3A_248 = arith.addi %mul3A_246, %add3A_247 : i32
        %broadcast_in_dim3A_249 = vector.broadcast %add3A_248 : i32 to vector<16xi32>
        %gather3A = tpu.vector_load_idx %arg20[%broadcast_in_dim3A_249] : memref<1280xf32, #tpu.memory_space<vmem>>[vector<16xi32>], vector<16xf32>,
        %get3A_250 = arith.index_cast %add3A_224 : i32 to index
        %get3A_251 = arith.constant 0 : index
        %get3A_252 = tpu.vector_load %arg15[%get3A_250, %get3A_251] {strides = array<i32>} : memref<80x64xf32, #tpu.memory_space<vmem>>, vector<16xf32>,
        %mul3A_253 = arith.mulf %get3A_252, %gather3A : vector<16xf32>
        %swap3A_254 = arith.index_cast %add3A_224 : i32 to index
        %swap3A_255 = arith.constant 0 : index
        %swap3A_256 = tpu.vector_load %arg16[%swap3A_254, %swap3A_255] {strides = array<i32>} : memref<80x80xf32, #tpu.memory_space<vmem>>, vector<16xf32>,
        tpu.vector_store %arg16[%swap3A_254, %swap3A_255], %mul3A_253 {strides = array<i32>} : memref<80x80xf32, #tpu.memory_space<vmem>>, vector<16xf32>,
        %get3A_257 = arith.index_cast %add3A_224 : i32 to index
        %get3A_258 = arith.constant 16 : index
        %get3A_259 = tpu.vector_load %arg15[%get3A_257, %get3A_258] {strides = array<i32>} : memref<80x64xf32, #tpu.memory_space<vmem>>, vector<16xf32>,
        %mul3A_260 = arith.mulf %get3A_259, %gather3A : vector<16xf32>
        %swap3A_261 = arith.index_cast %add3A_224 : i32 to index
        %swap3A_262 = arith.constant 16 : index
        %swap3A_263 = tpu.vector_load %arg16[%swap3A_261, %swap3A_262] {strides = array<i32>} : memref<80x80xf32, #tpu.memory_space<vmem>>, vector<16xf32>,
        tpu.vector_store %arg16[%swap3A_261, %swap3A_262], %mul3A_260 {strides = array<i32>} : memref<80x80xf32, #tpu.memory_space<vmem>>, vector<16xf32>,
        %get3A_264 = arith.index_cast %add3A_224 : i32 to index
        %get3A_265 = arith.constant 32 : index
        %get3A_266 = tpu.vector_load %arg15[%get3A_264, %get3A_265] {strides = array<i32>} : memref<80x64xf32, #tpu.memory_space<vmem>>, vector<16xf32>,
        %mul3A_267 = arith.mulf %get3A_266, %gather3A : vector<16xf32>
        %swap3A_268 = arith.index_cast %add3A_224 : i32 to index
        %swap3A_269 = arith.constant 32 : index
        %swap3A_270 = tpu.vector_load %arg16[%swap3A_268, %swap3A_269] {strides = array<i32>} : memref<80x80xf32, #tpu.memory_space<vmem>>, vector<16xf32>,
        tpu.vector_store %arg16[%swap3A_268, %swap3A_269], %mul3A_267 {strides = array<i32>} : memref<80x80xf32, #tpu.memory_space<vmem>>, vector<16xf32>,
        %get3A_271 = arith.index_cast %add3A_224 : i32 to index
        %get3A_272 = arith.constant 48 : index
        %get3A_273 = tpu.vector_load %arg15[%get3A_271, %get3A_272] {strides = array<i32>} : memref<80x64xf32, #tpu.memory_space<vmem>>, vector<16xf32>,
        %mul3A_274 = arith.mulf %get3A_273, %gather3A : vector<16xf32>
        %swap3A_275 = arith.index_cast %add3A_224 : i32 to index
        %swap3A_276 = arith.constant 48 : index
        %swap3A_277 = tpu.vector_load %arg16[%swap3A_275, %swap3A_276] {strides = array<i32>} : memref<80x80xf32, #tpu.memory_space<vmem>>, vector<16xf32>,
        tpu.vector_store %arg16[%swap3A_275, %swap3A_276], %mul3A_274 {strides = array<i32>} : memref<80x80xf32, #tpu.memory_space<vmem>>, vector<16xf32>,
        %scan3A_278 = arith.constant 1 : i32
        %scan3A_279 = arith.addi %scan3A_220, %scan3A_278 : i32
        %mul3A_280 = arith.constant 1 : i32
        %mul3A_281 = arith.muli %scan3A_279, %mul3A_280 : i32
        %add3A_282 = arith.constant 0 : i32
        %add3A_283 = arith.addi %add3A_282, %mul3A_281 : i32
        %get3A_284 = arith.index_cast %add3A_283 : i32 to index
        %get3A_285 = arith.constant 0 : index
        %get3A_286 = tpu.vector_load %arg13[%get3A_284, %get3A_285] {strides = array<i32>} : memref<80x16xf32, #tpu.memory_space<vmem>>, vector<16xf32>,
        %get3A_287 = arith.index_cast %add3A_283 : i32 to index
        %get3A_288 = arith.constant 0 : index
        %get3A_289 = tpu.vector_load %arg14[%get3A_287, %get3A_288] {strides = array<i32>} : memref<80x16xf32, #tpu.memory_space<vmem>>, vector<16xf32>,
        %add3A_290 = arith.addf %get3A_286, %get3A_289 : vector<16xf32>
        %ge3A_291 = arith.constant 0.000000e+00 : f32
        %ge3A_292 = vector.broadcast %ge3A_291 : f32 to vector<16xf32>
        %ge3A_293 = arith.cmpf oge, %add3A_290, %ge3A_292 : vector<16xf32>
        %mul3A_294 = arith.constant 2.000000e-01 : f32
        %mul3A_295 = vector.broadcast %mul3A_294 : f32 to vector<16xf32>
        %mul3A_296 = arith.mulf %mul3A_295, %add3A_290 : vector<16xf32>
        %select_n3A_297 = arith.select %ge3A_293, %add3A_290, %mul3A_296 : vector<16xi1>, vector<16xf32>
        %exp3A_298 = math.exp %select_n3A_297 : vector<16xf32>
        %jit3A_299 = arith.constant 0.000000e+00 : f32
        %broadcast_in_dim3A_300 = vector.broadcast %jit3A_299 : f32 to vector<16xf32>
        %select_n3A_301 = arith.select %lt3A_3, %exp3A_298, %broadcast_in_dim3A_300 : vector<16xi1>, vector<16xf32>
        %swap3A_302 = arith.index_cast %add3A_283 : i32 to index
        %swap3A_303 = arith.constant 64 : index
        %swap3A_304 = tpu.vector_load %arg16[%swap3A_302, %swap3A_303] {strides = array<i32>} : memref<80x80xf32, #tpu.memory_space<vmem>>, vector<16xf32>,
        tpu.vector_store %arg16[%swap3A_302, %swap3A_303], %select_n3A_301 {strides = array<i32>} : memref<80x80xf32, #tpu.memory_space<vmem>>, vector<16xf32>,
        %mul3A_305 = arith.constant 16 : i32
        %mul3A_306 = arith.muli %add3A_283, %mul3A_305 : i32
        %swap3A_307 = arith.index_cast %mul3A_306 : i32 to index
        %swap3A_308 = tpu.vector_load %arg20[%swap3A_307] {strides = array<i32>} : memref<1280xf32, #tpu.memory_space<vmem>>, vector<16xf32>,
        tpu.vector_store %arg20[%swap3A_307], %select_n3A_301 {strides = array<i32>} : memref<1280xf32, #tpu.memory_space<vmem>>, vector<16xf32>,
        %mul3A_309 = arith.constant 16 : i32
        %mul3A_310 = arith.muli %add3A_283, %mul3A_309 : i32
        %add3A_311 = arith.constant 0 : i32
        %add3A_312 = arith.addi %mul3A_310, %add3A_311 : i32
        %broadcast_in_dim3A_313 = vector.broadcast %add3A_312 : i32 to vector<16xi32>
        %gather3A_314 = tpu.vector_load_idx %arg20[%broadcast_in_dim3A_313] : memref<1280xf32, #tpu.memory_space<vmem>>[vector<16xi32>], vector<16xf32>,
        %get3A_315 = arith.index_cast %add3A_283 : i32 to index
        %get3A_316 = arith.constant 0 : index
        %get3A_317 = tpu.vector_load %arg15[%get3A_315, %get3A_316] {strides = array<i32>} : memref<80x64xf32, #tpu.memory_space<vmem>>, vector<16xf32>,
        %mul3A_318 = arith.mulf %get3A_317, %gather3A_314 : vector<16xf32>
        %swap3A_319 = arith.index_cast %add3A_283 : i32 to index
        %swap3A_320 = arith.constant 0 : index
        %swap3A_321 = tpu.vector_load %arg16[%swap3A_319, %swap3A_320] {strides = array<i32>} : memref<80x80xf32, #tpu.memory_space<vmem>>, vector<16xf32>,
        tpu.vector_store %arg16[%swap3A_319, %swap3A_320], %mul3A_318 {strides = array<i32>} : memref<80x80xf32, #tpu.memory_space<vmem>>, vector<16xf32>,
        %get3A_322 = arith.index_cast %add3A_283 : i32 to index
        %get3A_323 = arith.constant 16 : index
        %get3A_324 = tpu.vector_load %arg15[%get3A_322, %get3A_323] {strides = array<i32>} : memref<80x64xf32, #tpu.memory_space<vmem>>, vector<16xf32>,
        %mul3A_325 = arith.mulf %get3A_324, %gather3A_314 : vector<16xf32>
        %swap3A_326 = arith.index_cast %add3A_283 : i32 to index
        %swap3A_327 = arith.constant 16 : index
        %swap3A_328 = tpu.vector_load %arg16[%swap3A_326, %swap3A_327] {strides = array<i32>} : memref<80x80xf32, #tpu.memory_space<vmem>>, vector<16xf32>,
        tpu.vector_store %arg16[%swap3A_326, %swap3A_327], %mul3A_325 {strides = array<i32>} : memref<80x80xf32, #tpu.memory_space<vmem>>, vector<16xf32>,
        %get3A_329 = arith.index_cast %add3A_283 : i32 to index
        %get3A_330 = arith.constant 32 : index
        %get3A_331 = tpu.vector_load %arg15[%get3A_329, %get3A_330] {strides = array<i32>} : memref<80x64xf32, #tpu.memory_space<vmem>>, vector<16xf32>,
        %mul3A_332 = arith.mulf %get3A_331, %gather3A_314 : vector<16xf32>
        %swap3A_333 = arith.index_cast %add3A_283 : i32 to index
        %swap3A_334 = arith.constant 32 : index
        %swap3A_335 = tpu.vector_load %arg16[%swap3A_333, %swap3A_334] {strides = array<i32>} : memref<80x80xf32, #tpu.memory_space<vmem>>, vector<16xf32>,
        tpu.vector_store %arg16[%swap3A_333, %swap3A_334], %mul3A_332 {strides = array<i32>} : memref<80x80xf32, #tpu.memory_space<vmem>>, vector<16xf32>,
        %get3A_336 = arith.index_cast %add3A_283 : i32 to index
        %get3A_337 = arith.constant 48 : index
        %get3A_338 = tpu.vector_load %arg15[%get3A_336, %get3A_337] {strides = array<i32>} : memref<80x64xf32, #tpu.memory_space<vmem>>, vector<16xf32>,
        %mul3A_339 = arith.mulf %get3A_338, %gather3A_314 : vector<16xf32>
        %swap3A_340 = arith.index_cast %add3A_283 : i32 to index
        %swap3A_341 = arith.constant 48 : index
        %swap3A_342 = tpu.vector_load %arg16[%swap3A_340, %swap3A_341] {strides = array<i32>} : memref<80x80xf32, #tpu.memory_space<vmem>>, vector<16xf32>,
        tpu.vector_store %arg16[%swap3A_340, %swap3A_341], %mul3A_339 {strides = array<i32>} : memref<80x80xf32, #tpu.memory_space<vmem>>, vector<16xf32>,
      }
      %scan3A_102 = arith.constant 80 : i32
      %dma_start3A_103 = arith.constant 0 : i32
      %dma_start3A_104 = arith.constant 0 : i32
      %dma_start3A_105 = tpu.memref_slice %arg21[%dma_start3A_103, %dma_start3A_104] : memref<10240x80xf32, #tpu.memory_space<vmem_shared>> -> memref<10240x80xf32, #tpu.memory_space<vmem_shared>>
      tpu.enqueue_indirect_dma source(%arg16 : memref<80x80xf32, #tpu.memory_space<vmem>>) target(%dma_start3A_105 : memref<10240x80xf32, #tpu.memory_space<vmem_shared>>) offsets(%arg9 : memref<80xi32, #tpu.memory_space<vmem>>) semaphore(%arg23 : memref<!tpu.dma_semaphore, #tpu.memory_space<semaphore_mem>>) {add = true}
      %add3A_106 = arith.constant 1 : i32
      %add3A_107 = arith.addi %add3A_70, %add3A_106 : i32
      %ge3A_108 = arith.constant 4 : i32
      %ge3A_109 = arith.cmpi sge, %add3A_107, %ge3A_108 : i32
      %convert_element_type3A_110 = arith.extui %ge3A_109 : i1 to i32
      %cond3A_111 = arith.constant 0 : i32
      %cond3A_112 = arith.cmpi ne, %convert_element_type3A_110, %cond3A_111 : i32
      scf.if %cond3A_112 {
        %dma_wait3A_220 = arith.constant 0 : i32
        %dma_wait3A_221 = arith.constant 0 : i32
        %dma_wait3A_222 = tpu.memref_slice %arg21[%dma_wait3A_220, %dma_wait3A_221] : memref<10240x80xf32, #tpu.memory_space<vmem_shared>> -> memref<10240x80xf32, #tpu.memory_space<vmem_shared>>
        tpu.wait_indirect_dma semaphore(%arg24 : memref<!tpu.dma_semaphore, #tpu.memory_space<semaphore_mem>>) src(%arg17 : memref<80x80xf32, #tpu.memory_space<vmem>>) dst(%dma_wait3A_222 : memref<10240x80xf32, #tpu.memory_space<vmem_shared>>)
      } else {
      }
      %mul3A_113 = arith.constant 10000 : i32
      %mul3A_114 = arith.muli %add3A, %mul3A_113 : i32
      %mul3A_115 = arith.constant 80 : i32
      %mul3A_116 = arith.muli %add3A_107, %mul3A_115 : i32
      %add3A_117 = arith.addi %mul3A_114, %mul3A_116 : i32
      "tpu.region"() ({
        %run_scoped3A = tpu.sem_alloc : memref<!tpu.dma_semaphore, #tpu.memory_space<semaphore_mem>>
        %dma_start3A_220 = tpu.memref_slice %arg2[%add3A_117] : memref<320000xi32, #tpu.memory_space<hbm>> -> memref<80xi32, #tpu.memory_space<hbm>>
        %dma_start3A_221 = tpu.memref_slice %arg2[%add3A_117] : memref<320000xi32, #tpu.memory_space<hbm>> -> memref<80xi32, #tpu.memory_space<hbm>>
        tpu.enqueue_dma source(%dma_start3A_221 : memref<80xi32, #tpu.memory_space<hbm>>) target(%arg8 : memref<80xi32, #tpu.memory_space<vmem>>) target_semaphore(%run_scoped3A : memref<!tpu.dma_semaphore, #tpu.memory_space<semaphore_mem>>)
        %dma_wait3A_222 = tpu.memref_slice %arg2[%add3A_117] : memref<320000xi32, #tpu.memory_space<hbm>> -> memref<80xi32, #tpu.memory_space<hbm>>
        %dma_wait3A_223 = tpu.memref_slice %arg2[%add3A_117] : memref<320000xi32, #tpu.memory_space<hbm>> -> memref<80xi32, #tpu.memory_space<hbm>>
        tpu.wait_dma2 semaphore(%run_scoped3A : memref<!tpu.dma_semaphore, #tpu.memory_space<semaphore_mem>>) src(%dma_wait3A_223 : memref<80xi32, #tpu.memory_space<hbm>>) dst(%arg8 : memref<80xi32, #tpu.memory_space<vmem>>)
        tpu.yield
      }) : () -> ()
      "tpu.region"() ({
        %run_scoped3A = tpu.sem_alloc : memref<!tpu.dma_semaphore, #tpu.memory_space<semaphore_mem>>
        %dma_start3A_220 = tpu.memref_slice %arg3[%add3A_117] : memref<320000xi32, #tpu.memory_space<hbm>> -> memref<80xi32, #tpu.memory_space<hbm>>
        %dma_start3A_221 = tpu.memref_slice %arg3[%add3A_117] : memref<320000xi32, #tpu.memory_space<hbm>> -> memref<80xi32, #tpu.memory_space<hbm>>
        tpu.enqueue_dma source(%dma_start3A_221 : memref<80xi32, #tpu.memory_space<hbm>>) target(%arg10 : memref<80xi32, #tpu.memory_space<vmem>>) target_semaphore(%run_scoped3A : memref<!tpu.dma_semaphore, #tpu.memory_space<semaphore_mem>>)
        %dma_wait3A_222 = tpu.memref_slice %arg3[%add3A_117] : memref<320000xi32, #tpu.memory_space<hbm>> -> memref<80xi32, #tpu.memory_space<hbm>>
        %dma_wait3A_223 = tpu.memref_slice %arg3[%add3A_117] : memref<320000xi32, #tpu.memory_space<hbm>> -> memref<80xi32, #tpu.memory_space<hbm>>
        tpu.wait_dma2 semaphore(%run_scoped3A : memref<!tpu.dma_semaphore, #tpu.memory_space<semaphore_mem>>) src(%dma_wait3A_223 : memref<80xi32, #tpu.memory_space<hbm>>) dst(%arg10 : memref<80xi32, #tpu.memory_space<vmem>>)
        tpu.yield
      }) : () -> ()
      %dma_start3A_118 = arith.constant 0 : i32
      %dma_start3A_119 = arith.constant 0 : i32
      %dma_start3A_120 = tpu.memref_slice %arg4[%dma_start3A_118, %dma_start3A_119] : memref<10000x16xf32, #tpu.memory_space<hbm>> -> memref<10000x16xf32, #tpu.memory_space<hbm>>
      tpu.enqueue_indirect_dma source(%dma_start3A_120 : memref<10000x16xf32, #tpu.memory_space<hbm>>) target(%arg13 : memref<80x16xf32, #tpu.memory_space<vmem>>) offsets(%arg8 : memref<80xi32, #tpu.memory_space<vmem>>) semaphore(%arg22 : memref<!tpu.dma_semaphore, #tpu.memory_space<semaphore_mem>>)
      %dma_start3A_121 = arith.constant 0 : i32
      %dma_start3A_122 = arith.constant 0 : i32
      %dma_start3A_123 = tpu.memref_slice %arg5[%dma_start3A_121, %dma_start3A_122] : memref<10000x16xf32, #tpu.memory_space<hbm>> -> memref<10000x16xf32, #tpu.memory_space<hbm>>
      tpu.enqueue_indirect_dma source(%dma_start3A_123 : memref<10000x16xf32, #tpu.memory_space<hbm>>) target(%arg14 : memref<80x16xf32, #tpu.memory_space<vmem>>) offsets(%arg10 : memref<80xi32, #tpu.memory_space<vmem>>) semaphore(%arg22 : memref<!tpu.dma_semaphore, #tpu.memory_space<semaphore_mem>>)
      %dma_start3A_124 = arith.constant 0 : i32
      %dma_start3A_125 = arith.constant 0 : i32
      %dma_start3A_126 = tpu.memref_slice %arg6[%dma_start3A_124, %dma_start3A_125] : memref<10000x64xf32, #tpu.memory_space<hbm>> -> memref<10000x64xf32, #tpu.memory_space<hbm>>
      tpu.enqueue_indirect_dma source(%dma_start3A_126 : memref<10000x64xf32, #tpu.memory_space<hbm>>) target(%arg15 : memref<80x64xf32, #tpu.memory_space<vmem>>) offsets(%arg8 : memref<80xi32, #tpu.memory_space<vmem>>) semaphore(%arg22 : memref<!tpu.dma_semaphore, #tpu.memory_space<semaphore_mem>>)
      %dma_wait3A_127 = arith.constant 0 : i32
      %dma_wait3A_128 = arith.constant 0 : i32
      %dma_wait3A_129 = tpu.memref_slice %arg4[%dma_wait3A_127, %dma_wait3A_128] : memref<10000x16xf32, #tpu.memory_space<hbm>> -> memref<10000x16xf32, #tpu.memory_space<hbm>>
      tpu.wait_indirect_dma semaphore(%arg22 : memref<!tpu.dma_semaphore, #tpu.memory_space<semaphore_mem>>) src(%dma_wait3A_129 : memref<10000x16xf32, #tpu.memory_space<hbm>>) dst(%arg13 : memref<80x16xf32, #tpu.memory_space<vmem>>)
      %dma_wait3A_130 = arith.constant 0 : i32
      %dma_wait3A_131 = arith.constant 0 : i32
      %dma_wait3A_132 = tpu.memref_slice %arg5[%dma_wait3A_130, %dma_wait3A_131] : memref<10000x16xf32, #tpu.memory_space<hbm>> -> memref<10000x16xf32, #tpu.memory_space<hbm>>
      tpu.wait_indirect_dma semaphore(%arg22 : memref<!tpu.dma_semaphore, #tpu.memory_space<semaphore_mem>>) src(%dma_wait3A_132 : memref<10000x16xf32, #tpu.memory_space<hbm>>) dst(%arg14 : memref<80x16xf32, #tpu.memory_space<vmem>>)
      %dma_wait3A_133 = arith.constant 0 : i32
      %dma_wait3A_134 = arith.constant 0 : i32
      %dma_wait3A_135 = tpu.memref_slice %arg6[%dma_wait3A_133, %dma_wait3A_134] : memref<10000x64xf32, #tpu.memory_space<hbm>> -> memref<10000x64xf32, #tpu.memory_space<hbm>>
      tpu.wait_indirect_dma semaphore(%arg22 : memref<!tpu.dma_semaphore, #tpu.memory_space<semaphore_mem>>) src(%dma_wait3A_135 : memref<10000x64xf32, #tpu.memory_space<hbm>>) dst(%arg15 : memref<80x64xf32, #tpu.memory_space<vmem>>)
      %scan3A_136 = arith.constant 0 : i32
      %scan3A_137 = arith.constant 80 : i32
      %scan3A_138 = arith.addi %scan3A_136, %scan3A_137 : i32
      %scan3A_139 = arith.constant 2 : i32
      scf.for %scan3A_220 = %scan3A_136 to %scan3A_138 step %scan3A_139  : i32 {
        %mul3A_221 = arith.constant 1 : i32
        %mul3A_222 = arith.muli %scan3A_220, %mul3A_221 : i32
        %add3A_223 = arith.constant 0 : i32
        %add3A_224 = arith.addi %add3A_223, %mul3A_222 : i32
        %get3A = arith.index_cast %add3A_224 : i32 to index
        %get3A_225 = arith.constant 0 : index
        %get3A_226 = tpu.vector_load %arg13[%get3A, %get3A_225] {strides = array<i32>} : memref<80x16xf32, #tpu.memory_space<vmem>>, vector<16xf32>,
        %get3A_227 = arith.index_cast %add3A_224 : i32 to index
        %get3A_228 = arith.constant 0 : index
        %get3A_229 = tpu.vector_load %arg14[%get3A_227, %get3A_228] {strides = array<i32>} : memref<80x16xf32, #tpu.memory_space<vmem>>, vector<16xf32>,
        %add3A_230 = arith.addf %get3A_226, %get3A_229 : vector<16xf32>
        %ge3A_231 = arith.constant 0.000000e+00 : f32
        %ge3A_232 = vector.broadcast %ge3A_231 : f32 to vector<16xf32>
        %ge3A_233 = arith.cmpf oge, %add3A_230, %ge3A_232 : vector<16xf32>
        %mul3A_234 = arith.constant 2.000000e-01 : f32
        %mul3A_235 = vector.broadcast %mul3A_234 : f32 to vector<16xf32>
        %mul3A_236 = arith.mulf %mul3A_235, %add3A_230 : vector<16xf32>
        %select_n3A = arith.select %ge3A_233, %add3A_230, %mul3A_236 : vector<16xi1>, vector<16xf32>
        %exp3A = math.exp %select_n3A : vector<16xf32>
        %jit3A = arith.constant 0.000000e+00 : f32
        %broadcast_in_dim3A_237 = vector.broadcast %jit3A : f32 to vector<16xf32>
        %select_n3A_238 = arith.select %lt3A_3, %exp3A, %broadcast_in_dim3A_237 : vector<16xi1>, vector<16xf32>
        %swap3A = arith.index_cast %add3A_224 : i32 to index
        %swap3A_239 = arith.constant 64 : index
        %swap3A_240 = tpu.vector_load %arg17[%swap3A, %swap3A_239] {strides = array<i32>} : memref<80x80xf32, #tpu.memory_space<vmem>>, vector<16xf32>,
        tpu.vector_store %arg17[%swap3A, %swap3A_239], %select_n3A_238 {strides = array<i32>} : memref<80x80xf32, #tpu.memory_space<vmem>>, vector<16xf32>,
        %mul3A_241 = arith.constant 16 : i32
        %mul3A_242 = arith.muli %add3A_224, %mul3A_241 : i32
        %swap3A_243 = arith.index_cast %mul3A_242 : i32 to index
        %swap3A_244 = tpu.vector_load %arg20[%swap3A_243] {strides = array<i32>} : memref<1280xf32, #tpu.memory_space<vmem>>, vector<16xf32>,
        tpu.vector_store %arg20[%swap3A_243], %select_n3A_238 {strides = array<i32>} : memref<1280xf32, #tpu.memory_space<vmem>>, vector<16xf32>,
        %mul3A_245 = arith.constant 16 : i32
        %mul3A_246 = arith.muli %add3A_224, %mul3A_245 : i32
        %add3A_247 = arith.constant 0 : i32
        %add3A_248 = arith.addi %mul3A_246, %add3A_247 : i32
        %broadcast_in_dim3A_249 = vector.broadcast %add3A_248 : i32 to vector<16xi32>
        %gather3A = tpu.vector_load_idx %arg20[%broadcast_in_dim3A_249] : memref<1280xf32, #tpu.memory_space<vmem>>[vector<16xi32>], vector<16xf32>,
        %get3A_250 = arith.index_cast %add3A_224 : i32 to index
        %get3A_251 = arith.constant 0 : index
        %get3A_252 = tpu.vector_load %arg15[%get3A_250, %get3A_251] {strides = array<i32>} : memref<80x64xf32, #tpu.memory_space<vmem>>, vector<16xf32>,
        %mul3A_253 = arith.mulf %get3A_252, %gather3A : vector<16xf32>
        %swap3A_254 = arith.index_cast %add3A_224 : i32 to index
        %swap3A_255 = arith.constant 0 : index
        %swap3A_256 = tpu.vector_load %arg17[%swap3A_254, %swap3A_255] {strides = array<i32>} : memref<80x80xf32, #tpu.memory_space<vmem>>, vector<16xf32>,
        tpu.vector_store %arg17[%swap3A_254, %swap3A_255], %mul3A_253 {strides = array<i32>} : memref<80x80xf32, #tpu.memory_space<vmem>>, vector<16xf32>,
        %get3A_257 = arith.index_cast %add3A_224 : i32 to index
        %get3A_258 = arith.constant 16 : index
        %get3A_259 = tpu.vector_load %arg15[%get3A_257, %get3A_258] {strides = array<i32>} : memref<80x64xf32, #tpu.memory_space<vmem>>, vector<16xf32>,
        %mul3A_260 = arith.mulf %get3A_259, %gather3A : vector<16xf32>
        %swap3A_261 = arith.index_cast %add3A_224 : i32 to index
        %swap3A_262 = arith.constant 16 : index
        %swap3A_263 = tpu.vector_load %arg17[%swap3A_261, %swap3A_262] {strides = array<i32>} : memref<80x80xf32, #tpu.memory_space<vmem>>, vector<16xf32>,
        tpu.vector_store %arg17[%swap3A_261, %swap3A_262], %mul3A_260 {strides = array<i32>} : memref<80x80xf32, #tpu.memory_space<vmem>>, vector<16xf32>,
        %get3A_264 = arith.index_cast %add3A_224 : i32 to index
        %get3A_265 = arith.constant 32 : index
        %get3A_266 = tpu.vector_load %arg15[%get3A_264, %get3A_265] {strides = array<i32>} : memref<80x64xf32, #tpu.memory_space<vmem>>, vector<16xf32>,
        %mul3A_267 = arith.mulf %get3A_266, %gather3A : vector<16xf32>
        %swap3A_268 = arith.index_cast %add3A_224 : i32 to index
        %swap3A_269 = arith.constant 32 : index
        %swap3A_270 = tpu.vector_load %arg17[%swap3A_268, %swap3A_269] {strides = array<i32>} : memref<80x80xf32, #tpu.memory_space<vmem>>, vector<16xf32>,
        tpu.vector_store %arg17[%swap3A_268, %swap3A_269], %mul3A_267 {strides = array<i32>} : memref<80x80xf32, #tpu.memory_space<vmem>>, vector<16xf32>,
        %get3A_271 = arith.index_cast %add3A_224 : i32 to index
        %get3A_272 = arith.constant 48 : index
        %get3A_273 = tpu.vector_load %arg15[%get3A_271, %get3A_272] {strides = array<i32>} : memref<80x64xf32, #tpu.memory_space<vmem>>, vector<16xf32>,
        %mul3A_274 = arith.mulf %get3A_273, %gather3A : vector<16xf32>
        %swap3A_275 = arith.index_cast %add3A_224 : i32 to index
        %swap3A_276 = arith.constant 48 : index
        %swap3A_277 = tpu.vector_load %arg17[%swap3A_275, %swap3A_276] {strides = array<i32>} : memref<80x80xf32, #tpu.memory_space<vmem>>, vector<16xf32>,
        tpu.vector_store %arg17[%swap3A_275, %swap3A_276], %mul3A_274 {strides = array<i32>} : memref<80x80xf32, #tpu.memory_space<vmem>>, vector<16xf32>,
        %scan3A_278 = arith.constant 1 : i32
        %scan3A_279 = arith.addi %scan3A_220, %scan3A_278 : i32
        %mul3A_280 = arith.constant 1 : i32
        %mul3A_281 = arith.muli %scan3A_279, %mul3A_280 : i32
        %add3A_282 = arith.constant 0 : i32
        %add3A_283 = arith.addi %add3A_282, %mul3A_281 : i32
        %get3A_284 = arith.index_cast %add3A_283 : i32 to index
        %get3A_285 = arith.constant 0 : index
        %get3A_286 = tpu.vector_load %arg13[%get3A_284, %get3A_285] {strides = array<i32>} : memref<80x16xf32, #tpu.memory_space<vmem>>, vector<16xf32>,
        %get3A_287 = arith.index_cast %add3A_283 : i32 to index
        %get3A_288 = arith.constant 0 : index
        %get3A_289 = tpu.vector_load %arg14[%get3A_287, %get3A_288] {strides = array<i32>} : memref<80x16xf32, #tpu.memory_space<vmem>>, vector<16xf32>,
        %add3A_290 = arith.addf %get3A_286, %get3A_289 : vector<16xf32>
        %ge3A_291 = arith.constant 0.000000e+00 : f32
        %ge3A_292 = vector.broadcast %ge3A_291 : f32 to vector<16xf32>
        %ge3A_293 = arith.cmpf oge, %add3A_290, %ge3A_292 : vector<16xf32>
        %mul3A_294 = arith.constant 2.000000e-01 : f32
        %mul3A_295 = vector.broadcast %mul3A_294 : f32 to vector<16xf32>
        %mul3A_296 = arith.mulf %mul3A_295, %add3A_290 : vector<16xf32>
        %select_n3A_297 = arith.select %ge3A_293, %add3A_290, %mul3A_296 : vector<16xi1>, vector<16xf32>
        %exp3A_298 = math.exp %select_n3A_297 : vector<16xf32>
        %jit3A_299 = arith.constant 0.000000e+00 : f32
        %broadcast_in_dim3A_300 = vector.broadcast %jit3A_299 : f32 to vector<16xf32>
        %select_n3A_301 = arith.select %lt3A_3, %exp3A_298, %broadcast_in_dim3A_300 : vector<16xi1>, vector<16xf32>
        %swap3A_302 = arith.index_cast %add3A_283 : i32 to index
        %swap3A_303 = arith.constant 64 : index
        %swap3A_304 = tpu.vector_load %arg17[%swap3A_302, %swap3A_303] {strides = array<i32>} : memref<80x80xf32, #tpu.memory_space<vmem>>, vector<16xf32>,
        tpu.vector_store %arg17[%swap3A_302, %swap3A_303], %select_n3A_301 {strides = array<i32>} : memref<80x80xf32, #tpu.memory_space<vmem>>, vector<16xf32>,
        %mul3A_305 = arith.constant 16 : i32
        %mul3A_306 = arith.muli %add3A_283, %mul3A_305 : i32
        %swap3A_307 = arith.index_cast %mul3A_306 : i32 to index
        %swap3A_308 = tpu.vector_load %arg20[%swap3A_307] {strides = array<i32>} : memref<1280xf32, #tpu.memory_space<vmem>>, vector<16xf32>,
        tpu.vector_store %arg20[%swap3A_307], %select_n3A_301 {strides = array<i32>} : memref<1280xf32, #tpu.memory_space<vmem>>, vector<16xf32>,
        %mul3A_309 = arith.constant 16 : i32
        %mul3A_310 = arith.muli %add3A_283, %mul3A_309 : i32
        %add3A_311 = arith.constant 0 : i32
        %add3A_312 = arith.addi %mul3A_310, %add3A_311 : i32
        %broadcast_in_dim3A_313 = vector.broadcast %add3A_312 : i32 to vector<16xi32>
        %gather3A_314 = tpu.vector_load_idx %arg20[%broadcast_in_dim3A_313] : memref<1280xf32, #tpu.memory_space<vmem>>[vector<16xi32>], vector<16xf32>,
        %get3A_315 = arith.index_cast %add3A_283 : i32 to index
        %get3A_316 = arith.constant 0 : index
        %get3A_317 = tpu.vector_load %arg15[%get3A_315, %get3A_316] {strides = array<i32>} : memref<80x64xf32, #tpu.memory_space<vmem>>, vector<16xf32>,
        %mul3A_318 = arith.mulf %get3A_317, %gather3A_314 : vector<16xf32>
        %swap3A_319 = arith.index_cast %add3A_283 : i32 to index
        %swap3A_320 = arith.constant 0 : index
        %swap3A_321 = tpu.vector_load %arg17[%swap3A_319, %swap3A_320] {strides = array<i32>} : memref<80x80xf32, #tpu.memory_space<vmem>>, vector<16xf32>,
        tpu.vector_store %arg17[%swap3A_319, %swap3A_320], %mul3A_318 {strides = array<i32>} : memref<80x80xf32, #tpu.memory_space<vmem>>, vector<16xf32>,
        %get3A_322 = arith.index_cast %add3A_283 : i32 to index
        %get3A_323 = arith.constant 16 : index
        %get3A_324 = tpu.vector_load %arg15[%get3A_322, %get3A_323] {strides = array<i32>} : memref<80x64xf32, #tpu.memory_space<vmem>>, vector<16xf32>,
        %mul3A_325 = arith.mulf %get3A_324, %gather3A_314 : vector<16xf32>
        %swap3A_326 = arith.index_cast %add3A_283 : i32 to index
        %swap3A_327 = arith.constant 16 : index
        %swap3A_328 = tpu.vector_load %arg17[%swap3A_326, %swap3A_327] {strides = array<i32>} : memref<80x80xf32, #tpu.memory_space<vmem>>, vector<16xf32>,
        tpu.vector_store %arg17[%swap3A_326, %swap3A_327], %mul3A_325 {strides = array<i32>} : memref<80x80xf32, #tpu.memory_space<vmem>>, vector<16xf32>,
        %get3A_329 = arith.index_cast %add3A_283 : i32 to index
        %get3A_330 = arith.constant 32 : index
        %get3A_331 = tpu.vector_load %arg15[%get3A_329, %get3A_330] {strides = array<i32>} : memref<80x64xf32, #tpu.memory_space<vmem>>, vector<16xf32>,
        %mul3A_332 = arith.mulf %get3A_331, %gather3A_314 : vector<16xf32>
        %swap3A_333 = arith.index_cast %add3A_283 : i32 to index
        %swap3A_334 = arith.constant 32 : index
        %swap3A_335 = tpu.vector_load %arg17[%swap3A_333, %swap3A_334] {strides = array<i32>} : memref<80x80xf32, #tpu.memory_space<vmem>>, vector<16xf32>,
        tpu.vector_store %arg17[%swap3A_333, %swap3A_334], %mul3A_332 {strides = array<i32>} : memref<80x80xf32, #tpu.memory_space<vmem>>, vector<16xf32>,
        %get3A_336 = arith.index_cast %add3A_283 : i32 to index
        %get3A_337 = arith.constant 48 : index
        %get3A_338 = tpu.vector_load %arg15[%get3A_336, %get3A_337] {strides = array<i32>} : memref<80x64xf32, #tpu.memory_space<vmem>>, vector<16xf32>,
        %mul3A_339 = arith.mulf %get3A_338, %gather3A_314 : vector<16xf32>
        %swap3A_340 = arith.index_cast %add3A_283 : i32 to index
        %swap3A_341 = arith.constant 48 : index
        %swap3A_342 = tpu.vector_load %arg17[%swap3A_340, %swap3A_341] {strides = array<i32>} : memref<80x80xf32, #tpu.memory_space<vmem>>, vector<16xf32>,
        tpu.vector_store %arg17[%swap3A_340, %swap3A_341], %mul3A_339 {strides = array<i32>} : memref<80x80xf32, #tpu.memory_space<vmem>>, vector<16xf32>,
      }
      %scan3A_140 = arith.constant 80 : i32
      %dma_start3A_141 = arith.constant 0 : i32
      %dma_start3A_142 = arith.constant 0 : i32
      %dma_start3A_143 = tpu.memref_slice %arg21[%dma_start3A_141, %dma_start3A_142] : memref<10240x80xf32, #tpu.memory_space<vmem_shared>> -> memref<10240x80xf32, #tpu.memory_space<vmem_shared>>
      tpu.enqueue_indirect_dma source(%arg17 : memref<80x80xf32, #tpu.memory_space<vmem>>) target(%dma_start3A_143 : memref<10240x80xf32, #tpu.memory_space<vmem_shared>>) offsets(%arg10 : memref<80xi32, #tpu.memory_space<vmem>>) semaphore(%arg24 : memref<!tpu.dma_semaphore, #tpu.memory_space<semaphore_mem>>) {add = true}
      %add3A_144 = arith.constant 2 : i32
      %add3A_145 = arith.addi %add3A_70, %add3A_144 : i32
      %ge3A_146 = arith.constant 4 : i32
      %ge3A_147 = arith.cmpi sge, %add3A_145, %ge3A_146 : i32
      %convert_element_type3A_148 = arith.extui %ge3A_147 : i1 to i32
      %cond3A_149 = arith.constant 0 : i32
      %cond3A_150 = arith.cmpi ne, %convert_element_type3A_148, %cond3A_149 : i32
      scf.if %cond3A_150 {
        %dma_wait3A_220 = arith.constant 0 : i32
        %dma_wait3A_221 = arith.constant 0 : i32
        %dma_wait3A_222 = tpu.memref_slice %arg21[%dma_wait3A_220, %dma_wait3A_221] : memref<10240x80xf32, #tpu.memory_space<vmem_shared>> -> memref<10240x80xf32, #tpu.memory_space<vmem_shared>>
        tpu.wait_indirect_dma semaphore(%arg25 : memref<!tpu.dma_semaphore, #tpu.memory_space<semaphore_mem>>) src(%arg18 : memref<80x80xf32, #tpu.memory_space<vmem>>) dst(%dma_wait3A_222 : memref<10240x80xf32, #tpu.memory_space<vmem_shared>>)
      } else {
      }
      %mul3A_151 = arith.constant 10000 : i32
      %mul3A_152 = arith.muli %add3A, %mul3A_151 : i32
      %mul3A_153 = arith.constant 80 : i32
      %mul3A_154 = arith.muli %add3A_145, %mul3A_153 : i32
      %add3A_155 = arith.addi %mul3A_152, %mul3A_154 : i32
      "tpu.region"() ({
        %run_scoped3A = tpu.sem_alloc : memref<!tpu.dma_semaphore, #tpu.memory_space<semaphore_mem>>
        %dma_start3A_220 = tpu.memref_slice %arg2[%add3A_155] : memref<320000xi32, #tpu.memory_space<hbm>> -> memref<80xi32, #tpu.memory_space<hbm>>
        %dma_start3A_221 = tpu.memref_slice %arg2[%add3A_155] : memref<320000xi32, #tpu.memory_space<hbm>> -> memref<80xi32, #tpu.memory_space<hbm>>
        tpu.enqueue_dma source(%dma_start3A_221 : memref<80xi32, #tpu.memory_space<hbm>>) target(%arg8 : memref<80xi32, #tpu.memory_space<vmem>>) target_semaphore(%run_scoped3A : memref<!tpu.dma_semaphore, #tpu.memory_space<semaphore_mem>>)
        %dma_wait3A_222 = tpu.memref_slice %arg2[%add3A_155] : memref<320000xi32, #tpu.memory_space<hbm>> -> memref<80xi32, #tpu.memory_space<hbm>>
        %dma_wait3A_223 = tpu.memref_slice %arg2[%add3A_155] : memref<320000xi32, #tpu.memory_space<hbm>> -> memref<80xi32, #tpu.memory_space<hbm>>
        tpu.wait_dma2 semaphore(%run_scoped3A : memref<!tpu.dma_semaphore, #tpu.memory_space<semaphore_mem>>) src(%dma_wait3A_223 : memref<80xi32, #tpu.memory_space<hbm>>) dst(%arg8 : memref<80xi32, #tpu.memory_space<vmem>>)
        tpu.yield
      }) : () -> ()
      "tpu.region"() ({
        %run_scoped3A = tpu.sem_alloc : memref<!tpu.dma_semaphore, #tpu.memory_space<semaphore_mem>>
        %dma_start3A_220 = tpu.memref_slice %arg3[%add3A_155] : memref<320000xi32, #tpu.memory_space<hbm>> -> memref<80xi32, #tpu.memory_space<hbm>>
        %dma_start3A_221 = tpu.memref_slice %arg3[%add3A_155] : memref<320000xi32, #tpu.memory_space<hbm>> -> memref<80xi32, #tpu.memory_space<hbm>>
        tpu.enqueue_dma source(%dma_start3A_221 : memref<80xi32, #tpu.memory_space<hbm>>) target(%arg11 : memref<80xi32, #tpu.memory_space<vmem>>) target_semaphore(%run_scoped3A : memref<!tpu.dma_semaphore, #tpu.memory_space<semaphore_mem>>)
        %dma_wait3A_222 = tpu.memref_slice %arg3[%add3A_155] : memref<320000xi32, #tpu.memory_space<hbm>> -> memref<80xi32, #tpu.memory_space<hbm>>
        %dma_wait3A_223 = tpu.memref_slice %arg3[%add3A_155] : memref<320000xi32, #tpu.memory_space<hbm>> -> memref<80xi32, #tpu.memory_space<hbm>>
        tpu.wait_dma2 semaphore(%run_scoped3A : memref<!tpu.dma_semaphore, #tpu.memory_space<semaphore_mem>>) src(%dma_wait3A_223 : memref<80xi32, #tpu.memory_space<hbm>>) dst(%arg11 : memref<80xi32, #tpu.memory_space<vmem>>)
        tpu.yield
      }) : () -> ()
      %dma_start3A_156 = arith.constant 0 : i32
      %dma_start3A_157 = arith.constant 0 : i32
      %dma_start3A_158 = tpu.memref_slice %arg4[%dma_start3A_156, %dma_start3A_157] : memref<10000x16xf32, #tpu.memory_space<hbm>> -> memref<10000x16xf32, #tpu.memory_space<hbm>>
      tpu.enqueue_indirect_dma source(%dma_start3A_158 : memref<10000x16xf32, #tpu.memory_space<hbm>>) target(%arg13 : memref<80x16xf32, #tpu.memory_space<vmem>>) offsets(%arg8 : memref<80xi32, #tpu.memory_space<vmem>>) semaphore(%arg22 : memref<!tpu.dma_semaphore, #tpu.memory_space<semaphore_mem>>)
      %dma_start3A_159 = arith.constant 0 : i32
      %dma_start3A_160 = arith.constant 0 : i32
      %dma_start3A_161 = tpu.memref_slice %arg5[%dma_start3A_159, %dma_start3A_160] : memref<10000x16xf32, #tpu.memory_space<hbm>> -> memref<10000x16xf32, #tpu.memory_space<hbm>>
      tpu.enqueue_indirect_dma source(%dma_start3A_161 : memref<10000x16xf32, #tpu.memory_space<hbm>>) target(%arg14 : memref<80x16xf32, #tpu.memory_space<vmem>>) offsets(%arg11 : memref<80xi32, #tpu.memory_space<vmem>>) semaphore(%arg22 : memref<!tpu.dma_semaphore, #tpu.memory_space<semaphore_mem>>)
      %dma_start3A_162 = arith.constant 0 : i32
      %dma_start3A_163 = arith.constant 0 : i32
      %dma_start3A_164 = tpu.memref_slice %arg6[%dma_start3A_162, %dma_start3A_163] : memref<10000x64xf32, #tpu.memory_space<hbm>> -> memref<10000x64xf32, #tpu.memory_space<hbm>>
      tpu.enqueue_indirect_dma source(%dma_start3A_164 : memref<10000x64xf32, #tpu.memory_space<hbm>>) target(%arg15 : memref<80x64xf32, #tpu.memory_space<vmem>>) offsets(%arg8 : memref<80xi32, #tpu.memory_space<vmem>>) semaphore(%arg22 : memref<!tpu.dma_semaphore, #tpu.memory_space<semaphore_mem>>)
      %dma_wait3A_165 = arith.constant 0 : i32
      %dma_wait3A_166 = arith.constant 0 : i32
      %dma_wait3A_167 = tpu.memref_slice %arg4[%dma_wait3A_165, %dma_wait3A_166] : memref<10000x16xf32, #tpu.memory_space<hbm>> -> memref<10000x16xf32, #tpu.memory_space<hbm>>
      tpu.wait_indirect_dma semaphore(%arg22 : memref<!tpu.dma_semaphore, #tpu.memory_space<semaphore_mem>>) src(%dma_wait3A_167 : memref<10000x16xf32, #tpu.memory_space<hbm>>) dst(%arg13 : memref<80x16xf32, #tpu.memory_space<vmem>>)
      %dma_wait3A_168 = arith.constant 0 : i32
      %dma_wait3A_169 = arith.constant 0 : i32
      %dma_wait3A_170 = tpu.memref_slice %arg5[%dma_wait3A_168, %dma_wait3A_169] : memref<10000x16xf32, #tpu.memory_space<hbm>> -> memref<10000x16xf32, #tpu.memory_space<hbm>>
      tpu.wait_indirect_dma semaphore(%arg22 : memref<!tpu.dma_semaphore, #tpu.memory_space<semaphore_mem>>) src(%dma_wait3A_170 : memref<10000x16xf32, #tpu.memory_space<hbm>>) dst(%arg14 : memref<80x16xf32, #tpu.memory_space<vmem>>)
      %dma_wait3A_171 = arith.constant 0 : i32
      %dma_wait3A_172 = arith.constant 0 : i32
      %dma_wait3A_173 = tpu.memref_slice %arg6[%dma_wait3A_171, %dma_wait3A_172] : memref<10000x64xf32, #tpu.memory_space<hbm>> -> memref<10000x64xf32, #tpu.memory_space<hbm>>
      tpu.wait_indirect_dma semaphore(%arg22 : memref<!tpu.dma_semaphore, #tpu.memory_space<semaphore_mem>>) src(%dma_wait3A_173 : memref<10000x64xf32, #tpu.memory_space<hbm>>) dst(%arg15 : memref<80x64xf32, #tpu.memory_space<vmem>>)
      %scan3A_174 = arith.constant 0 : i32
      %scan3A_175 = arith.constant 80 : i32
      %scan3A_176 = arith.addi %scan3A_174, %scan3A_175 : i32
      %scan3A_177 = arith.constant 2 : i32
      scf.for %scan3A_220 = %scan3A_174 to %scan3A_176 step %scan3A_177  : i32 {
        %mul3A_221 = arith.constant 1 : i32
        %mul3A_222 = arith.muli %scan3A_220, %mul3A_221 : i32
        %add3A_223 = arith.constant 0 : i32
        %add3A_224 = arith.addi %add3A_223, %mul3A_222 : i32
        %get3A = arith.index_cast %add3A_224 : i32 to index
        %get3A_225 = arith.constant 0 : index
        %get3A_226 = tpu.vector_load %arg13[%get3A, %get3A_225] {strides = array<i32>} : memref<80x16xf32, #tpu.memory_space<vmem>>, vector<16xf32>,
        %get3A_227 = arith.index_cast %add3A_224 : i32 to index
        %get3A_228 = arith.constant 0 : index
        %get3A_229 = tpu.vector_load %arg14[%get3A_227, %get3A_228] {strides = array<i32>} : memref<80x16xf32, #tpu.memory_space<vmem>>, vector<16xf32>,
        %add3A_230 = arith.addf %get3A_226, %get3A_229 : vector<16xf32>
        %ge3A_231 = arith.constant 0.000000e+00 : f32
        %ge3A_232 = vector.broadcast %ge3A_231 : f32 to vector<16xf32>
        %ge3A_233 = arith.cmpf oge, %add3A_230, %ge3A_232 : vector<16xf32>
        %mul3A_234 = arith.constant 2.000000e-01 : f32
        %mul3A_235 = vector.broadcast %mul3A_234 : f32 to vector<16xf32>
        %mul3A_236 = arith.mulf %mul3A_235, %add3A_230 : vector<16xf32>
        %select_n3A = arith.select %ge3A_233, %add3A_230, %mul3A_236 : vector<16xi1>, vector<16xf32>
        %exp3A = math.exp %select_n3A : vector<16xf32>
        %jit3A = arith.constant 0.000000e+00 : f32
        %broadcast_in_dim3A_237 = vector.broadcast %jit3A : f32 to vector<16xf32>
        %select_n3A_238 = arith.select %lt3A_3, %exp3A, %broadcast_in_dim3A_237 : vector<16xi1>, vector<16xf32>
        %swap3A = arith.index_cast %add3A_224 : i32 to index
        %swap3A_239 = arith.constant 64 : index
        %swap3A_240 = tpu.vector_load %arg18[%swap3A, %swap3A_239] {strides = array<i32>} : memref<80x80xf32, #tpu.memory_space<vmem>>, vector<16xf32>,
        tpu.vector_store %arg18[%swap3A, %swap3A_239], %select_n3A_238 {strides = array<i32>} : memref<80x80xf32, #tpu.memory_space<vmem>>, vector<16xf32>,
        %mul3A_241 = arith.constant 16 : i32
        %mul3A_242 = arith.muli %add3A_224, %mul3A_241 : i32
        %swap3A_243 = arith.index_cast %mul3A_242 : i32 to index
        %swap3A_244 = tpu.vector_load %arg20[%swap3A_243] {strides = array<i32>} : memref<1280xf32, #tpu.memory_space<vmem>>, vector<16xf32>,
        tpu.vector_store %arg20[%swap3A_243], %select_n3A_238 {strides = array<i32>} : memref<1280xf32, #tpu.memory_space<vmem>>, vector<16xf32>,
        %mul3A_245 = arith.constant 16 : i32
        %mul3A_246 = arith.muli %add3A_224, %mul3A_245 : i32
        %add3A_247 = arith.constant 0 : i32
        %add3A_248 = arith.addi %mul3A_246, %add3A_247 : i32
        %broadcast_in_dim3A_249 = vector.broadcast %add3A_248 : i32 to vector<16xi32>
        %gather3A = tpu.vector_load_idx %arg20[%broadcast_in_dim3A_249] : memref<1280xf32, #tpu.memory_space<vmem>>[vector<16xi32>], vector<16xf32>,
        %get3A_250 = arith.index_cast %add3A_224 : i32 to index
        %get3A_251 = arith.constant 0 : index
        %get3A_252 = tpu.vector_load %arg15[%get3A_250, %get3A_251] {strides = array<i32>} : memref<80x64xf32, #tpu.memory_space<vmem>>, vector<16xf32>,
        %mul3A_253 = arith.mulf %get3A_252, %gather3A : vector<16xf32>
        %swap3A_254 = arith.index_cast %add3A_224 : i32 to index
        %swap3A_255 = arith.constant 0 : index
        %swap3A_256 = tpu.vector_load %arg18[%swap3A_254, %swap3A_255] {strides = array<i32>} : memref<80x80xf32, #tpu.memory_space<vmem>>, vector<16xf32>,
        tpu.vector_store %arg18[%swap3A_254, %swap3A_255], %mul3A_253 {strides = array<i32>} : memref<80x80xf32, #tpu.memory_space<vmem>>, vector<16xf32>,
        %get3A_257 = arith.index_cast %add3A_224 : i32 to index
        %get3A_258 = arith.constant 16 : index
        %get3A_259 = tpu.vector_load %arg15[%get3A_257, %get3A_258] {strides = array<i32>} : memref<80x64xf32, #tpu.memory_space<vmem>>, vector<16xf32>,
        %mul3A_260 = arith.mulf %get3A_259, %gather3A : vector<16xf32>
        %swap3A_261 = arith.index_cast %add3A_224 : i32 to index
        %swap3A_262 = arith.constant 16 : index
        %swap3A_263 = tpu.vector_load %arg18[%swap3A_261, %swap3A_262] {strides = array<i32>} : memref<80x80xf32, #tpu.memory_space<vmem>>, vector<16xf32>,
        tpu.vector_store %arg18[%swap3A_261, %swap3A_262], %mul3A_260 {strides = array<i32>} : memref<80x80xf32, #tpu.memory_space<vmem>>, vector<16xf32>,
        %get3A_264 = arith.index_cast %add3A_224 : i32 to index
        %get3A_265 = arith.constant 32 : index
        %get3A_266 = tpu.vector_load %arg15[%get3A_264, %get3A_265] {strides = array<i32>} : memref<80x64xf32, #tpu.memory_space<vmem>>, vector<16xf32>,
        %mul3A_267 = arith.mulf %get3A_266, %gather3A : vector<16xf32>
        %swap3A_268 = arith.index_cast %add3A_224 : i32 to index
        %swap3A_269 = arith.constant 32 : index
        %swap3A_270 = tpu.vector_load %arg18[%swap3A_268, %swap3A_269] {strides = array<i32>} : memref<80x80xf32, #tpu.memory_space<vmem>>, vector<16xf32>,
        tpu.vector_store %arg18[%swap3A_268, %swap3A_269], %mul3A_267 {strides = array<i32>} : memref<80x80xf32, #tpu.memory_space<vmem>>, vector<16xf32>,
        %get3A_271 = arith.index_cast %add3A_224 : i32 to index
        %get3A_272 = arith.constant 48 : index
        %get3A_273 = tpu.vector_load %arg15[%get3A_271, %get3A_272] {strides = array<i32>} : memref<80x64xf32, #tpu.memory_space<vmem>>, vector<16xf32>,
        %mul3A_274 = arith.mulf %get3A_273, %gather3A : vector<16xf32>
        %swap3A_275 = arith.index_cast %add3A_224 : i32 to index
        %swap3A_276 = arith.constant 48 : index
        %swap3A_277 = tpu.vector_load %arg18[%swap3A_275, %swap3A_276] {strides = array<i32>} : memref<80x80xf32, #tpu.memory_space<vmem>>, vector<16xf32>,
        tpu.vector_store %arg18[%swap3A_275, %swap3A_276], %mul3A_274 {strides = array<i32>} : memref<80x80xf32, #tpu.memory_space<vmem>>, vector<16xf32>,
        %scan3A_278 = arith.constant 1 : i32
        %scan3A_279 = arith.addi %scan3A_220, %scan3A_278 : i32
        %mul3A_280 = arith.constant 1 : i32
        %mul3A_281 = arith.muli %scan3A_279, %mul3A_280 : i32
        %add3A_282 = arith.constant 0 : i32
        %add3A_283 = arith.addi %add3A_282, %mul3A_281 : i32
        %get3A_284 = arith.index_cast %add3A_283 : i32 to index
        %get3A_285 = arith.constant 0 : index
        %get3A_286 = tpu.vector_load %arg13[%get3A_284, %get3A_285] {strides = array<i32>} : memref<80x16xf32, #tpu.memory_space<vmem>>, vector<16xf32>,
        %get3A_287 = arith.index_cast %add3A_283 : i32 to index
        %get3A_288 = arith.constant 0 : index
        %get3A_289 = tpu.vector_load %arg14[%get3A_287, %get3A_288] {strides = array<i32>} : memref<80x16xf32, #tpu.memory_space<vmem>>, vector<16xf32>,
        %add3A_290 = arith.addf %get3A_286, %get3A_289 : vector<16xf32>
        %ge3A_291 = arith.constant 0.000000e+00 : f32
        %ge3A_292 = vector.broadcast %ge3A_291 : f32 to vector<16xf32>
        %ge3A_293 = arith.cmpf oge, %add3A_290, %ge3A_292 : vector<16xf32>
        %mul3A_294 = arith.constant 2.000000e-01 : f32
        %mul3A_295 = vector.broadcast %mul3A_294 : f32 to vector<16xf32>
        %mul3A_296 = arith.mulf %mul3A_295, %add3A_290 : vector<16xf32>
        %select_n3A_297 = arith.select %ge3A_293, %add3A_290, %mul3A_296 : vector<16xi1>, vector<16xf32>
        %exp3A_298 = math.exp %select_n3A_297 : vector<16xf32>
        %jit3A_299 = arith.constant 0.000000e+00 : f32
        %broadcast_in_dim3A_300 = vector.broadcast %jit3A_299 : f32 to vector<16xf32>
        %select_n3A_301 = arith.select %lt3A_3, %exp3A_298, %broadcast_in_dim3A_300 : vector<16xi1>, vector<16xf32>
        %swap3A_302 = arith.index_cast %add3A_283 : i32 to index
        %swap3A_303 = arith.constant 64 : index
        %swap3A_304 = tpu.vector_load %arg18[%swap3A_302, %swap3A_303] {strides = array<i32>} : memref<80x80xf32, #tpu.memory_space<vmem>>, vector<16xf32>,
        tpu.vector_store %arg18[%swap3A_302, %swap3A_303], %select_n3A_301 {strides = array<i32>} : memref<80x80xf32, #tpu.memory_space<vmem>>, vector<16xf32>,
        %mul3A_305 = arith.constant 16 : i32
        %mul3A_306 = arith.muli %add3A_283, %mul3A_305 : i32
        %swap3A_307 = arith.index_cast %mul3A_306 : i32 to index
        %swap3A_308 = tpu.vector_load %arg20[%swap3A_307] {strides = array<i32>} : memref<1280xf32, #tpu.memory_space<vmem>>, vector<16xf32>,
        tpu.vector_store %arg20[%swap3A_307], %select_n3A_301 {strides = array<i32>} : memref<1280xf32, #tpu.memory_space<vmem>>, vector<16xf32>,
        %mul3A_309 = arith.constant 16 : i32
        %mul3A_310 = arith.muli %add3A_283, %mul3A_309 : i32
        %add3A_311 = arith.constant 0 : i32
        %add3A_312 = arith.addi %mul3A_310, %add3A_311 : i32
        %broadcast_in_dim3A_313 = vector.broadcast %add3A_312 : i32 to vector<16xi32>
        %gather3A_314 = tpu.vector_load_idx %arg20[%broadcast_in_dim3A_313] : memref<1280xf32, #tpu.memory_space<vmem>>[vector<16xi32>], vector<16xf32>,
        %get3A_315 = arith.index_cast %add3A_283 : i32 to index
        %get3A_316 = arith.constant 0 : index
        %get3A_317 = tpu.vector_load %arg15[%get3A_315, %get3A_316] {strides = array<i32>} : memref<80x64xf32, #tpu.memory_space<vmem>>, vector<16xf32>,
        %mul3A_318 = arith.mulf %get3A_317, %gather3A_314 : vector<16xf32>
        %swap3A_319 = arith.index_cast %add3A_283 : i32 to index
        %swap3A_320 = arith.constant 0 : index
        %swap3A_321 = tpu.vector_load %arg18[%swap3A_319, %swap3A_320] {strides = array<i32>} : memref<80x80xf32, #tpu.memory_space<vmem>>, vector<16xf32>,
        tpu.vector_store %arg18[%swap3A_319, %swap3A_320], %mul3A_318 {strides = array<i32>} : memref<80x80xf32, #tpu.memory_space<vmem>>, vector<16xf32>,
        %get3A_322 = arith.index_cast %add3A_283 : i32 to index
        %get3A_323 = arith.constant 16 : index
        %get3A_324 = tpu.vector_load %arg15[%get3A_322, %get3A_323] {strides = array<i32>} : memref<80x64xf32, #tpu.memory_space<vmem>>, vector<16xf32>,
        %mul3A_325 = arith.mulf %get3A_324, %gather3A_314 : vector<16xf32>
        %swap3A_326 = arith.index_cast %add3A_283 : i32 to index
        %swap3A_327 = arith.constant 16 : index
        %swap3A_328 = tpu.vector_load %arg18[%swap3A_326, %swap3A_327] {strides = array<i32>} : memref<80x80xf32, #tpu.memory_space<vmem>>, vector<16xf32>,
        tpu.vector_store %arg18[%swap3A_326, %swap3A_327], %mul3A_325 {strides = array<i32>} : memref<80x80xf32, #tpu.memory_space<vmem>>, vector<16xf32>,
        %get3A_329 = arith.index_cast %add3A_283 : i32 to index
        %get3A_330 = arith.constant 32 : index
        %get3A_331 = tpu.vector_load %arg15[%get3A_329, %get3A_330] {strides = array<i32>} : memref<80x64xf32, #tpu.memory_space<vmem>>, vector<16xf32>,
        %mul3A_332 = arith.mulf %get3A_331, %gather3A_314 : vector<16xf32>
        %swap3A_333 = arith.index_cast %add3A_283 : i32 to index
        %swap3A_334 = arith.constant 32 : index
        %swap3A_335 = tpu.vector_load %arg18[%swap3A_333, %swap3A_334] {strides = array<i32>} : memref<80x80xf32, #tpu.memory_space<vmem>>, vector<16xf32>,
        tpu.vector_store %arg18[%swap3A_333, %swap3A_334], %mul3A_332 {strides = array<i32>} : memref<80x80xf32, #tpu.memory_space<vmem>>, vector<16xf32>,
        %get3A_336 = arith.index_cast %add3A_283 : i32 to index
        %get3A_337 = arith.constant 48 : index
        %get3A_338 = tpu.vector_load %arg15[%get3A_336, %get3A_337] {strides = array<i32>} : memref<80x64xf32, #tpu.memory_space<vmem>>, vector<16xf32>,
        %mul3A_339 = arith.mulf %get3A_338, %gather3A_314 : vector<16xf32>
        %swap3A_340 = arith.index_cast %add3A_283 : i32 to index
        %swap3A_341 = arith.constant 48 : index
        %swap3A_342 = tpu.vector_load %arg18[%swap3A_340, %swap3A_341] {strides = array<i32>} : memref<80x80xf32, #tpu.memory_space<vmem>>, vector<16xf32>,
        tpu.vector_store %arg18[%swap3A_340, %swap3A_341], %mul3A_339 {strides = array<i32>} : memref<80x80xf32, #tpu.memory_space<vmem>>, vector<16xf32>,
      }
      %scan3A_178 = arith.constant 80 : i32
      %dma_start3A_179 = arith.constant 0 : i32
      %dma_start3A_180 = arith.constant 0 : i32
      %dma_start3A_181 = tpu.memref_slice %arg21[%dma_start3A_179, %dma_start3A_180] : memref<10240x80xf32, #tpu.memory_space<vmem_shared>> -> memref<10240x80xf32, #tpu.memory_space<vmem_shared>>
      tpu.enqueue_indirect_dma source(%arg18 : memref<80x80xf32, #tpu.memory_space<vmem>>) target(%dma_start3A_181 : memref<10240x80xf32, #tpu.memory_space<vmem_shared>>) offsets(%arg11 : memref<80xi32, #tpu.memory_space<vmem>>) semaphore(%arg25 : memref<!tpu.dma_semaphore, #tpu.memory_space<semaphore_mem>>) {add = true}
      %add3A_182 = arith.constant 3 : i32
      %add3A_183 = arith.addi %add3A_70, %add3A_182 : i32
      %ge3A_184 = arith.constant 4 : i32
      %ge3A_185 = arith.cmpi sge, %add3A_183, %ge3A_184 : i32
      %convert_element_type3A_186 = arith.extui %ge3A_185 : i1 to i32
      %cond3A_187 = arith.constant 0 : i32
      %cond3A_188 = arith.cmpi ne, %convert_element_type3A_186, %cond3A_187 : i32
      scf.if %cond3A_188 {
        %dma_wait3A_220 = arith.constant 0 : i32
        %dma_wait3A_221 = arith.constant 0 : i32
        %dma_wait3A_222 = tpu.memref_slice %arg21[%dma_wait3A_220, %dma_wait3A_221] : memref<10240x80xf32, #tpu.memory_space<vmem_shared>> -> memref<10240x80xf32, #tpu.memory_space<vmem_shared>>
        tpu.wait_indirect_dma semaphore(%arg26 : memref<!tpu.dma_semaphore, #tpu.memory_space<semaphore_mem>>) src(%arg19 : memref<80x80xf32, #tpu.memory_space<vmem>>) dst(%dma_wait3A_222 : memref<10240x80xf32, #tpu.memory_space<vmem_shared>>)
      } else {
      }
      %mul3A_189 = arith.constant 10000 : i32
      %mul3A_190 = arith.muli %add3A, %mul3A_189 : i32
      %mul3A_191 = arith.constant 80 : i32
      %mul3A_192 = arith.muli %add3A_183, %mul3A_191 : i32
      %add3A_193 = arith.addi %mul3A_190, %mul3A_192 : i32
      "tpu.region"() ({
        %run_scoped3A = tpu.sem_alloc : memref<!tpu.dma_semaphore, #tpu.memory_space<semaphore_mem>>
        %dma_start3A_220 = tpu.memref_slice %arg2[%add3A_193] : memref<320000xi32, #tpu.memory_space<hbm>> -> memref<80xi32, #tpu.memory_space<hbm>>
        %dma_start3A_221 = tpu.memref_slice %arg2[%add3A_193] : memref<320000xi32, #tpu.memory_space<hbm>> -> memref<80xi32, #tpu.memory_space<hbm>>
        tpu.enqueue_dma source(%dma_start3A_221 : memref<80xi32, #tpu.memory_space<hbm>>) target(%arg8 : memref<80xi32, #tpu.memory_space<vmem>>) target_semaphore(%run_scoped3A : memref<!tpu.dma_semaphore, #tpu.memory_space<semaphore_mem>>)
        %dma_wait3A_222 = tpu.memref_slice %arg2[%add3A_193] : memref<320000xi32, #tpu.memory_space<hbm>> -> memref<80xi32, #tpu.memory_space<hbm>>
        %dma_wait3A_223 = tpu.memref_slice %arg2[%add3A_193] : memref<320000xi32, #tpu.memory_space<hbm>> -> memref<80xi32, #tpu.memory_space<hbm>>
        tpu.wait_dma2 semaphore(%run_scoped3A : memref<!tpu.dma_semaphore, #tpu.memory_space<semaphore_mem>>) src(%dma_wait3A_223 : memref<80xi32, #tpu.memory_space<hbm>>) dst(%arg8 : memref<80xi32, #tpu.memory_space<vmem>>)
        tpu.yield
      }) : () -> ()
      "tpu.region"() ({
        %run_scoped3A = tpu.sem_alloc : memref<!tpu.dma_semaphore, #tpu.memory_space<semaphore_mem>>
        %dma_start3A_220 = tpu.memref_slice %arg3[%add3A_193] : memref<320000xi32, #tpu.memory_space<hbm>> -> memref<80xi32, #tpu.memory_space<hbm>>
        %dma_start3A_221 = tpu.memref_slice %arg3[%add3A_193] : memref<320000xi32, #tpu.memory_space<hbm>> -> memref<80xi32, #tpu.memory_space<hbm>>
        tpu.enqueue_dma source(%dma_start3A_221 : memref<80xi32, #tpu.memory_space<hbm>>) target(%arg12 : memref<80xi32, #tpu.memory_space<vmem>>) target_semaphore(%run_scoped3A : memref<!tpu.dma_semaphore, #tpu.memory_space<semaphore_mem>>)
        %dma_wait3A_222 = tpu.memref_slice %arg3[%add3A_193] : memref<320000xi32, #tpu.memory_space<hbm>> -> memref<80xi32, #tpu.memory_space<hbm>>
        %dma_wait3A_223 = tpu.memref_slice %arg3[%add3A_193] : memref<320000xi32, #tpu.memory_space<hbm>> -> memref<80xi32, #tpu.memory_space<hbm>>
        tpu.wait_dma2 semaphore(%run_scoped3A : memref<!tpu.dma_semaphore, #tpu.memory_space<semaphore_mem>>) src(%dma_wait3A_223 : memref<80xi32, #tpu.memory_space<hbm>>) dst(%arg12 : memref<80xi32, #tpu.memory_space<vmem>>)
        tpu.yield
      }) : () -> ()
      %dma_start3A_194 = arith.constant 0 : i32
      %dma_start3A_195 = arith.constant 0 : i32
      %dma_start3A_196 = tpu.memref_slice %arg4[%dma_start3A_194, %dma_start3A_195] : memref<10000x16xf32, #tpu.memory_space<hbm>> -> memref<10000x16xf32, #tpu.memory_space<hbm>>
      tpu.enqueue_indirect_dma source(%dma_start3A_196 : memref<10000x16xf32, #tpu.memory_space<hbm>>) target(%arg13 : memref<80x16xf32, #tpu.memory_space<vmem>>) offsets(%arg8 : memref<80xi32, #tpu.memory_space<vmem>>) semaphore(%arg22 : memref<!tpu.dma_semaphore, #tpu.memory_space<semaphore_mem>>)
      %dma_start3A_197 = arith.constant 0 : i32
      %dma_start3A_198 = arith.constant 0 : i32
      %dma_start3A_199 = tpu.memref_slice %arg5[%dma_start3A_197, %dma_start3A_198] : memref<10000x16xf32, #tpu.memory_space<hbm>> -> memref<10000x16xf32, #tpu.memory_space<hbm>>
      tpu.enqueue_indirect_dma source(%dma_start3A_199 : memref<10000x16xf32, #tpu.memory_space<hbm>>) target(%arg14 : memref<80x16xf32, #tpu.memory_space<vmem>>) offsets(%arg12 : memref<80xi32, #tpu.memory_space<vmem>>) semaphore(%arg22 : memref<!tpu.dma_semaphore, #tpu.memory_space<semaphore_mem>>)
      %dma_start3A_200 = arith.constant 0 : i32
      %dma_start3A_201 = arith.constant 0 : i32
      %dma_start3A_202 = tpu.memref_slice %arg6[%dma_start3A_200, %dma_start3A_201] : memref<10000x64xf32, #tpu.memory_space<hbm>> -> memref<10000x64xf32, #tpu.memory_space<hbm>>
      tpu.enqueue_indirect_dma source(%dma_start3A_202 : memref<10000x64xf32, #tpu.memory_space<hbm>>) target(%arg15 : memref<80x64xf32, #tpu.memory_space<vmem>>) offsets(%arg8 : memref<80xi32, #tpu.memory_space<vmem>>) semaphore(%arg22 : memref<!tpu.dma_semaphore, #tpu.memory_space<semaphore_mem>>)
      %dma_wait3A_203 = arith.constant 0 : i32
      %dma_wait3A_204 = arith.constant 0 : i32
      %dma_wait3A_205 = tpu.memref_slice %arg4[%dma_wait3A_203, %dma_wait3A_204] : memref<10000x16xf32, #tpu.memory_space<hbm>> -> memref<10000x16xf32, #tpu.memory_space<hbm>>
      tpu.wait_indirect_dma semaphore(%arg22 : memref<!tpu.dma_semaphore, #tpu.memory_space<semaphore_mem>>) src(%dma_wait3A_205 : memref<10000x16xf32, #tpu.memory_space<hbm>>) dst(%arg13 : memref<80x16xf32, #tpu.memory_space<vmem>>)
      %dma_wait3A_206 = arith.constant 0 : i32
      %dma_wait3A_207 = arith.constant 0 : i32
      %dma_wait3A_208 = tpu.memref_slice %arg5[%dma_wait3A_206, %dma_wait3A_207] : memref<10000x16xf32, #tpu.memory_space<hbm>> -> memref<10000x16xf32, #tpu.memory_space<hbm>>
      tpu.wait_indirect_dma semaphore(%arg22 : memref<!tpu.dma_semaphore, #tpu.memory_space<semaphore_mem>>) src(%dma_wait3A_208 : memref<10000x16xf32, #tpu.memory_space<hbm>>) dst(%arg14 : memref<80x16xf32, #tpu.memory_space<vmem>>)
      %dma_wait3A_209 = arith.constant 0 : i32
      %dma_wait3A_210 = arith.constant 0 : i32
      %dma_wait3A_211 = tpu.memref_slice %arg6[%dma_wait3A_209, %dma_wait3A_210] : memref<10000x64xf32, #tpu.memory_space<hbm>> -> memref<10000x64xf32, #tpu.memory_space<hbm>>
      tpu.wait_indirect_dma semaphore(%arg22 : memref<!tpu.dma_semaphore, #tpu.memory_space<semaphore_mem>>) src(%dma_wait3A_211 : memref<10000x64xf32, #tpu.memory_space<hbm>>) dst(%arg15 : memref<80x64xf32, #tpu.memory_space<vmem>>)
      %scan3A_212 = arith.constant 0 : i32
      %scan3A_213 = arith.constant 80 : i32
      %scan3A_214 = arith.addi %scan3A_212, %scan3A_213 : i32
      %scan3A_215 = arith.constant 2 : i32
      scf.for %scan3A_220 = %scan3A_212 to %scan3A_214 step %scan3A_215  : i32 {
        %mul3A_221 = arith.constant 1 : i32
        %mul3A_222 = arith.muli %scan3A_220, %mul3A_221 : i32
        %add3A_223 = arith.constant 0 : i32
        %add3A_224 = arith.addi %add3A_223, %mul3A_222 : i32
        %get3A = arith.index_cast %add3A_224 : i32 to index
        %get3A_225 = arith.constant 0 : index
        %get3A_226 = tpu.vector_load %arg13[%get3A, %get3A_225] {strides = array<i32>} : memref<80x16xf32, #tpu.memory_space<vmem>>, vector<16xf32>,
        %get3A_227 = arith.index_cast %add3A_224 : i32 to index
        %get3A_228 = arith.constant 0 : index
        %get3A_229 = tpu.vector_load %arg14[%get3A_227, %get3A_228] {strides = array<i32>} : memref<80x16xf32, #tpu.memory_space<vmem>>, vector<16xf32>,
        %add3A_230 = arith.addf %get3A_226, %get3A_229 : vector<16xf32>
        %ge3A_231 = arith.constant 0.000000e+00 : f32
        %ge3A_232 = vector.broadcast %ge3A_231 : f32 to vector<16xf32>
        %ge3A_233 = arith.cmpf oge, %add3A_230, %ge3A_232 : vector<16xf32>
        %mul3A_234 = arith.constant 2.000000e-01 : f32
        %mul3A_235 = vector.broadcast %mul3A_234 : f32 to vector<16xf32>
        %mul3A_236 = arith.mulf %mul3A_235, %add3A_230 : vector<16xf32>
        %select_n3A = arith.select %ge3A_233, %add3A_230, %mul3A_236 : vector<16xi1>, vector<16xf32>
        %exp3A = math.exp %select_n3A : vector<16xf32>
        %jit3A = arith.constant 0.000000e+00 : f32
        %broadcast_in_dim3A_237 = vector.broadcast %jit3A : f32 to vector<16xf32>
        %select_n3A_238 = arith.select %lt3A_3, %exp3A, %broadcast_in_dim3A_237 : vector<16xi1>, vector<16xf32>
        %swap3A = arith.index_cast %add3A_224 : i32 to index
        %swap3A_239 = arith.constant 64 : index
        %swap3A_240 = tpu.vector_load %arg19[%swap3A, %swap3A_239] {strides = array<i32>} : memref<80x80xf32, #tpu.memory_space<vmem>>, vector<16xf32>,
        tpu.vector_store %arg19[%swap3A, %swap3A_239], %select_n3A_238 {strides = array<i32>} : memref<80x80xf32, #tpu.memory_space<vmem>>, vector<16xf32>,
        %mul3A_241 = arith.constant 16 : i32
        %mul3A_242 = arith.muli %add3A_224, %mul3A_241 : i32
        %swap3A_243 = arith.index_cast %mul3A_242 : i32 to index
        %swap3A_244 = tpu.vector_load %arg20[%swap3A_243] {strides = array<i32>} : memref<1280xf32, #tpu.memory_space<vmem>>, vector<16xf32>,
        tpu.vector_store %arg20[%swap3A_243], %select_n3A_238 {strides = array<i32>} : memref<1280xf32, #tpu.memory_space<vmem>>, vector<16xf32>,
        %mul3A_245 = arith.constant 16 : i32
        %mul3A_246 = arith.muli %add3A_224, %mul3A_245 : i32
        %add3A_247 = arith.constant 0 : i32
        %add3A_248 = arith.addi %mul3A_246, %add3A_247 : i32
        %broadcast_in_dim3A_249 = vector.broadcast %add3A_248 : i32 to vector<16xi32>
        %gather3A = tpu.vector_load_idx %arg20[%broadcast_in_dim3A_249] : memref<1280xf32, #tpu.memory_space<vmem>>[vector<16xi32>], vector<16xf32>,
        %get3A_250 = arith.index_cast %add3A_224 : i32 to index
        %get3A_251 = arith.constant 0 : index
        %get3A_252 = tpu.vector_load %arg15[%get3A_250, %get3A_251] {strides = array<i32>} : memref<80x64xf32, #tpu.memory_space<vmem>>, vector<16xf32>,
        %mul3A_253 = arith.mulf %get3A_252, %gather3A : vector<16xf32>
        %swap3A_254 = arith.index_cast %add3A_224 : i32 to index
        %swap3A_255 = arith.constant 0 : index
        %swap3A_256 = tpu.vector_load %arg19[%swap3A_254, %swap3A_255] {strides = array<i32>} : memref<80x80xf32, #tpu.memory_space<vmem>>, vector<16xf32>,
        tpu.vector_store %arg19[%swap3A_254, %swap3A_255], %mul3A_253 {strides = array<i32>} : memref<80x80xf32, #tpu.memory_space<vmem>>, vector<16xf32>,
        %get3A_257 = arith.index_cast %add3A_224 : i32 to index
        %get3A_258 = arith.constant 16 : index
        %get3A_259 = tpu.vector_load %arg15[%get3A_257, %get3A_258] {strides = array<i32>} : memref<80x64xf32, #tpu.memory_space<vmem>>, vector<16xf32>,
        %mul3A_260 = arith.mulf %get3A_259, %gather3A : vector<16xf32>
        %swap3A_261 = arith.index_cast %add3A_224 : i32 to index
        %swap3A_262 = arith.constant 16 : index
        %swap3A_263 = tpu.vector_load %arg19[%swap3A_261, %swap3A_262] {strides = array<i32>} : memref<80x80xf32, #tpu.memory_space<vmem>>, vector<16xf32>,
        tpu.vector_store %arg19[%swap3A_261, %swap3A_262], %mul3A_260 {strides = array<i32>} : memref<80x80xf32, #tpu.memory_space<vmem>>, vector<16xf32>,
        %get3A_264 = arith.index_cast %add3A_224 : i32 to index
        %get3A_265 = arith.constant 32 : index
        %get3A_266 = tpu.vector_load %arg15[%get3A_264, %get3A_265] {strides = array<i32>} : memref<80x64xf32, #tpu.memory_space<vmem>>, vector<16xf32>,
        %mul3A_267 = arith.mulf %get3A_266, %gather3A : vector<16xf32>
        %swap3A_268 = arith.index_cast %add3A_224 : i32 to index
        %swap3A_269 = arith.constant 32 : index
        %swap3A_270 = tpu.vector_load %arg19[%swap3A_268, %swap3A_269] {strides = array<i32>} : memref<80x80xf32, #tpu.memory_space<vmem>>, vector<16xf32>,
        tpu.vector_store %arg19[%swap3A_268, %swap3A_269], %mul3A_267 {strides = array<i32>} : memref<80x80xf32, #tpu.memory_space<vmem>>, vector<16xf32>,
        %get3A_271 = arith.index_cast %add3A_224 : i32 to index
        %get3A_272 = arith.constant 48 : index
        %get3A_273 = tpu.vector_load %arg15[%get3A_271, %get3A_272] {strides = array<i32>} : memref<80x64xf32, #tpu.memory_space<vmem>>, vector<16xf32>,
        %mul3A_274 = arith.mulf %get3A_273, %gather3A : vector<16xf32>
        %swap3A_275 = arith.index_cast %add3A_224 : i32 to index
        %swap3A_276 = arith.constant 48 : index
        %swap3A_277 = tpu.vector_load %arg19[%swap3A_275, %swap3A_276] {strides = array<i32>} : memref<80x80xf32, #tpu.memory_space<vmem>>, vector<16xf32>,
        tpu.vector_store %arg19[%swap3A_275, %swap3A_276], %mul3A_274 {strides = array<i32>} : memref<80x80xf32, #tpu.memory_space<vmem>>, vector<16xf32>,
        %scan3A_278 = arith.constant 1 : i32
        %scan3A_279 = arith.addi %scan3A_220, %scan3A_278 : i32
        %mul3A_280 = arith.constant 1 : i32
        %mul3A_281 = arith.muli %scan3A_279, %mul3A_280 : i32
        %add3A_282 = arith.constant 0 : i32
        %add3A_283 = arith.addi %add3A_282, %mul3A_281 : i32
        %get3A_284 = arith.index_cast %add3A_283 : i32 to index
        %get3A_285 = arith.constant 0 : index
        %get3A_286 = tpu.vector_load %arg13[%get3A_284, %get3A_285] {strides = array<i32>} : memref<80x16xf32, #tpu.memory_space<vmem>>, vector<16xf32>,
        %get3A_287 = arith.index_cast %add3A_283 : i32 to index
        %get3A_288 = arith.constant 0 : index
        %get3A_289 = tpu.vector_load %arg14[%get3A_287, %get3A_288] {strides = array<i32>} : memref<80x16xf32, #tpu.memory_space<vmem>>, vector<16xf32>,
        %add3A_290 = arith.addf %get3A_286, %get3A_289 : vector<16xf32>
        %ge3A_291 = arith.constant 0.000000e+00 : f32
        %ge3A_292 = vector.broadcast %ge3A_291 : f32 to vector<16xf32>
        %ge3A_293 = arith.cmpf oge, %add3A_290, %ge3A_292 : vector<16xf32>
        %mul3A_294 = arith.constant 2.000000e-01 : f32
        %mul3A_295 = vector.broadcast %mul3A_294 : f32 to vector<16xf32>
        %mul3A_296 = arith.mulf %mul3A_295, %add3A_290 : vector<16xf32>
        %select_n3A_297 = arith.select %ge3A_293, %add3A_290, %mul3A_296 : vector<16xi1>, vector<16xf32>
        %exp3A_298 = math.exp %select_n3A_297 : vector<16xf32>
        %jit3A_299 = arith.constant 0.000000e+00 : f32
        %broadcast_in_dim3A_300 = vector.broadcast %jit3A_299 : f32 to vector<16xf32>
        %select_n3A_301 = arith.select %lt3A_3, %exp3A_298, %broadcast_in_dim3A_300 : vector<16xi1>, vector<16xf32>
        %swap3A_302 = arith.index_cast %add3A_283 : i32 to index
        %swap3A_303 = arith.constant 64 : index
        %swap3A_304 = tpu.vector_load %arg19[%swap3A_302, %swap3A_303] {strides = array<i32>} : memref<80x80xf32, #tpu.memory_space<vmem>>, vector<16xf32>,
        tpu.vector_store %arg19[%swap3A_302, %swap3A_303], %select_n3A_301 {strides = array<i32>} : memref<80x80xf32, #tpu.memory_space<vmem>>, vector<16xf32>,
        %mul3A_305 = arith.constant 16 : i32
        %mul3A_306 = arith.muli %add3A_283, %mul3A_305 : i32
        %swap3A_307 = arith.index_cast %mul3A_306 : i32 to index
        %swap3A_308 = tpu.vector_load %arg20[%swap3A_307] {strides = array<i32>} : memref<1280xf32, #tpu.memory_space<vmem>>, vector<16xf32>,
        tpu.vector_store %arg20[%swap3A_307], %select_n3A_301 {strides = array<i32>} : memref<1280xf32, #tpu.memory_space<vmem>>, vector<16xf32>,
        %mul3A_309 = arith.constant 16 : i32
        %mul3A_310 = arith.muli %add3A_283, %mul3A_309 : i32
        %add3A_311 = arith.constant 0 : i32
        %add3A_312 = arith.addi %mul3A_310, %add3A_311 : i32
        %broadcast_in_dim3A_313 = vector.broadcast %add3A_312 : i32 to vector<16xi32>
        %gather3A_314 = tpu.vector_load_idx %arg20[%broadcast_in_dim3A_313] : memref<1280xf32, #tpu.memory_space<vmem>>[vector<16xi32>], vector<16xf32>,
        %get3A_315 = arith.index_cast %add3A_283 : i32 to index
        %get3A_316 = arith.constant 0 : index
        %get3A_317 = tpu.vector_load %arg15[%get3A_315, %get3A_316] {strides = array<i32>} : memref<80x64xf32, #tpu.memory_space<vmem>>, vector<16xf32>,
        %mul3A_318 = arith.mulf %get3A_317, %gather3A_314 : vector<16xf32>
        %swap3A_319 = arith.index_cast %add3A_283 : i32 to index
        %swap3A_320 = arith.constant 0 : index
        %swap3A_321 = tpu.vector_load %arg19[%swap3A_319, %swap3A_320] {strides = array<i32>} : memref<80x80xf32, #tpu.memory_space<vmem>>, vector<16xf32>,
        tpu.vector_store %arg19[%swap3A_319, %swap3A_320], %mul3A_318 {strides = array<i32>} : memref<80x80xf32, #tpu.memory_space<vmem>>, vector<16xf32>,
        %get3A_322 = arith.index_cast %add3A_283 : i32 to index
        %get3A_323 = arith.constant 16 : index
        %get3A_324 = tpu.vector_load %arg15[%get3A_322, %get3A_323] {strides = array<i32>} : memref<80x64xf32, #tpu.memory_space<vmem>>, vector<16xf32>,
        %mul3A_325 = arith.mulf %get3A_324, %gather3A_314 : vector<16xf32>
        %swap3A_326 = arith.index_cast %add3A_283 : i32 to index
        %swap3A_327 = arith.constant 16 : index
        %swap3A_328 = tpu.vector_load %arg19[%swap3A_326, %swap3A_327] {strides = array<i32>} : memref<80x80xf32, #tpu.memory_space<vmem>>, vector<16xf32>,
        tpu.vector_store %arg19[%swap3A_326, %swap3A_327], %mul3A_325 {strides = array<i32>} : memref<80x80xf32, #tpu.memory_space<vmem>>, vector<16xf32>,
        %get3A_329 = arith.index_cast %add3A_283 : i32 to index
        %get3A_330 = arith.constant 32 : index
        %get3A_331 = tpu.vector_load %arg15[%get3A_329, %get3A_330] {strides = array<i32>} : memref<80x64xf32, #tpu.memory_space<vmem>>, vector<16xf32>,
        %mul3A_332 = arith.mulf %get3A_331, %gather3A_314 : vector<16xf32>
        %swap3A_333 = arith.index_cast %add3A_283 : i32 to index
        %swap3A_334 = arith.constant 32 : index
        %swap3A_335 = tpu.vector_load %arg19[%swap3A_333, %swap3A_334] {strides = array<i32>} : memref<80x80xf32, #tpu.memory_space<vmem>>, vector<16xf32>,
        tpu.vector_store %arg19[%swap3A_333, %swap3A_334], %mul3A_332 {strides = array<i32>} : memref<80x80xf32, #tpu.memory_space<vmem>>, vector<16xf32>,
        %get3A_336 = arith.index_cast %add3A_283 : i32 to index
        %get3A_337 = arith.constant 48 : index
        %get3A_338 = tpu.vector_load %arg15[%get3A_336, %get3A_337] {strides = array<i32>} : memref<80x64xf32, #tpu.memory_space<vmem>>, vector<16xf32>,
        %mul3A_339 = arith.mulf %get3A_338, %gather3A_314 : vector<16xf32>
        %swap3A_340 = arith.index_cast %add3A_283 : i32 to index
        %swap3A_341 = arith.constant 48 : index
        %swap3A_342 = tpu.vector_load %arg19[%swap3A_340, %swap3A_341] {strides = array<i32>} : memref<80x80xf32, #tpu.memory_space<vmem>>, vector<16xf32>,
        tpu.vector_store %arg19[%swap3A_340, %swap3A_341], %mul3A_339 {strides = array<i32>} : memref<80x80xf32, #tpu.memory_space<vmem>>, vector<16xf32>,
      }
      %scan3A_216 = arith.constant 80 : i32
      %dma_start3A_217 = arith.constant 0 : i32
      %dma_start3A_218 = arith.constant 0 : i32
      %dma_start3A_219 = tpu.memref_slice %arg21[%dma_start3A_217, %dma_start3A_218] : memref<10240x80xf32, #tpu.memory_space<vmem_shared>> -> memref<10240x80xf32, #tpu.memory_space<vmem_shared>>
      tpu.enqueue_indirect_dma source(%arg19 : memref<80x80xf32, #tpu.memory_space<vmem>>) target(%dma_start3A_219 : memref<10240x80xf32, #tpu.memory_space<vmem_shared>>) offsets(%arg12 : memref<80xi32, #tpu.memory_space<vmem>>) semaphore(%arg26 : memref<!tpu.dma_semaphore, #tpu.memory_space<semaphore_mem>>) {add = true}
    }
    %scan3A_17 = arith.constant 31 : i32
    %dma_wait3A = arith.constant 0 : i32
    %dma_wait3A_18 = arith.constant 0 : i32
    %dma_wait3A_19 = tpu.memref_slice %arg21[%dma_wait3A, %dma_wait3A_18] : memref<10240x80xf32, #tpu.memory_space<vmem_shared>> -> memref<10240x80xf32, #tpu.memory_space<vmem_shared>>
    tpu.wait_indirect_dma semaphore(%arg23 : memref<!tpu.dma_semaphore, #tpu.memory_space<semaphore_mem>>) src(%arg16 : memref<80x80xf32, #tpu.memory_space<vmem>>) dst(%dma_wait3A_19 : memref<10240x80xf32, #tpu.memory_space<vmem_shared>>)
    %mul3A_20 = arith.constant 10000 : i32
    %mul3A_21 = arith.muli %add3A, %mul3A_20 : i32
    %add3A_22 = arith.constant 9920 : i32
    %add3A_23 = arith.addi %mul3A_21, %add3A_22 : i32
    "tpu.region"() ({
      %run_scoped3A = tpu.sem_alloc : memref<!tpu.dma_semaphore, #tpu.memory_space<semaphore_mem>>
      %dma_start3A_66 = tpu.memref_slice %arg2[%add3A_23] : memref<320000xi32, #tpu.memory_space<hbm>> -> memref<80xi32, #tpu.memory_space<hbm>>
      %dma_start3A_67 = tpu.memref_slice %arg2[%add3A_23] : memref<320000xi32, #tpu.memory_space<hbm>> -> memref<80xi32, #tpu.memory_space<hbm>>
      tpu.enqueue_dma source(%dma_start3A_67 : memref<80xi32, #tpu.memory_space<hbm>>) target(%arg8 : memref<80xi32, #tpu.memory_space<vmem>>) target_semaphore(%run_scoped3A : memref<!tpu.dma_semaphore, #tpu.memory_space<semaphore_mem>>)
      %dma_wait3A_68 = tpu.memref_slice %arg2[%add3A_23] : memref<320000xi32, #tpu.memory_space<hbm>> -> memref<80xi32, #tpu.memory_space<hbm>>
      %dma_wait3A_69 = tpu.memref_slice %arg2[%add3A_23] : memref<320000xi32, #tpu.memory_space<hbm>> -> memref<80xi32, #tpu.memory_space<hbm>>
      tpu.wait_dma2 semaphore(%run_scoped3A : memref<!tpu.dma_semaphore, #tpu.memory_space<semaphore_mem>>) src(%dma_wait3A_69 : memref<80xi32, #tpu.memory_space<hbm>>) dst(%arg8 : memref<80xi32, #tpu.memory_space<vmem>>)
      tpu.yield
    }) : () -> ()
    "tpu.region"() ({
      %run_scoped3A = tpu.sem_alloc : memref<!tpu.dma_semaphore, #tpu.memory_space<semaphore_mem>>
      %dma_start3A_66 = tpu.memref_slice %arg3[%add3A_23] : memref<320000xi32, #tpu.memory_space<hbm>> -> memref<80xi32, #tpu.memory_space<hbm>>
      %dma_start3A_67 = tpu.memref_slice %arg3[%add3A_23] : memref<320000xi32, #tpu.memory_space<hbm>> -> memref<80xi32, #tpu.memory_space<hbm>>
      tpu.enqueue_dma source(%dma_start3A_67 : memref<80xi32, #tpu.memory_space<hbm>>) target(%arg9 : memref<80xi32, #tpu.memory_space<vmem>>) target_semaphore(%run_scoped3A : memref<!tpu.dma_semaphore, #tpu.memory_space<semaphore_mem>>)
      %dma_wait3A_68 = tpu.memref_slice %arg3[%add3A_23] : memref<320000xi32, #tpu.memory_space<hbm>> -> memref<80xi32, #tpu.memory_space<hbm>>
      %dma_wait3A_69 = tpu.memref_slice %arg3[%add3A_23] : memref<320000xi32, #tpu.memory_space<hbm>> -> memref<80xi32, #tpu.memory_space<hbm>>
      tpu.wait_dma2 semaphore(%run_scoped3A : memref<!tpu.dma_semaphore, #tpu.memory_space<semaphore_mem>>) src(%dma_wait3A_69 : memref<80xi32, #tpu.memory_space<hbm>>) dst(%arg9 : memref<80xi32, #tpu.memory_space<vmem>>)
      tpu.yield
    }) : () -> ()
    %dma_start3A = arith.constant 0 : i32
    %dma_start3A_24 = arith.constant 0 : i32
    %dma_start3A_25 = tpu.memref_slice %arg4[%dma_start3A, %dma_start3A_24] : memref<10000x16xf32, #tpu.memory_space<hbm>> -> memref<10000x16xf32, #tpu.memory_space<hbm>>
    tpu.enqueue_indirect_dma source(%dma_start3A_25 : memref<10000x16xf32, #tpu.memory_space<hbm>>) target(%arg13 : memref<80x16xf32, #tpu.memory_space<vmem>>) offsets(%arg8 : memref<80xi32, #tpu.memory_space<vmem>>) semaphore(%arg22 : memref<!tpu.dma_semaphore, #tpu.memory_space<semaphore_mem>>)
    %dma_start3A_26 = arith.constant 0 : i32
    %dma_start3A_27 = arith.constant 0 : i32
    %dma_start3A_28 = tpu.memref_slice %arg5[%dma_start3A_26, %dma_start3A_27] : memref<10000x16xf32, #tpu.memory_space<hbm>> -> memref<10000x16xf32, #tpu.memory_space<hbm>>
    tpu.enqueue_indirect_dma source(%dma_start3A_28 : memref<10000x16xf32, #tpu.memory_space<hbm>>) target(%arg14 : memref<80x16xf32, #tpu.memory_space<vmem>>) offsets(%arg9 : memref<80xi32, #tpu.memory_space<vmem>>) semaphore(%arg22 : memref<!tpu.dma_semaphore, #tpu.memory_space<semaphore_mem>>)
    %dma_start3A_29 = arith.constant 0 : i32
    %dma_start3A_30 = arith.constant 0 : i32
    %dma_start3A_31 = tpu.memref_slice %arg6[%dma_start3A_29, %dma_start3A_30] : memref<10000x64xf32, #tpu.memory_space<hbm>> -> memref<10000x64xf32, #tpu.memory_space<hbm>>
    tpu.enqueue_indirect_dma source(%dma_start3A_31 : memref<10000x64xf32, #tpu.memory_space<hbm>>) target(%arg15 : memref<80x64xf32, #tpu.memory_space<vmem>>) offsets(%arg8 : memref<80xi32, #tpu.memory_space<vmem>>) semaphore(%arg22 : memref<!tpu.dma_semaphore, #tpu.memory_space<semaphore_mem>>)
    %dma_wait3A_32 = arith.constant 0 : i32
    %dma_wait3A_33 = arith.constant 0 : i32
    %dma_wait3A_34 = tpu.memref_slice %arg4[%dma_wait3A_32, %dma_wait3A_33] : memref<10000x16xf32, #tpu.memory_space<hbm>> -> memref<10000x16xf32, #tpu.memory_space<hbm>>
    tpu.wait_indirect_dma semaphore(%arg22 : memref<!tpu.dma_semaphore, #tpu.memory_space<semaphore_mem>>) src(%dma_wait3A_34 : memref<10000x16xf32, #tpu.memory_space<hbm>>) dst(%arg13 : memref<80x16xf32, #tpu.memory_space<vmem>>)
    %dma_wait3A_35 = arith.constant 0 : i32
    %dma_wait3A_36 = arith.constant 0 : i32
    %dma_wait3A_37 = tpu.memref_slice %arg5[%dma_wait3A_35, %dma_wait3A_36] : memref<10000x16xf32, #tpu.memory_space<hbm>> -> memref<10000x16xf32, #tpu.memory_space<hbm>>
    tpu.wait_indirect_dma semaphore(%arg22 : memref<!tpu.dma_semaphore, #tpu.memory_space<semaphore_mem>>) src(%dma_wait3A_37 : memref<10000x16xf32, #tpu.memory_space<hbm>>) dst(%arg14 : memref<80x16xf32, #tpu.memory_space<vmem>>)
    %dma_wait3A_38 = arith.constant 0 : i32
    %dma_wait3A_39 = arith.constant 0 : i32
    %dma_wait3A_40 = tpu.memref_slice %arg6[%dma_wait3A_38, %dma_wait3A_39] : memref<10000x64xf32, #tpu.memory_space<hbm>> -> memref<10000x64xf32, #tpu.memory_space<hbm>>
    tpu.wait_indirect_dma semaphore(%arg22 : memref<!tpu.dma_semaphore, #tpu.memory_space<semaphore_mem>>) src(%dma_wait3A_40 : memref<10000x64xf32, #tpu.memory_space<hbm>>) dst(%arg15 : memref<80x64xf32, #tpu.memory_space<vmem>>)
    %scan3A_41 = arith.constant 0 : i32
    %scan3A_42 = arith.constant 80 : i32
    %scan3A_43 = arith.addi %scan3A_41, %scan3A_42 : i32
    %scan3A_44 = arith.constant 2 : i32
    scf.for %scan3A_66 = %scan3A_41 to %scan3A_43 step %scan3A_44  : i32 {
      %mul3A_67 = arith.constant 1 : i32
      %mul3A_68 = arith.muli %scan3A_66, %mul3A_67 : i32
      %add3A_69 = arith.constant 0 : i32
      %add3A_70 = arith.addi %add3A_69, %mul3A_68 : i32
      %get3A = arith.index_cast %add3A_70 : i32 to index
      %get3A_71 = arith.constant 0 : index
      %get3A_72 = tpu.vector_load %arg13[%get3A, %get3A_71] {strides = array<i32>} : memref<80x16xf32, #tpu.memory_space<vmem>>, vector<16xf32>,
      %get3A_73 = arith.index_cast %add3A_70 : i32 to index
      %get3A_74 = arith.constant 0 : index
      %get3A_75 = tpu.vector_load %arg14[%get3A_73, %get3A_74] {strides = array<i32>} : memref<80x16xf32, #tpu.memory_space<vmem>>, vector<16xf32>,
      %add3A_76 = arith.addf %get3A_72, %get3A_75 : vector<16xf32>
      %ge3A = arith.constant 0.000000e+00 : f32
      %ge3A_77 = vector.broadcast %ge3A : f32 to vector<16xf32>
      %ge3A_78 = arith.cmpf oge, %add3A_76, %ge3A_77 : vector<16xf32>
      %mul3A_79 = arith.constant 2.000000e-01 : f32
      %mul3A_80 = vector.broadcast %mul3A_79 : f32 to vector<16xf32>
      %mul3A_81 = arith.mulf %mul3A_80, %add3A_76 : vector<16xf32>
      %select_n3A = arith.select %ge3A_78, %add3A_76, %mul3A_81 : vector<16xi1>, vector<16xf32>
      %exp3A = math.exp %select_n3A : vector<16xf32>
      %jit3A = arith.constant 0.000000e+00 : f32
      %broadcast_in_dim3A_82 = vector.broadcast %jit3A : f32 to vector<16xf32>
      %select_n3A_83 = arith.select %lt3A_3, %exp3A, %broadcast_in_dim3A_82 : vector<16xi1>, vector<16xf32>
      %swap3A = arith.index_cast %add3A_70 : i32 to index
      %swap3A_84 = arith.constant 64 : index
      %swap3A_85 = tpu.vector_load %arg16[%swap3A, %swap3A_84] {strides = array<i32>} : memref<80x80xf32, #tpu.memory_space<vmem>>, vector<16xf32>,
      tpu.vector_store %arg16[%swap3A, %swap3A_84], %select_n3A_83 {strides = array<i32>} : memref<80x80xf32, #tpu.memory_space<vmem>>, vector<16xf32>,
      %mul3A_86 = arith.constant 16 : i32
      %mul3A_87 = arith.muli %add3A_70, %mul3A_86 : i32
      %swap3A_88 = arith.index_cast %mul3A_87 : i32 to index
      %swap3A_89 = tpu.vector_load %arg20[%swap3A_88] {strides = array<i32>} : memref<1280xf32, #tpu.memory_space<vmem>>, vector<16xf32>,
      tpu.vector_store %arg20[%swap3A_88], %select_n3A_83 {strides = array<i32>} : memref<1280xf32, #tpu.memory_space<vmem>>, vector<16xf32>,
      %mul3A_90 = arith.constant 16 : i32
      %mul3A_91 = arith.muli %add3A_70, %mul3A_90 : i32
      %add3A_92 = arith.constant 0 : i32
      %add3A_93 = arith.addi %mul3A_91, %add3A_92 : i32
      %broadcast_in_dim3A_94 = vector.broadcast %add3A_93 : i32 to vector<16xi32>
      %gather3A = tpu.vector_load_idx %arg20[%broadcast_in_dim3A_94] : memref<1280xf32, #tpu.memory_space<vmem>>[vector<16xi32>], vector<16xf32>,
      %get3A_95 = arith.index_cast %add3A_70 : i32 to index
      %get3A_96 = arith.constant 0 : index
      %get3A_97 = tpu.vector_load %arg15[%get3A_95, %get3A_96] {strides = array<i32>} : memref<80x64xf32, #tpu.memory_space<vmem>>, vector<16xf32>,
      %mul3A_98 = arith.mulf %get3A_97, %gather3A : vector<16xf32>
      %swap3A_99 = arith.index_cast %add3A_70 : i32 to index
      %swap3A_100 = arith.constant 0 : index
      %swap3A_101 = tpu.vector_load %arg16[%swap3A_99, %swap3A_100] {strides = array<i32>} : memref<80x80xf32, #tpu.memory_space<vmem>>, vector<16xf32>,
      tpu.vector_store %arg16[%swap3A_99, %swap3A_100], %mul3A_98 {strides = array<i32>} : memref<80x80xf32, #tpu.memory_space<vmem>>, vector<16xf32>,
      %get3A_102 = arith.index_cast %add3A_70 : i32 to index
      %get3A_103 = arith.constant 16 : index
      %get3A_104 = tpu.vector_load %arg15[%get3A_102, %get3A_103] {strides = array<i32>} : memref<80x64xf32, #tpu.memory_space<vmem>>, vector<16xf32>,
      %mul3A_105 = arith.mulf %get3A_104, %gather3A : vector<16xf32>
      %swap3A_106 = arith.index_cast %add3A_70 : i32 to index
      %swap3A_107 = arith.constant 16 : index
      %swap3A_108 = tpu.vector_load %arg16[%swap3A_106, %swap3A_107] {strides = array<i32>} : memref<80x80xf32, #tpu.memory_space<vmem>>, vector<16xf32>,
      tpu.vector_store %arg16[%swap3A_106, %swap3A_107], %mul3A_105 {strides = array<i32>} : memref<80x80xf32, #tpu.memory_space<vmem>>, vector<16xf32>,
      %get3A_109 = arith.index_cast %add3A_70 : i32 to index
      %get3A_110 = arith.constant 32 : index
      %get3A_111 = tpu.vector_load %arg15[%get3A_109, %get3A_110] {strides = array<i32>} : memref<80x64xf32, #tpu.memory_space<vmem>>, vector<16xf32>,
      %mul3A_112 = arith.mulf %get3A_111, %gather3A : vector<16xf32>
      %swap3A_113 = arith.index_cast %add3A_70 : i32 to index
      %swap3A_114 = arith.constant 32 : index
      %swap3A_115 = tpu.vector_load %arg16[%swap3A_113, %swap3A_114] {strides = array<i32>} : memref<80x80xf32, #tpu.memory_space<vmem>>, vector<16xf32>,
      tpu.vector_store %arg16[%swap3A_113, %swap3A_114], %mul3A_112 {strides = array<i32>} : memref<80x80xf32, #tpu.memory_space<vmem>>, vector<16xf32>,
      %get3A_116 = arith.index_cast %add3A_70 : i32 to index
      %get3A_117 = arith.constant 48 : index
      %get3A_118 = tpu.vector_load %arg15[%get3A_116, %get3A_117] {strides = array<i32>} : memref<80x64xf32, #tpu.memory_space<vmem>>, vector<16xf32>,
      %mul3A_119 = arith.mulf %get3A_118, %gather3A : vector<16xf32>
      %swap3A_120 = arith.index_cast %add3A_70 : i32 to index
      %swap3A_121 = arith.constant 48 : index
      %swap3A_122 = tpu.vector_load %arg16[%swap3A_120, %swap3A_121] {strides = array<i32>} : memref<80x80xf32, #tpu.memory_space<vmem>>, vector<16xf32>,
      tpu.vector_store %arg16[%swap3A_120, %swap3A_121], %mul3A_119 {strides = array<i32>} : memref<80x80xf32, #tpu.memory_space<vmem>>, vector<16xf32>,
      %scan3A_123 = arith.constant 1 : i32
      %scan3A_124 = arith.addi %scan3A_66, %scan3A_123 : i32
      %mul3A_125 = arith.constant 1 : i32
      %mul3A_126 = arith.muli %scan3A_124, %mul3A_125 : i32
      %add3A_127 = arith.constant 0 : i32
      %add3A_128 = arith.addi %add3A_127, %mul3A_126 : i32
      %get3A_129 = arith.index_cast %add3A_128 : i32 to index
      %get3A_130 = arith.constant 0 : index
      %get3A_131 = tpu.vector_load %arg13[%get3A_129, %get3A_130] {strides = array<i32>} : memref<80x16xf32, #tpu.memory_space<vmem>>, vector<16xf32>,
      %get3A_132 = arith.index_cast %add3A_128 : i32 to index
      %get3A_133 = arith.constant 0 : index
      %get3A_134 = tpu.vector_load %arg14[%get3A_132, %get3A_133] {strides = array<i32>} : memref<80x16xf32, #tpu.memory_space<vmem>>, vector<16xf32>,
      %add3A_135 = arith.addf %get3A_131, %get3A_134 : vector<16xf32>
      %ge3A_136 = arith.constant 0.000000e+00 : f32
      %ge3A_137 = vector.broadcast %ge3A_136 : f32 to vector<16xf32>
      %ge3A_138 = arith.cmpf oge, %add3A_135, %ge3A_137 : vector<16xf32>
      %mul3A_139 = arith.constant 2.000000e-01 : f32
      %mul3A_140 = vector.broadcast %mul3A_139 : f32 to vector<16xf32>
      %mul3A_141 = arith.mulf %mul3A_140, %add3A_135 : vector<16xf32>
      %select_n3A_142 = arith.select %ge3A_138, %add3A_135, %mul3A_141 : vector<16xi1>, vector<16xf32>
      %exp3A_143 = math.exp %select_n3A_142 : vector<16xf32>
      %jit3A_144 = arith.constant 0.000000e+00 : f32
      %broadcast_in_dim3A_145 = vector.broadcast %jit3A_144 : f32 to vector<16xf32>
      %select_n3A_146 = arith.select %lt3A_3, %exp3A_143, %broadcast_in_dim3A_145 : vector<16xi1>, vector<16xf32>
      %swap3A_147 = arith.index_cast %add3A_128 : i32 to index
      %swap3A_148 = arith.constant 64 : index
      %swap3A_149 = tpu.vector_load %arg16[%swap3A_147, %swap3A_148] {strides = array<i32>} : memref<80x80xf32, #tpu.memory_space<vmem>>, vector<16xf32>,
      tpu.vector_store %arg16[%swap3A_147, %swap3A_148], %select_n3A_146 {strides = array<i32>} : memref<80x80xf32, #tpu.memory_space<vmem>>, vector<16xf32>,
      %mul3A_150 = arith.constant 16 : i32
      %mul3A_151 = arith.muli %add3A_128, %mul3A_150 : i32
      %swap3A_152 = arith.index_cast %mul3A_151 : i32 to index
      %swap3A_153 = tpu.vector_load %arg20[%swap3A_152] {strides = array<i32>} : memref<1280xf32, #tpu.memory_space<vmem>>, vector<16xf32>,
      tpu.vector_store %arg20[%swap3A_152], %select_n3A_146 {strides = array<i32>} : memref<1280xf32, #tpu.memory_space<vmem>>, vector<16xf32>,
      %mul3A_154 = arith.constant 16 : i32
      %mul3A_155 = arith.muli %add3A_128, %mul3A_154 : i32
      %add3A_156 = arith.constant 0 : i32
      %add3A_157 = arith.addi %mul3A_155, %add3A_156 : i32
      %broadcast_in_dim3A_158 = vector.broadcast %add3A_157 : i32 to vector<16xi32>
      %gather3A_159 = tpu.vector_load_idx %arg20[%broadcast_in_dim3A_158] : memref<1280xf32, #tpu.memory_space<vmem>>[vector<16xi32>], vector<16xf32>,
      %get3A_160 = arith.index_cast %add3A_128 : i32 to index
      %get3A_161 = arith.constant 0 : index
      %get3A_162 = tpu.vector_load %arg15[%get3A_160, %get3A_161] {strides = array<i32>} : memref<80x64xf32, #tpu.memory_space<vmem>>, vector<16xf32>,
      %mul3A_163 = arith.mulf %get3A_162, %gather3A_159 : vector<16xf32>
      %swap3A_164 = arith.index_cast %add3A_128 : i32 to index
      %swap3A_165 = arith.constant 0 : index
      %swap3A_166 = tpu.vector_load %arg16[%swap3A_164, %swap3A_165] {strides = array<i32>} : memref<80x80xf32, #tpu.memory_space<vmem>>, vector<16xf32>,
      tpu.vector_store %arg16[%swap3A_164, %swap3A_165], %mul3A_163 {strides = array<i32>} : memref<80x80xf32, #tpu.memory_space<vmem>>, vector<16xf32>,
      %get3A_167 = arith.index_cast %add3A_128 : i32 to index
      %get3A_168 = arith.constant 16 : index
      %get3A_169 = tpu.vector_load %arg15[%get3A_167, %get3A_168] {strides = array<i32>} : memref<80x64xf32, #tpu.memory_space<vmem>>, vector<16xf32>,
      %mul3A_170 = arith.mulf %get3A_169, %gather3A_159 : vector<16xf32>
      %swap3A_171 = arith.index_cast %add3A_128 : i32 to index
      %swap3A_172 = arith.constant 16 : index
      %swap3A_173 = tpu.vector_load %arg16[%swap3A_171, %swap3A_172] {strides = array<i32>} : memref<80x80xf32, #tpu.memory_space<vmem>>, vector<16xf32>,
      tpu.vector_store %arg16[%swap3A_171, %swap3A_172], %mul3A_170 {strides = array<i32>} : memref<80x80xf32, #tpu.memory_space<vmem>>, vector<16xf32>,
      %get3A_174 = arith.index_cast %add3A_128 : i32 to index
      %get3A_175 = arith.constant 32 : index
      %get3A_176 = tpu.vector_load %arg15[%get3A_174, %get3A_175] {strides = array<i32>} : memref<80x64xf32, #tpu.memory_space<vmem>>, vector<16xf32>,
      %mul3A_177 = arith.mulf %get3A_176, %gather3A_159 : vector<16xf32>
      %swap3A_178 = arith.index_cast %add3A_128 : i32 to index
      %swap3A_179 = arith.constant 32 : index
      %swap3A_180 = tpu.vector_load %arg16[%swap3A_178, %swap3A_179] {strides = array<i32>} : memref<80x80xf32, #tpu.memory_space<vmem>>, vector<16xf32>,
      tpu.vector_store %arg16[%swap3A_178, %swap3A_179], %mul3A_177 {strides = array<i32>} : memref<80x80xf32, #tpu.memory_space<vmem>>, vector<16xf32>,
      %get3A_181 = arith.index_cast %add3A_128 : i32 to index
      %get3A_182 = arith.constant 48 : index
      %get3A_183 = tpu.vector_load %arg15[%get3A_181, %get3A_182] {strides = array<i32>} : memref<80x64xf32, #tpu.memory_space<vmem>>, vector<16xf32>,
      %mul3A_184 = arith.mulf %get3A_183, %gather3A_159 : vector<16xf32>
      %swap3A_185 = arith.index_cast %add3A_128 : i32 to index
      %swap3A_186 = arith.constant 48 : index
      %swap3A_187 = tpu.vector_load %arg16[%swap3A_185, %swap3A_186] {strides = array<i32>} : memref<80x80xf32, #tpu.memory_space<vmem>>, vector<16xf32>,
      tpu.vector_store %arg16[%swap3A_185, %swap3A_186], %mul3A_184 {strides = array<i32>} : memref<80x80xf32, #tpu.memory_space<vmem>>, vector<16xf32>,
    }
    %scan3A_45 = arith.constant 80 : i32
    %dma_start3A_46 = arith.constant 0 : i32
    %dma_start3A_47 = arith.constant 0 : i32
    %dma_start3A_48 = tpu.memref_slice %arg21[%dma_start3A_46, %dma_start3A_47] : memref<10240x80xf32, #tpu.memory_space<vmem_shared>> -> memref<10240x80xf32, #tpu.memory_space<vmem_shared>>
    tpu.enqueue_indirect_dma source(%arg16 : memref<80x80xf32, #tpu.memory_space<vmem>>) target(%dma_start3A_48 : memref<10240x80xf32, #tpu.memory_space<vmem_shared>>) offsets(%arg9 : memref<80xi32, #tpu.memory_space<vmem>>) semaphore(%arg23 : memref<!tpu.dma_semaphore, #tpu.memory_space<semaphore_mem>>) {add = true}
    %dma_wait3A_49 = arith.constant 0 : i32
    %dma_wait3A_50 = arith.constant 0 : i32
    %dma_wait3A_51 = tpu.memref_slice %arg21[%dma_wait3A_49, %dma_wait3A_50] : memref<10240x80xf32, #tpu.memory_space<vmem_shared>> -> memref<10240x80xf32, #tpu.memory_space<vmem_shared>>
    tpu.wait_indirect_dma semaphore(%arg24 : memref<!tpu.dma_semaphore, #tpu.memory_space<semaphore_mem>>) src(%arg17 : memref<80x80xf32, #tpu.memory_space<vmem>>) dst(%dma_wait3A_51 : memref<10240x80xf32, #tpu.memory_space<vmem_shared>>)
    %dma_wait3A_52 = arith.constant 0 : i32
    %dma_wait3A_53 = arith.constant 0 : i32
    %dma_wait3A_54 = tpu.memref_slice %arg21[%dma_wait3A_52, %dma_wait3A_53] : memref<10240x80xf32, #tpu.memory_space<vmem_shared>> -> memref<10240x80xf32, #tpu.memory_space<vmem_shared>>
    tpu.wait_indirect_dma semaphore(%arg25 : memref<!tpu.dma_semaphore, #tpu.memory_space<semaphore_mem>>) src(%arg18 : memref<80x80xf32, #tpu.memory_space<vmem>>) dst(%dma_wait3A_54 : memref<10240x80xf32, #tpu.memory_space<vmem_shared>>)
    %dma_wait3A_55 = arith.constant 0 : i32
    %dma_wait3A_56 = arith.constant 0 : i32
    %dma_wait3A_57 = tpu.memref_slice %arg21[%dma_wait3A_55, %dma_wait3A_56] : memref<10240x80xf32, #tpu.memory_space<vmem_shared>> -> memref<10240x80xf32, #tpu.memory_space<vmem_shared>>
    tpu.wait_indirect_dma semaphore(%arg26 : memref<!tpu.dma_semaphore, #tpu.memory_space<semaphore_mem>>) src(%arg19 : memref<80x80xf32, #tpu.memory_space<vmem>>) dst(%dma_wait3A_57 : memref<10240x80xf32, #tpu.memory_space<vmem_shared>>)
    %dma_wait3A_58 = arith.constant 0 : i32
    %dma_wait3A_59 = arith.constant 0 : i32
    %dma_wait3A_60 = tpu.memref_slice %arg21[%dma_wait3A_58, %dma_wait3A_59] : memref<10240x80xf32, #tpu.memory_space<vmem_shared>> -> memref<10240x80xf32, #tpu.memory_space<vmem_shared>>
    tpu.wait_indirect_dma semaphore(%arg23 : memref<!tpu.dma_semaphore, #tpu.memory_space<semaphore_mem>>) src(%arg16 : memref<80x80xf32, #tpu.memory_space<vmem>>) dst(%dma_wait3A_60 : memref<10240x80xf32, #tpu.memory_space<vmem_shared>>)
    %barrier3A_61 = arith.constant 0 : index
    tpu.barrier barrier_id(%barrier3A_61)
    %mul3A_62 = arith.constant 640 : i32
    %mul3A_63 = arith.muli %arg1, %mul3A_62 : i32
    %mul3A_64 = arith.constant 640 : i32
    %mul3A_65 = arith.muli %arg1, %mul3A_64 : i32
    "tpu.region"() ({
      %run_scoped3A = tpu.sem_alloc : memref<!tpu.dma_semaphore, #tpu.memory_space<semaphore_mem>>
      %dma_start3A_66 = arith.constant 0 : i32
      %dma_start3A_67 = tpu.memref_slice %arg7[%arg0, %mul3A_65, %dma_start3A_66] : memref<2x10240x80xf32, #tpu.memory_space<hbm>> -> memref<1x640x80xf32, #tpu.memory_space<hbm>>
      %dma_start3A_68 = tpu.memref_squeeze %dma_start3A_67 : memref<1x640x80xf32, #tpu.memory_space<hbm>> -> memref<640x80xf32, #tpu.memory_space<hbm>>
      %dma_start3A_69 = arith.constant 0 : i32
      %dma_start3A_70 = tpu.memref_slice %arg21[%mul3A_63, %dma_start3A_69] : memref<10240x80xf32, #tpu.memory_space<vmem_shared>> -> memref<640x80xf32, #tpu.memory_space<vmem_shared>>
      tpu.enqueue_dma source(%dma_start3A_70 : memref<640x80xf32, #tpu.memory_space<vmem_shared>>) target(%dma_start3A_68 : memref<640x80xf32, #tpu.memory_space<hbm>>) target_semaphore(%run_scoped3A : memref<!tpu.dma_semaphore, #tpu.memory_space<semaphore_mem>>)
      %dma_wait3A_71 = arith.constant 0 : i32
      %dma_wait3A_72 = tpu.memref_slice %arg7[%arg0, %mul3A_65, %dma_wait3A_71] : memref<2x10240x80xf32, #tpu.memory_space<hbm>> -> memref<1x640x80xf32, #tpu.memory_space<hbm>>
      %dma_wait3A_73 = tpu.memref_squeeze %dma_wait3A_72 : memref<1x640x80xf32, #tpu.memory_space<hbm>> -> memref<640x80xf32, #tpu.memory_space<hbm>>
      %dma_wait3A_74 = arith.constant 0 : i32
      %dma_wait3A_75 = tpu.memref_slice %arg21[%mul3A_63, %dma_wait3A_74] : memref<10240x80xf32, #tpu.memory_space<vmem_shared>> -> memref<640x80xf32, #tpu.memory_space<vmem_shared>>
      tpu.wait_dma2 semaphore(%run_scoped3A : memref<!tpu.dma_semaphore, #tpu.memory_space<semaphore_mem>>) src(%dma_wait3A_75 : memref<640x80xf32, #tpu.memory_space<vmem_shared>>) dst(%dma_wait3A_73 : memref<640x80xf32, #tpu.memory_space<hbm>>)
      tpu.yield
    }) : () -> ()
    return
  }
}

module attributes {stable_mosaic.version = 14 : i64} {
  func.func @_mm_body(%arg0: i32, %arg1: memref<2000x128xf32, #tpu.memory_space<vmem>>, %arg2: memref<128x144xf32, #tpu.memory_space<vmem>>, %arg3: memref<2000x144xf32, #tpu.memory_space<vmem>>) attributes {dimension_semantics = [#tpu.dimension_semantics<arbitrary>], iteration_bounds = array<i64: 5>, scalar_prefetch = 0 : i64, scratch_operands = 0 : i64, tpu.core_type = #tpu.core_type<tc>, window_params = [{transform_indices = @transform_0, window_bounds = array<i64: 2000, 128>}, {pipeline_mode = #tpu.pipeline_mode<synchronous>, transform_indices = @transform_1, window_bounds = array<i64: 128, 144>}, {transform_indices = @transform_2, window_bounds = array<i64: 2000, 144>}]} {
    %get3A = arith.constant 0 : index
    %get3A_0 = arith.constant 0 : index
    %get3A_1 = vector.load %arg1[%get3A, %get3A_0] : memref<2000x128xf32, #tpu.memory_space<vmem>>, vector<2000x128xf32>
    %get3A_2 = arith.constant 0 : index
    %get3A_3 = arith.constant 0 : index
    %get3A_4 = vector.load %arg2[%get3A_2, %get3A_3] : memref<128x144xf32, #tpu.memory_space<vmem>>, vector<128x144xf32>
    %dot_general3A = arith.constant dense<0.000000e+00> : vector<2000x144xf32>
    %dot_general3A_5 = tpu.matmul %get3A_1, %get3A_4, %dot_general3A {dimension_numbers = #tpu.dot_dimension_numbers<[1], [0], [0], [1], [0, 0, 1, 1], [], []>, transpose_lhs_hint = false} : vector<2000x128xf32>, vector<128x144xf32>, vector<2000x144xf32> -> vector<2000x144xf32>
    %swap3A = arith.constant 0 : index
    %swap3A_6 = arith.constant 0 : index
    %swap3A_7 = vector.load %arg3[%swap3A, %swap3A_6] : memref<2000x144xf32, #tpu.memory_space<vmem>>, vector<2000x144xf32>
    tpu.vector_store %arg3[%swap3A, %swap3A_6], %dot_general3A_5 {strides = array<i32>} : memref<2000x144xf32, #tpu.memory_space<vmem>>, vector<2000x144xf32>,
    return
  }
  func.func @transform_0(%arg0: i32) -> (i32, i32) {
    %c0_i32 = arith.constant 0 : i32
    %c0_i32_0 = arith.constant 0 : i32
    return %arg0, %c0_i32 : i32, i32
  }
  func.func @transform_1(%arg0: i32) -> (i32, i32) {
    %c0_i32 = arith.constant 0 : i32
    %c0_i32_0 = arith.constant 0 : i32
    %c0_i32_1 = arith.constant 0 : i32
    return %c0_i32, %c0_i32_0 : i32, i32
  }
  func.func @transform_2(%arg0: i32) -> (i32, i32) {
    %c0_i32 = arith.constant 0 : i32
    %c0_i32_0 = arith.constant 0 : i32
    return %arg0, %c0_i32 : i32, i32
  }
}

module attributes {stable_mosaic.version = 14 : i64} {
  func.func @_ep1_body(%arg0: i32, %arg1: memref<2x2000x144xf32, #tpu.memory_space<vmem>>, %arg2: memref<1x128xf32, #tpu.memory_space<vmem>>, %arg3: memref<8x128xf32, #tpu.memory_space<vmem>>, %arg4: memref<128x128xf32, #tpu.memory_space<vmem>>, %arg5: memref<2000x128xf32, #tpu.memory_space<vmem>>) attributes {dimension_semantics = [#tpu.dimension_semantics<arbitrary>], iteration_bounds = array<i64: 5>, scalar_prefetch = 0 : i64, scratch_operands = 0 : i64, tpu.core_type = #tpu.core_type<tc>, window_params = [{transform_indices = @transform_0, window_bounds = array<i64: 2, 2000, 144>}, {pipeline_mode = #tpu.pipeline_mode<synchronous>, transform_indices = @transform_1, window_bounds = array<i64: 1, 128>}, {pipeline_mode = #tpu.pipeline_mode<synchronous>, transform_indices = @transform_2, window_bounds = array<i64: 8, 128>}, {pipeline_mode = #tpu.pipeline_mode<synchronous>, transform_indices = @transform_3, window_bounds = array<i64: 128, 128>}, {transform_indices = @transform_4, window_bounds = array<i64: 2000, 128>}]} {
    %get3A = arith.constant 0 : index
    %get3A_0 = arith.constant 0 : index
    %get3A_1 = arith.constant 0 : index
    %get3A_2 = vector.load %arg1[%get3A, %get3A_0, %get3A_1] : memref<2x2000x144xf32, #tpu.memory_space<vmem>>, vector<1x2000x144xf32>
    %get3A_3 = vector.shape_cast %get3A_2 : vector<1x2000x144xf32> to vector<2000x144xf32>
    %get3A_4 = arith.constant 1 : index
    %get3A_5 = arith.constant 0 : index
    %get3A_6 = arith.constant 0 : index
    %get3A_7 = vector.load %arg1[%get3A_4, %get3A_5, %get3A_6] : memref<2x2000x144xf32, #tpu.memory_space<vmem>>, vector<1x2000x144xf32>
    %get3A_8 = vector.shape_cast %get3A_7 : vector<1x2000x144xf32> to vector<2000x144xf32>
    %add3A = arith.addf %get3A_3, %get3A_8 : vector<2000x144xf32>
    %slice3A = vector.extract_strided_slice %add3A {offsets = [0, 0], sizes = [2000, 128], strides = [1, 1]} : vector<2000x144xf32> to vector<2000x128xf32>
    %slice3A_9 = vector.extract_strided_slice %add3A {offsets = [0, 128], sizes = [2000, 8], strides = [1, 1]} : vector<2000x144xf32> to vector<2000x8xf32>
    %get3A_10 = arith.constant 0 : index
    %get3A_11 = arith.constant 0 : index
    %get3A_12 = vector.load %arg3[%get3A_10, %get3A_11] : memref<8x128xf32, #tpu.memory_space<vmem>>, vector<8x128xf32>
    %dot_general3A = arith.constant dense<0.000000e+00> : vector<2000x128xf32>
    %dot_general3A_13 = tpu.matmul %slice3A_9, %get3A_12, %dot_general3A {dimension_numbers = #tpu.dot_dimension_numbers<[1], [0], [0], [1], [0, 0, 1, 1], [], []>, transpose_lhs_hint = false} : vector<2000x8xf32>, vector<8x128xf32>, vector<2000x128xf32> -> vector<2000x128xf32>
    %add3A_14 = arith.constant 1.000000e-16 : f32
    %add3A_15 = vector.broadcast %add3A_14 : f32 to vector<2000x128xf32>
    %add3A_16 = arith.addf %dot_general3A_13, %add3A_15 : vector<2000x128xf32>
    %div3A = arith.divf %slice3A, %add3A_16 : vector<2000x128xf32>
    %get3A_17 = arith.constant 0 : index
    %get3A_18 = arith.constant 0 : index
    %get3A_19 = vector.load %arg2[%get3A_17, %get3A_18] : memref<1x128xf32, #tpu.memory_space<vmem>>, vector<1x128xf32>
    %add3A_20 = vector.broadcast %get3A_19 : vector<1x128xf32> to vector<2000x128xf32>
    %add3A_21 = arith.addf %div3A, %add3A_20 : vector<2000x128xf32>
    %gt3A = arith.constant 0.000000e+00 : f32
    %gt3A_22 = vector.broadcast %gt3A : f32 to vector<2000x128xf32>
    %gt3A_23 = arith.cmpf ogt, %add3A_21, %gt3A_22 : vector<2000x128xf32>
    %min3A = arith.constant 0.000000e+00 : f32
    %min3A_24 = vector.broadcast %min3A : f32 to vector<2000x128xf32>
    %min3A_25 = arith.minimumf %add3A_21, %min3A_24 : vector<2000x128xf32>
    %exp3A = math.exp %min3A_25 : vector<2000x128xf32>
    %sub3A = arith.constant 1.000000e+00 : f32
    %sub3A_26 = vector.broadcast %sub3A : f32 to vector<2000x128xf32>
    %sub3A_27 = arith.subf %exp3A, %sub3A_26 : vector<2000x128xf32>
    %select_n3A = arith.select %gt3A_23, %add3A_21, %sub3A_27 : vector<2000x128xi1>, vector<2000x128xf32>
    %get3A_28 = arith.constant 0 : index
    %get3A_29 = arith.constant 0 : index
    %get3A_30 = vector.load %arg4[%get3A_28, %get3A_29] : memref<128x128xf32, #tpu.memory_space<vmem>>, vector<128x128xf32>
    %dot_general3A_31 = arith.constant dense<0.000000e+00> : vector<2000x128xf32>
    %dot_general3A_32 = tpu.matmul %select_n3A, %get3A_30, %dot_general3A_31 {dimension_numbers = #tpu.dot_dimension_numbers<[1], [0], [0], [1], [0, 0, 1, 1], [], []>, transpose_lhs_hint = false} : vector<2000x128xf32>, vector<128x128xf32>, vector<2000x128xf32> -> vector<2000x128xf32>
    %swap3A = arith.constant 0 : index
    %swap3A_33 = arith.constant 0 : index
    %swap3A_34 = vector.load %arg5[%swap3A, %swap3A_33] : memref<2000x128xf32, #tpu.memory_space<vmem>>, vector<2000x128xf32>
    tpu.vector_store %arg5[%swap3A, %swap3A_33], %dot_general3A_32 {strides = array<i32>} : memref<2000x128xf32, #tpu.memory_space<vmem>>, vector<2000x128xf32>,
    return
  }
  func.func @transform_0(%arg0: i32) -> (i32, i32, i32) {
    %c0_i32 = arith.constant 0 : i32
    %c0_i32_0 = arith.constant 0 : i32
    %c0_i32_1 = arith.constant 0 : i32
    return %c0_i32, %arg0, %c0_i32_0 : i32, i32, i32
  }
  func.func @transform_1(%arg0: i32) -> (i32, i32) {
    %c0_i32 = arith.constant 0 : i32
    %c0_i32_0 = arith.constant 0 : i32
    %c0_i32_1 = arith.constant 0 : i32
    return %c0_i32, %c0_i32_0 : i32, i32
  }
  func.func @transform_2(%arg0: i32) -> (i32, i32) {
    %c0_i32 = arith.constant 0 : i32
    %c0_i32_0 = arith.constant 0 : i32
    %c0_i32_1 = arith.constant 0 : i32
    return %c0_i32, %c0_i32_0 : i32, i32
  }
  func.func @transform_3(%arg0: i32) -> (i32, i32) {
    %c0_i32 = arith.constant 0 : i32
    %c0_i32_0 = arith.constant 0 : i32
    %c0_i32_1 = arith.constant 0 : i32
    return %c0_i32, %c0_i32_0 : i32, i32
  }
  func.func @transform_4(%arg0: i32) -> (i32, i32) {
    %c0_i32 = arith.constant 0 : i32
    %c0_i32_0 = arith.constant 0 : i32
    return %arg0, %c0_i32 : i32, i32
  }
}

module attributes {stable_mosaic.version = 14 : i64} {
  func.func @_ep2_body(%arg0: i32, %arg1: memref<2x2000x80xf32, #tpu.memory_space<vmem>>, %arg2: memref<1x64xf32, #tpu.memory_space<vmem>>, %arg3: memref<2000x64xf32, #tpu.memory_space<vmem>>) attributes {dimension_semantics = [#tpu.dimension_semantics<arbitrary>], iteration_bounds = array<i64: 5>, scalar_prefetch = 0 : i64, scratch_operands = 0 : i64, tpu.core_type = #tpu.core_type<tc>, window_params = [{transform_indices = @transform_0, window_bounds = array<i64: 2, 2000, 80>}, {pipeline_mode = #tpu.pipeline_mode<synchronous>, transform_indices = @transform_1, window_bounds = array<i64: 1, 64>}, {transform_indices = @transform_2, window_bounds = array<i64: 2000, 64>}]} {
    %get3A = arith.constant 0 : index
    %get3A_0 = arith.constant 0 : index
    %get3A_1 = arith.constant 0 : index
    %get3A_2 = vector.load %arg1[%get3A, %get3A_0, %get3A_1] : memref<2x2000x80xf32, #tpu.memory_space<vmem>>, vector<1x2000x80xf32>
    %get3A_3 = vector.shape_cast %get3A_2 : vector<1x2000x80xf32> to vector<2000x80xf32>
    %get3A_4 = arith.constant 1 : index
    %get3A_5 = arith.constant 0 : index
    %get3A_6 = arith.constant 0 : index
    %get3A_7 = vector.load %arg1[%get3A_4, %get3A_5, %get3A_6] : memref<2x2000x80xf32, #tpu.memory_space<vmem>>, vector<1x2000x80xf32>
    %get3A_8 = vector.shape_cast %get3A_7 : vector<1x2000x80xf32> to vector<2000x80xf32>
    %add3A = arith.addf %get3A_3, %get3A_8 : vector<2000x80xf32>
    %slice3A = vector.extract_strided_slice %add3A {offsets = [0, 64], sizes = [2000, 1], strides = [1, 1]} : vector<2000x80xf32> to vector<2000x1xf32>
    %slice3A_9 = vector.extract_strided_slice %add3A {offsets = [0, 0], sizes = [2000, 64], strides = [1, 1]} : vector<2000x80xf32> to vector<2000x64xf32>
    %add3A_10 = arith.constant 1.000000e-16 : f32
    %add3A_11 = vector.broadcast %add3A_10 : f32 to vector<2000x1xf32>
    %add3A_12 = arith.addf %slice3A, %add3A_11 : vector<2000x1xf32>
    %div3A = vector.broadcast %add3A_12 : vector<2000x1xf32> to vector<2000x64xf32>
    %div3A_13 = arith.divf %slice3A_9, %div3A : vector<2000x64xf32>
    %get3A_14 = arith.constant 0 : index
    %get3A_15 = arith.constant 0 : index
    %get3A_16 = vector.load %arg2[%get3A_14, %get3A_15] : memref<1x64xf32, #tpu.memory_space<vmem>>, vector<1x64xf32>
    %add3A_17 = vector.broadcast %get3A_16 : vector<1x64xf32> to vector<2000x64xf32>
    %add3A_18 = arith.addf %div3A_13, %add3A_17 : vector<2000x64xf32>
    %swap3A = arith.constant 0 : index
    %swap3A_19 = arith.constant 0 : index
    %swap3A_20 = vector.load %arg3[%swap3A, %swap3A_19] : memref<2000x64xf32, #tpu.memory_space<vmem>>, vector<2000x64xf32>
    tpu.vector_store %arg3[%swap3A, %swap3A_19], %add3A_18 {strides = array<i32>} : memref<2000x64xf32, #tpu.memory_space<vmem>>, vector<2000x64xf32>,
    return
  }
  func.func @transform_0(%arg0: i32) -> (i32, i32, i32) {
    %c0_i32 = arith.constant 0 : i32
    %c0_i32_0 = arith.constant 0 : i32
    %c0_i32_1 = arith.constant 0 : i32
    return %c0_i32, %arg0, %c0_i32_0 : i32, i32, i32
  }
  func.func @transform_1(%arg0: i32) -> (i32, i32) {
    %c0_i32 = arith.constant 0 : i32
    %c0_i32_0 = arith.constant 0 : i32
    %c0_i32_1 = arith.constant 0 : i32
    return %c0_i32, %c0_i32_0 : i32, i32
  }
  func.func @transform_2(%arg0: i32) -> (i32, i32) {
    %c0_i32 = arith.constant 0 : i32
    %c0_i32_0 = arith.constant 0 : i32
    return %arg0, %c0_i32 : i32, i32
  }
}

</mosaic_0001>

<sc_bundles>
// kernel: kernel.10.cloned.1.call-start
scs
__scs_entry_jumppad:
0x0: {  	(pc) =	sbr.rel $0x88, $3  }
0x1: {  	(tag) =	ssettag $0x0;
	lr =	simm.s32 $0x1  }
0x2: {  	[smem:$0x3F97] =	sst lr;
	_ =	strace $0xD0000000  }
0x3: {  	_ = 	snop  }
0x4: {  	_ = 	snop  }
0x5: {  	_ = 	snop  }
0x6: {  	_ = 	snop  }
0x7: {  	_ = 	snop  }
__scs_overlays_trampoline_lowered:
0x8: {  	[smem:$0x3FA6] =	sst s0  }
0x9: {  	[smem:$0x3FA7] =	sst s1  }
0xa: {  	[smem:$0x3FA8] =	sst s2  }
0xb: {  	[smem:$0x3FA9] =	sst s3  }
0xc: {  	[smem:$0x3FAA] =	sst s4  }
0xd: {  	[smem:$0x3FAB] =	sst s5  }
0xe: {  	[smem:$0x3FAC] =	sst s6  }
0xf: {  	[smem:$0x3FAD] =	sst s7  }
0x10: {  	[smem:$0x3FAE] =	sst s8  }
0x11: {  	[smem:$0x3FAF] =	sst s9;
	s0 =	simm.s32 @!p0 $0x0  }
0x12: {  	s1 =	sld [smem:$0x3F95];
	s0 =	simm.s32 @p0 $0x1  }
0x13: {  	[smem:$0x3FB0] =	sst s0;
	s0 =	simm.s32 @!p1 $0x0  }
0x14: {  	s2 =	sld [smem:$0x3F94];
	s0 =	simm.s32 @p1 $0x1  }
0x15: {  	[smem:$0x3FB1] =	sst s0;
	s0 =	simm.s32 @!p2 $0x0  }
0x16: {  	s3 =	sld [smem:$0x3FDB];
	s0 =	simm.s32 @p2 $0x1  }
0x17: {  	s4 =	simm.s32 $0x1BF5;
	[smem:$0x3FB3] =	sst s0  }
0x18: {  	s0 =	sld [smem:$0x3F96];
	_ =	swait.ge [sflag:s4], $0x0  }
0x19: {  	s7 =	sld [smem:$0x3F97]  }
0x1a: {  	s8 =	sadd.s32 $0xFFFFE003, lr  }
0x1b: {  	s9 =	sadd.s32 $0xFFFFFEF7, lr;
	s5 =	simm.s32 $0xFFFFFFFF;
	p2 =	slt.u32 s8, $0xFFFFF086  }
0x1c: {  	p1 =	slt.u32 s9, $0xF7A;
	s5 =	simm.s32 @!p2 $0x0  }
0x1d: {  	s5 =	simm.s32 @p1 $0x1;
	p0 =	seq.s32 s7, s2  }
0x1e: {  	s7 =	smul.u32 @!p0 $0xF7A, s2;
	p2 =	seq.s32 @!p0 s5, $0x0  }
0x1f: {  	s9 =	smul.u32 $0xF7A, s1;
	s8 =	simm.s32 @!p0 $0x1BF5;
	p2 =	por !p2, p0  }
0x20: {  	[sflag:s8] =	ssyncset.s32 @!p0 $0xFFFFF086;
	s6 =	sadd.s32 @!p0 s3, s7;
	s7 =	simm.s32 @!p0 $0x108  }
0x21: {  	s3 =	sadd.s32 s3, s9;
	s6 =	sadd.s32 @!p0 $0x88, s6;
	s7 =	simm.s32 @p2 $0x1082  }
0x22: {  	[simem:s7], [sflag:s8] =	dma.local @!p0 [hbm:s6], $0xF7A  }
0x23: {  	s9 =	sor.u32 $0xD0000000, s2;
	s6 =	simm.s32 $0x108;
	_ =	swait.ge @!p0 [sflag:s8], $0x0  }
0x24: {  	s3 =	sadd.s32 $0x88, s3;
	s6 =	simm.s32 @!p1 $0x1082;
	[sflag:s4] =	ssyncset.s32 $0xFFFFF086  }
0x25: {  	[simem:s6], [sflag:s4] =	dma.local [hbm:s3], $0xF7A  }
0x26: {  	[smem:$0x3F97] =	sst s1;
	(tag) =	ssettag s2;
	_ =	strace s9  }
0x27: {  	s1 =	sld [smem:$0x3FA7]  }
0x28: {  	s2 =	sld [smem:$0x3FA8]  }
0x29: {  	s4 =	sld [smem:$0x3FAA]  }
0x2a: {  	p0 =	seq.s32 s5, $0x0;
	s5 =	sld [smem:$0x3FAB]  }
0x2b: {  	s6 =	sld [smem:$0x3FAC]  }
0x2c: {  	s7 =	sld [smem:$0x3FAD]  }
0x2d: {  	s3 =	simm.s32 $0x108;
	s8 =	sld [smem:$0x3FAE]  }
0x2e: {  	s3 =	simm.s32 @!p0 $0x1082;
	s9 =	sld [smem:$0x3FAF]  }
0x2f: {  	lr =	sadd.s32 s0, s3;
	s0 =	sld [smem:$0x3FA6]  }
0x30: {  	s3 =	sld [smem:$0x3FA9]  }
0x31: {  	[smem:$0x3FB2] =	sst s10  }
0x32: {  	s10 =	sld [smem:$0x3FB0];
	_ =	sdelay $0x3  }
0x33: {  	p0 =	seq.s32 s10, $0x1;
	s10 =	sld [smem:$0x3FB2];
	_ =	sdelay $0x3  }
0x34: {  	[smem:$0x3FB2] =	sst s10  }
0x35: {  	s10 =	sld [smem:$0x3FB1];
	_ =	sdelay $0x3  }
0x36: {  	p1 =	seq.s32 s10, $0x1;
	s10 =	sld [smem:$0x3FB2];
	_ =	sdelay $0x3  }
0x37: {  	[smem:$0x3FB2] =	sst s10  }
0x38: {  	s10 =	sld [smem:$0x3FB3]  }
0x39: {  	_ = 	snop;
	(pc) =	sbr.ind lr, $3  }
0x3a: {  	_ = 	snop  }
0x3b: {  	_ = 	snop  }
0x3c: {  	p2 =	seq.s32 s10, $0x1;
	s10 =	sld [smem:$0x3FB2]  }
0x3d: {  	_ =	shalt  }
0x3e: {  	_ =	shalt  }
0x3f: {  	_ =	shalt  }
0x40: {  	_ =	shalt  }
0x41: {  	_ =	shalt  }
0x42: {  	_ =	shalt  }
0x43: {  	_ =	shalt  }
0x44: {  	_ =	shalt  }
0x45: {  	_ =	shalt  }
0x46: {  	_ =	shalt  }
0x47: {  	_ =	shalt  }
0x48: {  	_ =	shalt  }
0x49: {  	_ =	shalt  }
0x4a: {  	_ =	shalt  }
0x4b: {  	_ =	shalt  }
0x4c: {  	_ =	shalt  }
0x4d: {  	_ =	shalt  }
0x4e: {  	_ =	shalt  }
0x4f: {  	_ =	shalt  }
0x50: {  	_ =	shalt  }
0x51: {  	_ =	shalt  }
0x52: {  	_ =	shalt  }
0x53: {  	_ =	shalt  }
0x54: {  	_ =	shalt  }
0x55: {  	_ =	shalt  }
0x56: {  	_ =	shalt  }
0x57: {  	_ =	shalt  }
0x58: {  	_ =	shalt  }
0x59: {  	_ =	shalt  }
0x5a: {  	_ =	shalt  }
0x5b: {  	_ =	shalt  }
0x5c: {  	_ =	shalt  }
0x5d: {  	_ =	shalt  }
0x5e: {  	_ =	shalt  }
0x5f: {  	_ =	shalt  }
0x60: {  	_ =	shalt  }
0x61: {  	_ =	shalt  }
0x62: {  	_ =	shalt  }
0x63: {  	_ =	shalt  }
0x64: {  	_ =	shalt  }
0x65: {  	_ =	shalt  }
0x66: {  	_ =	shalt  }
0x67: {  	_ =	shalt  }
0x68: {  	_ =	shalt  }
0x69: {  	_ =	shalt  }
0x6a: {  	_ =	shalt  }
0x6b: {  	_ =	shalt  }
0x6c: {  	_ =	shalt  }
0x6d: {  	_ =	shalt  }
0x6e: {  	_ =	shalt  }
0x6f: {  	_ =	shalt  }
0x70: {  	_ =	shalt  }
0x71: {  	_ =	shalt  }
0x72: {  	_ =	shalt  }
0x73: {  	_ =	shalt  }
0x74: {  	_ =	shalt  }
0x75: {  	_ =	shalt  }
0x76: {  	_ =	shalt  }
0x77: {  	_ =	shalt  }
0x78: {  	_ =	shalt  }
0x79: {  	_ =	shalt  }
0x7a: {  	_ =	shalt  }
0x7b: {  	_ =	shalt  }
0x7c: {  	_ =	shalt  }
0x7d: {  	_ =	shalt  }
0x7e: {  	_ =	shalt  }
0x7f: {  	_ =	shalt  }
0x80: {  	_ =	shalt  }
0x81: {  	_ =	shalt  }
0x82: {  	_ =	shalt  }
0x83: {  	_ =	shalt  }
0x84: {  	_ =	shalt  }
0x85: {  	_ =	shalt  }
0x86: {  	_ =	shalt  }
0x87: {  	_ =	shalt  }
.Lfunc_end0:
.L_simem_size_0:
called_computation.1_lowered:
.L_overlay_start_0:
0x88: {  	s2 =	sld [smem:$0x3FD9]  }
0x89: {  	s3 =	sld [smem:$0x3FFE];
	_ =	sdelay $0x1  }
0x8a: {  	s1 =	srdreg.scid  }
0x8b: {  	s0 =	sand.u32 $0x1, s1  }
0x8c: {  	s17 =	sshll.u32 s0, $0xA;
	s2 =	sadd.s32 s3, s2  }
0x8d: {  	s2 =	sadd.s32 s2, s17  }
0x8e: {  	[smem:$0x3FBE] =	sst s2  }
0x8f: {  	_ = 	snop  }
0x90: {  	s2 =	sld [smem:$0x3FD0];
	(tm) =	ssettm $0x1  }
0x91: {  	s18 =	sld [smem:$0x3FFB];
	_ =	sdelay $0x3  }
0x92: {  	_ =	strace s18  }
0x93: {  	s3 =	sld [smem:$0x3FFC];
	_ =	sdelay $0x3  }
0x94: {  	_ =	strace s3  }
0x95: {  	s3 =	sld [smem:$0x3FFD];
	_ =	sdelay $0x3  }
0x96: {  	_ =	strace s3  }
0x97: {  	_ =	strace $0x8FFFFFFF  }
0x98: {  	s19 =	sld [smem:$0x3FDB];
	_ =	sdelay $0x1  }
0x99: {  	s4 =	simm.s32 $_scs_section_size  }
0x9a: {  	s5 =	simm.s32 $_size__tile_overlayer_lowered;
	s6 =	simm.s32 $_tile_overlayer_lowered  }
0x9b: {  	s22 =	simm.s32 $0x1BFF;
	s21 =	sshll.u32 s6, $0x1;
	s3 =	sadd.s32 s4, s19  }
0x9c: {  	s7 =	simm.s32 $0x0;
	s20 =	sshll.u32 s5, $0x1;
	s5 =	sadd.s32 s21, s3  }
0x9d: {  	[timem:s7], [sflag:s22] =	dma.local [hbm:s5], s20  }
0x9e: {  	_ =	swait.ge [sflag:s22], s20  }
0x9f: {  	s4 =	ssub.s32 $0x0, s20;
	[sflag:s22] =	ssyncset.done $0x0  }
0xa0: {  	[sflag:s22] =	ssyncadd.s32 s4;
	_ =	sdelay $0x1  }
0xa1: {  	s23 =	simm.s32 $0x1B8B  }
0xa2: {  	_ =	swait.ge [sflag:s23], $0x1  }
0xa3: {  	[sflag:s23] =	ssyncset.done $0x0  }
0xa4: {  	s25 =	simm.s32 $0x1B8E;
	s24 =	sld [smem:$0x3FFE];
	[sflag:s23] =	ssyncadd.s32 $0xFFFFFFFF  }
0xa5: {  	s26 =	simm.s32 $execute0_lowered;
	[smem:$0x3FD2] =	sst s25  }
0xa6: {  	s5 =	sshll.u32 s26, $0x1;
	_ =	strace $0x80000049;
	[dreg:$0x1] =	wrdreg $0xFFFFFFFF  }
0xa7: {  	s28 =	simm.s32 $_size_execute0_lowered;
	s3 =	sadd.s32 s3, s5;
	[dreg:$0x0] =	wrdreg $0x0  }
0xa8: {  	s5 =	sshll.u32 s28, $0x1;
	[dreg:$0x2] =	wrdreg s3  }
0xa9: {  	[dreg:$0x3] =	wrdreg s5  }
0xaa: {  	[dreg:$0x4] =	wrdreg $0xC0  }
0xab: {  	_ =	task [dreg:s7], $0x5FFFF  }
0xac: {  	[dreg:$0x1] =	wrdreg $0xFFFFFFFF  }
0xad: {  	[dreg:$0x0] =	wrdreg $0x60  }
0xae: {  	[dreg:$0x2] =	wrdreg s24  }
0xaf: {  	[dreg:$0x3] =	wrdreg s2  }
0xb0: {  	[dreg:$0x4] =	wrdreg $0x88900  }
0xb1: {  	[dreg:$0x5] =	wrdreg $0x9  }
0xb2: {  	_ =	task.clear_ibuf [dreg:s7], $0x6FFFF;
	_ =	strace $0x90000049  }
0xb3: {  	s29 =	simm.s32 $0x9;
	_ =	strace $0x8000004B  }
0xb4: {  	_ =	swait.ge [sflag:s29], $0x1  }
0xb5: {  	[sflag:s29] =	ssyncadd.s32 $0xFFFFFFFF  }
0xb6: {  	_ =	strace $0x9000004B  }
0xb7: {  	_ =	sfence  }
0xb8: {  	s30 =	sld [smem:$0x0];
	_ =	sdelay $0x2  }
0xb9: {  	s31 =	sshll.u32 s1, $0xD;
	s1 =	sshrl.u32 s1, $0x2  }
0xba: {  	s3 =	sand.u32 $0x4000, s31;
	s1 =	sadd.s32 s1, s30  }
0xbb: {  	s0 =	sor.u32 s3, s0;
	s1 =	sshll.u32 s1, $0x11  }
0xbc: {  	s0 =	sor.u32 s1, s0  }
0xbd: {  	s0 =	sadd.s32 $0x8F2B, s0  }
0xbe: {  	[sflag:s0] =	ssyncadd.remote.s32 $0x1  }
0xbf: {  	_ =	sfence.sel $0xFFFF  }
0xc0: {  	[dreg:$0x0] =	wrdreg $0xFFFFFFFF;
	(pc) =	sbr.abs _section_cstart, $3  }
0xc1: {  	[dreg:$0x1] =	wrdreg $0xFFFFFFFF  }
0xc2: {  	_ =	task.clear_ibuf [dreg:s7], $0x2FFFF;
	_ =	strace $0x9FFFFFFF  }
0xc3: {  	(tm) =	ssettm $0x7FFFFFFF  }
tec
execute0_lowered:
.L_overlay_start_1:
0x0: {  	(tag) =	ssettag $0x1  }
0x1: {  	s1 =	rddreg [dreg:$0x0]  }
0x2: {  	s2 =	rddreg [dreg:$0x1]  }
0x3: {  	s3 =	rddreg [dreg:$0x2]  }
0x4: {  	s15 =	simm.s32 $0x0;
	s0 =	srdreg.scid;
	s11 =	stileid.u32  }
0x5: {  	s28 =	simm.s32 $0x6;
	s29 =	simm.s32 $0x50;
	s30 =	simm.s32 $0x190  }
0x6: {  	s31 =	simm.s32 $0x690;
	[smem:$0x7FF] =	sst s15;
	s5 =	smul.u32 $0xC800, s11  }
0x7: {  	s0 =	sand.u32 $0x1, s0;
	s6 =	sadd.s32 $0x36000, s1;
	s14 =	smul.u32 $0x32000, s11  }
0x8: {  	s7 =	sadd.s32 $0x2C200, s1;
	s9 =	sadd.s32 $0x5000, s1;
	s4 =	smul.u32 $0xC8000, s0  }
0x9: {  	_ =	strace $0x8000004A;
	s8 =	sshll.u32 s0, $0x4;
	s0 =	ssub.s32 $0x2, s0  }
0xa: {  	s8 =	sor.u32 s11, s8;
	s10 =	sshrl.u32 s0, $0x1;
	s16 =	sshrl.u32 s14, $0x2  }
0xb: {  	s17 =	sadd.s32 s5, s3;
	s0 =	ssub.s32 s0, s10;
	s18 =	sadd.s32 s16, s3  }
0xc: {  	s14 =	simm.s32 $0xA0;
	s0 =	smax.u32 s0, $0x1;
	[dreg:$0x9] =	wrdreg s18  }
0xd: {  	s4 =	sadd.s32 s5, s4;
	s19 =	sadd.s32 $0x1900, s18;
	[dreg:$0xa] =	wrdreg s0  }
0xe: {  	s8 =	smul.u32 $0x2710, s8;
	s20 =	sadd.s32 $0x3200, s18;
	[dreg:$0xb] =	wrdreg s19  }
0xf: {  	s4 =	sshrl.u32 s4, $0x3;
	s21 =	sadd.s32 $0x4B00, s18;
	[dreg:$0xc] =	wrdreg s20  }
0x10: {  	s22 =	sadd.s32 $0x6400, s18;
	s23 =	sadd.s32 $0x7D00, s18;
	[dreg:$0xd] =	wrdreg s21  }
0x11: {  	s24 =	sadd.s32 $0x9600, s18;
	s4 =	sadd.s32 s4, s1;
	[dreg:$0xe] =	wrdreg s22  }
0x12: {  	s25 =	sadd.s32 $0x50, s8;
	s13 =	sshrl.u32 s8, $0x3;
	[dreg:$0xf] =	wrdreg s23  }
0x13: {  	s11 =	sadd.s32 $0xA0, s8;
	s12 =	sadd.s32 $0xF0, s8;
	[dreg:$0x10] =	wrdreg s24  }
0x14: {  	s0 =	simm.s32 $0xB90;
	[dreg:$0x5] =	wrdreg s25;
	s4 =	sadd.s32 $0x3FE00, s4  }
0x15: {  	s13 =	sadd.s32 $0x4D8, s13;
	s25 =	sadd.s32 $0xAF00, s18;
	[dreg:$0x8] =	wrdreg s4  }
0x16: {  	s19 =	simm.s32 $0x140;
	s26 =	sadd.s32 s6, s13;
	[dreg:$0x11] =	wrdreg s25  }
0x17: {  	s13 =	sadd.s32 s7, s13;
	s4 =	simm.s32 $0x1;
	[dreg:$0x6] =	wrdreg s26  }
0x18: {  	v1 =	vimm.s32 $0x0;
	vm1 =	vcmask $0x300;
	s25 =	simm.s32 $0x0;
	[dreg:$0x7] =	wrdreg s13;
	s26 =	sshrl.u32 s17, $0x3  }
0x19: {  	v0 =	vimm.f32 $0.0e+00;
	vm0 =	vmmov $0x1;
	v1 =	vsel vm1, $0x3, v1;
	s13 =	simm.s32 $0x8390;
	s17 =	simm.s32 $0xF0;
	[dreg:$0x12] =	wrdreg s26  }
.LBB2_1:
0x1a: {  	[dreg:$0x4] =	wrdreg s15;
	s15 =	simm.s32 $0x140;
	s5 =	simm.s32 $0x0  }
.LBB2_2:
0x1b: {  	p0 =	sne.s32 s15, $0x62C0;
	[tilespmem:s5+$0x1FD0] =	vst v0;
	s16 =	smov.u32 s15;
	s15 =	sadd.s32 $0x140, s15  }
.Ltmp0:
0x1c: {  	[tilespmem:s5+$0x1FC0] =	vst v0;
	(pc) =	sbr.rel @p0 .LBB2_2-.Ltmp0, $4  }
0x1d: {  	[tilespmem:s5+$0x1FB0] =	vst v0  }
0x1e: {  	[tilespmem:s5+$0x1F90] =	vst v0  }
0x1f: {  	[tilespmem:s5+$0x1FA0] =	vst v0  }
0x20: {  	s5 =	sshra.s32 s16, $0x2  }
0x21: {  	[tilespmem:s5+$0x1FD0] =	vst v0  }
0x22: {  	[tilespmem:s5+$0x1FC0] =	vst v0  }
0x23: {  	[tilespmem:s5+$0x1FB0] =	vst v0  }
0x24: {  	[tilespmem:s5+$0x1F90] =	vst v0  }
0x25: {  	[tilespmem:s5+$0x1FA0] =	vst v0;
	s16 =	rddreg [dreg:$0x9];
	s10 =	simm.s32 $0x1F90  }
0x26: {  	[spmem:s16] =	stream.linear.scatter [tilespmem:s10], [sflag:$0x6], $0x1900, $0x38;
	[tilespmem:$0x15090] =	vst v63  }
0x27: {  	_ =	swait.ge [sflag:s28], $0x1900  }
0x28: {  	[sflag:s28] =	ssyncset.done $0x0  }
0x29: {  	s18 =	rddreg [dreg:$0xb];
	[sflag:s28] =	ssyncadd.s32 $0xFFFFE700  }
0x2a: {  	[spmem:s18] =	stream.linear.scatter [tilespmem:s10], [sflag:$0x6], $0x1900, $0x38;
	[tilespmem:$0x15090] =	vst v63  }
0x2b: {  	_ =	swait.ge [sflag:s28], $0x1900  }
0x2c: {  	[sflag:s28] =	ssyncset.done $0x0  }
0x2d: {  	s20 =	rddreg [dreg:$0xc];
	[sflag:s28] =	ssyncadd.s32 $0xFFFFE700  }
0x2e: {  	[spmem:s20] =	stream.linear.scatter [tilespmem:s10], [sflag:$0x6], $0x1900, $0x38;
	[tilespmem:$0x15090] =	vst v63  }
0x2f: {  	_ =	swait.ge [sflag:s28], $0x1900  }
0x30: {  	[sflag:s28] =	ssyncset.done $0x0  }
0x31: {  	s21 =	rddreg [dreg:$0xd];
	[sflag:s28] =	ssyncadd.s32 $0xFFFFE700  }
0x32: {  	[spmem:s21] =	stream.linear.scatter [tilespmem:s10], [sflag:$0x6], $0x1900, $0x38;
	[tilespmem:$0x15090] =	vst v63  }
0x33: {  	_ =	swait.ge [sflag:s28], $0x1900  }
0x34: {  	[sflag:s28] =	ssyncset.done $0x0  }
0x35: {  	s22 =	rddreg [dreg:$0xe];
	[sflag:s28] =	ssyncadd.s32 $0xFFFFE700  }
0x36: {  	[spmem:s22] =	stream.linear.scatter [tilespmem:s10], [sflag:$0x6], $0x1900, $0x38;
	[tilespmem:$0x15090] =	vst v63  }
0x37: {  	_ =	swait.ge [sflag:s28], $0x1900  }
0x38: {  	[sflag:s28] =	ssyncset.done $0x0  }
0x39: {  	s23 =	rddreg [dreg:$0xf];
	[sflag:s28] =	ssyncadd.s32 $0xFFFFE700  }
0x3a: {  	[spmem:s23] =	stream.linear.scatter [tilespmem:s10], [sflag:$0x6], $0x1900, $0x38;
	[tilespmem:$0x15090] =	vst v63  }
0x3b: {  	_ =	swait.ge [sflag:s28], $0x1900  }
0x3c: {  	[sflag:s28] =	ssyncset.done $0x0  }
0x3d: {  	s24 =	rddreg [dreg:$0x10];
	[sflag:s28] =	ssyncadd.s32 $0xFFFFE700  }
0x3e: {  	[spmem:s24] =	stream.linear.scatter [tilespmem:s10], [sflag:$0x6], $0x1900, $0x38;
	[tilespmem:$0x15090] =	vst v63  }
0x3f: {  	_ =	swait.ge [sflag:s28], $0x1900  }
0x40: {  	[sflag:s28] =	ssyncset.done $0x0  }
0x41: {  	s26 =	rddreg [dreg:$0x11];
	[sflag:s28] =	ssyncadd.s32 $0xFFFFE700  }
0x42: {  	[spmem:s26] =	stream.linear.scatter [tilespmem:s10], [sflag:$0x6], $0x1900, $0x38;
	[tilespmem:$0x15090] =	vst v63  }
0x43: {  	_ =	swait.ge [sflag:s28], $0x1900  }
0x44: {  	[sflag:s28] =	ssyncset.done $0x0  }
0x45: {  	[sflag:s28] =	ssyncadd.s32 $0xFFFFE700  }
0x46: {  	s16 =	simm.s32 $0x0;
	[bflag:$0x0] =	sbarrier.arrive $0xFFFF  }
.LBB2_4:
0x47: {  	p0 =	seq.s32 s16, $0x0;
	s22 =	smul.u32 $0x140, s16  }
0x48: {  	s5 =	simm.s32 @!p0 $0x2  }
0x49: {  	_ =	swait.ge @!p0 [sflag:s5], $0x1900;
	s15 =	sadd.s32 s8, s22  }
0x4a: {  	[sflag:s5] =	ssyncset.done @!p0 $0x0;
	s15 =	sshrl.u32 s15, $0x3  }
0x4b: {  	[sflag:s5] =	ssyncadd.s32 @!p0 $0xFFFFE700;
	s10 =	sadd.s32 s6, s15  }
0x4c: {  	[tilespmem:s25], [sflag:$0x6] =	stream.linear.gather [hbm4b:s10+s25], $0x50, $0x38;
	[tilespmem:$0x15090] =	vst v63  }
0x4d: {  	_ =	swait.ge [sflag:s28], $0x50  }
0x4e: {  	[sflag:s28] =	ssyncset.done $0x0  }
0x4f: {  	s18 =	sadd.s32 s7, s15;
	[sflag:s28] =	ssyncadd.s32 $0xFFFFFFB0  }
0x50: {  	[tilespmem:s29], [sflag:$0x6] =	stream.linear.gather [hbm4b:s18+s25], $0x50, $0x38;
	[tilespmem:$0x15090] =	vst v63  }
0x51: {  	_ =	swait.ge [sflag:s28], $0x50  }
0x52: {  	[sflag:s28] =	ssyncset.done $0x0  }
0x53: {  	[sflag:s28] =	ssyncadd.s32 $0xFFFFFFB0  }
0x54: {  	[tilespmem:s30], [sflag:$0x1] =	stream.indirect.gather [hbm4b:s9+s29], $0x10, s25, s29, $0xb8;
	[tilespmem:$0x15090] =	vst v63  }
0x55: {  	_ = 	snop  }
0x56: {  	[tilespmem:s31], [sflag:$0x1] =	stream.indirect.gather [hbm4b:s1+s29], $0x10, s29, s29, $0xb8;
	[tilespmem:$0x15090] =	vst v63  }
0x57: {  	_ = 	snop  }
0x58: {  	[tilespmem:s0], [sflag:$0x1] =	stream.indirect.gather [hbm4b:s2+s29], $0x40, s25, s29, $0xb8;
	[tilespmem:$0x15090] =	vst v63  }
0x59: {  	_ =	swait.ge [sflag:s4], $0x500  }
0x5a: {  	[sflag:s4] =	ssyncset.done $0x0  }
0x5b: {  	[sflag:s4] =	ssyncadd.s32 $0xFFFFFB00  }
0x5c: {  	_ =	swait.ge [sflag:s4], $0x500  }
0x5d: {  	[sflag:s4] =	ssyncset.done $0x0  }
0x5e: {  	[sflag:s4] =	ssyncadd.s32 $0xFFFFFB00  }
0x5f: {  	_ =	swait.ge [sflag:s4], $0x1400  }
0x60: {  	[sflag:s4] =	ssyncset.done $0x0  }
0x61: {  	s20 =	simm.s32 $0x1A0;
	[sflag:s4] =	ssyncadd.s32 $0xFFFFEC00  }
0x62: {  	s23 =	simm.s32 $0x6A0;
	v2 =	vld [tilespmem:s20+$0xFFFFFFF0]  }
0x63: {  	v3 =	vld [tilespmem:s23+$0xFFFFFFF0];
	_ =	sdelay $0x4  }
0x64: {  	v2 =	vadd.f32 v3, v2;
	_ =	sdelay $0x1  }
0x65: {  	v3 =	vmul.f32 $2.000000030e-01, v2  }
0x66: {  	vm1 =	vge.f32 v2, $0.0e+00  }
0x67: {  	v2 =	vsel vm1, v2, v3  }
0x68: {  	v2 =	vmul.f32 $1.442695020e+00, v2;
	_ =	sdelay $0x1  }
0x69: {  	(erf) = vpow2.f32 v2;
	_ =	sdelay $0x3  }
0x6a: {  	v2 =	vmov s25  }
0x6b: {  	v2 =	vshrl.u32 v2, $0x3  }
0x6c: {  	v2 =	vshll.u32 v2, v1  }
0x6d: {  	v2 =	vbroadcast v2, $0x0;
	_ =	sdelay $0x1  }
0x6e: {  	v3 =	vpop (erf)  }
0x6f: {  	s24 =	simm.s32 $0x1FE0;
	v3 =	vnsel vm0, $0x0, v3  }
0x70: {  	s21 =	simm.s32 $0x83A0;
	[tilespmem:s24+$0xFFFFFFF0] =	vst v3  }
0x71: {  	[tilespmem:s21+$0xFFFFFFF0] =	vst v3  }
0x72: {  	s18 =	simm.s32 $0xBD0;
	v2 =	vld.idx.msk [tilespmem:v2+s13+$0x0], $0xffff  }
0x73: {  	v3 =	vld [tilespmem:s18+$0xFFFFFFC0];
	_ =	sdelay $0x4  }
0x74: {  	v3 =	vmul.f32 v3, v2;
	_ =	sdelay $0x1  }
0x75: {  	[tilespmem:s24+$0xFFFFFFB0] =	vst v3  }
0x76: {  	v3 =	vld [tilespmem:s18+$0xFFFFFFD0];
	_ =	sdelay $0x4  }
0x77: {  	v3 =	vmul.f32 v3, v2;
	_ =	sdelay $0x1  }
0x78: {  	[tilespmem:s24+$0xFFFFFFC0] =	vst v3  }
0x79: {  	v3 =	vld [tilespmem:s18+$0xFFFFFFE0];
	_ =	sdelay $0x4  }
0x7a: {  	v3 =	vmul.f32 v3, v2;
	_ =	sdelay $0x1  }
0x7b: {  	[tilespmem:s24+$0xFFFFFFD0] =	vst v3  }
0x7c: {  	v3 =	vld [tilespmem:s18+$0xFFFFFFF0];
	_ =	sdelay $0x4  }
0x7d: {  	v2 =	vmul.f32 v3, v2;
	_ =	sdelay $0x1  }
0x7e: {  	[tilespmem:s24+$0xFFFFFFE0] =	vst v2  }
0x7f: {  	v2 =	vld [tilespmem:s20+$0x0]  }
0x80: {  	v3 =	vld [tilespmem:s23+$0x0];
	_ =	sdelay $0x4  }
0x81: {  	v2 =	vadd.f32 v3, v2;
	_ =	sdelay $0x1  }
0x82: {  	v3 =	vmul.f32 $2.000000030e-01, v2  }
0x83: {  	vm1 =	vge.f32 v2, $0.0e+00  }
0x84: {  	v2 =	vsel vm1, v2, v3  }
0x85: {  	v2 =	vmul.f32 $1.442695020e+00, v2;
	_ =	sdelay $0x1  }
0x86: {  	(erf) = vpow2.f32 v2;
	_ =	sdelay $0x2  }
0x87: {  	s26 =	simm.s32 $0x10  }
0x88: {  	v2 =	vmov s26  }
0x89: {  	v2 =	vshrl.u32 v2, $0x3  }
0x8a: {  	v2 =	vshll.u32 v2, v1  }
0x8b: {  	v2 =	vbroadcast v2, $0x0;
	_ =	sdelay $0x1  }
0x8c: {  	v3 =	vpop (erf)  }
0x8d: {  	v3 =	vnsel vm0, $0x0, v3  }
0x8e: {  	[tilespmem:s24+$0x40] =	vst v3  }
0x8f: {  	[tilespmem:s21+$0x0] =	vst v3  }
0x90: {  	v2 =	vld.idx.msk [tilespmem:v2+s13+$0x0], $0xffff  }
0x91: {  	v3 =	vld [tilespmem:s18+$0x0];
	_ =	sdelay $0x4  }
0x92: {  	v3 =	vmul.f32 v3, v2;
	_ =	sdelay $0x1  }
0x93: {  	[tilespmem:s24+$0x0] =	vst v3  }
0x94: {  	v3 =	vld [tilespmem:s18+$0x10];
	_ =	sdelay $0x4  }
0x95: {  	v3 =	vmul.f32 v3, v2;
	_ =	sdelay $0x1  }
0x96: {  	[tilespmem:s24+$0x10] =	vst v3  }
0x97: {  	v3 =	vld [tilespmem:s18+$0x20];
	_ =	sdelay $0x4  }
0x98: {  	v3 =	vmul.f32 v3, v2;
	_ =	sdelay $0x1  }
0x99: {  	[tilespmem:s24+$0x20] =	vst v3  }
0x9a: {  	v3 =	vld [tilespmem:s18+$0x30];
	_ =	sdelay $0x3  }
0x9b: {  	s5 =	simm.s32 $0x83C0;
	s15 =	simm.s32 $0xC50;
	s20 =	simm.s32 $0x2080  }
0x9c: {  	s26 =	simm.s32 $0x0;
	s21 =	simm.s32 $0x0;
	s18 =	simm.s32 $0x1C0;
	v2 =	vmul.f32 v3, v2  }
.LBB2_5:
0x9d: {  	s21 =	sadd.s32 $0x2, s21;
	s26 =	sadd.s32 $0x20, s26;
	s23 =	sadd.s32 $0x20, s23  }
0x9e: {  	p1 =	slt.u32 s21, $0x4E;
	[tilespmem:s24+$0x30] =	vst v2;
	s24 =	smov.u32 s20  }
0x9f: {  	v2 =	vld [tilespmem:s18+$0xFFFFFFF0]  }
0xa0: {  	v3 =	vld [tilespmem:s23+$0xFFFFFFF0];
	_ =	sdelay $0x4  }
0xa1: {  	v2 =	vadd.f32 v3, v2;
	_ =	sdelay $0x1  }
0xa2: {  	v3 =	vmul.f32 $2.000000030e-01, v2  }
0xa3: {  	vm1 =	vge.f32 v2, $0.0e+00  }
0xa4: {  	v2 =	vsel vm1, v2, v3  }
0xa5: {  	v2 =	vmul.f32 $1.442695020e+00, v2;
	_ =	sdelay $0x1  }
0xa6: {  	(erf) = vpow2.f32 v2;
	_ =	sdelay $0x3  }
0xa7: {  	v2 =	vmov s26  }
0xa8: {  	v2 =	vshrl.u32 v2, $0x3  }
0xa9: {  	v2 =	vshll.u32 v2, v1  }
0xaa: {  	v2 =	vbroadcast v2, $0x0;
	_ =	sdelay $0x1  }
0xab: {  	v3 =	vpop (erf)  }
0xac: {  	v3 =	vnsel vm0, $0x0, v3  }
0xad: {  	[tilespmem:s20+$0xFFFFFFF0] =	vst v3  }
0xae: {  	[tilespmem:s5+$0xFFFFFFF0] =	vst v3  }
0xaf: {  	v2 =	vld.idx.msk [tilespmem:v2+s13+$0x0], $0xffff  }
0xb0: {  	v3 =	vld [tilespmem:s15+$0xFFFFFFC0];
	_ =	sdelay $0x4  }
0xb1: {  	v3 =	vmul.f32 v3, v2;
	_ =	sdelay $0x1  }
0xb2: {  	[tilespmem:s20+$0xFFFFFFB0] =	vst v3  }
0xb3: {  	v3 =	vld [tilespmem:s15+$0xFFFFFFD0];
	_ =	sdelay $0x4  }
0xb4: {  	v3 =	vmul.f32 v3, v2;
	_ =	sdelay $0x1  }
0xb5: {  	[tilespmem:s20+$0xFFFFFFC0] =	vst v3  }
0xb6: {  	v3 =	vld [tilespmem:s15+$0xFFFFFFE0];
	_ =	sdelay $0x4  }
0xb7: {  	v3 =	vmul.f32 v3, v2;
	_ =	sdelay $0x1  }
0xb8: {  	[tilespmem:s20+$0xFFFFFFD0] =	vst v3  }
0xb9: {  	v3 =	vld [tilespmem:s15+$0xFFFFFFF0];
	_ =	sdelay $0x4  }
0xba: {  	v2 =	vmul.f32 v3, v2;
	_ =	sdelay $0x1  }
0xbb: {  	[tilespmem:s20+$0xFFFFFFE0] =	vst v2  }
0xbc: {  	v2 =	vld [tilespmem:s18+$0x0]  }
0xbd: {  	v3 =	vld [tilespmem:s23+$0x0];
	_ =	sdelay $0x4  }
0xbe: {  	v2 =	vadd.f32 v3, v2;
	_ =	sdelay $0x1  }
0xbf: {  	vm1 =	vge.f32 v2, $0.0e+00;
	v3 =	vmul.f32 $2.000000030e-01, v2;
	_ =	sdelay $0x1  }
0xc0: {  	v2 =	vsel vm1, v2, v3  }
0xc1: {  	v2 =	vmul.f32 $1.442695020e+00, v2;
	_ =	sdelay $0x1  }
0xc2: {  	(erf) = vpow2.f32 v2;
	_ =	sdelay $0x2  }
0xc3: {  	s10 =	sadd.s32 $0x10, s26  }
0xc4: {  	v2 =	vmov s10  }
0xc5: {  	v2 =	vshrl.u32 v2, $0x3  }
0xc6: {  	v2 =	vshll.u32 v2, v1  }
0xc7: {  	v2 =	vbroadcast v2, $0x0;
	_ =	sdelay $0x1  }
0xc8: {  	v3 =	vpop (erf)  }
0xc9: {  	v3 =	vnsel vm0, $0x0, v3  }
0xca: {  	[tilespmem:s20+$0x40] =	vst v3  }
0xcb: {  	[tilespmem:s5+$0x0] =	vst v3  }
0xcc: {  	v2 =	vld.idx.msk [tilespmem:v2+s13+$0x0], $0xffff  }
0xcd: {  	v3 =	vld [tilespmem:s15+$0x0];
	_ =	sdelay $0x4  }
0xce: {  	v3 =	vmul.f32 v3, v2;
	_ =	sdelay $0x1  }
0xcf: {  	[tilespmem:s20+$0x0] =	vst v3  }
0xd0: {  	v3 =	vld [tilespmem:s15+$0x10];
	_ =	sdelay $0x4  }
0xd1: {  	v3 =	vmul.f32 v3, v2;
	_ =	sdelay $0x1  }
0xd2: {  	[tilespmem:s20+$0x10] =	vst v3  }
0xd3: {  	v3 =	vld [tilespmem:s15+$0x20];
	_ =	sdelay $0x4  }
0xd4: {  	v3 =	vmul.f32 v3, v2;
	_ =	sdelay $0x1  }
0xd5: {  	[tilespmem:s20+$0x20] =	vst v3  }
0xd6: {  	v3 =	vld [tilespmem:s15+$0x30]  }
.Ltmp1:
0xd7: {  	(pc) =	sbr.rel @p1 .LBB2_5-.Ltmp1, $3  }
0xd8: {  	_ =	sdelay $0x1  }
0xd9: {  	s5 =	sadd.s32 $0x20, s5  }
0xda: {  	s18 =	sadd.s32 $0x20, s18;
	s20 =	sadd.s32 $0xA0, s20;
	s15 =	sadd.s32 $0x80, s15;
	v2 =	vmul.f32 v3, v2  }
0xdb: {  	_ = 	snop  }
0xdc: {  	s5 =	simm.s32 $0x1F90;
	[tilespmem:s24+$0x30] =	vst v2  }
0xdd: {  	[spmem:s3] =	stream.indirect.scatter.add.f32 [tilespmem:s5], [sflag:$0x2], $0x50, s29, s29, $0xb8;
	[tilespmem:$0x15090] =	vst v63  }
0xde: {  	s5 =	simm.s32 @!p0 $0x3  }
0xdf: {  	_ =	swait.ge @!p0 [sflag:s5], $0x1900  }
0xe0: {  	s10 =	rddreg [dreg:$0x5]  }
0xe1: {  	s10 =	sadd.s32 s10, s22  }
0xe2: {  	[sflag:s5] =	ssyncset.done @!p0 $0x0;
	s10 =	sshrl.u32 s10, $0x3  }
0xe3: {  	s23 =	simm.s32 $0x0;
	[sflag:s5] =	ssyncadd.s32 @!p0 $0xFFFFE700;
	s26 =	sadd.s32 s6, s10  }
0xe4: {  	[tilespmem:s23], [sflag:$0x6] =	stream.linear.gather [hbm4b:s26+s23], $0x50, $0x38;
	[tilespmem:$0x15090] =	vst v63  }
0xe5: {  	_ =	swait.ge [sflag:s28], $0x50  }
0xe6: {  	[sflag:s28] =	ssyncset.done $0x0  }
0xe7: {  	s15 =	sadd.s32 s7, s10;
	[sflag:s28] =	ssyncadd.s32 $0xFFFFFFB0  }
0xe8: {  	[tilespmem:s14], [sflag:$0x6] =	stream.linear.gather [hbm4b:s15+s23], $0x50, $0x38;
	[tilespmem:$0x15090] =	vst v63  }
0xe9: {  	_ =	swait.ge [sflag:s28], $0x50  }
0xea: {  	[sflag:s28] =	ssyncset.done $0x0  }
0xeb: {  	[sflag:s28] =	ssyncadd.s32 $0xFFFFFFB0  }
0xec: {  	[tilespmem:s30], [sflag:$0x1] =	stream.indirect.gather [hbm4b:s9+s29], $0x10, s23, s29, $0xb8;
	[tilespmem:$0x15090] =	vst v63  }
0xed: {  	_ = 	snop  }
0xee: {  	[tilespmem:s31], [sflag:$0x1] =	stream.indirect.gather [hbm4b:s1+s29], $0x10, s14, s29, $0xb8;
	[tilespmem:$0x15090] =	vst v63  }
0xef: {  	_ = 	snop  }
0xf0: {  	[tilespmem:s0], [sflag:$0x1] =	stream.indirect.gather [hbm4b:s2+s29], $0x40, s23, s29, $0xb8;
	[tilespmem:$0x15090] =	vst v63  }
0xf1: {  	_ =	swait.ge [sflag:s4], $0x500  }
0xf2: {  	[sflag:s4] =	ssyncset.done $0x0  }
0xf3: {  	[sflag:s4] =	ssyncadd.s32 $0xFFFFFB00  }
0xf4: {  	_ =	swait.ge [sflag:s4], $0x500  }
0xf5: {  	[sflag:s4] =	ssyncset.done $0x0  }
0xf6: {  	[sflag:s4] =	ssyncadd.s32 $0xFFFFFB00  }
0xf7: {  	_ =	swait.ge [sflag:s4], $0x1400  }
0xf8: {  	[sflag:s4] =	ssyncset.done $0x0  }
0xf9: {  	s18 =	simm.s32 $0x1A0;
	[sflag:s4] =	ssyncadd.s32 $0xFFFFEC00  }
0xfa: {  	s24 =	simm.s32 $0x6A0;
	v2 =	vld [tilespmem:s18+$0xFFFFFFF0]  }
0xfb: {  	v3 =	vld [tilespmem:s24+$0xFFFFFFF0];
	_ =	sdelay $0x4  }
0xfc: {  	v2 =	vadd.f32 v3, v2;
	_ =	sdelay $0x1  }
0xfd: {  	v3 =	vmul.f32 $2.000000030e-01, v2  }
0xfe: {  	vm1 =	vge.f32 v2, $0.0e+00  }
0xff: {  	v2 =	vsel vm1, v2, v3  }
0x100: {  	v2 =	vmul.f32 $1.442695020e+00, v2;
	_ =	sdelay $0x1  }
0x101: {  	(erf) = vpow2.f32 v2;
	_ =	sdelay $0x3  }
0x102: {  	v2 =	vmov s23  }
0x103: {  	v2 =	vshrl.u32 v2, $0x3  }
0x104: {  	v2 =	vshll.u32 v2, v1  }
0x105: {  	v2 =	vbroadcast v2, $0x0;
	_ =	sdelay $0x1  }
0x106: {  	v3 =	vpop (erf)  }
0x107: {  	s21 =	simm.s32 $0x38E0;
	v3 =	vnsel vm0, $0x0, v3  }
0x108: {  	s20 =	simm.s32 $0x83A0;
	[tilespmem:s21+$0xFFFFFFF0] =	vst v3  }
0x109: {  	[tilespmem:s20+$0xFFFFFFF0] =	vst v3  }
0x10a: {  	s15 =	simm.s32 $0xBD0;
	v2 =	vld.idx.msk [tilespmem:v2+s13+$0x0], $0xffff  }
0x10b: {  	v3 =	vld [tilespmem:s15+$0xFFFFFFC0];
	_ =	sdelay $0x4  }
0x10c: {  	v3 =	vmul.f32 v3, v2;
	_ =	sdelay $0x1  }
0x10d: {  	[tilespmem:s21+$0xFFFFFFB0] =	vst v3  }
0x10e: {  	v3 =	vld [tilespmem:s15+$0xFFFFFFD0];
	_ =	sdelay $0x4  }
0x10f: {  	v3 =	vmul.f32 v3, v2;
	_ =	sdelay $0x1  }
0x110: {  	[tilespmem:s21+$0xFFFFFFC0] =	vst v3  }
0x111: {  	v3 =	vld [tilespmem:s15+$0xFFFFFFE0];
	_ =	sdelay $0x4  }
0x112: {  	v3 =	vmul.f32 v3, v2;
	_ =	sdelay $0x1  }
0x113: {  	[tilespmem:s21+$0xFFFFFFD0] =	vst v3  }
0x114: {  	v3 =	vld [tilespmem:s15+$0xFFFFFFF0];
	_ =	sdelay $0x4  }
0x115: {  	v2 =	vmul.f32 v3, v2;
	_ =	sdelay $0x1  }
0x116: {  	[tilespmem:s21+$0xFFFFFFE0] =	vst v2  }
0x117: {  	v2 =	vld [tilespmem:s18+$0x0]  }
0x118: {  	v3 =	vld [tilespmem:s24+$0x0];
	_ =	sdelay $0x4  }
0x119: {  	v2 =	vadd.f32 v3, v2;
	_ =	sdelay $0x1  }
0x11a: {  	v3 =	vmul.f32 $2.000000030e-01, v2  }
0x11b: {  	vm1 =	vge.f32 v2, $0.0e+00  }
0x11c: {  	v2 =	vsel vm1, v2, v3  }
0x11d: {  	v2 =	vmul.f32 $1.442695020e+00, v2;
	_ =	sdelay $0x1  }
0x11e: {  	(erf) = vpow2.f32 v2;
	_ =	sdelay $0x2  }
0x11f: {  	s26 =	simm.s32 $0x10  }
0x120: {  	v2 =	vmov s26  }
0x121: {  	v2 =	vshrl.u32 v2, $0x3  }
0x122: {  	v2 =	vshll.u32 v2, v1  }
0x123: {  	v2 =	vbroadcast v2, $0x0;
	_ =	sdelay $0x1  }
0x124: {  	v3 =	vpop (erf)  }
0x125: {  	v3 =	vnsel vm0, $0x0, v3  }
0x126: {  	[tilespmem:s21+$0x40] =	vst v3  }
0x127: {  	[tilespmem:s20+$0x0] =	vst v3  }
0x128: {  	v2 =	vld.idx.msk [tilespmem:v2+s13+$0x0], $0xffff  }
0x129: {  	v3 =	vld [tilespmem:s15+$0x0];
	_ =	sdelay $0x4  }
0x12a: {  	v3 =	vmul.f32 v3, v2;
	_ =	sdelay $0x1  }
0x12b: {  	[tilespmem:s21+$0x0] =	vst v3  }
0x12c: {  	v3 =	vld [tilespmem:s15+$0x10];
	_ =	sdelay $0x4  }
0x12d: {  	v3 =	vmul.f32 v3, v2;
	_ =	sdelay $0x1  }
0x12e: {  	[tilespmem:s21+$0x10] =	vst v3  }
0x12f: {  	v3 =	vld [tilespmem:s15+$0x20];
	_ =	sdelay $0x4  }
0x130: {  	v3 =	vmul.f32 v3, v2;
	_ =	sdelay $0x1  }
0x131: {  	[tilespmem:s21+$0x20] =	vst v3  }
0x132: {  	v3 =	vld [tilespmem:s15+$0x30];
	_ =	sdelay $0x3  }
0x133: {  	s5 =	simm.s32 $0x0;
	s18 =	simm.s32 $0xC50  }
0x134: {  	s26 =	simm.s32 $0x3980;
	s20 =	simm.s32 $0x1C0;
	s15 =	simm.s32 $0x83C0;
	v2 =	vmul.f32 v3, v2  }
.LBB2_7:
0x135: {  	s5 =	sadd.s32 $0x2, s5;
	s23 =	sadd.s32 $0x20, s23;
	s24 =	sadd.s32 $0x20, s24  }
0x136: {  	p1 =	slt.u32 s5, $0x4E;
	[tilespmem:s21+$0x30] =	vst v2;
	s21 =	smov.u32 s26  }
0x137: {  	v2 =	vld [tilespmem:s20+$0xFFFFFFF0]  }
0x138: {  	v3 =	vld [tilespmem:s24+$0xFFFFFFF0];
	_ =	sdelay $0x4  }
0x139: {  	v2 =	vadd.f32 v3, v2;
	_ =	sdelay $0x1  }
0x13a: {  	v3 =	vmul.f32 $2.000000030e-01, v2  }
0x13b: {  	vm1 =	vge.f32 v2, $0.0e+00  }
0x13c: {  	v2 =	vsel vm1, v2, v3  }
0x13d: {  	v2 =	vmul.f32 $1.442695020e+00, v2;
	_ =	sdelay $0x1  }
0x13e: {  	(erf) = vpow2.f32 v2;
	_ =	sdelay $0x3  }
0x13f: {  	v2 =	vmov s23  }
0x140: {  	v2 =	vshrl.u32 v2, $0x3  }
0x141: {  	v2 =	vshll.u32 v2, v1  }
0x142: {  	v2 =	vbroadcast v2, $0x0;
	_ =	sdelay $0x1  }
0x143: {  	v3 =	vpop (erf)  }
0x144: {  	v3 =	vnsel vm0, $0x0, v3  }
0x145: {  	[tilespmem:s26+$0xFFFFFFF0] =	vst v3  }
0x146: {  	[tilespmem:s15+$0xFFFFFFF0] =	vst v3  }
0x147: {  	v2 =	vld.idx.msk [tilespmem:v2+s13+$0x0], $0xffff  }
0x148: {  	v3 =	vld [tilespmem:s18+$0xFFFFFFC0];
	_ =	sdelay $0x4  }
0x149: {  	v3 =	vmul.f32 v3, v2;
	_ =	sdelay $0x1  }
0x14a: {  	[tilespmem:s26+$0xFFFFFFB0] =	vst v3  }
0x14b: {  	v3 =	vld [tilespmem:s18+$0xFFFFFFD0];
	_ =	sdelay $0x4  }
0x14c: {  	v3 =	vmul.f32 v3, v2;
	_ =	sdelay $0x1  }
0x14d: {  	[tilespmem:s26+$0xFFFFFFC0] =	vst v3  }
0x14e: {  	v3 =	vld [tilespmem:s18+$0xFFFFFFE0];
	_ =	sdelay $0x4  }
0x14f: {  	v3 =	vmul.f32 v3, v2;
	_ =	sdelay $0x1  }
0x150: {  	[tilespmem:s26+$0xFFFFFFD0] =	vst v3  }
0x151: {  	v3 =	vld [tilespmem:s18+$0xFFFFFFF0];
	_ =	sdelay $0x4  }
0x152: {  	v2 =	vmul.f32 v3, v2;
	_ =	sdelay $0x1  }
0x153: {  	[tilespmem:s26+$0xFFFFFFE0] =	vst v2  }
0x154: {  	v2 =	vld [tilespmem:s20+$0x0]  }
0x155: {  	v3 =	vld [tilespmem:s24+$0x0];
	_ =	sdelay $0x4  }
0x156: {  	v2 =	vadd.f32 v3, v2;
	_ =	sdelay $0x1  }
0x157: {  	vm1 =	vge.f32 v2, $0.0e+00;
	v3 =	vmul.f32 $2.000000030e-01, v2;
	_ =	sdelay $0x1  }
0x158: {  	v2 =	vsel vm1, v2, v3  }
0x159: {  	v2 =	vmul.f32 $1.442695020e+00, v2;
	_ =	sdelay $0x1  }
0x15a: {  	(erf) = vpow2.f32 v2;
	_ =	sdelay $0x2  }
0x15b: {  	s10 =	sadd.s32 $0x10, s23  }
0x15c: {  	v2 =	vmov s10  }
0x15d: {  	v2 =	vshrl.u32 v2, $0x3  }
0x15e: {  	v2 =	vshll.u32 v2, v1  }
0x15f: {  	v2 =	vbroadcast v2, $0x0;
	_ =	sdelay $0x1  }
0x160: {  	v3 =	vpop (erf)  }
0x161: {  	v3 =	vnsel vm0, $0x0, v3  }
0x162: {  	[tilespmem:s26+$0x40] =	vst v3  }
0x163: {  	[tilespmem:s15+$0x0] =	vst v3  }
0x164: {  	v2 =	vld.idx.msk [tilespmem:v2+s13+$0x0], $0xffff  }
0x165: {  	v3 =	vld [tilespmem:s18+$0x0];
	_ =	sdelay $0x4  }
0x166: {  	v3 =	vmul.f32 v3, v2;
	_ =	sdelay $0x1  }
0x167: {  	[tilespmem:s26+$0x0] =	vst v3  }
0x168: {  	v3 =	vld [tilespmem:s18+$0x10];
	_ =	sdelay $0x4  }
0x169: {  	v3 =	vmul.f32 v3, v2;
	_ =	sdelay $0x1  }
0x16a: {  	[tilespmem:s26+$0x10] =	vst v3  }
0x16b: {  	v3 =	vld [tilespmem:s18+$0x20];
	_ =	sdelay $0x4  }
0x16c: {  	v3 =	vmul.f32 v3, v2;
	_ =	sdelay $0x1  }
0x16d: {  	[tilespmem:s26+$0x20] =	vst v3  }
0x16e: {  	v3 =	vld [tilespmem:s18+$0x30]  }
.Ltmp2:
0x16f: {  	(pc) =	sbr.rel @p1 .LBB2_7-.Ltmp2, $3  }
0x170: {  	_ =	sdelay $0x1  }
0x171: {  	s15 =	sadd.s32 $0x20, s15  }
0x172: {  	s20 =	sadd.s32 $0x20, s20;
	s26 =	sadd.s32 $0xA0, s26;
	s18 =	sadd.s32 $0x80, s18;
	v2 =	vmul.f32 v3, v2  }
0x173: {  	_ = 	snop  }
0x174: {  	s5 =	simm.s32 $0x3890;
	[tilespmem:s21+$0x30] =	vst v2  }
0x175: {  	[spmem:s3] =	stream.indirect.scatter.add.f32 [tilespmem:s5], [sflag:$0x3], $0x50, s14, s29, $0xb8;
	[tilespmem:$0x15090] =	vst v63  }
0x176: {  	s5 =	simm.s32 @!p0 $0x4  }
0x177: {  	s10 =	sadd.s32 s11, s22;
	_ =	swait.ge @!p0 [sflag:s5], $0x1900  }
0x178: {  	s10 =	sshrl.u32 s10, $0x3;
	[sflag:s5] =	ssyncset.done @!p0 $0x0  }
0x179: {  	s23 =	simm.s32 $0x0;
	s26 =	sadd.s32 s6, s10;
	[sflag:s5] =	ssyncadd.s32 @!p0 $0xFFFFE700  }
0x17a: {  	[tilespmem:s23], [sflag:$0x6] =	stream.linear.gather [hbm4b:s26+s23], $0x50, $0x38;
	[tilespmem:$0x15090] =	vst v63  }
0x17b: {  	_ =	swait.ge [sflag:s28], $0x50  }
0x17c: {  	[sflag:s28] =	ssyncset.done $0x0  }
0x17d: {  	s15 =	sadd.s32 s7, s10;
	[sflag:s28] =	ssyncadd.s32 $0xFFFFFFB0  }
0x17e: {  	[tilespmem:s17], [sflag:$0x6] =	stream.linear.gather [hbm4b:s15+s23], $0x50, $0x38;
	[tilespmem:$0x15090] =	vst v63  }
0x17f: {  	_ =	swait.ge [sflag:s28], $0x50  }
0x180: {  	[sflag:s28] =	ssyncset.done $0x0  }
0x181: {  	[sflag:s28] =	ssyncadd.s32 $0xFFFFFFB0  }
0x182: {  	[tilespmem:s30], [sflag:$0x1] =	stream.indirect.gather [hbm4b:s9+s29], $0x10, s23, s29, $0xb8;
	[tilespmem:$0x15090] =	vst v63  }
0x183: {  	_ = 	snop  }
0x184: {  	[tilespmem:s31], [sflag:$0x1] =	stream.indirect.gather [hbm4b:s1+s29], $0x10, s17, s29, $0xb8;
	[tilespmem:$0x15090] =	vst v63  }
0x185: {  	_ = 	snop  }
0x186: {  	[tilespmem:s0], [sflag:$0x1] =	stream.indirect.gather [hbm4b:s2+s29], $0x40, s23, s29, $0xb8;
	[tilespmem:$0x15090] =	vst v63  }
0x187: {  	_ =	swait.ge [sflag:s4], $0x500  }
0x188: {  	[sflag:s4] =	ssyncset.done $0x0  }
0x189: {  	[sflag:s4] =	ssyncadd.s32 $0xFFFFFB00  }
0x18a: {  	_ =	swait.ge [sflag:s4], $0x500  }
0x18b: {  	[sflag:s4] =	ssyncset.done $0x0  }
0x18c: {  	[sflag:s4] =	ssyncadd.s32 $0xFFFFFB00  }
0x18d: {  	_ =	swait.ge [sflag:s4], $0x1400  }
0x18e: {  	[sflag:s4] =	ssyncset.done $0x0  }
0x18f: {  	s18 =	simm.s32 $0x1A0;
	[sflag:s4] =	ssyncadd.s32 $0xFFFFEC00  }
0x190: {  	s24 =	simm.s32 $0x6A0;
	v2 =	vld [tilespmem:s18+$0xFFFFFFF0]  }
0x191: {  	v3 =	vld [tilespmem:s24+$0xFFFFFFF0];
	_ =	sdelay $0x4  }
0x192: {  	v2 =	vadd.f32 v3, v2;
	_ =	sdelay $0x1  }
0x193: {  	v3 =	vmul.f32 $2.000000030e-01, v2  }
0x194: {  	vm1 =	vge.f32 v2, $0.0e+00  }
0x195: {  	v2 =	vsel vm1, v2, v3  }
0x196: {  	v2 =	vmul.f32 $1.442695020e+00, v2;
	_ =	sdelay $0x1  }
0x197: {  	(erf) = vpow2.f32 v2;
	_ =	sdelay $0x3  }
0x198: {  	v2 =	vmov s23  }
0x199: {  	v2 =	vshrl.u32 v2, $0x3  }
0x19a: {  	v2 =	vshll.u32 v2, v1  }
0x19b: {  	v2 =	vbroadcast v2, $0x0;
	_ =	sdelay $0x1  }
0x19c: {  	v3 =	vpop (erf)  }
0x19d: {  	s21 =	simm.s32 $0x51E0;
	v3 =	vnsel vm0, $0x0, v3  }
0x19e: {  	s20 =	simm.s32 $0x83A0;
	[tilespmem:s21+$0xFFFFFFF0] =	vst v3  }
0x19f: {  	[tilespmem:s20+$0xFFFFFFF0] =	vst v3  }
0x1a0: {  	s15 =	simm.s32 $0xBD0;
	v2 =	vld.idx.msk [tilespmem:v2+s13+$0x0], $0xffff  }
0x1a1: {  	v3 =	vld [tilespmem:s15+$0xFFFFFFC0];
	_ =	sdelay $0x4  }
0x1a2: {  	v3 =	vmul.f32 v3, v2;
	_ =	sdelay $0x1  }
0x1a3: {  	[tilespmem:s21+$0xFFFFFFB0] =	vst v3  }
0x1a4: {  	v3 =	vld [tilespmem:s15+$0xFFFFFFD0];
	_ =	sdelay $0x4  }
0x1a5: {  	v3 =	vmul.f32 v3, v2;
	_ =	sdelay $0x1  }
0x1a6: {  	[tilespmem:s21+$0xFFFFFFC0] =	vst v3  }
0x1a7: {  	v3 =	vld [tilespmem:s15+$0xFFFFFFE0];
	_ =	sdelay $0x4  }
0x1a8: {  	v3 =	vmul.f32 v3, v2;
	_ =	sdelay $0x1  }
0x1a9: {  	[tilespmem:s21+$0xFFFFFFD0] =	vst v3  }
0x1aa: {  	v3 =	vld [tilespmem:s15+$0xFFFFFFF0];
	_ =	sdelay $0x4  }
0x1ab: {  	v2 =	vmul.f32 v3, v2;
	_ =	sdelay $0x1  }
0x1ac: {  	[tilespmem:s21+$0xFFFFFFE0] =	vst v2  }
0x1ad: {  	v2 =	vld [tilespmem:s18+$0x0]  }
0x1ae: {  	v3 =	vld [tilespmem:s24+$0x0];
	_ =	sdelay $0x4  }
0x1af: {  	v2 =	vadd.f32 v3, v2;
	_ =	sdelay $0x1  }
0x1b0: {  	v3 =	vmul.f32 $2.000000030e-01, v2  }
0x1b1: {  	vm1 =	vge.f32 v2, $0.0e+00  }
0x1b2: {  	v2 =	vsel vm1, v2, v3  }
0x1b3: {  	v2 =	vmul.f32 $1.442695020e+00, v2;
	_ =	sdelay $0x1  }
0x1b4: {  	(erf) = vpow2.f32 v2;
	_ =	sdelay $0x2  }
0x1b5: {  	s26 =	simm.s32 $0x10  }
0x1b6: {  	v2 =	vmov s26  }
0x1b7: {  	v2 =	vshrl.u32 v2, $0x3  }
0x1b8: {  	v2 =	vshll.u32 v2, v1  }
0x1b9: {  	v2 =	vbroadcast v2, $0x0;
	_ =	sdelay $0x1  }
0x1ba: {  	v3 =	vpop (erf)  }
0x1bb: {  	v3 =	vnsel vm0, $0x0, v3  }
0x1bc: {  	[tilespmem:s21+$0x40] =	vst v3  }
0x1bd: {  	[tilespmem:s20+$0x0] =	vst v3  }
0x1be: {  	v2 =	vld.idx.msk [tilespmem:v2+s13+$0x0], $0xffff  }
0x1bf: {  	v3 =	vld [tilespmem:s15+$0x0];
	_ =	sdelay $0x4  }
0x1c0: {  	v3 =	vmul.f32 v3, v2;
	_ =	sdelay $0x1  }
0x1c1: {  	[tilespmem:s21+$0x0] =	vst v3  }
0x1c2: {  	v3 =	vld [tilespmem:s15+$0x10];
	_ =	sdelay $0x4  }
0x1c3: {  	v3 =	vmul.f32 v3, v2;
	_ =	sdelay $0x1  }
0x1c4: {  	[tilespmem:s21+$0x10] =	vst v3  }
0x1c5: {  	v3 =	vld [tilespmem:s15+$0x20];
	_ =	sdelay $0x4  }
0x1c6: {  	v3 =	vmul.f32 v3, v2;
	_ =	sdelay $0x1  }
0x1c7: {  	[tilespmem:s21+$0x20] =	vst v3  }
0x1c8: {  	v3 =	vld [tilespmem:s15+$0x30];
	_ =	sdelay $0x3  }
0x1c9: {  	s5 =	simm.s32 $0x0;
	s18 =	simm.s32 $0xC50  }
0x1ca: {  	s26 =	simm.s32 $0x5280;
	s20 =	simm.s32 $0x1C0;
	s15 =	simm.s32 $0x83C0;
	v2 =	vmul.f32 v3, v2  }
.LBB2_9:
0x1cb: {  	s5 =	sadd.s32 $0x2, s5;
	s23 =	sadd.s32 $0x20, s23;
	s24 =	sadd.s32 $0x20, s24  }
0x1cc: {  	p1 =	slt.u32 s5, $0x4E;
	[tilespmem:s21+$0x30] =	vst v2;
	s21 =	smov.u32 s26  }
0x1cd: {  	v2 =	vld [tilespmem:s20+$0xFFFFFFF0]  }
0x1ce: {  	v3 =	vld [tilespmem:s24+$0xFFFFFFF0];
	_ =	sdelay $0x4  }
0x1cf: {  	v2 =	vadd.f32 v3, v2;
	_ =	sdelay $0x1  }
0x1d0: {  	v3 =	vmul.f32 $2.000000030e-01, v2  }
0x1d1: {  	vm1 =	vge.f32 v2, $0.0e+00  }
0x1d2: {  	v2 =	vsel vm1, v2, v3  }
0x1d3: {  	v2 =	vmul.f32 $1.442695020e+00, v2;
	_ =	sdelay $0x1  }
0x1d4: {  	(erf) = vpow2.f32 v2;
	_ =	sdelay $0x3  }
0x1d5: {  	v2 =	vmov s23  }
0x1d6: {  	v2 =	vshrl.u32 v2, $0x3  }
0x1d7: {  	v2 =	vshll.u32 v2, v1  }
0x1d8: {  	v2 =	vbroadcast v2, $0x0;
	_ =	sdelay $0x1  }
0x1d9: {  	v3 =	vpop (erf)  }
0x1da: {  	v3 =	vnsel vm0, $0x0, v3  }
0x1db: {  	[tilespmem:s26+$0xFFFFFFF0] =	vst v3  }
0x1dc: {  	[tilespmem:s15+$0xFFFFFFF0] =	vst v3  }
0x1dd: {  	v2 =	vld.idx.msk [tilespmem:v2+s13+$0x0], $0xffff  }
0x1de: {  	v3 =	vld [tilespmem:s18+$0xFFFFFFC0];
	_ =	sdelay $0x4  }
0x1df: {  	v3 =	vmul.f32 v3, v2;
	_ =	sdelay $0x1  }
0x1e0: {  	[tilespmem:s26+$0xFFFFFFB0] =	vst v3  }
0x1e1: {  	v3 =	vld [tilespmem:s18+$0xFFFFFFD0];
	_ =	sdelay $0x4  }
0x1e2: {  	v3 =	vmul.f32 v3, v2;
	_ =	sdelay $0x1  }
0x1e3: {  	[tilespmem:s26+$0xFFFFFFC0] =	vst v3  }
0x1e4: {  	v3 =	vld [tilespmem:s18+$0xFFFFFFE0];
	_ =	sdelay $0x4  }
0x1e5: {  	v3 =	vmul.f32 v3, v2;
	_ =	sdelay $0x1  }
0x1e6: {  	[tilespmem:s26+$0xFFFFFFD0] =	vst v3  }
0x1e7: {  	v3 =	vld [tilespmem:s18+$0xFFFFFFF0];
	_ =	sdelay $0x4  }
0x1e8: {  	v2 =	vmul.f32 v3, v2;
	_ =	sdelay $0x1  }
0x1e9: {  	[tilespmem:s26+$0xFFFFFFE0] =	vst v2  }
0x1ea: {  	v2 =	vld [tilespmem:s20+$0x0]  }
0x1eb: {  	v3 =	vld [tilespmem:s24+$0x0];
	_ =	sdelay $0x4  }
0x1ec: {  	v2 =	vadd.f32 v3, v2;
	_ =	sdelay $0x1  }
0x1ed: {  	vm1 =	vge.f32 v2, $0.0e+00;
	v3 =	vmul.f32 $2.000000030e-01, v2;
	_ =	sdelay $0x1  }
0x1ee: {  	v2 =	vsel vm1, v2, v3  }
0x1ef: {  	v2 =	vmul.f32 $1.442695020e+00, v2;
	_ =	sdelay $0x1  }
0x1f0: {  	(erf) = vpow2.f32 v2;
	_ =	sdelay $0x2  }
0x1f1: {  	s10 =	sadd.s32 $0x10, s23  }
0x1f2: {  	v2 =	vmov s10  }
0x1f3: {  	v2 =	vshrl.u32 v2, $0x3  }
0x1f4: {  	v2 =	vshll.u32 v2, v1  }
0x1f5: {  	v2 =	vbroadcast v2, $0x0;
	_ =	sdelay $0x1  }
0x1f6: {  	v3 =	vpop (erf)  }
0x1f7: {  	v3 =	vnsel vm0, $0x0, v3  }
0x1f8: {  	[tilespmem:s26+$0x40] =	vst v3  }
0x1f9: {  	[tilespmem:s15+$0x0] =	vst v3  }
0x1fa: {  	v2 =	vld.idx.msk [tilespmem:v2+s13+$0x0], $0xffff  }
0x1fb: {  	v3 =	vld [tilespmem:s18+$0x0];
	_ =	sdelay $0x4  }
0x1fc: {  	v3 =	vmul.f32 v3, v2;
	_ =	sdelay $0x1  }
0x1fd: {  	[tilespmem:s26+$0x0] =	vst v3  }
0x1fe: {  	v3 =	vld [tilespmem:s18+$0x10];
	_ =	sdelay $0x4  }
0x1ff: {  	v3 =	vmul.f32 v3, v2;
	_ =	sdelay $0x1  }
0x200: {  	[tilespmem:s26+$0x10] =	vst v3  }
0x201: {  	v3 =	vld [tilespmem:s18+$0x20];
	_ =	sdelay $0x4  }
0x202: {  	v3 =	vmul.f32 v3, v2;
	_ =	sdelay $0x1  }
0x203: {  	[tilespmem:s26+$0x20] =	vst v3  }
0x204: {  	v3 =	vld [tilespmem:s18+$0x30]  }
.Ltmp3:
0x205: {  	(pc) =	sbr.rel @p1 .LBB2_9-.Ltmp3, $3  }
0x206: {  	_ =	sdelay $0x1  }
0x207: {  	s15 =	sadd.s32 $0x20, s15  }
0x208: {  	s20 =	sadd.s32 $0x20, s20;
	s26 =	sadd.s32 $0xA0, s26;
	s18 =	sadd.s32 $0x80, s18;
	v2 =	vmul.f32 v3, v2  }
0x209: {  	_ = 	snop  }
0x20a: {  	s5 =	simm.s32 $0x5190;
	[tilespmem:s21+$0x30] =	vst v2  }
0x20b: {  	[spmem:s3] =	stream.indirect.scatter.add.f32 [tilespmem:s5], [sflag:$0x4], $0x50, s17, s29, $0xb8;
	[tilespmem:$0x15090] =	vst v63  }
0x20c: {  	s5 =	simm.s32 @!p0 $0x5  }
0x20d: {  	s10 =	sadd.s32 s12, s22;
	_ =	swait.ge @!p0 [sflag:s5], $0x1900  }
0x20e: {  	s10 =	sshrl.u32 s10, $0x3;
	[sflag:s5] =	ssyncset.done @!p0 $0x0  }
0x20f: {  	s22 =	simm.s32 $0x0;
	s15 =	sadd.s32 s6, s10;
	[sflag:s5] =	ssyncadd.s32 @!p0 $0xFFFFE700  }
0x210: {  	[tilespmem:s22], [sflag:$0x6] =	stream.linear.gather [hbm4b:s15+s22], $0x50, $0x38;
	[tilespmem:$0x15090] =	vst v63  }
0x211: {  	_ =	swait.ge [sflag:s28], $0x50  }
0x212: {  	[sflag:s28] =	ssyncset.done $0x0  }
0x213: {  	s18 =	sadd.s32 s7, s10;
	[sflag:s28] =	ssyncadd.s32 $0xFFFFFFB0  }
0x214: {  	[tilespmem:s19], [sflag:$0x6] =	stream.linear.gather [hbm4b:s18+s22], $0x50, $0x38;
	[tilespmem:$0x15090] =	vst v63  }
0x215: {  	_ =	swait.ge [sflag:s28], $0x50  }
0x216: {  	[sflag:s28] =	ssyncset.done $0x0  }
0x217: {  	[sflag:s28] =	ssyncadd.s32 $0xFFFFFFB0  }
0x218: {  	[tilespmem:s30], [sflag:$0x1] =	stream.indirect.gather [hbm4b:s9+s29], $0x10, s22, s29, $0xb8;
	[tilespmem:$0x15090] =	vst v63  }
0x219: {  	_ = 	snop  }
0x21a: {  	[tilespmem:s31], [sflag:$0x1] =	stream.indirect.gather [hbm4b:s1+s29], $0x10, s19, s29, $0xb8;
	[tilespmem:$0x15090] =	vst v63  }
0x21b: {  	_ = 	snop  }
0x21c: {  	[tilespmem:s0], [sflag:$0x1] =	stream.indirect.gather [hbm4b:s2+s29], $0x40, s22, s29, $0xb8;
	[tilespmem:$0x15090] =	vst v63  }
0x21d: {  	_ =	swait.ge [sflag:s4], $0x500  }
0x21e: {  	[sflag:s4] =	ssyncset.done $0x0  }
0x21f: {  	[sflag:s4] =	ssyncadd.s32 $0xFFFFFB00  }
0x220: {  	_ =	swait.ge [sflag:s4], $0x500  }
0x221: {  	[sflag:s4] =	ssyncset.done $0x0  }
0x222: {  	[sflag:s4] =	ssyncadd.s32 $0xFFFFFB00  }
0x223: {  	_ =	swait.ge [sflag:s4], $0x1400  }
0x224: {  	[sflag:s4] =	ssyncset.done $0x0  }
0x225: {  	s20 =	simm.s32 $0x1A0;
	[sflag:s4] =	ssyncadd.s32 $0xFFFFEC00  }
0x226: {  	s23 =	simm.s32 $0x6A0;
	v2 =	vld [tilespmem:s20+$0xFFFFFFF0]  }
0x227: {  	v3 =	vld [tilespmem:s23+$0xFFFFFFF0];
	_ =	sdelay $0x4  }
0x228: {  	v2 =	vadd.f32 v3, v2;
	_ =	sdelay $0x1  }
0x229: {  	v3 =	vmul.f32 $2.000000030e-01, v2  }
0x22a: {  	vm1 =	vge.f32 v2, $0.0e+00  }
0x22b: {  	v2 =	vsel vm1, v2, v3  }
0x22c: {  	v2 =	vmul.f32 $1.442695020e+00, v2;
	_ =	sdelay $0x1  }
0x22d: {  	(erf) = vpow2.f32 v2;
	_ =	sdelay $0x3  }
0x22e: {  	v2 =	vmov s22  }
0x22f: {  	v2 =	vshrl.u32 v2, $0x3  }
0x230: {  	v2 =	vshll.u32 v2, v1  }
0x231: {  	v2 =	vbroadcast v2, $0x0;
	_ =	sdelay $0x1  }
0x232: {  	v3 =	vpop (erf)  }
0x233: {  	s21 =	simm.s32 $0x6AE0;
	v3 =	vnsel vm0, $0x0, v3  }
0x234: {  	s24 =	simm.s32 $0x83A0;
	[tilespmem:s21+$0xFFFFFFF0] =	vst v3  }
0x235: {  	[tilespmem:s24+$0xFFFFFFF0] =	vst v3  }
0x236: {  	s15 =	simm.s32 $0xBD0;
	v2 =	vld.idx.msk [tilespmem:v2+s13+$0x0], $0xffff  }
0x237: {  	v3 =	vld [tilespmem:s15+$0xFFFFFFC0];
	_ =	sdelay $0x4  }
0x238: {  	v3 =	vmul.f32 v3, v2;
	_ =	sdelay $0x1  }
0x239: {  	[tilespmem:s21+$0xFFFFFFB0] =	vst v3  }
0x23a: {  	v3 =	vld [tilespmem:s15+$0xFFFFFFD0];
	_ =	sdelay $0x4  }
0x23b: {  	v3 =	vmul.f32 v3, v2;
	_ =	sdelay $0x1  }
0x23c: {  	[tilespmem:s21+$0xFFFFFFC0] =	vst v3  }
0x23d: {  	v3 =	vld [tilespmem:s15+$0xFFFFFFE0];
	_ =	sdelay $0x4  }
0x23e: {  	v3 =	vmul.f32 v3, v2;
	_ =	sdelay $0x1  }
0x23f: {  	[tilespmem:s21+$0xFFFFFFD0] =	vst v3  }
0x240: {  	v3 =	vld [tilespmem:s15+$0xFFFFFFF0];
	_ =	sdelay $0x4  }
0x241: {  	v2 =	vmul.f32 v3, v2;
	_ =	sdelay $0x1  }
0x242: {  	[tilespmem:s21+$0xFFFFFFE0] =	vst v2  }
0x243: {  	v2 =	vld [tilespmem:s20+$0x0]  }
0x244: {  	v3 =	vld [tilespmem:s23+$0x0];
	_ =	sdelay $0x4  }
0x245: {  	v2 =	vadd.f32 v3, v2;
	_ =	sdelay $0x1  }
0x246: {  	v3 =	vmul.f32 $2.000000030e-01, v2  }
0x247: {  	vm1 =	vge.f32 v2, $0.0e+00  }
0x248: {  	v2 =	vsel vm1, v2, v3  }
0x249: {  	v2 =	vmul.f32 $1.442695020e+00, v2;
	_ =	sdelay $0x1  }
0x24a: {  	(erf) = vpow2.f32 v2;
	_ =	sdelay $0x2  }
0x24b: {  	s26 =	simm.s32 $0x10  }
0x24c: {  	v2 =	vmov s26  }
0x24d: {  	v2 =	vshrl.u32 v2, $0x3  }
0x24e: {  	v2 =	vshll.u32 v2, v1  }
0x24f: {  	v2 =	vbroadcast v2, $0x0;
	_ =	sdelay $0x1  }
0x250: {  	v3 =	vpop (erf)  }
0x251: {  	v3 =	vnsel vm0, $0x0, v3  }
0x252: {  	[tilespmem:s21+$0x40] =	vst v3  }
0x253: {  	[tilespmem:s24+$0x0] =	vst v3  }
0x254: {  	v2 =	vld.idx.msk [tilespmem:v2+s13+$0x0], $0xffff  }
0x255: {  	v3 =	vld [tilespmem:s15+$0x0];
	_ =	sdelay $0x4  }
0x256: {  	v3 =	vmul.f32 v3, v2;
	_ =	sdelay $0x1  }
0x257: {  	[tilespmem:s21+$0x0] =	vst v3  }
0x258: {  	v3 =	vld [tilespmem:s15+$0x10];
	_ =	sdelay $0x4  }
0x259: {  	v3 =	vmul.f32 v3, v2;
	_ =	sdelay $0x1  }
0x25a: {  	[tilespmem:s21+$0x10] =	vst v3  }
0x25b: {  	v3 =	vld [tilespmem:s15+$0x20];
	_ =	sdelay $0x4  }
0x25c: {  	v3 =	vmul.f32 v3, v2;
	_ =	sdelay $0x1  }
0x25d: {  	[tilespmem:s21+$0x20] =	vst v3  }
0x25e: {  	v3 =	vld [tilespmem:s15+$0x30];
	_ =	sdelay $0x3  }
0x25f: {  	s5 =	simm.s32 $0x0;
	s18 =	simm.s32 $0xC50  }
0x260: {  	s20 =	simm.s32 $0x1C0;
	s24 =	simm.s32 $0x6B80;
	s15 =	simm.s32 $0x83C0;
	v2 =	vmul.f32 v3, v2  }
.LBB2_11:
0x261: {  	s5 =	sadd.s32 $0x2, s5;
	s22 =	sadd.s32 $0x20, s22;
	s23 =	sadd.s32 $0x20, s23  }
0x262: {  	p0 =	slt.u32 s5, $0x4E;
	[tilespmem:s21+$0x30] =	vst v2;
	s21 =	smov.u32 s24  }
0x263: {  	v2 =	vld [tilespmem:s20+$0xFFFFFFF0]  }
0x264: {  	v3 =	vld [tilespmem:s23+$0xFFFFFFF0];
	_ =	sdelay $0x4  }
0x265: {  	v2 =	vadd.f32 v3, v2;
	_ =	sdelay $0x1  }
0x266: {  	v3 =	vmul.f32 $2.000000030e-01, v2  }
0x267: {  	vm1 =	vge.f32 v2, $0.0e+00  }
0x268: {  	v2 =	vsel vm1, v2, v3  }
0x269: {  	v2 =	vmul.f32 $1.442695020e+00, v2;
	_ =	sdelay $0x1  }
0x26a: {  	(erf) = vpow2.f32 v2;
	_ =	sdelay $0x3  }
0x26b: {  	v2 =	vmov s22  }
0x26c: {  	v2 =	vshrl.u32 v2, $0x3  }
0x26d: {  	v2 =	vshll.u32 v2, v1  }
0x26e: {  	v2 =	vbroadcast v2, $0x0;
	_ =	sdelay $0x1  }
0x26f: {  	v3 =	vpop (erf)  }
0x270: {  	v3 =	vnsel vm0, $0x0, v3  }
0x271: {  	[tilespmem:s24+$0xFFFFFFF0] =	vst v3  }
0x272: {  	[tilespmem:s15+$0xFFFFFFF0] =	vst v3  }
0x273: {  	v2 =	vld.idx.msk [tilespmem:v2+s13+$0x0], $0xffff  }
0x274: {  	v3 =	vld [tilespmem:s18+$0xFFFFFFC0];
	_ =	sdelay $0x4  }
0x275: {  	v3 =	vmul.f32 v3, v2;
	_ =	sdelay $0x1  }
0x276: {  	[tilespmem:s24+$0xFFFFFFB0] =	vst v3  }
0x277: {  	v3 =	vld [tilespmem:s18+$0xFFFFFFD0];
	_ =	sdelay $0x4  }
0x278: {  	v3 =	vmul.f32 v3, v2;
	_ =	sdelay $0x1  }
0x279: {  	[tilespmem:s24+$0xFFFFFFC0] =	vst v3  }
0x27a: {  	v3 =	vld [tilespmem:s18+$0xFFFFFFE0];
	_ =	sdelay $0x4  }
0x27b: {  	v3 =	vmul.f32 v3, v2;
	_ =	sdelay $0x1  }
0x27c: {  	[tilespmem:s24+$0xFFFFFFD0] =	vst v3  }
0x27d: {  	v3 =	vld [tilespmem:s18+$0xFFFFFFF0];
	_ =	sdelay $0x4  }
0x27e: {  	v2 =	vmul.f32 v3, v2;
	_ =	sdelay $0x1  }
0x27f: {  	[tilespmem:s24+$0xFFFFFFE0] =	vst v2  }
0x280: {  	v2 =	vld [tilespmem:s20+$0x0]  }
0x281: {  	v3 =	vld [tilespmem:s23+$0x0];
	_ =	sdelay $0x4  }
0x282: {  	v2 =	vadd.f32 v3, v2;
	_ =	sdelay $0x1  }
0x283: {  	vm1 =	vge.f32 v2, $0.0e+00;
	v3 =	vmul.f32 $2.000000030e-01, v2;
	_ =	sdelay $0x1  }
0x284: {  	v2 =	vsel vm1, v2, v3  }
0x285: {  	v2 =	vmul.f32 $1.442695020e+00, v2;
	_ =	sdelay $0x1  }
0x286: {  	(erf) = vpow2.f32 v2;
	_ =	sdelay $0x2  }
0x287: {  	s10 =	sadd.s32 $0x10, s22  }
0x288: {  	v2 =	vmov s10  }
0x289: {  	v2 =	vshrl.u32 v2, $0x3  }
0x28a: {  	v2 =	vshll.u32 v2, v1  }
0x28b: {  	v2 =	vbroadcast v2, $0x0;
	_ =	sdelay $0x1  }
0x28c: {  	v3 =	vpop (erf)  }
0x28d: {  	v3 =	vnsel vm0, $0x0, v3  }
0x28e: {  	[tilespmem:s24+$0x40] =	vst v3  }
0x28f: {  	[tilespmem:s15+$0x0] =	vst v3  }
0x290: {  	v2 =	vld.idx.msk [tilespmem:v2+s13+$0x0], $0xffff  }
0x291: {  	v3 =	vld [tilespmem:s18+$0x0];
	_ =	sdelay $0x4  }
0x292: {  	v3 =	vmul.f32 v3, v2;
	_ =	sdelay $0x1  }
0x293: {  	[tilespmem:s24+$0x0] =	vst v3  }
0x294: {  	v3 =	vld [tilespmem:s18+$0x10];
	_ =	sdelay $0x4  }
0x295: {  	v3 =	vmul.f32 v3, v2;
	_ =	sdelay $0x1  }
0x296: {  	[tilespmem:s24+$0x10] =	vst v3  }
0x297: {  	v3 =	vld [tilespmem:s18+$0x20];
	_ =	sdelay $0x4  }
0x298: {  	v3 =	vmul.f32 v3, v2;
	_ =	sdelay $0x1  }
0x299: {  	[tilespmem:s24+$0x20] =	vst v3  }
0x29a: {  	v3 =	vld [tilespmem:s18+$0x30]  }
.Ltmp4:
0x29b: {  	(pc) =	sbr.rel @p0 .LBB2_11-.Ltmp4, $3  }
0x29c: {  	_ =	sdelay $0x1  }
0x29d: {  	s15 =	sadd.s32 $0x20, s15  }
0x29e: {  	s20 =	sadd.s32 $0x20, s20;
	s24 =	sadd.s32 $0xA0, s24;
	s18 =	sadd.s32 $0x80, s18;
	v2 =	vmul.f32 v3, v2  }
0x29f: {  	s16 =	sadd.s32 $0x1, s16  }
0x2a0: {  	p0 =	sne.s32 s16, $0x1F  }
.Ltmp5:
0x2a1: {  	_ = 	snop;
	(pc) =	sbr.rel @p0 .LBB2_4-.Ltmp5, $3  }
0x2a2: {  	_ =	sdelay $0x1  }
0x2a3: {  	s5 =	simm.s32 $0x6A90;
	[tilespmem:s21+$0x30] =	vst v2  }
0x2a4: {  	[spmem:s3] =	stream.indirect.scatter.add.f32 [tilespmem:s5], [sflag:$0x5], $0x50, s19, s29, $0xb8;
	[tilespmem:$0x15090] =	vst v63  }
0x2a5: {  	s24 =	simm.s32 $0x2  }
0x2a6: {  	_ =	swait.ge [sflag:s24], $0x1900  }
0x2a7: {  	[sflag:s24] =	ssyncset.done $0x0  }
0x2a8: {  	s16 =	simm.s32 $0x0;
	s5 =	rddreg [dreg:$0x6];
	[sflag:s24] =	ssyncadd.s32 $0xFFFFE700  }
0x2a9: {  	[tilespmem:s16], [sflag:$0x6] =	stream.linear.gather [hbm4b:s5+s16], $0x50, $0x38;
	[tilespmem:$0x15090] =	vst v63  }
0x2aa: {  	_ =	swait.ge [sflag:s28], $0x50  }
0x2ab: {  	[sflag:s28] =	ssyncset.done $0x0  }
0x2ac: {  	s22 =	rddreg [dreg:$0x7];
	[sflag:s28] =	ssyncadd.s32 $0xFFFFFFB0  }
0x2ad: {  	[tilespmem:s29], [sflag:$0x6] =	stream.linear.gather [hbm4b:s22+s16], $0x50, $0x38;
	[tilespmem:$0x15090] =	vst v63  }
0x2ae: {  	_ =	swait.ge [sflag:s28], $0x50  }
0x2af: {  	[sflag:s28] =	ssyncset.done $0x0  }
0x2b0: {  	[sflag:s28] =	ssyncadd.s32 $0xFFFFFFB0  }
0x2b1: {  	[tilespmem:s30], [sflag:$0x1] =	stream.indirect.gather [hbm4b:s9+s29], $0x10, s16, s29, $0xb8;
	[tilespmem:$0x15090] =	vst v63  }
0x2b2: {  	_ = 	snop  }
0x2b3: {  	[tilespmem:s31], [sflag:$0x1] =	stream.indirect.gather [hbm4b:s1+s29], $0x10, s29, s29, $0xb8;
	[tilespmem:$0x15090] =	vst v63  }
0x2b4: {  	_ = 	snop  }
0x2b5: {  	[tilespmem:s0], [sflag:$0x1] =	stream.indirect.gather [hbm4b:s2+s29], $0x40, s16, s29, $0xb8;
	[tilespmem:$0x15090] =	vst v63  }
0x2b6: {  	_ =	swait.ge [sflag:s4], $0x500  }
0x2b7: {  	[sflag:s4] =	ssyncset.done $0x0  }
0x2b8: {  	[sflag:s4] =	ssyncadd.s32 $0xFFFFFB00  }
0x2b9: {  	_ =	swait.ge [sflag:s4], $0x500  }
0x2ba: {  	[sflag:s4] =	ssyncset.done $0x0  }
0x2bb: {  	[sflag:s4] =	ssyncadd.s32 $0xFFFFFB00  }
0x2bc: {  	_ =	swait.ge [sflag:s4], $0x1400  }
0x2bd: {  	[sflag:s4] =	ssyncset.done $0x0  }
0x2be: {  	s23 =	simm.s32 $0x1A0;
	[sflag:s4] =	ssyncadd.s32 $0xFFFFEC00  }
0x2bf: {  	s22 =	simm.s32 $0x6A0;
	v2 =	vld [tilespmem:s23+$0xFFFFFFF0]  }
0x2c0: {  	v3 =	vld [tilespmem:s22+$0xFFFFFFF0];
	_ =	sdelay $0x4  }
0x2c1: {  	v2 =	vadd.f32 v3, v2;
	_ =	sdelay $0x1  }
0x2c2: {  	v3 =	vmul.f32 $2.000000030e-01, v2  }
0x2c3: {  	vm1 =	vge.f32 v2, $0.0e+00  }
0x2c4: {  	v2 =	vsel vm1, v2, v3  }
0x2c5: {  	v2 =	vmul.f32 $1.442695020e+00, v2;
	_ =	sdelay $0x1  }
0x2c6: {  	(erf) = vpow2.f32 v2;
	_ =	sdelay $0x3  }
0x2c7: {  	v2 =	vmov s16  }
0x2c8: {  	v2 =	vshrl.u32 v2, $0x3  }
0x2c9: {  	v2 =	vshll.u32 v2, v1  }
0x2ca: {  	v2 =	vbroadcast v2, $0x0;
	_ =	sdelay $0x1  }
0x2cb: {  	v3 =	vpop (erf)  }
0x2cc: {  	s21 =	simm.s32 $0x1FE0;
	v3 =	vnsel vm0, $0x0, v3  }
0x2cd: {  	s10 =	simm.s32 $0x83A0;
	[tilespmem:s21+$0xFFFFFFF0] =	vst v3  }
0x2ce: {  	[tilespmem:s10+$0xFFFFFFF0] =	vst v3  }
0x2cf: {  	s15 =	simm.s32 $0xBD0;
	v2 =	vld.idx.msk [tilespmem:v2+s13+$0x0], $0xffff  }
0x2d0: {  	v3 =	vld [tilespmem:s15+$0xFFFFFFC0];
	_ =	sdelay $0x4  }
0x2d1: {  	v3 =	vmul.f32 v3, v2;
	_ =	sdelay $0x1  }
0x2d2: {  	[tilespmem:s21+$0xFFFFFFB0] =	vst v3  }
0x2d3: {  	v3 =	vld [tilespmem:s15+$0xFFFFFFD0];
	_ =	sdelay $0x4  }
0x2d4: {  	v3 =	vmul.f32 v3, v2;
	_ =	sdelay $0x1  }
0x2d5: {  	[tilespmem:s21+$0xFFFFFFC0] =	vst v3  }
0x2d6: {  	v3 =	vld [tilespmem:s15+$0xFFFFFFE0];
	_ =	sdelay $0x4  }
0x2d7: {  	v3 =	vmul.f32 v3, v2;
	_ =	sdelay $0x1  }
0x2d8: {  	[tilespmem:s21+$0xFFFFFFD0] =	vst v3  }
0x2d9: {  	v3 =	vld [tilespmem:s15+$0xFFFFFFF0];
	_ =	sdelay $0x4  }
0x2da: {  	v2 =	vmul.f32 v3, v2;
	_ =	sdelay $0x1  }
0x2db: {  	[tilespmem:s21+$0xFFFFFFE0] =	vst v2  }
0x2dc: {  	v2 =	vld [tilespmem:s23+$0x0]  }
0x2dd: {  	v3 =	vld [tilespmem:s22+$0x0];
	_ =	sdelay $0x4  }
0x2de: {  	v2 =	vadd.f32 v3, v2;
	_ =	sdelay $0x1  }
0x2df: {  	v3 =	vmul.f32 $2.000000030e-01, v2  }
0x2e0: {  	vm1 =	vge.f32 v2, $0.0e+00  }
0x2e1: {  	v2 =	vsel vm1, v2, v3  }
0x2e2: {  	v2 =	vmul.f32 $1.442695020e+00, v2;
	_ =	sdelay $0x1  }
0x2e3: {  	(erf) = vpow2.f32 v2;
	_ =	sdelay $0x2  }
0x2e4: {  	s26 =	simm.s32 $0x10  }
0x2e5: {  	v2 =	vmov s26  }
0x2e6: {  	v2 =	vshrl.u32 v2, $0x3  }
0x2e7: {  	v2 =	vshll.u32 v2, v1  }
0x2e8: {  	v2 =	vbroadcast v2, $0x0;
	_ =	sdelay $0x1  }
0x2e9: {  	v3 =	vpop (erf)  }
0x2ea: {  	v3 =	vnsel vm0, $0x0, v3  }
0x2eb: {  	[tilespmem:s21+$0x40] =	vst v3  }
0x2ec: {  	[tilespmem:s10+$0x0] =	vst v3  }
0x2ed: {  	v2 =	vld.idx.msk [tilespmem:v2+s13+$0x0], $0xffff  }
0x2ee: {  	v3 =	vld [tilespmem:s15+$0x0];
	_ =	sdelay $0x4  }
0x2ef: {  	v3 =	vmul.f32 v3, v2;
	_ =	sdelay $0x1  }
0x2f0: {  	[tilespmem:s21+$0x0] =	vst v3  }
0x2f1: {  	v3 =	vld [tilespmem:s15+$0x10];
	_ =	sdelay $0x4  }
0x2f2: {  	v3 =	vmul.f32 v3, v2;
	_ =	sdelay $0x1  }
0x2f3: {  	[tilespmem:s21+$0x10] =	vst v3  }
0x2f4: {  	v3 =	vld [tilespmem:s15+$0x20];
	_ =	sdelay $0x4  }
0x2f5: {  	v3 =	vmul.f32 v3, v2;
	_ =	sdelay $0x1  }
0x2f6: {  	[tilespmem:s21+$0x20] =	vst v3  }
0x2f7: {  	v3 =	vld [tilespmem:s15+$0x30];
	_ =	sdelay $0x3  }
0x2f8: {  	s18 =	simm.s32 $0xC50;
	s20 =	simm.s32 $0x1C0  }
0x2f9: {  	s5 =	simm.s32 $0x0;
	s23 =	simm.s32 $0x2080;
	s15 =	simm.s32 $0x83C0;
	v2 =	vmul.f32 v3, v2  }
.LBB2_14:
0x2fa: {  	s5 =	sadd.s32 $0x2, s5;
	s16 =	sadd.s32 $0x20, s16;
	s22 =	sadd.s32 $0x20, s22  }
0x2fb: {  	p0 =	slt.u32 s5, $0x4E;
	[tilespmem:s21+$0x30] =	vst v2;
	s21 =	smov.u32 s23  }
0x2fc: {  	v2 =	vld [tilespmem:s20+$0xFFFFFFF0]  }
0x2fd: {  	v3 =	vld [tilespmem:s22+$0xFFFFFFF0];
	_ =	sdelay $0x4  }
0x2fe: {  	v2 =	vadd.f32 v3, v2;
	_ =	sdelay $0x1  }
0x2ff: {  	v3 =	vmul.f32 $2.000000030e-01, v2  }
0x300: {  	vm1 =	vge.f32 v2, $0.0e+00  }
0x301: {  	v2 =	vsel vm1, v2, v3  }
0x302: {  	v2 =	vmul.f32 $1.442695020e+00, v2;
	_ =	sdelay $0x1  }
0x303: {  	(erf) = vpow2.f32 v2;
	_ =	sdelay $0x3  }
0x304: {  	v2 =	vmov s16  }
0x305: {  	v2 =	vshrl.u32 v2, $0x3  }
0x306: {  	v2 =	vshll.u32 v2, v1  }
0x307: {  	v2 =	vbroadcast v2, $0x0;
	_ =	sdelay $0x1  }
0x308: {  	v3 =	vpop (erf)  }
0x309: {  	v3 =	vnsel vm0, $0x0, v3  }
0x30a: {  	[tilespmem:s23+$0xFFFFFFF0] =	vst v3  }
0x30b: {  	[tilespmem:s15+$0xFFFFFFF0] =	vst v3  }
0x30c: {  	v2 =	vld.idx.msk [tilespmem:v2+s13+$0x0], $0xffff  }
0x30d: {  	v3 =	vld [tilespmem:s18+$0xFFFFFFC0];
	_ =	sdelay $0x4  }
0x30e: {  	v3 =	vmul.f32 v3, v2;
	_ =	sdelay $0x1  }
0x30f: {  	[tilespmem:s23+$0xFFFFFFB0] =	vst v3  }
0x310: {  	v3 =	vld [tilespmem:s18+$0xFFFFFFD0];
	_ =	sdelay $0x4  }
0x311: {  	v3 =	vmul.f32 v3, v2;
	_ =	sdelay $0x1  }
0x312: {  	[tilespmem:s23+$0xFFFFFFC0] =	vst v3  }
0x313: {  	v3 =	vld [tilespmem:s18+$0xFFFFFFE0];
	_ =	sdelay $0x4  }
0x314: {  	v3 =	vmul.f32 v3, v2;
	_ =	sdelay $0x1  }
0x315: {  	[tilespmem:s23+$0xFFFFFFD0] =	vst v3  }
0x316: {  	v3 =	vld [tilespmem:s18+$0xFFFFFFF0];
	_ =	sdelay $0x4  }
0x317: {  	v2 =	vmul.f32 v3, v2;
	_ =	sdelay $0x1  }
0x318: {  	[tilespmem:s23+$0xFFFFFFE0] =	vst v2  }
0x319: {  	v2 =	vld [tilespmem:s20+$0x0]  }
0x31a: {  	v3 =	vld [tilespmem:s22+$0x0];
	_ =	sdelay $0x4  }
0x31b: {  	v2 =	vadd.f32 v3, v2;
	_ =	sdelay $0x1  }
0x31c: {  	vm1 =	vge.f32 v2, $0.0e+00;
	v3 =	vmul.f32 $2.000000030e-01, v2;
	_ =	sdelay $0x1  }
0x31d: {  	v2 =	vsel vm1, v2, v3  }
0x31e: {  	v2 =	vmul.f32 $1.442695020e+00, v2;
	_ =	sdelay $0x1  }
0x31f: {  	(erf) = vpow2.f32 v2;
	_ =	sdelay $0x2  }
0x320: {  	s10 =	sadd.s32 $0x10, s16  }
0x321: {  	v2 =	vmov s10  }
0x322: {  	v2 =	vshrl.u32 v2, $0x3  }
0x323: {  	v2 =	vshll.u32 v2, v1  }
0x324: {  	v2 =	vbroadcast v2, $0x0;
	_ =	sdelay $0x1  }
0x325: {  	v3 =	vpop (erf)  }
0x326: {  	v3 =	vnsel vm0, $0x0, v3  }
0x327: {  	[tilespmem:s23+$0x40] =	vst v3  }
0x328: {  	[tilespmem:s15+$0x0] =	vst v3  }
0x329: {  	v2 =	vld.idx.msk [tilespmem:v2+s13+$0x0], $0xffff  }
0x32a: {  	v3 =	vld [tilespmem:s18+$0x0];
	_ =	sdelay $0x4  }
0x32b: {  	v3 =	vmul.f32 v3, v2;
	_ =	sdelay $0x1  }
0x32c: {  	[tilespmem:s23+$0x0] =	vst v3  }
0x32d: {  	v3 =	vld [tilespmem:s18+$0x10];
	_ =	sdelay $0x4  }
0x32e: {  	v3 =	vmul.f32 v3, v2;
	_ =	sdelay $0x1  }
0x32f: {  	[tilespmem:s23+$0x10] =	vst v3  }
0x330: {  	v3 =	vld [tilespmem:s18+$0x20];
	_ =	sdelay $0x4  }
0x331: {  	v3 =	vmul.f32 v3, v2;
	_ =	sdelay $0x1  }
0x332: {  	[tilespmem:s23+$0x20] =	vst v3  }
0x333: {  	v3 =	vld [tilespmem:s18+$0x30]  }
.Ltmp6:
0x334: {  	(pc) =	sbr.rel @p0 .LBB2_14-.Ltmp6, $3  }
0x335: {  	_ =	sdelay $0x1  }
0x336: {  	s15 =	sadd.s32 $0x20, s15  }
0x337: {  	s20 =	sadd.s32 $0x20, s20;
	s23 =	sadd.s32 $0xA0, s23;
	s18 =	sadd.s32 $0x80, s18;
	v2 =	vmul.f32 v3, v2  }
0x338: {  	_ = 	snop  }
0x339: {  	s5 =	simm.s32 $0x1F90;
	s20 =	simm.s32 $0x3;
	[tilespmem:s21+$0x30] =	vst v2  }
0x33a: {  	[spmem:s3] =	stream.indirect.scatter.add.f32 [tilespmem:s5], [sflag:$0x2], $0x50, s29, s29, $0xb8;
	[tilespmem:$0x15090] =	vst v63  }
0x33b: {  	_ =	swait.ge [sflag:s20], $0x1900  }
0x33c: {  	[sflag:s20] =	ssyncset.done $0x0  }
0x33d: {  	s21 =	simm.s32 $0x4;
	[sflag:s20] =	ssyncadd.s32 $0xFFFFE700  }
0x33e: {  	_ =	swait.ge [sflag:s21], $0x1900  }
0x33f: {  	[sflag:s21] =	ssyncset.done $0x0  }
0x340: {  	s22 =	simm.s32 $0x5;
	[sflag:s21] =	ssyncadd.s32 $0xFFFFE700  }
0x341: {  	_ =	swait.ge [sflag:s22], $0x1900  }
0x342: {  	[sflag:s22] =	ssyncset.done $0x0  }
0x343: {  	[sflag:s22] =	ssyncadd.s32 $0xFFFFE700  }
0x344: {  	_ =	swait.ge [sflag:s24], $0x1900  }
0x345: {  	[sflag:s24] =	ssyncset.done $0x0  }
0x346: {  	[sflag:s24] =	ssyncadd.s32 $0xFFFFE700  }
0x347: {  	s23 =	stileid.u32;
	[bflag:$0x0] =	sbarrier.arrive $0xFFFF  }
0x348: {  	s5 =	sshll.u32 s23, $0x6;
	s10 =	rddreg [dreg:$0x8]  }
0x349: {  	s5 =	sor.u32 $0x1C06, s5;
	s15 =	rddreg [dreg:$0x12]  }
0x34a: {  	[hbm:s10], [sflag:s5] =	dma.local [spmem:s15], $0x1900  }
0x34b: {  	_ =	swait.ge [sflag:s28], $0x1900  }
0x34c: {  	s24 =	rddreg [dreg:$0x4]  }
0x34d: {  	s26 =	rddreg [dreg:$0xa];
	s15 =	sadd.s32 $0x1, s24  }
0x34e: {  	p0 =	sne.s32 s15, s26  }
.Ltmp7:
0x34f: {  	_ = 	snop;
	(pc) =	sbr.rel @p0 .LBB2_1-.Ltmp7, $3  }
0x350: {  	_ =	sdelay $0x1  }
0x351: {  	[sflag:s28] =	ssyncset.done $0x0  }
0x352: {  	[sflag:s28] =	ssyncadd.s32 $0xFFFFE700  }
0x353: {  	_ =	sfence.sel $0x180000  }
0x354: {  	[bflag:$0x0] =	sbarrier.arrive $0xFFFF  }
0x355: {  	_ =	strace $0x9000004A  }
0x356: {  	s0 =	stileid.u32;
	[bflag:$0x2] =	sbarrier.arrive $0xFFFF  }
0x357: {  	p0 =	sne.s32 s0, $0x0;
	s0 =	rddreg [dreg:$0x3]  }
0x358: {  	s0 =	sadd.s32 @!p0 $0x100000, s0  }
0x359: {  	[sflag:s0] =	ssyncadd.tile.s32 @!p0 $0x1;
	_ =	shalt  }
.Lfunc_end2:
_tile_overlayer_lowered:
.L_overlay_start_2:
0x35a: {  	(tag) =	ssettag $0x2  }
0x35b: {  	s0 =	rddreg [dreg:$0x0];
	s2 =	stileid.u32  }
0x35c: {  	s1 =	rddreg [dreg:$0x1];
	p0 =	sne.s32 s2, $0x0  }
0x35d: {  	s3 =	rddreg [dreg:$0x2];
	[bflag:$0x3] =	sbarrier.arrive $0xFFFF;
	s2 =	simm.s32 @!p0 $0x1C06  }
0x35e: {  	[timem:s3], [sflag:s2] =	dma.local @!p0 [hbm:s0], s1  }
0x35f: {  	s0 =	simm.s32 @!p0 $0x6  }
0x360: {  	_ =	swait.ge @!p0 [sflag:s0], s1  }
0x361: {  	s1 =	ssub.s32 @!p0 $0x0, s1;
	[sflag:s0] =	ssyncset.done @!p0 $0x0  }
0x362: {  	[sflag:s0] =	ssyncadd.s32 @!p0 s1  }
0x363: {  	[bflag:$0x3] =	sbarrier.arrive $0xFFFF  }
0x364: {  	_ =	shalt  }

// kernel: kernel.7.cloned.1.call-start
scs
__scs_entry_jumppad:
0x0: {  	(pc) =	sbr.rel $0x88, $3  }
0x1: {  	(tag) =	ssettag $0x0;
	lr =	simm.s32 $0x1  }
0x2: {  	[smem:$0x3F97] =	sst lr;
	_ =	strace $0xD0000000  }
0x3: {  	_ = 	snop  }
0x4: {  	_ = 	snop  }
0x5: {  	_ = 	snop  }
0x6: {  	_ = 	snop  }
0x7: {  	_ = 	snop  }
__scs_overlays_trampoline_lowered:
0x8: {  	[smem:$0x3FA6] =	sst s0  }
0x9: {  	[smem:$0x3FA7] =	sst s1  }
0xa: {  	[smem:$0x3FA8] =	sst s2  }
0xb: {  	[smem:$0x3FA9] =	sst s3  }
0xc: {  	[smem:$0x3FAA] =	sst s4  }
0xd: {  	[smem:$0x3FAB] =	sst s5  }
0xe: {  	[smem:$0x3FAC] =	sst s6  }
0xf: {  	[smem:$0x3FAD] =	sst s7  }
0x10: {  	[smem:$0x3FAE] =	sst s8  }
0x11: {  	[smem:$0x3FAF] =	sst s9;
	s0 =	simm.s32 @!p0 $0x0  }
0x12: {  	s1 =	sld [smem:$0x3F95];
	s0 =	simm.s32 @p0 $0x1  }
0x13: {  	[smem:$0x3FB0] =	sst s0;
	s0 =	simm.s32 @!p1 $0x0  }
0x14: {  	s2 =	sld [smem:$0x3F94];
	s0 =	simm.s32 @p1 $0x1  }
0x15: {  	[smem:$0x3FB1] =	sst s0;
	s0 =	simm.s32 @!p2 $0x0  }
0x16: {  	s3 =	sld [smem:$0x3FDB];
	s0 =	simm.s32 @p2 $0x1  }
0x17: {  	s4 =	simm.s32 $0x1BF5;
	[smem:$0x3FB3] =	sst s0  }
0x18: {  	s0 =	sld [smem:$0x3F96];
	_ =	swait.ge [sflag:s4], $0x0  }
0x19: {  	s7 =	sld [smem:$0x3F97]  }
0x1a: {  	s8 =	sadd.s32 $0xFFFFE003, lr  }
0x1b: {  	s9 =	sadd.s32 $0xFFFFFEF7, lr;
	s5 =	simm.s32 $0xFFFFFFFF;
	p2 =	slt.u32 s8, $0xFFFFF086  }
0x1c: {  	p1 =	slt.u32 s9, $0xF7A;
	s5 =	simm.s32 @!p2 $0x0  }
0x1d: {  	s5 =	simm.s32 @p1 $0x1;
	p0 =	seq.s32 s7, s2  }
0x1e: {  	s7 =	smul.u32 @!p0 $0xF7A, s2;
	p2 =	seq.s32 @!p0 s5, $0x0  }
0x1f: {  	s9 =	smul.u32 $0xF7A, s1;
	s8 =	simm.s32 @!p0 $0x1BF5;
	p2 =	por !p2, p0  }
0x20: {  	[sflag:s8] =	ssyncset.s32 @!p0 $0xFFFFF086;
	s6 =	sadd.s32 @!p0 s3, s7;
	s7 =	simm.s32 @!p0 $0x108  }
0x21: {  	s3 =	sadd.s32 s3, s9;
	s6 =	sadd.s32 @!p0 $0x88, s6;
	s7 =	simm.s32 @p2 $0x1082  }
0x22: {  	[simem:s7], [sflag:s8] =	dma.local @!p0 [hbm:s6], $0xF7A  }
0x23: {  	s9 =	sor.u32 $0xD0000000, s2;
	s6 =	simm.s32 $0x108;
	_ =	swait.ge @!p0 [sflag:s8], $0x0  }
0x24: {  	s3 =	sadd.s32 $0x88, s3;
	s6 =	simm.s32 @!p1 $0x1082;
	[sflag:s4] =	ssyncset.s32 $0xFFFFF086  }
0x25: {  	[simem:s6], [sflag:s4] =	dma.local [hbm:s3], $0xF7A  }
0x26: {  	[smem:$0x3F97] =	sst s1;
	(tag) =	ssettag s2;
	_ =	strace s9  }
0x27: {  	s1 =	sld [smem:$0x3FA7]  }
0x28: {  	s2 =	sld [smem:$0x3FA8]  }
0x29: {  	s4 =	sld [smem:$0x3FAA]  }
0x2a: {  	p0 =	seq.s32 s5, $0x0;
	s5 =	sld [smem:$0x3FAB]  }
0x2b: {  	s6 =	sld [smem:$0x3FAC]  }
0x2c: {  	s7 =	sld [smem:$0x3FAD]  }
0x2d: {  	s3 =	simm.s32 $0x108;
	s8 =	sld [smem:$0x3FAE]  }
0x2e: {  	s3 =	simm.s32 @!p0 $0x1082;
	s9 =	sld [smem:$0x3FAF]  }
0x2f: {  	lr =	sadd.s32 s0, s3;
	s0 =	sld [smem:$0x3FA6]  }
0x30: {  	s3 =	sld [smem:$0x3FA9]  }
0x31: {  	[smem:$0x3FB2] =	sst s10  }
0x32: {  	s10 =	sld [smem:$0x3FB0];
	_ =	sdelay $0x3  }
0x33: {  	p0 =	seq.s32 s10, $0x1;
	s10 =	sld [smem:$0x3FB2];
	_ =	sdelay $0x3  }
0x34: {  	[smem:$0x3FB2] =	sst s10  }
0x35: {  	s10 =	sld [smem:$0x3FB1];
	_ =	sdelay $0x3  }
0x36: {  	p1 =	seq.s32 s10, $0x1;
	s10 =	sld [smem:$0x3FB2];
	_ =	sdelay $0x3  }
0x37: {  	[smem:$0x3FB2] =	sst s10  }
0x38: {  	s10 =	sld [smem:$0x3FB3]  }
0x39: {  	_ = 	snop;
	(pc) =	sbr.ind lr, $3  }
0x3a: {  	_ = 	snop  }
0x3b: {  	_ = 	snop  }
0x3c: {  	p2 =	seq.s32 s10, $0x1;
	s10 =	sld [smem:$0x3FB2]  }
0x3d: {  	_ =	shalt  }
0x3e: {  	_ =	shalt  }
0x3f: {  	_ =	shalt  }
0x40: {  	_ =	shalt  }
0x41: {  	_ =	shalt  }
0x42: {  	_ =	shalt  }
0x43: {  	_ =	shalt  }
0x44: {  	_ =	shalt  }
0x45: {  	_ =	shalt  }
0x46: {  	_ =	shalt  }
0x47: {  	_ =	shalt  }
0x48: {  	_ =	shalt  }
0x49: {  	_ =	shalt  }
0x4a: {  	_ =	shalt  }
0x4b: {  	_ =	shalt  }
0x4c: {  	_ =	shalt  }
0x4d: {  	_ =	shalt  }
0x4e: {  	_ =	shalt  }
0x4f: {  	_ =	shalt  }
0x50: {  	_ =	shalt  }
0x51: {  	_ =	shalt  }
0x52: {  	_ =	shalt  }
0x53: {  	_ =	shalt  }
0x54: {  	_ =	shalt  }
0x55: {  	_ =	shalt  }
0x56: {  	_ =	shalt  }
0x57: {  	_ =	shalt  }
0x58: {  	_ =	shalt  }
0x59: {  	_ =	shalt  }
0x5a: {  	_ =	shalt  }
0x5b: {  	_ =	shalt  }
0x5c: {  	_ =	shalt  }
0x5d: {  	_ =	shalt  }
0x5e: {  	_ =	shalt  }
0x5f: {  	_ =	shalt  }
0x60: {  	_ =	shalt  }
0x61: {  	_ =	shalt  }
0x62: {  	_ =	shalt  }
0x63: {  	_ =	shalt  }
0x64: {  	_ =	shalt  }
0x65: {  	_ =	shalt  }
0x66: {  	_ =	shalt  }
0x67: {  	_ =	shalt  }
0x68: {  	_ =	shalt  }
0x69: {  	_ =	shalt  }
0x6a: {  	_ =	shalt  }
0x6b: {  	_ =	shalt  }
0x6c: {  	_ =	shalt  }
0x6d: {  	_ =	shalt  }
0x6e: {  	_ =	shalt  }
0x6f: {  	_ =	shalt  }
0x70: {  	_ =	shalt  }
0x71: {  	_ =	shalt  }
0x72: {  	_ =	shalt  }
0x73: {  	_ =	shalt  }
0x74: {  	_ =	shalt  }
0x75: {  	_ =	shalt  }
0x76: {  	_ =	shalt  }
0x77: {  	_ =	shalt  }
0x78: {  	_ =	shalt  }
0x79: {  	_ =	shalt  }
0x7a: {  	_ =	shalt  }
0x7b: {  	_ =	shalt  }
0x7c: {  	_ =	shalt  }
0x7d: {  	_ =	shalt  }
0x7e: {  	_ =	shalt  }
0x7f: {  	_ =	shalt  }
0x80: {  	_ =	shalt  }
0x81: {  	_ =	shalt  }
0x82: {  	_ =	shalt  }
0x83: {  	_ =	shalt  }
0x84: {  	_ =	shalt  }
0x85: {  	_ =	shalt  }
0x86: {  	_ =	shalt  }
0x87: {  	_ =	shalt  }
.Lfunc_end0:
.L_simem_size_0:
called_computation_lowered:
.L_overlay_start_0:
0x88: {  	s2 =	sld [smem:$0x3FD9]  }
0x89: {  	s3 =	sld [smem:$0x3FFE];
	_ =	sdelay $0x1  }
0x8a: {  	s1 =	srdreg.scid  }
0x8b: {  	s0 =	sand.u32 $0x1, s1  }
0x8c: {  	s17 =	sshll.u32 s0, $0xA;
	s2 =	sadd.s32 s3, s2  }
0x8d: {  	s2 =	sadd.s32 s2, s17  }
0x8e: {  	[smem:$0x3FBE] =	sst s2  }
0x8f: {  	_ = 	snop  }
0x90: {  	s2 =	sld [smem:$0x3FD0];
	(tm) =	ssettm $0x1  }
0x91: {  	s18 =	sld [smem:$0x3FFB];
	_ =	sdelay $0x3  }
0x92: {  	_ =	strace s18  }
0x93: {  	s3 =	sld [smem:$0x3FFC];
	_ =	sdelay $0x3  }
0x94: {  	_ =	strace s3  }
0x95: {  	s3 =	sld [smem:$0x3FFD];
	_ =	sdelay $0x3  }
0x96: {  	_ =	strace s3  }
0x97: {  	_ =	strace $0x8FFFFFFF  }
0x98: {  	s19 =	sld [smem:$0x3FDB];
	_ =	sdelay $0x1  }
0x99: {  	s4 =	simm.s32 $_scs_section_size  }
0x9a: {  	s5 =	simm.s32 $_size__tile_overlayer_lowered;
	s6 =	simm.s32 $_tile_overlayer_lowered  }
0x9b: {  	s22 =	simm.s32 $0x1BFF;
	s21 =	sshll.u32 s6, $0x1;
	s3 =	sadd.s32 s4, s19  }
0x9c: {  	s7 =	simm.s32 $0x0;
	s20 =	sshll.u32 s5, $0x1;
	s5 =	sadd.s32 s21, s3  }
0x9d: {  	[timem:s7], [sflag:s22] =	dma.local [hbm:s5], s20  }
0x9e: {  	_ =	swait.ge [sflag:s22], s20  }
0x9f: {  	s4 =	ssub.s32 $0x0, s20;
	[sflag:s22] =	ssyncset.done $0x0  }
0xa0: {  	[sflag:s22] =	ssyncadd.s32 s4;
	_ =	sdelay $0x1  }
0xa1: {  	s23 =	simm.s32 $0x1B8B  }
0xa2: {  	_ =	swait.ge [sflag:s23], $0x1  }
0xa3: {  	[sflag:s23] =	ssyncset.done $0x0  }
0xa4: {  	s25 =	simm.s32 $0x1B8E;
	s24 =	sld [smem:$0x3FFE];
	[sflag:s23] =	ssyncadd.s32 $0xFFFFFFFF  }
0xa5: {  	s26 =	simm.s32 $execute0_lowered;
	[smem:$0x3FD2] =	sst s25  }
0xa6: {  	s5 =	sshll.u32 s26, $0x1;
	_ =	strace $0x80000046;
	[dreg:$0x1] =	wrdreg $0xFFFFFFFF  }
0xa7: {  	s28 =	simm.s32 $_size_execute0_lowered;
	s3 =	sadd.s32 s3, s5;
	[dreg:$0x0] =	wrdreg $0x0  }
0xa8: {  	s5 =	sshll.u32 s28, $0x1;
	[dreg:$0x2] =	wrdreg s3  }
0xa9: {  	[dreg:$0x3] =	wrdreg s5  }
0xaa: {  	[dreg:$0x4] =	wrdreg $0xC0  }
0xab: {  	_ =	task [dreg:s7], $0x5FFFF  }
0xac: {  	[dreg:$0x1] =	wrdreg $0xFFFFFFFF  }
0xad: {  	[dreg:$0x0] =	wrdreg $0x60  }
0xae: {  	[dreg:$0x2] =	wrdreg s24  }
0xaf: {  	[dreg:$0x3] =	wrdreg s2  }
0xb0: {  	[dreg:$0x4] =	wrdreg $0x91F00  }
0xb1: {  	[dreg:$0x5] =	wrdreg $0x9  }
0xb2: {  	_ =	task.clear_ibuf [dreg:s7], $0x6FFFF;
	_ =	strace $0x90000046  }
0xb3: {  	s29 =	simm.s32 $0x9;
	_ =	strace $0x80000048  }
0xb4: {  	_ =	swait.ge [sflag:s29], $0x1  }
0xb5: {  	[sflag:s29] =	ssyncadd.s32 $0xFFFFFFFF  }
0xb6: {  	_ =	strace $0x90000048  }
0xb7: {  	_ =	sfence  }
0xb8: {  	s30 =	sld [smem:$0x0];
	_ =	sdelay $0x2  }
0xb9: {  	s31 =	sshll.u32 s1, $0xD;
	s1 =	sshrl.u32 s1, $0x2  }
0xba: {  	s3 =	sand.u32 $0x4000, s31;
	s1 =	sadd.s32 s1, s30  }
0xbb: {  	s0 =	sor.u32 s3, s0;
	s1 =	sshll.u32 s1, $0x11  }
0xbc: {  	s0 =	sor.u32 s1, s0  }
0xbd: {  	s0 =	sadd.s32 $0x8F2B, s0  }
0xbe: {  	[sflag:s0] =	ssyncadd.remote.s32 $0x1  }
0xbf: {  	_ =	sfence.sel $0xFFFF  }
0xc0: {  	[dreg:$0x0] =	wrdreg $0xFFFFFFFF;
	(pc) =	sbr.abs _section_cstart, $3  }
0xc1: {  	[dreg:$0x1] =	wrdreg $0xFFFFFFFF  }
0xc2: {  	_ =	task.clear_ibuf [dreg:s7], $0x2FFFF;
	_ =	strace $0x9FFFFFFF  }
0xc3: {  	(tm) =	ssettm $0x7FFFFFFF  }
tec
execute0_lowered:
.L_overlay_start_1:
0x0: {  	(tag) =	ssettag $0x1  }
0x1: {  	s1 =	rddreg [dreg:$0x0]  }
0x2: {  	s2 =	rddreg [dreg:$0x1]  }
0x3: {  	s3 =	rddreg [dreg:$0x2];
	s0 =	srdreg.scid;
	s5 =	simm.s32 $0x0  }
0x4: {  	s13 =	stileid.u32;
	s28 =	simm.s32 $0xF0;
	s29 =	simm.s32 $0x5F0  }
0x5: {  	s30 =	simm.s32 $0xAF0;
	s31 =	simm.s32 $0x1;
	s0 =	sand.u32 $0x1, s0  }
0x6: {  	[smem:$0x7FF] =	sst s5;
	s11 =	smul.u32 $0x16800, s13;
	s6 =	sadd.s32 $0x36000, s1  }
0x7: {  	s4 =	smul.u32 $0x168000, s0;
	s7 =	sshll.u32 s0, $0x4;
	s0 =	ssub.s32 $0x2, s0  }
0x8: {  	_ =	strace $0x80000047;
	s8 =	sor.u32 s13, s7;
	s10 =	sshrl.u32 s0, $0x1  }
0x9: {  	s13 =	smul.u32 $0x5A000, s13;
	s17 =	sadd.s32 s11, s3;
	s4 =	sadd.s32 s11, s4  }
0xa: {  	s0 =	ssub.s32 s0, s10;
	s26 =	sshrl.u32 s17, $0x3;
	s4 =	sshrl.u32 s4, $0x3  }
0xb: {  	s16 =	sshrl.u32 s13, $0x2;
	s0 =	smax.u32 s0, $0x1;
	[dreg:$0x10] =	wrdreg s26  }
0xc: {  	s4 =	sadd.s32 s4, s1;
	s18 =	sadd.s32 s16, s3;
	[dreg:$0x8] =	wrdreg s0  }
0xd: {  	s9 =	sadd.s32 $0x27200, s1;
	s4 =	sadd.s32 $0x3FE00, s4;
	[dreg:$0x7] =	wrdreg s18  }
0xe: {  	s7 =	sadd.s32 $0x2C200, s1;
	s19 =	sadd.s32 $0x2D00, s18;
	[dreg:$0x6] =	wrdreg s4  }
0xf: {  	s8 =	smul.u32 $0x2710, s8;
	s20 =	sadd.s32 $0x5A00, s18;
	[dreg:$0x9] =	wrdreg s19  }
0x10: {  	s11 =	simm.s32 $0x5FF0;
	s21 =	sadd.s32 $0x8700, s18;
	[dreg:$0xa] =	wrdreg s20  }
0x11: {  	s26 =	simm.s32 $0x50;
	s22 =	sadd.s32 $0xB400, s18;
	[dreg:$0xb] =	wrdreg s21  }
0x12: {  	s12 =	sshrl.u32 s8, $0x3;
	s23 =	sadd.s32 $0xE100, s18;
	[dreg:$0xc] =	wrdreg s22  }
0x13: {  	s10 =	sadd.s32 $0x50, s8;
	s24 =	sadd.s32 $0x10E00, s18;
	[dreg:$0xd] =	wrdreg s23  }
0x14: {  	s12 =	sadd.s32 $0x4D8, s12;
	s25 =	sadd.s32 $0x13B00, s18;
	[dreg:$0xe] =	wrdreg s24  }
0x15: {  	s0 =	simm.s32 $0x8CF0;
	s14 =	sadd.s32 s6, s12;
	[dreg:$0xf] =	wrdreg s25  }
0x16: {  	v1 =	vimm.s32 $0x0;
	vm1 =	vcmask $0x300;
	s12 =	sadd.s32 s7, s12;
	s23 =	simm.s32 $0x32F0;
	[dreg:$0x4] =	wrdreg s14  }
0x17: {  	v0 =	vimm.f32 $0.0e+00;
	vm0 =	vmmov $0xff;
	v1 =	vsel vm1, $0x3, v1;
	s24 =	simm.s32 $0x4;
	s4 =	simm.s32 $0xA0;
	[dreg:$0x5] =	wrdreg s12  }
.LBB2_1:
0x18: {  	s13 =	simm.s32 $0x0;
	s14 =	simm.s32 $0x240  }
.LBB2_2:
0x19: {  	p0 =	sne.s32 s14, $0xB1C0;
	[tilespmem:s13+$0x3370] =	vst v0  }
0x1a: {  	[tilespmem:s13+$0x32F0] =	vst v0  }
0x1b: {  	[tilespmem:s13+$0x3300] =	vst v0  }
0x1c: {  	[tilespmem:s13+$0x3310] =	vst v0  }
.Ltmp0:
0x1d: {  	[tilespmem:s13+$0x3320] =	vst v0;
	(pc) =	sbr.rel @p0 .LBB2_2-.Ltmp0, $4  }
0x1e: {  	[tilespmem:s13+$0x3330] =	vst v0  }
0x1f: {  	[tilespmem:s13+$0x3340] =	vst v0  }
0x20: {  	[tilespmem:s13+$0x3350] =	vst v0  }
0x21: {  	[tilespmem:s13+$0x3360] =	vst v0;
	s13 =	sshra.s32 s14, $0x2;
	s14 =	sadd.s32 $0x240, s14  }
0x22: {  	[tilespmem:s13+$0x3370] =	vst v0  }
0x23: {  	[tilespmem:s13+$0x32F0] =	vst v0  }
0x24: {  	[tilespmem:s13+$0x3300] =	vst v0  }
0x25: {  	[tilespmem:s13+$0x3310] =	vst v0  }
0x26: {  	[tilespmem:s13+$0x3320] =	vst v0  }
0x27: {  	[tilespmem:s13+$0x3330] =	vst v0  }
0x28: {  	[tilespmem:s13+$0x3340] =	vst v0  }
0x29: {  	[tilespmem:s13+$0x3350] =	vst v0  }
0x2a: {  	[tilespmem:s13+$0x3360] =	vst v0;
	s12 =	rddreg [dreg:$0x7]  }
0x2b: {  	[spmem:s12] =	stream.linear.scatter [tilespmem:s23], [sflag:$0x4], $0x2D00, $0x38;
	[tilespmem:$0x1F9F0] =	vst v63  }
0x2c: {  	_ =	swait.ge [sflag:s24], $0x2D00  }
0x2d: {  	[sflag:s24] =	ssyncset.done $0x0  }
0x2e: {  	s17 =	rddreg [dreg:$0x9];
	[sflag:s24] =	ssyncadd.s32 $0xFFFFD300  }
0x2f: {  	[spmem:s17] =	stream.linear.scatter [tilespmem:s23], [sflag:$0x4], $0x2D00, $0x38;
	[tilespmem:$0x1F9F0] =	vst v63  }
0x30: {  	_ =	swait.ge [sflag:s24], $0x2D00  }
0x31: {  	[sflag:s24] =	ssyncset.done $0x0  }
0x32: {  	s18 =	rddreg [dreg:$0xa];
	[sflag:s24] =	ssyncadd.s32 $0xFFFFD300  }
0x33: {  	[spmem:s18] =	stream.linear.scatter [tilespmem:s23], [sflag:$0x4], $0x2D00, $0x38;
	[tilespmem:$0x1F9F0] =	vst v63  }
0x34: {  	_ =	swait.ge [sflag:s24], $0x2D00  }
0x35: {  	[sflag:s24] =	ssyncset.done $0x0  }
0x36: {  	s19 =	rddreg [dreg:$0xb];
	[sflag:s24] =	ssyncadd.s32 $0xFFFFD300  }
0x37: {  	[spmem:s19] =	stream.linear.scatter [tilespmem:s23], [sflag:$0x4], $0x2D00, $0x38;
	[tilespmem:$0x1F9F0] =	vst v63  }
0x38: {  	_ =	swait.ge [sflag:s24], $0x2D00  }
0x39: {  	[sflag:s24] =	ssyncset.done $0x0  }
0x3a: {  	s20 =	rddreg [dreg:$0xc];
	[sflag:s24] =	ssyncadd.s32 $0xFFFFD300  }
0x3b: {  	[spmem:s20] =	stream.linear.scatter [tilespmem:s23], [sflag:$0x4], $0x2D00, $0x38;
	[tilespmem:$0x1F9F0] =	vst v63  }
0x3c: {  	_ =	swait.ge [sflag:s24], $0x2D00  }
0x3d: {  	[sflag:s24] =	ssyncset.done $0x0  }
0x3e: {  	s21 =	rddreg [dreg:$0xd];
	[sflag:s24] =	ssyncadd.s32 $0xFFFFD300  }
0x3f: {  	[spmem:s21] =	stream.linear.scatter [tilespmem:s23], [sflag:$0x4], $0x2D00, $0x38;
	[tilespmem:$0x1F9F0] =	vst v63  }
0x40: {  	_ =	swait.ge [sflag:s24], $0x2D00  }
0x41: {  	[sflag:s24] =	ssyncset.done $0x0  }
0x42: {  	s22 =	rddreg [dreg:$0xe];
	[sflag:s24] =	ssyncadd.s32 $0xFFFFD300  }
0x43: {  	[spmem:s22] =	stream.linear.scatter [tilespmem:s23], [sflag:$0x4], $0x2D00, $0x38;
	[tilespmem:$0x1F9F0] =	vst v63  }
0x44: {  	_ =	swait.ge [sflag:s24], $0x2D00  }
0x45: {  	[sflag:s24] =	ssyncset.done $0x0  }
0x46: {  	s25 =	rddreg [dreg:$0xf];
	[sflag:s24] =	ssyncadd.s32 $0xFFFFD300  }
0x47: {  	[spmem:s25] =	stream.linear.scatter [tilespmem:s23], [sflag:$0x4], $0x2D00, $0x38;
	[tilespmem:$0x1F9F0] =	vst v63  }
0x48: {  	_ =	swait.ge [sflag:s24], $0x2D00  }
0x49: {  	[sflag:s24] =	ssyncset.done $0x0  }
0x4a: {  	[sflag:s24] =	ssyncadd.s32 $0xFFFFD300  }
0x4b: {  	s15 =	simm.s32 $0x0;
	s16 =	simm.s32 $0x0;
	[bflag:$0x0] =	sbarrier.arrive $0xFFFF  }
.LBB2_4:
0x4c: {  	p0 =	seq.s32 s16, $0x0;
	s17 =	smul.u32 $0xA0, s16  }
0x4d: {  	s13 =	simm.s32 @!p0 $0x2  }
0x4e: {  	_ =	swait.ge @!p0 [sflag:s13], $0x2D00;
	s14 =	sadd.s32 s8, s17  }
0x4f: {  	[sflag:s13] =	ssyncset.done @!p0 $0x0;
	s14 =	sshrl.u32 s14, $0x3  }
0x50: {  	[sflag:s13] =	ssyncadd.s32 @!p0 $0xFFFFD300;
	s19 =	sadd.s32 s6, s14  }
0x51: {  	[tilespmem:s15], [sflag:$0x4] =	stream.linear.gather [hbm4b:s19+s15], $0x50, $0x38;
	[tilespmem:$0x1F9F0] =	vst v63  }
0x52: {  	_ =	swait.ge [sflag:s24], $0x50  }
0x53: {  	[sflag:s24] =	ssyncset.done $0x0  }
0x54: {  	s20 =	sadd.s32 s7, s14;
	[sflag:s24] =	ssyncadd.s32 $0xFFFFFFB0  }
0x55: {  	[tilespmem:s26], [sflag:$0x4] =	stream.linear.gather [hbm4b:s20+s15], $0x50, $0x38;
	[tilespmem:$0x1F9F0] =	vst v63  }
0x56: {  	_ =	swait.ge [sflag:s24], $0x50  }
0x57: {  	[sflag:s24] =	ssyncset.done $0x0  }
0x58: {  	[sflag:s24] =	ssyncadd.s32 $0xFFFFFFB0  }
0x59: {  	[tilespmem:s28], [sflag:$0x1] =	stream.indirect.gather [hbm4b:s2+s26], $0x10, s15, s26, $0xb8;
	[tilespmem:$0x1F9F0] =	vst v63  }
0x5a: {  	_ = 	snop  }
0x5b: {  	[tilespmem:s29], [sflag:$0x1] =	stream.indirect.gather [hbm4b:s9+s26], $0x10, s26, s26, $0xb8;
	[tilespmem:$0x1F9F0] =	vst v63  }
0x5c: {  	_ = 	snop  }
0x5d: {  	[tilespmem:s30], [sflag:$0x1] =	stream.indirect.gather [hbm4b:s1+s26], $0x80, s15, s26, $0xb8;
	[tilespmem:$0x1F9F0] =	vst v63  }
0x5e: {  	_ =	swait.ge [sflag:s31], $0x500  }
0x5f: {  	[sflag:s31] =	ssyncset.done $0x0  }
0x60: {  	[sflag:s31] =	ssyncadd.s32 $0xFFFFFB00  }
0x61: {  	_ =	swait.ge [sflag:s31], $0x500  }
0x62: {  	[sflag:s31] =	ssyncset.done $0x0  }
0x63: {  	[sflag:s31] =	ssyncadd.s32 $0xFFFFFB00  }
0x64: {  	_ =	swait.ge [sflag:s31], $0x2800  }
0x65: {  	[sflag:s31] =	ssyncset.done $0x0  }
0x66: {  	s21 =	simm.s32 $0x100;
	[sflag:s31] =	ssyncadd.s32 $0xFFFFD800  }
0x67: {  	s18 =	simm.s32 $0x600;
	v2 =	vld [tilespmem:s21+$0xFFFFFFF0]  }
0x68: {  	v3 =	vld [tilespmem:s18+$0xFFFFFFF0];
	_ =	sdelay $0x4  }
0x69: {  	v2 =	vadd.f32 v3, v2;
	_ =	sdelay $0x1  }
0x6a: {  	v3 =	vmul.f32 $2.000000030e-01, v2  }
0x6b: {  	vm1 =	vge.f32 v2, $0.0e+00  }
0x6c: {  	v2 =	vsel vm1, v2, v3  }
0x6d: {  	v2 =	vmul.f32 $1.442695020e+00, v2;
	_ =	sdelay $0x1  }
0x6e: {  	(erf) = vpow2.f32 v2;
	_ =	sdelay $0x3  }
0x6f: {  	v2 =	vmov s15  }
0x70: {  	v2 =	vshrl.u32 v2, $0x3  }
0x71: {  	v2 =	vshll.u32 v2, v1  }
0x72: {  	v3 =	vbroadcast v2, $0x0;
	_ =	sdelay $0x1  }
0x73: {  	v4 =	vpop (erf)  }
0x74: {  	s19 =	simm.s32 $0x3380;
	v4 =	vnsel vm0, $0x0, v4  }
0x75: {  	s20 =	simm.s32 $0x8D00;
	[tilespmem:s19+$0xFFFFFFF0] =	vst v4  }
0x76: {  	[tilespmem:s20+$0xFFFFFFF0] =	vst v4  }
0x77: {  	s22 =	simm.s32 $0xB70;
	v3 =	vld.idx.msk [tilespmem:v3+s0+$0x0], $0xffff  }
0x78: {  	v4 =	vld [tilespmem:s22+$0xFFFFFF80]  }
0x79: {  	v5 =	vadd.s32 $0x1, v2  }
0x7a: {  	v5 =	vbroadcast v5, $0x0;
	_ =	sdelay $0x2  }
0x7b: {  	v3 =	vmul.f32 v4, v3;
	_ =	sdelay $0x1  }
0x7c: {  	[tilespmem:s19+$0xFFFFFF70] =	vst v3  }
0x7d: {  	v3 =	vld.idx.msk [tilespmem:v5+s0+$0x0], $0xffff  }
0x7e: {  	v40 =	vld [tilespmem:s22+$0xFFFFFF90]  }
0x7f: {  	v41 =	vadd.s32 $0x2, v2  }
0x80: {  	v5 =	vbroadcast v41, $0x0;
	_ =	sdelay $0x2  }
0x81: {  	v3 =	vmul.f32 v40, v3;
	_ =	sdelay $0x1  }
0x82: {  	[tilespmem:s19+$0xFFFFFF80] =	vst v3  }
0x83: {  	v3 =	vld.idx.msk [tilespmem:v5+s0+$0x0], $0xffff  }
0x84: {  	v42 =	vld [tilespmem:s22+$0xFFFFFFA0]  }
0x85: {  	v43 =	vadd.s32 $0x3, v2  }
0x86: {  	v5 =	vbroadcast v43, $0x0;
	_ =	sdelay $0x2  }
0x87: {  	v3 =	vmul.f32 v42, v3;
	_ =	sdelay $0x1  }
0x88: {  	[tilespmem:s19+$0xFFFFFF90] =	vst v3  }
0x89: {  	v3 =	vld.idx.msk [tilespmem:v5+s0+$0x0], $0xffff  }
0x8a: {  	v44 =	vld [tilespmem:s22+$0xFFFFFFB0]  }
0x8b: {  	v45 =	vadd.s32 $0x4, v2  }
0x8c: {  	v5 =	vbroadcast v45, $0x0;
	_ =	sdelay $0x2  }
0x8d: {  	v3 =	vmul.f32 v44, v3;
	_ =	sdelay $0x1  }
0x8e: {  	[tilespmem:s19+$0xFFFFFFA0] =	vst v3  }
0x8f: {  	v3 =	vld.idx.msk [tilespmem:v5+s0+$0x0], $0xffff  }
0x90: {  	v46 =	vld [tilespmem:s22+$0xFFFFFFC0]  }
0x91: {  	v47 =	vadd.s32 $0x5, v2  }
0x92: {  	v5 =	vbroadcast v47, $0x0;
	_ =	sdelay $0x2  }
0x93: {  	v3 =	vmul.f32 v46, v3;
	_ =	sdelay $0x1  }
0x94: {  	[tilespmem:s19+$0xFFFFFFB0] =	vst v3  }
0x95: {  	v3 =	vld.idx.msk [tilespmem:v5+s0+$0x0], $0xffff  }
0x96: {  	v48 =	vld [tilespmem:s22+$0xFFFFFFD0]  }
0x97: {  	v49 =	vadd.s32 $0x6, v2  }
0x98: {  	v5 =	vbroadcast v49, $0x0;
	_ =	sdelay $0x2  }
0x99: {  	v3 =	vmul.f32 v48, v3;
	_ =	sdelay $0x1  }
0x9a: {  	[tilespmem:s19+$0xFFFFFFC0] =	vst v3  }
0x9b: {  	v3 =	vld.idx.msk [tilespmem:v5+s0+$0x0], $0xffff  }
0x9c: {  	v50 =	vld [tilespmem:s22+$0xFFFFFFE0]  }
0x9d: {  	v2 =	vadd.s32 $0x7, v2  }
0x9e: {  	v2 =	vbroadcast v2, $0x0;
	_ =	sdelay $0x2  }
0x9f: {  	v3 =	vmul.f32 v50, v3;
	_ =	sdelay $0x1  }
0xa0: {  	[tilespmem:s19+$0xFFFFFFD0] =	vst v3  }
0xa1: {  	v2 =	vld.idx.msk [tilespmem:v2+s0+$0x0], $0xffff  }
0xa2: {  	v3 =	vld [tilespmem:s22+$0xFFFFFFF0];
	_ =	sdelay $0x4  }
0xa3: {  	v2 =	vmul.f32 v3, v2;
	_ =	sdelay $0x1  }
0xa4: {  	[tilespmem:s19+$0xFFFFFFE0] =	vst v2  }
0xa5: {  	v2 =	vld [tilespmem:s21+$0x0]  }
0xa6: {  	v3 =	vld [tilespmem:s18+$0x0];
	_ =	sdelay $0x4  }
0xa7: {  	v2 =	vadd.f32 v3, v2;
	_ =	sdelay $0x1  }
0xa8: {  	v3 =	vmul.f32 $2.000000030e-01, v2  }
0xa9: {  	vm1 =	vge.f32 v2, $0.0e+00  }
0xaa: {  	v2 =	vsel vm1, v2, v3  }
0xab: {  	v2 =	vmul.f32 $1.442695020e+00, v2;
	_ =	sdelay $0x1  }
0xac: {  	(erf) = vpow2.f32 v2;
	_ =	sdelay $0x2  }
0xad: {  	s25 =	simm.s32 $0x10  }
0xae: {  	v2 =	vmov s25  }
0xaf: {  	v2 =	vshrl.u32 v2, $0x3  }
0xb0: {  	v2 =	vshll.u32 v2, v1  }
0xb1: {  	v3 =	vbroadcast v2, $0x0;
	_ =	sdelay $0x1  }
0xb2: {  	v51 =	vpop (erf)  }
0xb3: {  	v4 =	vnsel vm0, $0x0, v51  }
0xb4: {  	[tilespmem:s19+$0x80] =	vst v4  }
0xb5: {  	[tilespmem:s20+$0x0] =	vst v4  }
0xb6: {  	v3 =	vld.idx.msk [tilespmem:v3+s0+$0x0], $0xffff  }
0xb7: {  	v4 =	vld [tilespmem:s22+$0x0]  }
0xb8: {  	v52 =	vadd.s32 $0x1, v2  }
0xb9: {  	v5 =	vbroadcast v52, $0x0;
	_ =	sdelay $0x2  }
0xba: {  	v3 =	vmul.f32 v4, v3;
	_ =	sdelay $0x1  }
0xbb: {  	[tilespmem:s19+$0x0] =	vst v3  }
0xbc: {  	v3 =	vld.idx.msk [tilespmem:v5+s0+$0x0], $0xffff  }
0xbd: {  	v53 =	vld [tilespmem:s22+$0x10]  }
0xbe: {  	v54 =	vadd.s32 $0x2, v2  }
0xbf: {  	v5 =	vbroadcast v54, $0x0;
	_ =	sdelay $0x2  }
0xc0: {  	v3 =	vmul.f32 v53, v3;
	_ =	sdelay $0x1  }
0xc1: {  	[tilespmem:s19+$0x10] =	vst v3  }
0xc2: {  	v3 =	vld.idx.msk [tilespmem:v5+s0+$0x0], $0xffff  }
0xc3: {  	v55 =	vld [tilespmem:s22+$0x20]  }
0xc4: {  	v56 =	vadd.s32 $0x3, v2  }
0xc5: {  	v5 =	vbroadcast v56, $0x0;
	_ =	sdelay $0x2  }
0xc6: {  	v3 =	vmul.f32 v55, v3;
	_ =	sdelay $0x1  }
0xc7: {  	[tilespmem:s19+$0x20] =	vst v3  }
0xc8: {  	v3 =	vld.idx.msk [tilespmem:v5+s0+$0x0], $0xffff  }
0xc9: {  	v57 =	vld [tilespmem:s22+$0x30]  }
0xca: {  	v58 =	vadd.s32 $0x4, v2  }
0xcb: {  	v5 =	vbroadcast v58, $0x0;
	_ =	sdelay $0x2  }
0xcc: {  	v3 =	vmul.f32 v57, v3;
	_ =	sdelay $0x1  }
0xcd: {  	[tilespmem:s19+$0x30] =	vst v3  }
0xce: {  	v3 =	vld.idx.msk [tilespmem:v5+s0+$0x0], $0xffff  }
0xcf: {  	v59 =	vld [tilespmem:s22+$0x40]  }
0xd0: {  	v60 =	vadd.s32 $0x5, v2  }
0xd1: {  	v5 =	vbroadcast v60, $0x0;
	_ =	sdelay $0x2  }
0xd2: {  	v3 =	vmul.f32 v59, v3;
	_ =	sdelay $0x1  }
0xd3: {  	[tilespmem:s19+$0x40] =	vst v3  }
0xd4: {  	v3 =	vld.idx.msk [tilespmem:v5+s0+$0x0], $0xffff  }
0xd5: {  	v61 =	vld [tilespmem:s22+$0x50]  }
0xd6: {  	v62 =	vadd.s32 $0x6, v2  }
0xd7: {  	v5 =	vbroadcast v62, $0x0;
	_ =	sdelay $0x2  }
0xd8: {  	v3 =	vmul.f32 v61, v3;
	_ =	sdelay $0x1  }
0xd9: {  	[tilespmem:s19+$0x50] =	vst v3  }
0xda: {  	v3 =	vld.idx.msk [tilespmem:v5+s0+$0x0], $0xffff  }
0xdb: {  	v63 =	vld [tilespmem:s22+$0x60]  }
0xdc: {  	v2 =	vadd.s32 $0x7, v2  }
0xdd: {  	v2 =	vbroadcast v2, $0x0;
	_ =	sdelay $0x2  }
0xde: {  	v3 =	vmul.f32 v63, v3;
	_ =	sdelay $0x1  }
0xdf: {  	[tilespmem:s19+$0x60] =	vst v3  }
0xe0: {  	v2 =	vld.idx.msk [tilespmem:v2+s0+$0x0], $0xffff  }
0xe1: {  	v3 =	vld [tilespmem:s22+$0x70];
	_ =	sdelay $0x3  }
0xe2: {  	s14 =	simm.s32 $0x34A0;
	s13 =	simm.s32 $0x0;
	s21 =	simm.s32 $0xC70  }
0xe3: {  	s25 =	simm.s32 $0x8D20;
	s20 =	simm.s32 $0x0;
	s22 =	simm.s32 $0x120;
	v2 =	vmul.f32 v3, v2  }
.LBB2_5:
0xe4: {  	s20 =	sadd.s32 $0x2, s20;
	s13 =	sadd.s32 $0x20, s13;
	s18 =	sadd.s32 $0x20, s18  }
0xe5: {  	p1 =	slt.u32 s20, $0x4E;
	[tilespmem:s19+$0x70] =	vst v2;
	s19 =	smov.u32 s14  }
0xe6: {  	v2 =	vld [tilespmem:s22+$0xFFFFFFF0]  }
0xe7: {  	v3 =	vld [tilespmem:s18+$0xFFFFFFF0];
	_ =	sdelay $0x4  }
0xe8: {  	v2 =	vadd.f32 v3, v2;
	_ =	sdelay $0x1  }
0xe9: {  	v3 =	vmul.f32 $2.000000030e-01, v2  }
0xea: {  	vm1 =	vge.f32 v2, $0.0e+00  }
0xeb: {  	v2 =	vsel vm1, v2, v3  }
0xec: {  	v2 =	vmul.f32 $1.442695020e+00, v2;
	_ =	sdelay $0x1  }
0xed: {  	(erf) = vpow2.f32 v2;
	_ =	sdelay $0x3  }
0xee: {  	v2 =	vmov s13  }
0xef: {  	v2 =	vshrl.u32 v2, $0x3  }
0xf0: {  	v2 =	vshll.u32 v2, v1  }
0xf1: {  	v3 =	vbroadcast v2, $0x0;
	v4 =	vadd.s32 $0x1, v2;
	v5 =	vadd.s32 $0x2, v2  }
0xf2: {  	v6 =	vadd.s32 $0x3, v2;
	v7 =	vadd.s32 $0x4, v2;
	v8 =	vadd.s32 $0x5, v2  }
0xf3: {  	v9 =	vadd.s32 $0x6, v2;
	v2 =	vadd.s32 $0x7, v2;
	v10 =	vpop (erf)  }
0xf4: {  	v10 =	vnsel vm0, $0x0, v10  }
0xf5: {  	[tilespmem:s14+$0xFFFFFFF0] =	vst v10  }
0xf6: {  	[tilespmem:s25+$0xFFFFFFF0] =	vst v10  }
0xf7: {  	v3 =	vld.idx.msk [tilespmem:v3+s0+$0x0], $0xffff  }
0xf8: {  	v10 =	vld [tilespmem:s21+$0xFFFFFF80];
	_ =	sdelay $0x1  }
0xf9: {  	v4 =	vbroadcast v4, $0x0;
	_ =	sdelay $0x2  }
0xfa: {  	v3 =	vmul.f32 v10, v3;
	_ =	sdelay $0x1  }
0xfb: {  	[tilespmem:s14+$0xFFFFFF70] =	vst v3  }
0xfc: {  	v3 =	vld.idx.msk [tilespmem:v4+s0+$0x0], $0xffff  }
0xfd: {  	v4 =	vld [tilespmem:s21+$0xFFFFFF90];
	_ =	sdelay $0x1  }
0xfe: {  	v5 =	vbroadcast v5, $0x0;
	_ =	sdelay $0x2  }
0xff: {  	v3 =	vmul.f32 v4, v3;
	_ =	sdelay $0x1  }
0x100: {  	[tilespmem:s14+$0xFFFFFF80] =	vst v3  }
0x101: {  	v3 =	vld.idx.msk [tilespmem:v5+s0+$0x0], $0xffff  }
0x102: {  	v4 =	vld [tilespmem:s21+$0xFFFFFFA0];
	_ =	sdelay $0x1  }
0x103: {  	v5 =	vbroadcast v6, $0x0;
	_ =	sdelay $0x2  }
0x104: {  	v3 =	vmul.f32 v4, v3;
	_ =	sdelay $0x1  }
0x105: {  	[tilespmem:s14+$0xFFFFFF90] =	vst v3  }
0x106: {  	v3 =	vld.idx.msk [tilespmem:v5+s0+$0x0], $0xffff  }
0x107: {  	v4 =	vld [tilespmem:s21+$0xFFFFFFB0];
	_ =	sdelay $0x1  }
0x108: {  	v5 =	vbroadcast v7, $0x0;
	_ =	sdelay $0x2  }
0x109: {  	v3 =	vmul.f32 v4, v3;
	_ =	sdelay $0x1  }
0x10a: {  	[tilespmem:s14+$0xFFFFFFA0] =	vst v3  }
0x10b: {  	v3 =	vld.idx.msk [tilespmem:v5+s0+$0x0], $0xffff  }
0x10c: {  	v4 =	vld [tilespmem:s21+$0xFFFFFFC0];
	_ =	sdelay $0x1  }
0x10d: {  	v5 =	vbroadcast v8, $0x0;
	_ =	sdelay $0x2  }
0x10e: {  	v3 =	vmul.f32 v4, v3;
	_ =	sdelay $0x1  }
0x10f: {  	[tilespmem:s14+$0xFFFFFFB0] =	vst v3  }
0x110: {  	v3 =	vld.idx.msk [tilespmem:v5+s0+$0x0], $0xffff  }
0x111: {  	v4 =	vld [tilespmem:s21+$0xFFFFFFD0];
	_ =	sdelay $0x1  }
0x112: {  	v5 =	vbroadcast v9, $0x0;
	_ =	sdelay $0x2  }
0x113: {  	v3 =	vmul.f32 v4, v3;
	_ =	sdelay $0x1  }
0x114: {  	[tilespmem:s14+$0xFFFFFFC0] =	vst v3  }
0x115: {  	v3 =	vld.idx.msk [tilespmem:v5+s0+$0x0], $0xffff  }
0x116: {  	v4 =	vld [tilespmem:s21+$0xFFFFFFE0];
	_ =	sdelay $0x1  }
0x117: {  	v2 =	vbroadcast v2, $0x0;
	_ =	sdelay $0x2  }
0x118: {  	v3 =	vmul.f32 v4, v3;
	_ =	sdelay $0x1  }
0x119: {  	[tilespmem:s14+$0xFFFFFFD0] =	vst v3  }
0x11a: {  	v2 =	vld.idx.msk [tilespmem:v2+s0+$0x0], $0xffff  }
0x11b: {  	v3 =	vld [tilespmem:s21+$0xFFFFFFF0];
	_ =	sdelay $0x4  }
0x11c: {  	v2 =	vmul.f32 v3, v2;
	_ =	sdelay $0x1  }
0x11d: {  	[tilespmem:s14+$0xFFFFFFE0] =	vst v2  }
0x11e: {  	v2 =	vld [tilespmem:s22+$0x0]  }
0x11f: {  	v3 =	vld [tilespmem:s18+$0x0];
	_ =	sdelay $0x4  }
0x120: {  	v2 =	vadd.f32 v3, v2;
	_ =	sdelay $0x1  }
0x121: {  	vm1 =	vge.f32 v2, $0.0e+00;
	v3 =	vmul.f32 $2.000000030e-01, v2;
	_ =	sdelay $0x1  }
0x122: {  	v2 =	vsel vm1, v2, v3  }
0x123: {  	v2 =	vmul.f32 $1.442695020e+00, v2;
	_ =	sdelay $0x1  }
0x124: {  	(erf) = vpow2.f32 v2;
	_ =	sdelay $0x2  }
0x125: {  	s12 =	sadd.s32 $0x10, s13  }
0x126: {  	v2 =	vmov s12  }
0x127: {  	v2 =	vshrl.u32 v2, $0x3  }
0x128: {  	v2 =	vshll.u32 v2, v1  }
0x129: {  	v3 =	vbroadcast v2, $0x0;
	v4 =	vadd.s32 $0x1, v2;
	v5 =	vadd.s32 $0x2, v2  }
0x12a: {  	v6 =	vadd.s32 $0x3, v2;
	v7 =	vadd.s32 $0x4, v2;
	v8 =	vadd.s32 $0x5, v2  }
0x12b: {  	v9 =	vadd.s32 $0x6, v2;
	v2 =	vadd.s32 $0x7, v2;
	v10 =	vpop (erf)  }
0x12c: {  	v10 =	vnsel vm0, $0x0, v10  }
0x12d: {  	[tilespmem:s14+$0x80] =	vst v10  }
0x12e: {  	[tilespmem:s25+$0x0] =	vst v10  }
0x12f: {  	v3 =	vld.idx.msk [tilespmem:v3+s0+$0x0], $0xffff  }
0x130: {  	v10 =	vld [tilespmem:s21+$0x0];
	_ =	sdelay $0x1  }
0x131: {  	v4 =	vbroadcast v4, $0x0;
	_ =	sdelay $0x2  }
0x132: {  	v3 =	vmul.f32 v10, v3;
	_ =	sdelay $0x1  }
0x133: {  	[tilespmem:s14+$0x0] =	vst v3  }
0x134: {  	v3 =	vld.idx.msk [tilespmem:v4+s0+$0x0], $0xffff  }
0x135: {  	v4 =	vld [tilespmem:s21+$0x10];
	_ =	sdelay $0x1  }
0x136: {  	v5 =	vbroadcast v5, $0x0;
	_ =	sdelay $0x2  }
0x137: {  	v3 =	vmul.f32 v4, v3;
	_ =	sdelay $0x1  }
0x138: {  	[tilespmem:s14+$0x10] =	vst v3  }
0x139: {  	v3 =	vld.idx.msk [tilespmem:v5+s0+$0x0], $0xffff  }
0x13a: {  	v4 =	vld [tilespmem:s21+$0x20];
	_ =	sdelay $0x1  }
0x13b: {  	v5 =	vbroadcast v6, $0x0;
	_ =	sdelay $0x2  }
0x13c: {  	v3 =	vmul.f32 v4, v3;
	_ =	sdelay $0x1  }
0x13d: {  	[tilespmem:s14+$0x20] =	vst v3  }
0x13e: {  	v3 =	vld.idx.msk [tilespmem:v5+s0+$0x0], $0xffff  }
0x13f: {  	v4 =	vld [tilespmem:s21+$0x30];
	_ =	sdelay $0x1  }
0x140: {  	v5 =	vbroadcast v7, $0x0;
	_ =	sdelay $0x2  }
0x141: {  	v3 =	vmul.f32 v4, v3;
	_ =	sdelay $0x1  }
0x142: {  	[tilespmem:s14+$0x30] =	vst v3  }
0x143: {  	v3 =	vld.idx.msk [tilespmem:v5+s0+$0x0], $0xffff  }
0x144: {  	v4 =	vld [tilespmem:s21+$0x40];
	_ =	sdelay $0x1  }
0x145: {  	v5 =	vbroadcast v8, $0x0;
	_ =	sdelay $0x2  }
0x146: {  	v3 =	vmul.f32 v4, v3;
	_ =	sdelay $0x1  }
0x147: {  	[tilespmem:s14+$0x40] =	vst v3  }
0x148: {  	v3 =	vld.idx.msk [tilespmem:v5+s0+$0x0], $0xffff  }
0x149: {  	v4 =	vld [tilespmem:s21+$0x50];
	_ =	sdelay $0x1  }
0x14a: {  	v5 =	vbroadcast v9, $0x0;
	_ =	sdelay $0x2  }
0x14b: {  	v3 =	vmul.f32 v4, v3;
	_ =	sdelay $0x1  }
0x14c: {  	[tilespmem:s14+$0x50] =	vst v3  }
0x14d: {  	v3 =	vld.idx.msk [tilespmem:v5+s0+$0x0], $0xffff  }
0x14e: {  	v4 =	vld [tilespmem:s21+$0x60];
	_ =	sdelay $0x1  }
0x14f: {  	v2 =	vbroadcast v2, $0x0;
	_ =	sdelay $0x2  }
0x150: {  	v3 =	vmul.f32 v4, v3;
	_ =	sdelay $0x1  }
0x151: {  	[tilespmem:s14+$0x60] =	vst v3  }
0x152: {  	v2 =	vld.idx.msk [tilespmem:v2+s0+$0x0], $0xffff  }
0x153: {  	v3 =	vld [tilespmem:s21+$0x70]  }
.Ltmp1:
0x154: {  	(pc) =	sbr.rel @p1 .LBB2_5-.Ltmp1, $3  }
0x155: {  	_ =	sdelay $0x1  }
0x156: {  	s21 =	sadd.s32 $0x100, s21  }
0x157: {  	s22 =	sadd.s32 $0x20, s22;
	s25 =	sadd.s32 $0x20, s25;
	s14 =	sadd.s32 $0x120, s14;
	v2 =	vmul.f32 v3, v2  }
0x158: {  	_ = 	snop  }
0x159: {  	s12 =	simm.s32 @!p0 $0x3;
	[tilespmem:s19+$0x70] =	vst v2  }
0x15a: {  	[spmem:s3] =	stream.indirect.scatter.add.f32 [tilespmem:s23], [sflag:$0x2], $0x90, s26, s26, $0xb8;
	[tilespmem:$0x1F9F0] =	vst v63  }
0x15b: {  	s13 =	sadd.s32 s10, s17;
	_ =	swait.ge @!p0 [sflag:s12], $0x2D00  }
0x15c: {  	s13 =	sshrl.u32 s13, $0x3;
	[sflag:s12] =	ssyncset.done @!p0 $0x0  }
0x15d: {  	s17 =	simm.s32 $0x0;
	s20 =	sadd.s32 s6, s13;
	[sflag:s12] =	ssyncadd.s32 @!p0 $0xFFFFD300  }
0x15e: {  	[tilespmem:s17], [sflag:$0x4] =	stream.linear.gather [hbm4b:s20+s17], $0x50, $0x38;
	[tilespmem:$0x1F9F0] =	vst v63  }
0x15f: {  	_ =	swait.ge [sflag:s24], $0x50  }
0x160: {  	[sflag:s24] =	ssyncset.done $0x0  }
0x161: {  	s21 =	sadd.s32 s7, s13;
	[sflag:s24] =	ssyncadd.s32 $0xFFFFFFB0  }
0x162: {  	[tilespmem:s4], [sflag:$0x4] =	stream.linear.gather [hbm4b:s21+s17], $0x50, $0x38;
	[tilespmem:$0x1F9F0] =	vst v63  }
0x163: {  	_ =	swait.ge [sflag:s24], $0x50  }
0x164: {  	[sflag:s24] =	ssyncset.done $0x0  }
0x165: {  	[sflag:s24] =	ssyncadd.s32 $0xFFFFFFB0  }
0x166: {  	[tilespmem:s28], [sflag:$0x1] =	stream.indirect.gather [hbm4b:s2+s26], $0x10, s17, s26, $0xb8;
	[tilespmem:$0x1F9F0] =	vst v63  }
0x167: {  	_ = 	snop  }
0x168: {  	[tilespmem:s29], [sflag:$0x1] =	stream.indirect.gather [hbm4b:s9+s26], $0x10, s4, s26, $0xb8;
	[tilespmem:$0x1F9F0] =	vst v63  }
0x169: {  	_ = 	snop  }
0x16a: {  	[tilespmem:s30], [sflag:$0x1] =	stream.indirect.gather [hbm4b:s1+s26], $0x80, s17, s26, $0xb8;
	[tilespmem:$0x1F9F0] =	vst v63  }
0x16b: {  	_ =	swait.ge [sflag:s31], $0x500  }
0x16c: {  	[sflag:s31] =	ssyncset.done $0x0  }
0x16d: {  	[sflag:s31] =	ssyncadd.s32 $0xFFFFFB00  }
0x16e: {  	_ =	swait.ge [sflag:s31], $0x500  }
0x16f: {  	[sflag:s31] =	ssyncset.done $0x0  }
0x170: {  	[sflag:s31] =	ssyncadd.s32 $0xFFFFFB00  }
0x171: {  	_ =	swait.ge [sflag:s31], $0x2800  }
0x172: {  	[sflag:s31] =	ssyncset.done $0x0  }
0x173: {  	s14 =	simm.s32 $0x100;
	[sflag:s31] =	ssyncadd.s32 $0xFFFFD800  }
0x174: {  	s18 =	simm.s32 $0x600;
	v2 =	vld [tilespmem:s14+$0xFFFFFFF0]  }
0x175: {  	v3 =	vld [tilespmem:s18+$0xFFFFFFF0];
	_ =	sdelay $0x4  }
0x176: {  	v2 =	vadd.f32 v3, v2;
	_ =	sdelay $0x1  }
0x177: {  	v3 =	vmul.f32 $2.000000030e-01, v2  }
0x178: {  	vm1 =	vge.f32 v2, $0.0e+00  }
0x179: {  	v2 =	vsel vm1, v2, v3  }
0x17a: {  	v2 =	vmul.f32 $1.442695020e+00, v2;
	_ =	sdelay $0x1  }
0x17b: {  	(erf) = vpow2.f32 v2;
	_ =	sdelay $0x3  }
0x17c: {  	v2 =	vmov s17  }
0x17d: {  	v2 =	vshrl.u32 v2, $0x3  }
0x17e: {  	v2 =	vshll.u32 v2, v1  }
0x17f: {  	v3 =	vbroadcast v2, $0x0;
	_ =	sdelay $0x1  }
0x180: {  	v4 =	vpop (erf)  }
0x181: {  	s19 =	simm.s32 $0x6080;
	v4 =	vnsel vm0, $0x0, v4  }
0x182: {  	s20 =	simm.s32 $0x8D00;
	[tilespmem:s19+$0xFFFFFFF0] =	vst v4  }
0x183: {  	[tilespmem:s20+$0xFFFFFFF0] =	vst v4  }
0x184: {  	s22 =	simm.s32 $0xB70;
	v3 =	vld.idx.msk [tilespmem:v3+s0+$0x0], $0xffff  }
0x185: {  	v4 =	vld [tilespmem:s22+$0xFFFFFF80]  }
0x186: {  	v5 =	vadd.s32 $0x1, v2  }
0x187: {  	v5 =	vbroadcast v5, $0x0;
	_ =	sdelay $0x2  }
0x188: {  	v3 =	vmul.f32 v4, v3;
	_ =	sdelay $0x1  }
0x189: {  	[tilespmem:s19+$0xFFFFFF70] =	vst v3  }
0x18a: {  	v3 =	vld.idx.msk [tilespmem:v5+s0+$0x0], $0xffff  }
0x18b: {  	v40 =	vld [tilespmem:s22+$0xFFFFFF90]  }
0x18c: {  	v41 =	vadd.s32 $0x2, v2  }
0x18d: {  	v5 =	vbroadcast v41, $0x0;
	_ =	sdelay $0x2  }
0x18e: {  	v3 =	vmul.f32 v40, v3;
	_ =	sdelay $0x1  }
0x18f: {  	[tilespmem:s19+$0xFFFFFF80] =	vst v3  }
0x190: {  	v3 =	vld.idx.msk [tilespmem:v5+s0+$0x0], $0xffff  }
0x191: {  	v42 =	vld [tilespmem:s22+$0xFFFFFFA0]  }
0x192: {  	v43 =	vadd.s32 $0x3, v2  }
0x193: {  	v5 =	vbroadcast v43, $0x0;
	_ =	sdelay $0x2  }
0x194: {  	v3 =	vmul.f32 v42, v3;
	_ =	sdelay $0x1  }
0x195: {  	[tilespmem:s19+$0xFFFFFF90] =	vst v3  }
0x196: {  	v3 =	vld.idx.msk [tilespmem:v5+s0+$0x0], $0xffff  }
0x197: {  	v44 =	vld [tilespmem:s22+$0xFFFFFFB0]  }
0x198: {  	v45 =	vadd.s32 $0x4, v2  }
0x199: {  	v5 =	vbroadcast v45, $0x0;
	_ =	sdelay $0x2  }
0x19a: {  	v3 =	vmul.f32 v44, v3;
	_ =	sdelay $0x1  }
0x19b: {  	[tilespmem:s19+$0xFFFFFFA0] =	vst v3  }
0x19c: {  	v3 =	vld.idx.msk [tilespmem:v5+s0+$0x0], $0xffff  }
0x19d: {  	v46 =	vld [tilespmem:s22+$0xFFFFFFC0]  }
0x19e: {  	v47 =	vadd.s32 $0x5, v2  }
0x19f: {  	v5 =	vbroadcast v47, $0x0;
	_ =	sdelay $0x2  }
0x1a0: {  	v3 =	vmul.f32 v46, v3;
	_ =	sdelay $0x1  }
0x1a1: {  	[tilespmem:s19+$0xFFFFFFB0] =	vst v3  }
0x1a2: {  	v3 =	vld.idx.msk [tilespmem:v5+s0+$0x0], $0xffff  }
0x1a3: {  	v48 =	vld [tilespmem:s22+$0xFFFFFFD0]  }
0x1a4: {  	v49 =	vadd.s32 $0x6, v2  }
0x1a5: {  	v5 =	vbroadcast v49, $0x0;
	_ =	sdelay $0x2  }
0x1a6: {  	v3 =	vmul.f32 v48, v3;
	_ =	sdelay $0x1  }
0x1a7: {  	[tilespmem:s19+$0xFFFFFFC0] =	vst v3  }
0x1a8: {  	v3 =	vld.idx.msk [tilespmem:v5+s0+$0x0], $0xffff  }
0x1a9: {  	v50 =	vld [tilespmem:s22+$0xFFFFFFE0]  }
0x1aa: {  	v2 =	vadd.s32 $0x7, v2  }
0x1ab: {  	v2 =	vbroadcast v2, $0x0;
	_ =	sdelay $0x2  }
0x1ac: {  	v3 =	vmul.f32 v50, v3;
	_ =	sdelay $0x1  }
0x1ad: {  	[tilespmem:s19+$0xFFFFFFD0] =	vst v3  }
0x1ae: {  	v2 =	vld.idx.msk [tilespmem:v2+s0+$0x0], $0xffff  }
0x1af: {  	v3 =	vld [tilespmem:s22+$0xFFFFFFF0];
	_ =	sdelay $0x4  }
0x1b0: {  	v2 =	vmul.f32 v3, v2;
	_ =	sdelay $0x1  }
0x1b1: {  	[tilespmem:s19+$0xFFFFFFE0] =	vst v2  }
0x1b2: {  	v2 =	vld [tilespmem:s14+$0x0]  }
0x1b3: {  	v3 =	vld [tilespmem:s18+$0x0];
	_ =	sdelay $0x4  }
0x1b4: {  	v2 =	vadd.f32 v3, v2;
	_ =	sdelay $0x1  }
0x1b5: {  	v3 =	vmul.f32 $2.000000030e-01, v2  }
0x1b6: {  	vm1 =	vge.f32 v2, $0.0e+00  }
0x1b7: {  	v2 =	vsel vm1, v2, v3  }
0x1b8: {  	v2 =	vmul.f32 $1.442695020e+00, v2;
	_ =	sdelay $0x1  }
0x1b9: {  	(erf) = vpow2.f32 v2;
	_ =	sdelay $0x2  }
0x1ba: {  	s25 =	simm.s32 $0x10  }
0x1bb: {  	v2 =	vmov s25  }
0x1bc: {  	v2 =	vshrl.u32 v2, $0x3  }
0x1bd: {  	v2 =	vshll.u32 v2, v1  }
0x1be: {  	v3 =	vbroadcast v2, $0x0;
	_ =	sdelay $0x1  }
0x1bf: {  	v51 =	vpop (erf)  }
0x1c0: {  	v4 =	vnsel vm0, $0x0, v51  }
0x1c1: {  	[tilespmem:s19+$0x80] =	vst v4  }
0x1c2: {  	[tilespmem:s20+$0x0] =	vst v4  }
0x1c3: {  	v3 =	vld.idx.msk [tilespmem:v3+s0+$0x0], $0xffff  }
0x1c4: {  	v4 =	vld [tilespmem:s22+$0x0]  }
0x1c5: {  	v52 =	vadd.s32 $0x1, v2  }
0x1c6: {  	v5 =	vbroadcast v52, $0x0;
	_ =	sdelay $0x2  }
0x1c7: {  	v3 =	vmul.f32 v4, v3;
	_ =	sdelay $0x1  }
0x1c8: {  	[tilespmem:s19+$0x0] =	vst v3  }
0x1c9: {  	v3 =	vld.idx.msk [tilespmem:v5+s0+$0x0], $0xffff  }
0x1ca: {  	v53 =	vld [tilespmem:s22+$0x10]  }
0x1cb: {  	v54 =	vadd.s32 $0x2, v2  }
0x1cc: {  	v5 =	vbroadcast v54, $0x0;
	_ =	sdelay $0x2  }
0x1cd: {  	v3 =	vmul.f32 v53, v3;
	_ =	sdelay $0x1  }
0x1ce: {  	[tilespmem:s19+$0x10] =	vst v3  }
0x1cf: {  	v3 =	vld.idx.msk [tilespmem:v5+s0+$0x0], $0xffff  }
0x1d0: {  	v55 =	vld [tilespmem:s22+$0x20]  }
0x1d1: {  	v56 =	vadd.s32 $0x3, v2  }
0x1d2: {  	v5 =	vbroadcast v56, $0x0;
	_ =	sdelay $0x2  }
0x1d3: {  	v3 =	vmul.f32 v55, v3;
	_ =	sdelay $0x1  }
0x1d4: {  	[tilespmem:s19+$0x20] =	vst v3  }
0x1d5: {  	v3 =	vld.idx.msk [tilespmem:v5+s0+$0x0], $0xffff  }
0x1d6: {  	v57 =	vld [tilespmem:s22+$0x30]  }
0x1d7: {  	v58 =	vadd.s32 $0x4, v2  }
0x1d8: {  	v5 =	vbroadcast v58, $0x0;
	_ =	sdelay $0x2  }
0x1d9: {  	v3 =	vmul.f32 v57, v3;
	_ =	sdelay $0x1  }
0x1da: {  	[tilespmem:s19+$0x30] =	vst v3  }
0x1db: {  	v3 =	vld.idx.msk [tilespmem:v5+s0+$0x0], $0xffff  }
0x1dc: {  	v59 =	vld [tilespmem:s22+$0x40]  }
0x1dd: {  	v60 =	vadd.s32 $0x5, v2  }
0x1de: {  	v5 =	vbroadcast v60, $0x0;
	_ =	sdelay $0x2  }
0x1df: {  	v3 =	vmul.f32 v59, v3;
	_ =	sdelay $0x1  }
0x1e0: {  	[tilespmem:s19+$0x40] =	vst v3  }
0x1e1: {  	v3 =	vld.idx.msk [tilespmem:v5+s0+$0x0], $0xffff  }
0x1e2: {  	v61 =	vld [tilespmem:s22+$0x50]  }
0x1e3: {  	v62 =	vadd.s32 $0x6, v2  }
0x1e4: {  	v5 =	vbroadcast v62, $0x0;
	_ =	sdelay $0x2  }
0x1e5: {  	v3 =	vmul.f32 v61, v3;
	_ =	sdelay $0x1  }
0x1e6: {  	[tilespmem:s19+$0x50] =	vst v3  }
0x1e7: {  	v3 =	vld.idx.msk [tilespmem:v5+s0+$0x0], $0xffff  }
0x1e8: {  	v63 =	vld [tilespmem:s22+$0x60]  }
0x1e9: {  	v2 =	vadd.s32 $0x7, v2  }
0x1ea: {  	v2 =	vbroadcast v2, $0x0;
	_ =	sdelay $0x2  }
0x1eb: {  	v3 =	vmul.f32 v63, v3;
	_ =	sdelay $0x1  }
0x1ec: {  	[tilespmem:s19+$0x60] =	vst v3  }
0x1ed: {  	v2 =	vld.idx.msk [tilespmem:v2+s0+$0x0], $0xffff  }
0x1ee: {  	v3 =	vld [tilespmem:s22+$0x70];
	_ =	sdelay $0x3  }
0x1ef: {  	s13 =	simm.s32 $0x61A0;
	s21 =	simm.s32 $0xC70  }
0x1f0: {  	s14 =	simm.s32 $0x8D20;
	s20 =	simm.s32 $0x0;
	s22 =	simm.s32 $0x120;
	v2 =	vmul.f32 v3, v2  }
.LBB2_7:
0x1f1: {  	s20 =	sadd.s32 $0x2, s20;
	s17 =	sadd.s32 $0x20, s17;
	s18 =	sadd.s32 $0x20, s18  }
0x1f2: {  	p0 =	slt.u32 s20, $0x4E;
	[tilespmem:s19+$0x70] =	vst v2;
	s19 =	smov.u32 s13  }
0x1f3: {  	v2 =	vld [tilespmem:s22+$0xFFFFFFF0]  }
0x1f4: {  	v3 =	vld [tilespmem:s18+$0xFFFFFFF0];
	_ =	sdelay $0x4  }
0x1f5: {  	v2 =	vadd.f32 v3, v2;
	_ =	sdelay $0x1  }
0x1f6: {  	v3 =	vmul.f32 $2.000000030e-01, v2  }
0x1f7: {  	vm1 =	vge.f32 v2, $0.0e+00  }
0x1f8: {  	v2 =	vsel vm1, v2, v3  }
0x1f9: {  	v2 =	vmul.f32 $1.442695020e+00, v2;
	_ =	sdelay $0x1  }
0x1fa: {  	(erf) = vpow2.f32 v2;
	_ =	sdelay $0x3  }
0x1fb: {  	v2 =	vmov s17  }
0x1fc: {  	v2 =	vshrl.u32 v2, $0x3  }
0x1fd: {  	v2 =	vshll.u32 v2, v1  }
0x1fe: {  	v3 =	vbroadcast v2, $0x0;
	v4 =	vadd.s32 $0x1, v2;
	v5 =	vadd.s32 $0x2, v2  }
0x1ff: {  	v6 =	vadd.s32 $0x3, v2;
	v7 =	vadd.s32 $0x4, v2;
	v8 =	vadd.s32 $0x5, v2  }
0x200: {  	v9 =	vadd.s32 $0x6, v2;
	v2 =	vadd.s32 $0x7, v2;
	v10 =	vpop (erf)  }
0x201: {  	v10 =	vnsel vm0, $0x0, v10  }
0x202: {  	[tilespmem:s13+$0xFFFFFFF0] =	vst v10  }
0x203: {  	[tilespmem:s14+$0xFFFFFFF0] =	vst v10  }
0x204: {  	v3 =	vld.idx.msk [tilespmem:v3+s0+$0x0], $0xffff  }
0x205: {  	v10 =	vld [tilespmem:s21+$0xFFFFFF80];
	_ =	sdelay $0x1  }
0x206: {  	v4 =	vbroadcast v4, $0x0;
	_ =	sdelay $0x2  }
0x207: {  	v3 =	vmul.f32 v10, v3;
	_ =	sdelay $0x1  }
0x208: {  	[tilespmem:s13+$0xFFFFFF70] =	vst v3  }
0x209: {  	v3 =	vld.idx.msk [tilespmem:v4+s0+$0x0], $0xffff  }
0x20a: {  	v4 =	vld [tilespmem:s21+$0xFFFFFF90];
	_ =	sdelay $0x1  }
0x20b: {  	v5 =	vbroadcast v5, $0x0;
	_ =	sdelay $0x2  }
0x20c: {  	v3 =	vmul.f32 v4, v3;
	_ =	sdelay $0x1  }
0x20d: {  	[tilespmem:s13+$0xFFFFFF80] =	vst v3  }
0x20e: {  	v3 =	vld.idx.msk [tilespmem:v5+s0+$0x0], $0xffff  }
0x20f: {  	v4 =	vld [tilespmem:s21+$0xFFFFFFA0];
	_ =	sdelay $0x1  }
0x210: {  	v5 =	vbroadcast v6, $0x0;
	_ =	sdelay $0x2  }
0x211: {  	v3 =	vmul.f32 v4, v3;
	_ =	sdelay $0x1  }
0x212: {  	[tilespmem:s13+$0xFFFFFF90] =	vst v3  }
0x213: {  	v3 =	vld.idx.msk [tilespmem:v5+s0+$0x0], $0xffff  }
0x214: {  	v4 =	vld [tilespmem:s21+$0xFFFFFFB0];
	_ =	sdelay $0x1  }
0x215: {  	v5 =	vbroadcast v7, $0x0;
	_ =	sdelay $0x2  }
0x216: {  	v3 =	vmul.f32 v4, v3;
	_ =	sdelay $0x1  }
0x217: {  	[tilespmem:s13+$0xFFFFFFA0] =	vst v3  }
0x218: {  	v3 =	vld.idx.msk [tilespmem:v5+s0+$0x0], $0xffff  }
0x219: {  	v4 =	vld [tilespmem:s21+$0xFFFFFFC0];
	_ =	sdelay $0x1  }
0x21a: {  	v5 =	vbroadcast v8, $0x0;
	_ =	sdelay $0x2  }
0x21b: {  	v3 =	vmul.f32 v4, v3;
	_ =	sdelay $0x1  }
0x21c: {  	[tilespmem:s13+$0xFFFFFFB0] =	vst v3  }
0x21d: {  	v3 =	vld.idx.msk [tilespmem:v5+s0+$0x0], $0xffff  }
0x21e: {  	v4 =	vld [tilespmem:s21+$0xFFFFFFD0];
	_ =	sdelay $0x1  }
0x21f: {  	v5 =	vbroadcast v9, $0x0;
	_ =	sdelay $0x2  }
0x220: {  	v3 =	vmul.f32 v4, v3;
	_ =	sdelay $0x1  }
0x221: {  	[tilespmem:s13+$0xFFFFFFC0] =	vst v3  }
0x222: {  	v3 =	vld.idx.msk [tilespmem:v5+s0+$0x0], $0xffff  }
0x223: {  	v4 =	vld [tilespmem:s21+$0xFFFFFFE0];
	_ =	sdelay $0x1  }
0x224: {  	v2 =	vbroadcast v2, $0x0;
	_ =	sdelay $0x2  }
0x225: {  	v3 =	vmul.f32 v4, v3;
	_ =	sdelay $0x1  }
0x226: {  	[tilespmem:s13+$0xFFFFFFD0] =	vst v3  }
0x227: {  	v2 =	vld.idx.msk [tilespmem:v2+s0+$0x0], $0xffff  }
0x228: {  	v3 =	vld [tilespmem:s21+$0xFFFFFFF0];
	_ =	sdelay $0x4  }
0x229: {  	v2 =	vmul.f32 v3, v2;
	_ =	sdelay $0x1  }
0x22a: {  	[tilespmem:s13+$0xFFFFFFE0] =	vst v2  }
0x22b: {  	v2 =	vld [tilespmem:s22+$0x0]  }
0x22c: {  	v3 =	vld [tilespmem:s18+$0x0];
	_ =	sdelay $0x4  }
0x22d: {  	v2 =	vadd.f32 v3, v2;
	_ =	sdelay $0x1  }
0x22e: {  	vm1 =	vge.f32 v2, $0.0e+00;
	v3 =	vmul.f32 $2.000000030e-01, v2;
	_ =	sdelay $0x1  }
0x22f: {  	v2 =	vsel vm1, v2, v3  }
0x230: {  	v2 =	vmul.f32 $1.442695020e+00, v2;
	_ =	sdelay $0x1  }
0x231: {  	(erf) = vpow2.f32 v2;
	_ =	sdelay $0x2  }
0x232: {  	s12 =	sadd.s32 $0x10, s17  }
0x233: {  	v2 =	vmov s12  }
0x234: {  	v2 =	vshrl.u32 v2, $0x3  }
0x235: {  	v2 =	vshll.u32 v2, v1  }
0x236: {  	v3 =	vbroadcast v2, $0x0;
	v4 =	vadd.s32 $0x1, v2;
	v5 =	vadd.s32 $0x2, v2  }
0x237: {  	v6 =	vadd.s32 $0x3, v2;
	v7 =	vadd.s32 $0x4, v2;
	v8 =	vadd.s32 $0x5, v2  }
0x238: {  	v9 =	vadd.s32 $0x6, v2;
	v2 =	vadd.s32 $0x7, v2;
	v10 =	vpop (erf)  }
0x239: {  	v10 =	vnsel vm0, $0x0, v10  }
0x23a: {  	[tilespmem:s13+$0x80] =	vst v10  }
0x23b: {  	[tilespmem:s14+$0x0] =	vst v10  }
0x23c: {  	v3 =	vld.idx.msk [tilespmem:v3+s0+$0x0], $0xffff  }
0x23d: {  	v10 =	vld [tilespmem:s21+$0x0];
	_ =	sdelay $0x1  }
0x23e: {  	v4 =	vbroadcast v4, $0x0;
	_ =	sdelay $0x2  }
0x23f: {  	v3 =	vmul.f32 v10, v3;
	_ =	sdelay $0x1  }
0x240: {  	[tilespmem:s13+$0x0] =	vst v3  }
0x241: {  	v3 =	vld.idx.msk [tilespmem:v4+s0+$0x0], $0xffff  }
0x242: {  	v4 =	vld [tilespmem:s21+$0x10];
	_ =	sdelay $0x1  }
0x243: {  	v5 =	vbroadcast v5, $0x0;
	_ =	sdelay $0x2  }
0x244: {  	v3 =	vmul.f32 v4, v3;
	_ =	sdelay $0x1  }
0x245: {  	[tilespmem:s13+$0x10] =	vst v3  }
0x246: {  	v3 =	vld.idx.msk [tilespmem:v5+s0+$0x0], $0xffff  }
0x247: {  	v4 =	vld [tilespmem:s21+$0x20];
	_ =	sdelay $0x1  }
0x248: {  	v5 =	vbroadcast v6, $0x0;
	_ =	sdelay $0x2  }
0x249: {  	v3 =	vmul.f32 v4, v3;
	_ =	sdelay $0x1  }
0x24a: {  	[tilespmem:s13+$0x20] =	vst v3  }
0x24b: {  	v3 =	vld.idx.msk [tilespmem:v5+s0+$0x0], $0xffff  }
0x24c: {  	v4 =	vld [tilespmem:s21+$0x30];
	_ =	sdelay $0x1  }
0x24d: {  	v5 =	vbroadcast v7, $0x0;
	_ =	sdelay $0x2  }
0x24e: {  	v3 =	vmul.f32 v4, v3;
	_ =	sdelay $0x1  }
0x24f: {  	[tilespmem:s13+$0x30] =	vst v3  }
0x250: {  	v3 =	vld.idx.msk [tilespmem:v5+s0+$0x0], $0xffff  }
0x251: {  	v4 =	vld [tilespmem:s21+$0x40];
	_ =	sdelay $0x1  }
0x252: {  	v5 =	vbroadcast v8, $0x0;
	_ =	sdelay $0x2  }
0x253: {  	v3 =	vmul.f32 v4, v3;
	_ =	sdelay $0x1  }
0x254: {  	[tilespmem:s13+$0x40] =	vst v3  }
0x255: {  	v3 =	vld.idx.msk [tilespmem:v5+s0+$0x0], $0xffff  }
0x256: {  	v4 =	vld [tilespmem:s21+$0x50];
	_ =	sdelay $0x1  }
0x257: {  	v5 =	vbroadcast v9, $0x0;
	_ =	sdelay $0x2  }
0x258: {  	v3 =	vmul.f32 v4, v3;
	_ =	sdelay $0x1  }
0x259: {  	[tilespmem:s13+$0x50] =	vst v3  }
0x25a: {  	v3 =	vld.idx.msk [tilespmem:v5+s0+$0x0], $0xffff  }
0x25b: {  	v4 =	vld [tilespmem:s21+$0x60];
	_ =	sdelay $0x1  }
0x25c: {  	v2 =	vbroadcast v2, $0x0;
	_ =	sdelay $0x2  }
0x25d: {  	v3 =	vmul.f32 v4, v3;
	_ =	sdelay $0x1  }
0x25e: {  	[tilespmem:s13+$0x60] =	vst v3  }
0x25f: {  	v2 =	vld.idx.msk [tilespmem:v2+s0+$0x0], $0xffff  }
0x260: {  	v3 =	vld [tilespmem:s21+$0x70]  }
.Ltmp2:
0x261: {  	(pc) =	sbr.rel @p0 .LBB2_7-.Ltmp2, $3  }
0x262: {  	_ =	sdelay $0x1  }
0x263: {  	s21 =	sadd.s32 $0x100, s21  }
0x264: {  	s22 =	sadd.s32 $0x20, s22;
	s14 =	sadd.s32 $0x20, s14;
	s13 =	sadd.s32 $0x120, s13;
	v2 =	vmul.f32 v3, v2  }
0x265: {  	s16 =	sadd.s32 $0x1, s16  }
0x266: {  	p0 =	sne.s32 s16, $0x3E  }
.Ltmp3:
0x267: {  	_ = 	snop;
	(pc) =	sbr.rel @p0 .LBB2_4-.Ltmp3, $3  }
0x268: {  	_ =	sdelay $0x1  }
0x269: {  	[tilespmem:s19+$0x70] =	vst v2  }
0x26a: {  	[spmem:s3] =	stream.indirect.scatter.add.f32 [tilespmem:s11], [sflag:$0x3], $0x90, s4, s26, $0xb8;
	[tilespmem:$0x1F9F0] =	vst v63  }
0x26b: {  	s21 =	simm.s32 $0x2  }
0x26c: {  	_ =	swait.ge [sflag:s21], $0x2D00  }
0x26d: {  	[sflag:s21] =	ssyncset.done $0x0  }
0x26e: {  	s15 =	simm.s32 $0x0;
	s12 =	rddreg [dreg:$0x4];
	[sflag:s21] =	ssyncadd.s32 $0xFFFFD300  }
0x26f: {  	[tilespmem:s15], [sflag:$0x4] =	stream.linear.gather [hbm4b:s12+s15], $0x50, $0x38;
	[tilespmem:$0x1F9F0] =	vst v63  }
0x270: {  	_ =	swait.ge [sflag:s24], $0x50  }
0x271: {  	[sflag:s24] =	ssyncset.done $0x0  }
0x272: {  	s22 =	rddreg [dreg:$0x5];
	[sflag:s24] =	ssyncadd.s32 $0xFFFFFFB0  }
0x273: {  	[tilespmem:s26], [sflag:$0x4] =	stream.linear.gather [hbm4b:s22+s15], $0x50, $0x38;
	[tilespmem:$0x1F9F0] =	vst v63  }
0x274: {  	_ =	swait.ge [sflag:s24], $0x50  }
0x275: {  	[sflag:s24] =	ssyncset.done $0x0  }
0x276: {  	[sflag:s24] =	ssyncadd.s32 $0xFFFFFFB0  }
0x277: {  	[tilespmem:s28], [sflag:$0x1] =	stream.indirect.gather [hbm4b:s2+s26], $0x10, s15, s26, $0xb8;
	[tilespmem:$0x1F9F0] =	vst v63  }
0x278: {  	_ = 	snop  }
0x279: {  	[tilespmem:s29], [sflag:$0x1] =	stream.indirect.gather [hbm4b:s9+s26], $0x10, s26, s26, $0xb8;
	[tilespmem:$0x1F9F0] =	vst v63  }
0x27a: {  	_ = 	snop  }
0x27b: {  	[tilespmem:s30], [sflag:$0x1] =	stream.indirect.gather [hbm4b:s1+s26], $0x80, s15, s26, $0xb8;
	[tilespmem:$0x1F9F0] =	vst v63  }
0x27c: {  	_ =	swait.ge [sflag:s31], $0x500  }
0x27d: {  	[sflag:s31] =	ssyncset.done $0x0  }
0x27e: {  	[sflag:s31] =	ssyncadd.s32 $0xFFFFFB00  }
0x27f: {  	_ =	swait.ge [sflag:s31], $0x500  }
0x280: {  	[sflag:s31] =	ssyncset.done $0x0  }
0x281: {  	[sflag:s31] =	ssyncadd.s32 $0xFFFFFB00  }
0x282: {  	_ =	swait.ge [sflag:s31], $0x2800  }
0x283: {  	[sflag:s31] =	ssyncset.done $0x0  }
0x284: {  	s14 =	simm.s32 $0x100;
	[sflag:s31] =	ssyncadd.s32 $0xFFFFD800  }
0x285: {  	s16 =	simm.s32 $0x600;
	v2 =	vld [tilespmem:s14+$0xFFFFFFF0]  }
0x286: {  	v3 =	vld [tilespmem:s16+$0xFFFFFFF0];
	_ =	sdelay $0x4  }
0x287: {  	v2 =	vadd.f32 v3, v2;
	_ =	sdelay $0x1  }
0x288: {  	v3 =	vmul.f32 $2.000000030e-01, v2  }
0x289: {  	vm1 =	vge.f32 v2, $0.0e+00  }
0x28a: {  	v2 =	vsel vm1, v2, v3  }
0x28b: {  	v2 =	vmul.f32 $1.442695020e+00, v2;
	_ =	sdelay $0x1  }
0x28c: {  	(erf) = vpow2.f32 v2;
	_ =	sdelay $0x3  }
0x28d: {  	v2 =	vmov s15  }
0x28e: {  	v2 =	vshrl.u32 v2, $0x3  }
0x28f: {  	v2 =	vshll.u32 v2, v1  }
0x290: {  	v3 =	vbroadcast v2, $0x0;
	_ =	sdelay $0x1  }
0x291: {  	v4 =	vpop (erf)  }
0x292: {  	s17 =	simm.s32 $0x3380;
	v4 =	vnsel vm0, $0x0, v4  }
0x293: {  	s18 =	simm.s32 $0x8D00;
	[tilespmem:s17+$0xFFFFFFF0] =	vst v4  }
0x294: {  	[tilespmem:s18+$0xFFFFFFF0] =	vst v4  }
0x295: {  	s13 =	simm.s32 $0xB70;
	v3 =	vld.idx.msk [tilespmem:v3+s0+$0x0], $0xffff  }
0x296: {  	v4 =	vld [tilespmem:s13+$0xFFFFFF80]  }
0x297: {  	v5 =	vadd.s32 $0x1, v2  }
0x298: {  	v5 =	vbroadcast v5, $0x0;
	_ =	sdelay $0x2  }
0x299: {  	v3 =	vmul.f32 v4, v3;
	_ =	sdelay $0x1  }
0x29a: {  	[tilespmem:s17+$0xFFFFFF70] =	vst v3  }
0x29b: {  	v3 =	vld.idx.msk [tilespmem:v5+s0+$0x0], $0xffff  }
0x29c: {  	v40 =	vld [tilespmem:s13+$0xFFFFFF90]  }
0x29d: {  	v41 =	vadd.s32 $0x2, v2  }
0x29e: {  	v5 =	vbroadcast v41, $0x0;
	_ =	sdelay $0x2  }
0x29f: {  	v3 =	vmul.f32 v40, v3;
	_ =	sdelay $0x1  }
0x2a0: {  	[tilespmem:s17+$0xFFFFFF80] =	vst v3  }
0x2a1: {  	v3 =	vld.idx.msk [tilespmem:v5+s0+$0x0], $0xffff  }
0x2a2: {  	v42 =	vld [tilespmem:s13+$0xFFFFFFA0]  }
0x2a3: {  	v43 =	vadd.s32 $0x3, v2  }
0x2a4: {  	v5 =	vbroadcast v43, $0x0;
	_ =	sdelay $0x2  }
0x2a5: {  	v3 =	vmul.f32 v42, v3;
	_ =	sdelay $0x1  }
0x2a6: {  	[tilespmem:s17+$0xFFFFFF90] =	vst v3  }
0x2a7: {  	v3 =	vld.idx.msk [tilespmem:v5+s0+$0x0], $0xffff  }
0x2a8: {  	v44 =	vld [tilespmem:s13+$0xFFFFFFB0]  }
0x2a9: {  	v45 =	vadd.s32 $0x4, v2  }
0x2aa: {  	v5 =	vbroadcast v45, $0x0;
	_ =	sdelay $0x2  }
0x2ab: {  	v3 =	vmul.f32 v44, v3;
	_ =	sdelay $0x1  }
0x2ac: {  	[tilespmem:s17+$0xFFFFFFA0] =	vst v3  }
0x2ad: {  	v3 =	vld.idx.msk [tilespmem:v5+s0+$0x0], $0xffff  }
0x2ae: {  	v46 =	vld [tilespmem:s13+$0xFFFFFFC0]  }
0x2af: {  	v47 =	vadd.s32 $0x5, v2  }
0x2b0: {  	v5 =	vbroadcast v47, $0x0;
	_ =	sdelay $0x2  }
0x2b1: {  	v3 =	vmul.f32 v46, v3;
	_ =	sdelay $0x1  }
0x2b2: {  	[tilespmem:s17+$0xFFFFFFB0] =	vst v3  }
0x2b3: {  	v3 =	vld.idx.msk [tilespmem:v5+s0+$0x0], $0xffff  }
0x2b4: {  	v48 =	vld [tilespmem:s13+$0xFFFFFFD0]  }
0x2b5: {  	v49 =	vadd.s32 $0x6, v2  }
0x2b6: {  	v5 =	vbroadcast v49, $0x0;
	_ =	sdelay $0x2  }
0x2b7: {  	v3 =	vmul.f32 v48, v3;
	_ =	sdelay $0x1  }
0x2b8: {  	[tilespmem:s17+$0xFFFFFFC0] =	vst v3  }
0x2b9: {  	v3 =	vld.idx.msk [tilespmem:v5+s0+$0x0], $0xffff  }
0x2ba: {  	v50 =	vld [tilespmem:s13+$0xFFFFFFE0]  }
0x2bb: {  	v2 =	vadd.s32 $0x7, v2  }
0x2bc: {  	v2 =	vbroadcast v2, $0x0;
	_ =	sdelay $0x2  }
0x2bd: {  	v3 =	vmul.f32 v50, v3;
	_ =	sdelay $0x1  }
0x2be: {  	[tilespmem:s17+$0xFFFFFFD0] =	vst v3  }
0x2bf: {  	v2 =	vld.idx.msk [tilespmem:v2+s0+$0x0], $0xffff  }
0x2c0: {  	v3 =	vld [tilespmem:s13+$0xFFFFFFF0];
	_ =	sdelay $0x4  }
0x2c1: {  	v2 =	vmul.f32 v3, v2;
	_ =	sdelay $0x1  }
0x2c2: {  	[tilespmem:s17+$0xFFFFFFE0] =	vst v2  }
0x2c3: {  	v2 =	vld [tilespmem:s14+$0x0]  }
0x2c4: {  	v3 =	vld [tilespmem:s16+$0x0];
	_ =	sdelay $0x4  }
0x2c5: {  	v2 =	vadd.f32 v3, v2;
	_ =	sdelay $0x1  }
0x2c6: {  	v3 =	vmul.f32 $2.000000030e-01, v2  }
0x2c7: {  	vm1 =	vge.f32 v2, $0.0e+00  }
0x2c8: {  	v2 =	vsel vm1, v2, v3  }
0x2c9: {  	v2 =	vmul.f32 $1.442695020e+00, v2;
	_ =	sdelay $0x1  }
0x2ca: {  	(erf) = vpow2.f32 v2;
	_ =	sdelay $0x2  }
0x2cb: {  	s25 =	simm.s32 $0x10  }
0x2cc: {  	v2 =	vmov s25  }
0x2cd: {  	v2 =	vshrl.u32 v2, $0x3  }
0x2ce: {  	v2 =	vshll.u32 v2, v1  }
0x2cf: {  	v3 =	vbroadcast v2, $0x0;
	_ =	sdelay $0x1  }
0x2d0: {  	v51 =	vpop (erf)  }
0x2d1: {  	v4 =	vnsel vm0, $0x0, v51  }
0x2d2: {  	[tilespmem:s17+$0x80] =	vst v4  }
0x2d3: {  	[tilespmem:s18+$0x0] =	vst v4  }
0x2d4: {  	v3 =	vld.idx.msk [tilespmem:v3+s0+$0x0], $0xffff  }
0x2d5: {  	v4 =	vld [tilespmem:s13+$0x0]  }
0x2d6: {  	v52 =	vadd.s32 $0x1, v2  }
0x2d7: {  	v5 =	vbroadcast v52, $0x0;
	_ =	sdelay $0x2  }
0x2d8: {  	v3 =	vmul.f32 v4, v3;
	_ =	sdelay $0x1  }
0x2d9: {  	[tilespmem:s17+$0x0] =	vst v3  }
0x2da: {  	v3 =	vld.idx.msk [tilespmem:v5+s0+$0x0], $0xffff  }
0x2db: {  	v53 =	vld [tilespmem:s13+$0x10]  }
0x2dc: {  	v54 =	vadd.s32 $0x2, v2  }
0x2dd: {  	v5 =	vbroadcast v54, $0x0;
	_ =	sdelay $0x2  }
0x2de: {  	v3 =	vmul.f32 v53, v3;
	_ =	sdelay $0x1  }
0x2df: {  	[tilespmem:s17+$0x10] =	vst v3  }
0x2e0: {  	v3 =	vld.idx.msk [tilespmem:v5+s0+$0x0], $0xffff  }
0x2e1: {  	v55 =	vld [tilespmem:s13+$0x20]  }
0x2e2: {  	v56 =	vadd.s32 $0x3, v2  }
0x2e3: {  	v5 =	vbroadcast v56, $0x0;
	_ =	sdelay $0x2  }
0x2e4: {  	v3 =	vmul.f32 v55, v3;
	_ =	sdelay $0x1  }
0x2e5: {  	[tilespmem:s17+$0x20] =	vst v3  }
0x2e6: {  	v3 =	vld.idx.msk [tilespmem:v5+s0+$0x0], $0xffff  }
0x2e7: {  	v57 =	vld [tilespmem:s13+$0x30]  }
0x2e8: {  	v58 =	vadd.s32 $0x4, v2  }
0x2e9: {  	v5 =	vbroadcast v58, $0x0;
	_ =	sdelay $0x2  }
0x2ea: {  	v3 =	vmul.f32 v57, v3;
	_ =	sdelay $0x1  }
0x2eb: {  	[tilespmem:s17+$0x30] =	vst v3  }
0x2ec: {  	v3 =	vld.idx.msk [tilespmem:v5+s0+$0x0], $0xffff  }
0x2ed: {  	v59 =	vld [tilespmem:s13+$0x40]  }
0x2ee: {  	v60 =	vadd.s32 $0x5, v2  }
0x2ef: {  	v5 =	vbroadcast v60, $0x0;
	_ =	sdelay $0x2  }
0x2f0: {  	v3 =	vmul.f32 v59, v3;
	_ =	sdelay $0x1  }
0x2f1: {  	[tilespmem:s17+$0x40] =	vst v3  }
0x2f2: {  	v3 =	vld.idx.msk [tilespmem:v5+s0+$0x0], $0xffff  }
0x2f3: {  	v61 =	vld [tilespmem:s13+$0x50]  }
0x2f4: {  	v62 =	vadd.s32 $0x6, v2  }
0x2f5: {  	v5 =	vbroadcast v62, $0x0;
	_ =	sdelay $0x2  }
0x2f6: {  	v3 =	vmul.f32 v61, v3;
	_ =	sdelay $0x1  }
0x2f7: {  	[tilespmem:s17+$0x50] =	vst v3  }
0x2f8: {  	v3 =	vld.idx.msk [tilespmem:v5+s0+$0x0], $0xffff  }
0x2f9: {  	v63 =	vld [tilespmem:s13+$0x60]  }
0x2fa: {  	v2 =	vadd.s32 $0x7, v2  }
0x2fb: {  	v2 =	vbroadcast v2, $0x0;
	_ =	sdelay $0x2  }
0x2fc: {  	v3 =	vmul.f32 v63, v3;
	_ =	sdelay $0x1  }
0x2fd: {  	[tilespmem:s17+$0x60] =	vst v3  }
0x2fe: {  	v2 =	vld.idx.msk [tilespmem:v2+s0+$0x0], $0xffff  }
0x2ff: {  	v3 =	vld [tilespmem:s13+$0x70];
	_ =	sdelay $0x3  }
0x300: {  	s19 =	simm.s32 $0xC70;
	s20 =	simm.s32 $0x120  }
0x301: {  	s14 =	simm.s32 $0x8D20;
	s18 =	simm.s32 $0x0;
	s13 =	simm.s32 $0x34A0;
	v2 =	vmul.f32 v3, v2  }
.LBB2_10:
0x302: {  	s18 =	sadd.s32 $0x2, s18;
	s15 =	sadd.s32 $0x20, s15;
	s16 =	sadd.s32 $0x20, s16  }
0x303: {  	p0 =	slt.u32 s18, $0x4E;
	[tilespmem:s17+$0x70] =	vst v2;
	s17 =	smov.u32 s13  }
0x304: {  	v2 =	vld [tilespmem:s20+$0xFFFFFFF0]  }
0x305: {  	v3 =	vld [tilespmem:s16+$0xFFFFFFF0];
	_ =	sdelay $0x4  }
0x306: {  	v2 =	vadd.f32 v3, v2;
	_ =	sdelay $0x1  }
0x307: {  	v3 =	vmul.f32 $2.000000030e-01, v2  }
0x308: {  	vm1 =	vge.f32 v2, $0.0e+00  }
0x309: {  	v2 =	vsel vm1, v2, v3  }
0x30a: {  	v2 =	vmul.f32 $1.442695020e+00, v2;
	_ =	sdelay $0x1  }
0x30b: {  	(erf) = vpow2.f32 v2;
	_ =	sdelay $0x3  }
0x30c: {  	v2 =	vmov s15  }
0x30d: {  	v2 =	vshrl.u32 v2, $0x3  }
0x30e: {  	v2 =	vshll.u32 v2, v1  }
0x30f: {  	v3 =	vbroadcast v2, $0x0;
	v4 =	vadd.s32 $0x1, v2;
	v5 =	vadd.s32 $0x2, v2  }
0x310: {  	v6 =	vadd.s32 $0x3, v2;
	v7 =	vadd.s32 $0x4, v2;
	v8 =	vadd.s32 $0x5, v2  }
0x311: {  	v9 =	vadd.s32 $0x6, v2;
	v2 =	vadd.s32 $0x7, v2;
	v10 =	vpop (erf)  }
0x312: {  	v10 =	vnsel vm0, $0x0, v10  }
0x313: {  	[tilespmem:s13+$0xFFFFFFF0] =	vst v10  }
0x314: {  	[tilespmem:s14+$0xFFFFFFF0] =	vst v10  }
0x315: {  	v3 =	vld.idx.msk [tilespmem:v3+s0+$0x0], $0xffff  }
0x316: {  	v10 =	vld [tilespmem:s19+$0xFFFFFF80];
	_ =	sdelay $0x1  }
0x317: {  	v4 =	vbroadcast v4, $0x0;
	_ =	sdelay $0x2  }
0x318: {  	v3 =	vmul.f32 v10, v3;
	_ =	sdelay $0x1  }
0x319: {  	[tilespmem:s13+$0xFFFFFF70] =	vst v3  }
0x31a: {  	v3 =	vld.idx.msk [tilespmem:v4+s0+$0x0], $0xffff  }
0x31b: {  	v4 =	vld [tilespmem:s19+$0xFFFFFF90];
	_ =	sdelay $0x1  }
0x31c: {  	v5 =	vbroadcast v5, $0x0;
	_ =	sdelay $0x2  }
0x31d: {  	v3 =	vmul.f32 v4, v3;
	_ =	sdelay $0x1  }
0x31e: {  	[tilespmem:s13+$0xFFFFFF80] =	vst v3  }
0x31f: {  	v3 =	vld.idx.msk [tilespmem:v5+s0+$0x0], $0xffff  }
0x320: {  	v4 =	vld [tilespmem:s19+$0xFFFFFFA0];
	_ =	sdelay $0x1  }
0x321: {  	v5 =	vbroadcast v6, $0x0;
	_ =	sdelay $0x2  }
0x322: {  	v3 =	vmul.f32 v4, v3;
	_ =	sdelay $0x1  }
0x323: {  	[tilespmem:s13+$0xFFFFFF90] =	vst v3  }
0x324: {  	v3 =	vld.idx.msk [tilespmem:v5+s0+$0x0], $0xffff  }
0x325: {  	v4 =	vld [tilespmem:s19+$0xFFFFFFB0];
	_ =	sdelay $0x1  }
0x326: {  	v5 =	vbroadcast v7, $0x0;
	_ =	sdelay $0x2  }
0x327: {  	v3 =	vmul.f32 v4, v3;
	_ =	sdelay $0x1  }
0x328: {  	[tilespmem:s13+$0xFFFFFFA0] =	vst v3  }
0x329: {  	v3 =	vld.idx.msk [tilespmem:v5+s0+$0x0], $0xffff  }
0x32a: {  	v4 =	vld [tilespmem:s19+$0xFFFFFFC0];
	_ =	sdelay $0x1  }
0x32b: {  	v5 =	vbroadcast v8, $0x0;
	_ =	sdelay $0x2  }
0x32c: {  	v3 =	vmul.f32 v4, v3;
	_ =	sdelay $0x1  }
0x32d: {  	[tilespmem:s13+$0xFFFFFFB0] =	vst v3  }
0x32e: {  	v3 =	vld.idx.msk [tilespmem:v5+s0+$0x0], $0xffff  }
0x32f: {  	v4 =	vld [tilespmem:s19+$0xFFFFFFD0];
	_ =	sdelay $0x1  }
0x330: {  	v5 =	vbroadcast v9, $0x0;
	_ =	sdelay $0x2  }
0x331: {  	v3 =	vmul.f32 v4, v3;
	_ =	sdelay $0x1  }
0x332: {  	[tilespmem:s13+$0xFFFFFFC0] =	vst v3  }
0x333: {  	v3 =	vld.idx.msk [tilespmem:v5+s0+$0x0], $0xffff  }
0x334: {  	v4 =	vld [tilespmem:s19+$0xFFFFFFE0];
	_ =	sdelay $0x1  }
0x335: {  	v2 =	vbroadcast v2, $0x0;
	_ =	sdelay $0x2  }
0x336: {  	v3 =	vmul.f32 v4, v3;
	_ =	sdelay $0x1  }
0x337: {  	[tilespmem:s13+$0xFFFFFFD0] =	vst v3  }
0x338: {  	v2 =	vld.idx.msk [tilespmem:v2+s0+$0x0], $0xffff  }
0x339: {  	v3 =	vld [tilespmem:s19+$0xFFFFFFF0];
	_ =	sdelay $0x4  }
0x33a: {  	v2 =	vmul.f32 v3, v2;
	_ =	sdelay $0x1  }
0x33b: {  	[tilespmem:s13+$0xFFFFFFE0] =	vst v2  }
0x33c: {  	v2 =	vld [tilespmem:s20+$0x0]  }
0x33d: {  	v3 =	vld [tilespmem:s16+$0x0];
	_ =	sdelay $0x4  }
0x33e: {  	v2 =	vadd.f32 v3, v2;
	_ =	sdelay $0x1  }
0x33f: {  	vm1 =	vge.f32 v2, $0.0e+00;
	v3 =	vmul.f32 $2.000000030e-01, v2;
	_ =	sdelay $0x1  }
0x340: {  	v2 =	vsel vm1, v2, v3  }
0x341: {  	v2 =	vmul.f32 $1.442695020e+00, v2;
	_ =	sdelay $0x1  }
0x342: {  	(erf) = vpow2.f32 v2;
	_ =	sdelay $0x2  }
0x343: {  	s12 =	sadd.s32 $0x10, s15  }
0x344: {  	v2 =	vmov s12  }
0x345: {  	v2 =	vshrl.u32 v2, $0x3  }
0x346: {  	v2 =	vshll.u32 v2, v1  }
0x347: {  	v3 =	vbroadcast v2, $0x0;
	v4 =	vadd.s32 $0x1, v2;
	v5 =	vadd.s32 $0x2, v2  }
0x348: {  	v6 =	vadd.s32 $0x3, v2;
	v7 =	vadd.s32 $0x4, v2;
	v8 =	vadd.s32 $0x5, v2  }
0x349: {  	v9 =	vadd.s32 $0x6, v2;
	v2 =	vadd.s32 $0x7, v2;
	v10 =	vpop (erf)  }
0x34a: {  	v10 =	vnsel vm0, $0x0, v10  }
0x34b: {  	[tilespmem:s13+$0x80] =	vst v10  }
0x34c: {  	[tilespmem:s14+$0x0] =	vst v10  }
0x34d: {  	v3 =	vld.idx.msk [tilespmem:v3+s0+$0x0], $0xffff  }
0x34e: {  	v10 =	vld [tilespmem:s19+$0x0];
	_ =	sdelay $0x1  }
0x34f: {  	v4 =	vbroadcast v4, $0x0;
	_ =	sdelay $0x2  }
0x350: {  	v3 =	vmul.f32 v10, v3;
	_ =	sdelay $0x1  }
0x351: {  	[tilespmem:s13+$0x0] =	vst v3  }
0x352: {  	v3 =	vld.idx.msk [tilespmem:v4+s0+$0x0], $0xffff  }
0x353: {  	v4 =	vld [tilespmem:s19+$0x10];
	_ =	sdelay $0x1  }
0x354: {  	v5 =	vbroadcast v5, $0x0;
	_ =	sdelay $0x2  }
0x355: {  	v3 =	vmul.f32 v4, v3;
	_ =	sdelay $0x1  }
0x356: {  	[tilespmem:s13+$0x10] =	vst v3  }
0x357: {  	v3 =	vld.idx.msk [tilespmem:v5+s0+$0x0], $0xffff  }
0x358: {  	v4 =	vld [tilespmem:s19+$0x20];
	_ =	sdelay $0x1  }
0x359: {  	v5 =	vbroadcast v6, $0x0;
	_ =	sdelay $0x2  }
0x35a: {  	v3 =	vmul.f32 v4, v3;
	_ =	sdelay $0x1  }
0x35b: {  	[tilespmem:s13+$0x20] =	vst v3  }
0x35c: {  	v3 =	vld.idx.msk [tilespmem:v5+s0+$0x0], $0xffff  }
0x35d: {  	v4 =	vld [tilespmem:s19+$0x30];
	_ =	sdelay $0x1  }
0x35e: {  	v5 =	vbroadcast v7, $0x0;
	_ =	sdelay $0x2  }
0x35f: {  	v3 =	vmul.f32 v4, v3;
	_ =	sdelay $0x1  }
0x360: {  	[tilespmem:s13+$0x30] =	vst v3  }
0x361: {  	v3 =	vld.idx.msk [tilespmem:v5+s0+$0x0], $0xffff  }
0x362: {  	v4 =	vld [tilespmem:s19+$0x40];
	_ =	sdelay $0x1  }
0x363: {  	v5 =	vbroadcast v8, $0x0;
	_ =	sdelay $0x2  }
0x364: {  	v3 =	vmul.f32 v4, v3;
	_ =	sdelay $0x1  }
0x365: {  	[tilespmem:s13+$0x40] =	vst v3  }
0x366: {  	v3 =	vld.idx.msk [tilespmem:v5+s0+$0x0], $0xffff  }
0x367: {  	v4 =	vld [tilespmem:s19+$0x50];
	_ =	sdelay $0x1  }
0x368: {  	v5 =	vbroadcast v9, $0x0;
	_ =	sdelay $0x2  }
0x369: {  	v3 =	vmul.f32 v4, v3;
	_ =	sdelay $0x1  }
0x36a: {  	[tilespmem:s13+$0x50] =	vst v3  }
0x36b: {  	v3 =	vld.idx.msk [tilespmem:v5+s0+$0x0], $0xffff  }
0x36c: {  	v4 =	vld [tilespmem:s19+$0x60];
	_ =	sdelay $0x1  }
0x36d: {  	v2 =	vbroadcast v2, $0x0;
	_ =	sdelay $0x2  }
0x36e: {  	v3 =	vmul.f32 v4, v3;
	_ =	sdelay $0x1  }
0x36f: {  	[tilespmem:s13+$0x60] =	vst v3  }
0x370: {  	v2 =	vld.idx.msk [tilespmem:v2+s0+$0x0], $0xffff  }
0x371: {  	v3 =	vld [tilespmem:s19+$0x70]  }
.Ltmp4:
0x372: {  	(pc) =	sbr.rel @p0 .LBB2_10-.Ltmp4, $3  }
0x373: {  	_ =	sdelay $0x1  }
0x374: {  	s19 =	sadd.s32 $0x100, s19  }
0x375: {  	s20 =	sadd.s32 $0x20, s20;
	s14 =	sadd.s32 $0x20, s14;
	s13 =	sadd.s32 $0x120, s13;
	v2 =	vmul.f32 v3, v2  }
0x376: {  	_ = 	snop  }
0x377: {  	s12 =	simm.s32 $0x3;
	[tilespmem:s17+$0x70] =	vst v2  }
0x378: {  	[spmem:s3] =	stream.indirect.scatter.add.f32 [tilespmem:s23], [sflag:$0x2], $0x90, s26, s26, $0xb8;
	[tilespmem:$0x1F9F0] =	vst v63  }
0x379: {  	_ =	swait.ge [sflag:s12], $0x2D00  }
0x37a: {  	[sflag:s12] =	ssyncset.done $0x0  }
0x37b: {  	[sflag:s12] =	ssyncadd.s32 $0xFFFFD300  }
0x37c: {  	_ =	swait.ge [sflag:s21], $0x2D00  }
0x37d: {  	[sflag:s21] =	ssyncset.done $0x0  }
0x37e: {  	[sflag:s21] =	ssyncadd.s32 $0xFFFFD300  }
0x37f: {  	s22 =	stileid.u32;
	[bflag:$0x0] =	sbarrier.arrive $0xFFFF  }
0x380: {  	s12 =	sshll.u32 s22, $0x6;
	s13 =	rddreg [dreg:$0x6]  }
0x381: {  	s12 =	sor.u32 $0x1C04, s12;
	s14 =	rddreg [dreg:$0x10]  }
0x382: {  	[hbm:s13], [sflag:s12] =	dma.local [spmem:s14], $0x2D00  }
0x383: {  	_ =	swait.ge [sflag:s24], $0x2D00  }
0x384: {  	s5 =	sadd.s32 $0x1, s5;
	s25 =	rddreg [dreg:$0x8]  }
0x385: {  	p0 =	sne.s32 s5, s25  }
.Ltmp5:
0x386: {  	_ = 	snop;
	(pc) =	sbr.rel @p0 .LBB2_1-.Ltmp5, $3  }
0x387: {  	_ =	sdelay $0x1  }
0x388: {  	[sflag:s24] =	ssyncset.done $0x0  }
0x389: {  	[sflag:s24] =	ssyncadd.s32 $0xFFFFD300  }
0x38a: {  	_ =	sfence.sel $0x180000  }
0x38b: {  	[bflag:$0x0] =	sbarrier.arrive $0xFFFF  }
0x38c: {  	_ =	strace $0x90000047  }
0x38d: {  	s0 =	stileid.u32;
	[bflag:$0x2] =	sbarrier.arrive $0xFFFF  }
0x38e: {  	p0 =	sne.s32 s0, $0x0;
	s0 =	rddreg [dreg:$0x3]  }
0x38f: {  	s0 =	sadd.s32 @!p0 $0x100000, s0  }
0x390: {  	[sflag:s0] =	ssyncadd.tile.s32 @!p0 $0x1;
	_ =	shalt  }
.Lfunc_end2:
_tile_overlayer_lowered:
.L_overlay_start_2:
0x391: {  	(tag) =	ssettag $0x2  }
0x392: {  	s0 =	rddreg [dreg:$0x0];
	s2 =	stileid.u32  }
0x393: {  	s1 =	rddreg [dreg:$0x1];
	p0 =	sne.s32 s2, $0x0  }
0x394: {  	s3 =	rddreg [dreg:$0x2];
	[bflag:$0x3] =	sbarrier.arrive $0xFFFF;
	s2 =	simm.s32 @!p0 $0x1C04  }
0x395: {  	[timem:s3], [sflag:s2] =	dma.local @!p0 [hbm:s0], s1  }
0x396: {  	s0 =	simm.s32 @!p0 $0x4  }
0x397: {  	_ =	swait.ge @!p0 [sflag:s0], s1  }
0x398: {  	s1 =	ssub.s32 @!p0 $0x0, s1;
	[sflag:s0] =	ssyncset.done @!p0 $0x0  }
0x399: {  	[sflag:s0] =	ssyncadd.s32 @!p0 s1  }
0x39a: {  	[bflag:$0x3] =	sbarrier.arrive $0xFFFF  }
0x39b: {  	_ =	shalt  }

</sc_bundles>
